<compile_context>
chip_gen: v7x
topology: tpu7x:2x2x1
jax: 0.10.2.dev20260603
libtpu: 0.0.44.dev20260713+nightly
codegen_flags: <defaults>
</compile_context>

<pallas_src>
import functools

import jax
import jax.numpy as jnp
from jax import lax
from jax.experimental import pallas as pl
from jax.experimental.pallas import tpu as pltpu
from jax.experimental.pallas import tpu_sc as plsc

LANES = 16
NBUF = 2
NB = 2
BBLK = 128
EBLK = 8


def _make_sc_kernel(batch, maxlen, vocab, embed, n_workers):
    n_flat = batch * maxlen
    etiles = embed // EBLK
    btiles = batch // BBLK
    chunk = NB * BBLK
    blk_elems = EBLK * BBLK
    n_chunks = n_flat // (n_workers * chunk)
    chunks_per_m = btiles // NB
    kchunks = embed // LANES
    mesh = plsc.VectorSubcoreMesh(core_axis_name="c", subcore_axis_name="s")

    @functools.partial(
        pl.kernel,
        mesh=mesh,
        out_type=jax.ShapeDtypeStruct((maxlen * embed * batch,), jnp.float32),
        scratch_types=[
            [pltpu.VMEM((chunk,), jnp.int32) for _ in range(NBUF)],
            [pltpu.VMEM((chunk, embed), jnp.float32) for _ in range(NBUF)],
            [pltpu.VMEM((etiles * NB * blk_elems,), jnp.float32)
             for _ in range(NBUF)],
            pltpu.VMEM((maxlen, embed), jnp.float32),
            pltpu.VMEM((LANES + 2 * kchunks, LANES), jnp.int32),
            [pltpu.SemaphoreType.DMA for _ in range(NBUF)],
            [pltpu.SemaphoreType.DMA for _ in range(NBUF)],
            [pltpu.SemaphoreType.DMA for _ in range(NBUF)],
        ],
        compiler_params=pltpu.CompilerParams(use_tc_tiling_on_sc=False,
                                             needs_layout_passes=False),
    )
    def sc_kernel(xt_hbm, tok_hbm, pos_hbm, out_hbm, idx_v, rows_v, p_v,
                  pos_v, tab_v, sem_g, sem_s, sem_i):
        wid = lax.axis_index("s") * 2 + lax.axis_index("c")
        cbase = wid * n_chunks
        pltpu.sync_copy(pos_hbm, pos_v)

        iota = lax.iota(jnp.int32, LANES)
        for d in range(LANES):
            tab_v[d, :] = (d + iota) & (LANES - 1)
        for k in range(kchunks):
            tab_v[LANES + k, :] = (((2 * k + (iota >> 3)) << 11)
                                   + ((iota & 7) << 7))
            tab_v[LANES + kchunks + k, :] = k * LANES + iota

        def idx_copies(b, c):
            m = c // chunks_per_m
            bt0 = (c % chunks_per_m) * NB
            for j in range(NB):
                src = ((m >> 3) * btiles + bt0 + j) * (8 * BBLK) \
                    + (m & 7) * BBLK
                yield (xt_hbm.at[pl.ds(src, BBLK)],
                       idx_v[b].at[pl.ds(j * BBLK, BBLK)], sem_i[b])

        def start_idx(b, c):
            for args in idx_copies(b, c):
                pltpu.async_copy(*args)

        def wait_idx(b, c):
            for args in idx_copies(b, c):
                pltpu.make_async_copy(*args).wait()

        def start_gather(b):
            pltpu.async_copy(tok_hbm.at[idx_v[b]], rows_v[b], sem_g[b])

        def wait_gather(b):
            pltpu.make_async_copy(tok_hbm.at[idx_v[b]], rows_v[b],
                                  sem_g[b]).wait()

        def start_store(b, c):
            m = c // chunks_per_m
            bt0 = (c % chunks_per_m) * NB
            for et in range(etiles):
                dst = ((m * etiles + et) * btiles + bt0) * blk_elems
                pltpu.async_copy(
                    p_v[b].at[pl.ds(et * NB * blk_elems, NB * blk_elems)],
                    out_hbm.at[pl.ds(dst, NB * blk_elems)], sem_s[b])

        def wait_store(b, c):
            m = c // chunks_per_m
            bt0 = (c % chunks_per_m) * NB
            for et in range(etiles):
                dst = ((m * etiles + et) * btiles + bt0) * blk_elems
                pltpu.make_async_copy(
                    p_v[b].at[pl.ds(et * NB * blk_elems, NB * blk_elems)],
                    out_hbm.at[pl.ds(dst, NB * blk_elems)], sem_s[b]).wait()

        def transpose_add(b, c):
            m = c // chunks_per_m
            dvs = [tab_v[d, :] for d in range(LANES)]

            @plsc.parallel_loop(0, (BBLK // LANES) * NB * kchunks)
            def bb_body(i):
                bg = i >> 3
                j = (i >> 2) & (NB - 1)
                k = i & (kchunks - 1)
                row0 = j * BBLK + bg * LANES
                dst0 = j * blk_elems + bg * LANES
                pk = pos_v[m, pl.ds(k * LANES, LANES)]
                cik = tab_v[LANES + kchunks + k, :]
                sbd = tab_v[LANES + k, :] + dst0
                for d in range(LANES):
                    val = plsc.load_gather(
                        rows_v[b], [dvs[d] + row0, cik])
                    plsc.store_scatter(
                        p_v[b], [sbd + dvs[d]], val + pk)

        for b in range(NBUF):
            start_idx(b, cbase + b)
            wait_idx(b, cbase + b)
            start_gather(b)

        n_outer = n_chunks // NBUF

        def outer(i, carry):
            c0 = cbase + i * NBUF
            for b in range(NBUF):
                c = c0 + b

                @pl.when(i > 0)
                def _():
                    wait_store(b, c - NBUF)

                wait_gather(b)

                @pl.when(i < n_outer - 1)
                def _():
                    start_idx(b, c + NBUF)

                transpose_add(b, c)
                start_store(b, c)

                @pl.when(i < n_outer - 1)
                def _():
                    wait_idx(b, c + NBUF)
                    start_gather(b)

            return carry

        lax.fori_loop(0, n_outer, outer, 0)
        for b in range(NBUF):
            wait_store(b, cbase + n_chunks - NBUF + b)

    return sc_kernel


def kernel(x, token_table, pos_table):
    batch, maxlen = x.shape
    vocab, embed = token_table.shape
    n_workers = 32
    etiles = embed // EBLK
    btiles = batch // BBLK
    assert batch % BBLK == 0 and embed % EBLK == 0 and embed % LANES == 0
    assert (batch * maxlen) % (n_workers * NB * BBLK * NBUF) == 0
    assert (btiles // NB) * NB == btiles

    mt = maxlen // EBLK
    xt_flat = (x.T.astype(jnp.int32)
               .reshape(mt, EBLK, btiles, BBLK)
               .swapaxes(1, 2)
               .reshape(-1))
    sc = _make_sc_kernel(batch, maxlen, vocab, embed, n_workers)
    out = sc(xt_flat, token_table, pos_table)
    out = out.reshape(maxlen, etiles, btiles, EBLK, BBLK)
    out = out.transpose(2, 4, 0, 1, 3).reshape(batch, maxlen, embed)
    return out

# --- scband reference (transcript-rebuilt; emitter-appended) ---
"""Pipeline reference for scband-token-and-position-embedding-5841155522750 (READ-ONLY COPY).

The authoritative reference and input builder live on the scoring server;
editing this copy changes nothing except your own understanding.
"""

import jax, jax.numpy as jnp
import numpy as np

VOCAB = 100000
MAXLEN = 200
EMBED = 64
BATCH = 4096

def setup_inputs(seed: int = 0) -> dict:
    key = jax.random.key(seed)
    k1, k2, k3 = jax.random.split(key, 3)
    x = jax.random.randint(k1, (BATCH, MAXLEN), 0, VOCAB, dtype=jnp.int64 if jax.config.jax_enable_x64 else jnp.int32)
    token_table = jax.random.normal(k2, (VOCAB, EMBED), dtype=jnp.float32) * 0.02
    pos_table = jax.random.normal(k3, (MAXLEN, EMBED), dtype=jnp.float32) * 0.02
    return {"x": x, "token_table": token_table, "pos_table": pos_table}

def reference(x, token_table, pos_table):
    maxlen = x.shape[-1]
    positions = jnp.arange(0, maxlen)
    pos_e = jnp.take(pos_table, positions, axis=0)  # [maxlen, embed]
    tok_e = jnp.take(token_table, x, axis=0)        # [batch, maxlen, embed]
    return tok_e + pos_e[None, :, :]

if __name__ == "__main__":
    import jax
    _d = setup_inputs()
    print(jax.jit(kernel)(*tuple(_d.values())))

</pallas_src>

<mosaic_0001>
#map = affine_map<(d0, d1) -> (0)>
#map1 = affine_map<(d0, d1) -> (0, 0)>
module attributes {stable_mosaic.version = 14 : i64} {
  func.func @sc_kernel(%arg0: i32, %arg1: i32, %arg2: memref<819200xi32, #tpu.memory_space<hbm>>, %arg3: memref<100000x64xf32, #tpu.memory_space<hbm>>, %arg4: memref<200x64xf32, #tpu.memory_space<hbm>>, %arg5: memref<52428800xf32, #tpu.memory_space<hbm>>, %arg6: memref<256xi32, #tpu.memory_space<vmem>>, %arg7: memref<256xi32, #tpu.memory_space<vmem>>, %arg8: memref<256x64xf32, #tpu.memory_space<vmem>>, %arg9: memref<256x64xf32, #tpu.memory_space<vmem>>, %arg10: memref<16384xf32, #tpu.memory_space<vmem>>, %arg11: memref<16384xf32, #tpu.memory_space<vmem>>, %arg12: memref<200x64xf32, #tpu.memory_space<vmem>>, %arg13: memref<24x16xi32, #tpu.memory_space<vmem>>, %arg14: memref<!tpu.dma_semaphore, #tpu.memory_space<semaphore_mem>>, %arg15: memref<!tpu.dma_semaphore, #tpu.memory_space<semaphore_mem>>, %arg16: memref<!tpu.dma_semaphore, #tpu.memory_space<semaphore_mem>>, %arg17: memref<!tpu.dma_semaphore, #tpu.memory_space<semaphore_mem>>, %arg18: memref<!tpu.dma_semaphore, #tpu.memory_space<semaphore_mem>>, %arg19: memref<!tpu.dma_semaphore, #tpu.memory_space<semaphore_mem>>) attributes {dimension_semantics = [#tpu.dimension_semantics<core_parallel>, #tpu.dimension_semantics<subcore_parallel>], iteration_bounds = array<i64: 2, 16>, scalar_prefetch = 0 : i64, scratch_operands = 14 : i64, tpu.core_type = #tpu.core_type<sc_vector_subcore>, window_params = [{transform_indices = #map}, {transform_indices = #map1}, {transform_indices = #map1}, {transform_indices = #map}]} {
    %mul3A = arith.constant 2 : i32
    %mul3A_0 = arith.muli %arg1, %mul3A : i32
    %add3A = arith.addi %mul3A_0, %arg0 : i32
    %mul3A_1 = arith.constant 100 : i32
    %mul3A_2 = arith.muli %add3A, %mul3A_1 : i32
    "tpu.region"() ({
      %run_scoped3A = tpu.sem_alloc : memref<!tpu.dma_semaphore, #tpu.memory_space<semaphore_mem>>
      tpu.enqueue_dma source(%arg4 : memref<200x64xf32, #tpu.memory_space<hbm>>) target(%arg12 : memref<200x64xf32, #tpu.memory_space<vmem>>) target_semaphore(%run_scoped3A : memref<!tpu.dma_semaphore, #tpu.memory_space<semaphore_mem>>)
      tpu.wait_dma2 semaphore(%run_scoped3A : memref<!tpu.dma_semaphore, #tpu.memory_space<semaphore_mem>>) src(%arg4 : memref<200x64xf32, #tpu.memory_space<hbm>>) dst(%arg12 : memref<200x64xf32, #tpu.memory_space<vmem>>)
      tpu.yield
    }) : () -> ()
    %iota3A = tpu.iota {dimensions = array<i32: 0>} : vector<16xi32>
    %add3A_3 = arith.constant 0 : i32
    %add3A_4 = vector.broadcast %add3A_3 : i32 to vector<16xi32>
    %add3A_5 = arith.addi %add3A_4, %iota3A : vector<16xi32>
    %and3A = arith.constant 15 : i32
    %and3A_6 = vector.broadcast %and3A : i32 to vector<16xi32>
    %and3A_7 = arith.andi %add3A_5, %and3A_6 : vector<16xi32>
    %swap3A = arith.constant 0 : i32
    %swap3A_8 = arith.index_cast %swap3A : i32 to index
    %swap3A_9 = arith.constant 0 : index
    %swap3A_10 = tpu.vector_load %arg13[%swap3A_8, %swap3A_9] {strides = array<i32>} : memref<24x16xi32, #tpu.memory_space<vmem>>, vector<16xi32>,
    tpu.vector_store %arg13[%swap3A_8, %swap3A_9], %and3A_7 {strides = array<i32>} : memref<24x16xi32, #tpu.memory_space<vmem>>, vector<16xi32>,
    %add3A_11 = arith.constant 1 : i32
    %add3A_12 = vector.broadcast %add3A_11 : i32 to vector<16xi32>
    %add3A_13 = arith.addi %add3A_12, %iota3A : vector<16xi32>
    %and3A_14 = arith.constant 15 : i32
    %and3A_15 = vector.broadcast %and3A_14 : i32 to vector<16xi32>
    %and3A_16 = arith.andi %add3A_13, %and3A_15 : vector<16xi32>
    %swap3A_17 = arith.constant 1 : i32
    %swap3A_18 = arith.index_cast %swap3A_17 : i32 to index
    %swap3A_19 = arith.constant 0 : index
    %swap3A_20 = tpu.vector_load %arg13[%swap3A_18, %swap3A_19] {strides = array<i32>} : memref<24x16xi32, #tpu.memory_space<vmem>>, vector<16xi32>,
    tpu.vector_store %arg13[%swap3A_18, %swap3A_19], %and3A_16 {strides = array<i32>} : memref<24x16xi32, #tpu.memory_space<vmem>>, vector<16xi32>,
    %add3A_21 = arith.constant 2 : i32
    %add3A_22 = vector.broadcast %add3A_21 : i32 to vector<16xi32>
    %add3A_23 = arith.addi %add3A_22, %iota3A : vector<16xi32>
    %and3A_24 = arith.constant 15 : i32
    %and3A_25 = vector.broadcast %and3A_24 : i32 to vector<16xi32>
    %and3A_26 = arith.andi %add3A_23, %and3A_25 : vector<16xi32>
    %swap3A_27 = arith.constant 2 : i32
    %swap3A_28 = arith.index_cast %swap3A_27 : i32 to index
    %swap3A_29 = arith.constant 0 : index
    %swap3A_30 = tpu.vector_load %arg13[%swap3A_28, %swap3A_29] {strides = array<i32>} : memref<24x16xi32, #tpu.memory_space<vmem>>, vector<16xi32>,
    tpu.vector_store %arg13[%swap3A_28, %swap3A_29], %and3A_26 {strides = array<i32>} : memref<24x16xi32, #tpu.memory_space<vmem>>, vector<16xi32>,
    %add3A_31 = arith.constant 3 : i32
    %add3A_32 = vector.broadcast %add3A_31 : i32 to vector<16xi32>
    %add3A_33 = arith.addi %add3A_32, %iota3A : vector<16xi32>
    %and3A_34 = arith.constant 15 : i32
    %and3A_35 = vector.broadcast %and3A_34 : i32 to vector<16xi32>
    %and3A_36 = arith.andi %add3A_33, %and3A_35 : vector<16xi32>
    %swap3A_37 = arith.constant 3 : i32
    %swap3A_38 = arith.index_cast %swap3A_37 : i32 to index
    %swap3A_39 = arith.constant 0 : index
    %swap3A_40 = tpu.vector_load %arg13[%swap3A_38, %swap3A_39] {strides = array<i32>} : memref<24x16xi32, #tpu.memory_space<vmem>>, vector<16xi32>,
    tpu.vector_store %arg13[%swap3A_38, %swap3A_39], %and3A_36 {strides = array<i32>} : memref<24x16xi32, #tpu.memory_space<vmem>>, vector<16xi32>,
    %add3A_41 = arith.constant 4 : i32
    %add3A_42 = vector.broadcast %add3A_41 : i32 to vector<16xi32>
    %add3A_43 = arith.addi %add3A_42, %iota3A : vector<16xi32>
    %and3A_44 = arith.constant 15 : i32
    %and3A_45 = vector.broadcast %and3A_44 : i32 to vector<16xi32>
    %and3A_46 = arith.andi %add3A_43, %and3A_45 : vector<16xi32>
    %swap3A_47 = arith.constant 4 : i32
    %swap3A_48 = arith.index_cast %swap3A_47 : i32 to index
    %swap3A_49 = arith.constant 0 : index
    %swap3A_50 = tpu.vector_load %arg13[%swap3A_48, %swap3A_49] {strides = array<i32>} : memref<24x16xi32, #tpu.memory_space<vmem>>, vector<16xi32>,
    tpu.vector_store %arg13[%swap3A_48, %swap3A_49], %and3A_46 {strides = array<i32>} : memref<24x16xi32, #tpu.memory_space<vmem>>, vector<16xi32>,
    %add3A_51 = arith.constant 5 : i32
    %add3A_52 = vector.broadcast %add3A_51 : i32 to vector<16xi32>
    %add3A_53 = arith.addi %add3A_52, %iota3A : vector<16xi32>
    %and3A_54 = arith.constant 15 : i32
    %and3A_55 = vector.broadcast %and3A_54 : i32 to vector<16xi32>
    %and3A_56 = arith.andi %add3A_53, %and3A_55 : vector<16xi32>
    %swap3A_57 = arith.constant 5 : i32
    %swap3A_58 = arith.index_cast %swap3A_57 : i32 to index
    %swap3A_59 = arith.constant 0 : index
    %swap3A_60 = tpu.vector_load %arg13[%swap3A_58, %swap3A_59] {strides = array<i32>} : memref<24x16xi32, #tpu.memory_space<vmem>>, vector<16xi32>,
    tpu.vector_store %arg13[%swap3A_58, %swap3A_59], %and3A_56 {strides = array<i32>} : memref<24x16xi32, #tpu.memory_space<vmem>>, vector<16xi32>,
    %add3A_61 = arith.constant 6 : i32
    %add3A_62 = vector.broadcast %add3A_61 : i32 to vector<16xi32>
    %add3A_63 = arith.addi %add3A_62, %iota3A : vector<16xi32>
    %and3A_64 = arith.constant 15 : i32
    %and3A_65 = vector.broadcast %and3A_64 : i32 to vector<16xi32>
    %and3A_66 = arith.andi %add3A_63, %and3A_65 : vector<16xi32>
    %swap3A_67 = arith.constant 6 : i32
    %swap3A_68 = arith.index_cast %swap3A_67 : i32 to index
    %swap3A_69 = arith.constant 0 : index
    %swap3A_70 = tpu.vector_load %arg13[%swap3A_68, %swap3A_69] {strides = array<i32>} : memref<24x16xi32, #tpu.memory_space<vmem>>, vector<16xi32>,
    tpu.vector_store %arg13[%swap3A_68, %swap3A_69], %and3A_66 {strides = array<i32>} : memref<24x16xi32, #tpu.memory_space<vmem>>, vector<16xi32>,
    %add3A_71 = arith.constant 7 : i32
    %add3A_72 = vector.broadcast %add3A_71 : i32 to vector<16xi32>
    %add3A_73 = arith.addi %add3A_72, %iota3A : vector<16xi32>
    %and3A_74 = arith.constant 15 : i32
    %and3A_75 = vector.broadcast %and3A_74 : i32 to vector<16xi32>
    %and3A_76 = arith.andi %add3A_73, %and3A_75 : vector<16xi32>
    %swap3A_77 = arith.constant 7 : i32
    %swap3A_78 = arith.index_cast %swap3A_77 : i32 to index
    %swap3A_79 = arith.constant 0 : index
    %swap3A_80 = tpu.vector_load %arg13[%swap3A_78, %swap3A_79] {strides = array<i32>} : memref<24x16xi32, #tpu.memory_space<vmem>>, vector<16xi32>,
    tpu.vector_store %arg13[%swap3A_78, %swap3A_79], %and3A_76 {strides = array<i32>} : memref<24x16xi32, #tpu.memory_space<vmem>>, vector<16xi32>,
    %add3A_81 = arith.constant 8 : i32
    %add3A_82 = vector.broadcast %add3A_81 : i32 to vector<16xi32>
    %add3A_83 = arith.addi %add3A_82, %iota3A : vector<16xi32>
    %and3A_84 = arith.constant 15 : i32
    %and3A_85 = vector.broadcast %and3A_84 : i32 to vector<16xi32>
    %and3A_86 = arith.andi %add3A_83, %and3A_85 : vector<16xi32>
    %swap3A_87 = arith.constant 8 : i32
    %swap3A_88 = arith.index_cast %swap3A_87 : i32 to index
    %swap3A_89 = arith.constant 0 : index
    %swap3A_90 = tpu.vector_load %arg13[%swap3A_88, %swap3A_89] {strides = array<i32>} : memref<24x16xi32, #tpu.memory_space<vmem>>, vector<16xi32>,
    tpu.vector_store %arg13[%swap3A_88, %swap3A_89], %and3A_86 {strides = array<i32>} : memref<24x16xi32, #tpu.memory_space<vmem>>, vector<16xi32>,
    %add3A_91 = arith.constant 9 : i32
    %add3A_92 = vector.broadcast %add3A_91 : i32 to vector<16xi32>
    %add3A_93 = arith.addi %add3A_92, %iota3A : vector<16xi32>
    %and3A_94 = arith.constant 15 : i32
    %and3A_95 = vector.broadcast %and3A_94 : i32 to vector<16xi32>
    %and3A_96 = arith.andi %add3A_93, %and3A_95 : vector<16xi32>
    %swap3A_97 = arith.constant 9 : i32
    %swap3A_98 = arith.index_cast %swap3A_97 : i32 to index
    %swap3A_99 = arith.constant 0 : index
    %swap3A_100 = tpu.vector_load %arg13[%swap3A_98, %swap3A_99] {strides = array<i32>} : memref<24x16xi32, #tpu.memory_space<vmem>>, vector<16xi32>,
    tpu.vector_store %arg13[%swap3A_98, %swap3A_99], %and3A_96 {strides = array<i32>} : memref<24x16xi32, #tpu.memory_space<vmem>>, vector<16xi32>,
    %add3A_101 = arith.constant 10 : i32
    %add3A_102 = vector.broadcast %add3A_101 : i32 to vector<16xi32>
    %add3A_103 = arith.addi %add3A_102, %iota3A : vector<16xi32>
    %and3A_104 = arith.constant 15 : i32
    %and3A_105 = vector.broadcast %and3A_104 : i32 to vector<16xi32>
    %and3A_106 = arith.andi %add3A_103, %and3A_105 : vector<16xi32>
    %swap3A_107 = arith.constant 10 : i32
    %swap3A_108 = arith.index_cast %swap3A_107 : i32 to index
    %swap3A_109 = arith.constant 0 : index
    %swap3A_110 = tpu.vector_load %arg13[%swap3A_108, %swap3A_109] {strides = array<i32>} : memref<24x16xi32, #tpu.memory_space<vmem>>, vector<16xi32>,
    tpu.vector_store %arg13[%swap3A_108, %swap3A_109], %and3A_106 {strides = array<i32>} : memref<24x16xi32, #tpu.memory_space<vmem>>, vector<16xi32>,
    %add3A_111 = arith.constant 11 : i32
    %add3A_112 = vector.broadcast %add3A_111 : i32 to vector<16xi32>
    %add3A_113 = arith.addi %add3A_112, %iota3A : vector<16xi32>
    %and3A_114 = arith.constant 15 : i32
    %and3A_115 = vector.broadcast %and3A_114 : i32 to vector<16xi32>
    %and3A_116 = arith.andi %add3A_113, %and3A_115 : vector<16xi32>
    %swap3A_117 = arith.constant 11 : i32
    %swap3A_118 = arith.index_cast %swap3A_117 : i32 to index
    %swap3A_119 = arith.constant 0 : index
    %swap3A_120 = tpu.vector_load %arg13[%swap3A_118, %swap3A_119] {strides = array<i32>} : memref<24x16xi32, #tpu.memory_space<vmem>>, vector<16xi32>,
    tpu.vector_store %arg13[%swap3A_118, %swap3A_119], %and3A_116 {strides = array<i32>} : memref<24x16xi32, #tpu.memory_space<vmem>>, vector<16xi32>,
    %add3A_121 = arith.constant 12 : i32
    %add3A_122 = vector.broadcast %add3A_121 : i32 to vector<16xi32>
    %add3A_123 = arith.addi %add3A_122, %iota3A : vector<16xi32>
    %and3A_124 = arith.constant 15 : i32
    %and3A_125 = vector.broadcast %and3A_124 : i32 to vector<16xi32>
    %and3A_126 = arith.andi %add3A_123, %and3A_125 : vector<16xi32>
    %swap3A_127 = arith.constant 12 : i32
    %swap3A_128 = arith.index_cast %swap3A_127 : i32 to index
    %swap3A_129 = arith.constant 0 : index
    %swap3A_130 = tpu.vector_load %arg13[%swap3A_128, %swap3A_129] {strides = array<i32>} : memref<24x16xi32, #tpu.memory_space<vmem>>, vector<16xi32>,
    tpu.vector_store %arg13[%swap3A_128, %swap3A_129], %and3A_126 {strides = array<i32>} : memref<24x16xi32, #tpu.memory_space<vmem>>, vector<16xi32>,
    %add3A_131 = arith.constant 13 : i32
    %add3A_132 = vector.broadcast %add3A_131 : i32 to vector<16xi32>
    %add3A_133 = arith.addi %add3A_132, %iota3A : vector<16xi32>
    %and3A_134 = arith.constant 15 : i32
    %and3A_135 = vector.broadcast %and3A_134 : i32 to vector<16xi32>
    %and3A_136 = arith.andi %add3A_133, %and3A_135 : vector<16xi32>
    %swap3A_137 = arith.constant 13 : i32
    %swap3A_138 = arith.index_cast %swap3A_137 : i32 to index
    %swap3A_139 = arith.constant 0 : index
    %swap3A_140 = tpu.vector_load %arg13[%swap3A_138, %swap3A_139] {strides = array<i32>} : memref<24x16xi32, #tpu.memory_space<vmem>>, vector<16xi32>,
    tpu.vector_store %arg13[%swap3A_138, %swap3A_139], %and3A_136 {strides = array<i32>} : memref<24x16xi32, #tpu.memory_space<vmem>>, vector<16xi32>,
    %add3A_141 = arith.constant 14 : i32
    %add3A_142 = vector.broadcast %add3A_141 : i32 to vector<16xi32>
    %add3A_143 = arith.addi %add3A_142, %iota3A : vector<16xi32>
    %and3A_144 = arith.constant 15 : i32
    %and3A_145 = vector.broadcast %and3A_144 : i32 to vector<16xi32>
    %and3A_146 = arith.andi %add3A_143, %and3A_145 : vector<16xi32>
    %swap3A_147 = arith.constant 14 : i32
    %swap3A_148 = arith.index_cast %swap3A_147 : i32 to index
    %swap3A_149 = arith.constant 0 : index
    %swap3A_150 = tpu.vector_load %arg13[%swap3A_148, %swap3A_149] {strides = array<i32>} : memref<24x16xi32, #tpu.memory_space<vmem>>, vector<16xi32>,
    tpu.vector_store %arg13[%swap3A_148, %swap3A_149], %and3A_146 {strides = array<i32>} : memref<24x16xi32, #tpu.memory_space<vmem>>, vector<16xi32>,
    %add3A_151 = arith.constant 15 : i32
    %add3A_152 = vector.broadcast %add3A_151 : i32 to vector<16xi32>
    %add3A_153 = arith.addi %add3A_152, %iota3A : vector<16xi32>
    %and3A_154 = arith.constant 15 : i32
    %and3A_155 = vector.broadcast %and3A_154 : i32 to vector<16xi32>
    %and3A_156 = arith.andi %add3A_153, %and3A_155 : vector<16xi32>
    %swap3A_157 = arith.constant 15 : i32
    %swap3A_158 = arith.index_cast %swap3A_157 : i32 to index
    %swap3A_159 = arith.constant 0 : index
    %swap3A_160 = tpu.vector_load %arg13[%swap3A_158, %swap3A_159] {strides = array<i32>} : memref<24x16xi32, #tpu.memory_space<vmem>>, vector<16xi32>,
    tpu.vector_store %arg13[%swap3A_158, %swap3A_159], %and3A_156 {strides = array<i32>} : memref<24x16xi32, #tpu.memory_space<vmem>>, vector<16xi32>,
    %shift_right_arithmetic3A = arith.constant 3 : i32
    %shift_right_arithmetic3A_161 = vector.broadcast %shift_right_arithmetic3A : i32 to vector<16xi32>
    %shift_right_arithmetic3A_162 = arith.shrsi %iota3A, %shift_right_arithmetic3A_161 : vector<16xi32>
    %add3A_163 = arith.constant 0 : i32
    %add3A_164 = vector.broadcast %add3A_163 : i32 to vector<16xi32>
    %add3A_165 = arith.addi %add3A_164, %shift_right_arithmetic3A_162 : vector<16xi32>
    %shift_left3A = arith.constant 11 : i32
    %shift_left3A_166 = vector.broadcast %shift_left3A : i32 to vector<16xi32>
    %shift_left3A_167 = arith.shli %add3A_165, %shift_left3A_166 : vector<16xi32>
    %and3A_168 = arith.constant 7 : i32
    %and3A_169 = vector.broadcast %and3A_168 : i32 to vector<16xi32>
    %and3A_170 = arith.andi %iota3A, %and3A_169 : vector<16xi32>
    %shift_left3A_171 = arith.constant 7 : i32
    %shift_left3A_172 = vector.broadcast %shift_left3A_171 : i32 to vector<16xi32>
    %shift_left3A_173 = arith.shli %and3A_170, %shift_left3A_172 : vector<16xi32>
    %add3A_174 = arith.addi %shift_left3A_167, %shift_left3A_173 : vector<16xi32>
    %swap3A_175 = arith.constant 16 : i32
    %swap3A_176 = arith.index_cast %swap3A_175 : i32 to index
    %swap3A_177 = arith.constant 0 : index
    %swap3A_178 = tpu.vector_load %arg13[%swap3A_176, %swap3A_177] {strides = array<i32>} : memref<24x16xi32, #tpu.memory_space<vmem>>, vector<16xi32>,
    tpu.vector_store %arg13[%swap3A_176, %swap3A_177], %add3A_174 {strides = array<i32>} : memref<24x16xi32, #tpu.memory_space<vmem>>, vector<16xi32>,
    %add3A_179 = arith.constant 0 : i32
    %add3A_180 = vector.broadcast %add3A_179 : i32 to vector<16xi32>
    %add3A_181 = arith.addi %add3A_180, %iota3A : vector<16xi32>
    %swap3A_182 = arith.constant 20 : i32
    %swap3A_183 = arith.index_cast %swap3A_182 : i32 to index
    %swap3A_184 = arith.constant 0 : index
    %swap3A_185 = tpu.vector_load %arg13[%swap3A_183, %swap3A_184] {strides = array<i32>} : memref<24x16xi32, #tpu.memory_space<vmem>>, vector<16xi32>,
    tpu.vector_store %arg13[%swap3A_183, %swap3A_184], %add3A_181 {strides = array<i32>} : memref<24x16xi32, #tpu.memory_space<vmem>>, vector<16xi32>,
    %shift_right_arithmetic3A_186 = arith.constant 3 : i32
    %shift_right_arithmetic3A_187 = vector.broadcast %shift_right_arithmetic3A_186 : i32 to vector<16xi32>
    %shift_right_arithmetic3A_188 = arith.shrsi %iota3A, %shift_right_arithmetic3A_187 : vector<16xi32>
    %add3A_189 = arith.constant 2 : i32
    %add3A_190 = vector.broadcast %add3A_189 : i32 to vector<16xi32>
    %add3A_191 = arith.addi %add3A_190, %shift_right_arithmetic3A_188 : vector<16xi32>
    %shift_left3A_192 = arith.constant 11 : i32
    %shift_left3A_193 = vector.broadcast %shift_left3A_192 : i32 to vector<16xi32>
    %shift_left3A_194 = arith.shli %add3A_191, %shift_left3A_193 : vector<16xi32>
    %and3A_195 = arith.constant 7 : i32
    %and3A_196 = vector.broadcast %and3A_195 : i32 to vector<16xi32>
    %and3A_197 = arith.andi %iota3A, %and3A_196 : vector<16xi32>
    %shift_left3A_198 = arith.constant 7 : i32
    %shift_left3A_199 = vector.broadcast %shift_left3A_198 : i32 to vector<16xi32>
    %shift_left3A_200 = arith.shli %and3A_197, %shift_left3A_199 : vector<16xi32>
    %add3A_201 = arith.addi %shift_left3A_194, %shift_left3A_200 : vector<16xi32>
    %swap3A_202 = arith.constant 17 : i32
    %swap3A_203 = arith.index_cast %swap3A_202 : i32 to index
    %swap3A_204 = arith.constant 0 : index
    %swap3A_205 = tpu.vector_load %arg13[%swap3A_203, %swap3A_204] {strides = array<i32>} : memref<24x16xi32, #tpu.memory_space<vmem>>, vector<16xi32>,
    tpu.vector_store %arg13[%swap3A_203, %swap3A_204], %add3A_201 {strides = array<i32>} : memref<24x16xi32, #tpu.memory_space<vmem>>, vector<16xi32>,
    %add3A_206 = arith.constant 16 : i32
    %add3A_207 = vector.broadcast %add3A_206 : i32 to vector<16xi32>
    %add3A_208 = arith.addi %add3A_207, %iota3A : vector<16xi32>
    %swap3A_209 = arith.constant 21 : i32
    %swap3A_210 = arith.index_cast %swap3A_209 : i32 to index
    %swap3A_211 = arith.constant 0 : index
    %swap3A_212 = tpu.vector_load %arg13[%swap3A_210, %swap3A_211] {strides = array<i32>} : memref<24x16xi32, #tpu.memory_space<vmem>>, vector<16xi32>,
    tpu.vector_store %arg13[%swap3A_210, %swap3A_211], %add3A_208 {strides = array<i32>} : memref<24x16xi32, #tpu.memory_space<vmem>>, vector<16xi32>,
    %shift_right_arithmetic3A_213 = arith.constant 3 : i32
    %shift_right_arithmetic3A_214 = vector.broadcast %shift_right_arithmetic3A_213 : i32 to vector<16xi32>
    %shift_right_arithmetic3A_215 = arith.shrsi %iota3A, %shift_right_arithmetic3A_214 : vector<16xi32>
    %add3A_216 = arith.constant 4 : i32
    %add3A_217 = vector.broadcast %add3A_216 : i32 to vector<16xi32>
    %add3A_218 = arith.addi %add3A_217, %shift_right_arithmetic3A_215 : vector<16xi32>
    %shift_left3A_219 = arith.constant 11 : i32
    %shift_left3A_220 = vector.broadcast %shift_left3A_219 : i32 to vector<16xi32>
    %shift_left3A_221 = arith.shli %add3A_218, %shift_left3A_220 : vector<16xi32>
    %and3A_222 = arith.constant 7 : i32
    %and3A_223 = vector.broadcast %and3A_222 : i32 to vector<16xi32>
    %and3A_224 = arith.andi %iota3A, %and3A_223 : vector<16xi32>
    %shift_left3A_225 = arith.constant 7 : i32
    %shift_left3A_226 = vector.broadcast %shift_left3A_225 : i32 to vector<16xi32>
    %shift_left3A_227 = arith.shli %and3A_224, %shift_left3A_226 : vector<16xi32>
    %add3A_228 = arith.addi %shift_left3A_221, %shift_left3A_227 : vector<16xi32>
    %swap3A_229 = arith.constant 18 : i32
    %swap3A_230 = arith.index_cast %swap3A_229 : i32 to index
    %swap3A_231 = arith.constant 0 : index
    %swap3A_232 = tpu.vector_load %arg13[%swap3A_230, %swap3A_231] {strides = array<i32>} : memref<24x16xi32, #tpu.memory_space<vmem>>, vector<16xi32>,
    tpu.vector_store %arg13[%swap3A_230, %swap3A_231], %add3A_228 {strides = array<i32>} : memref<24x16xi32, #tpu.memory_space<vmem>>, vector<16xi32>,
    %add3A_233 = arith.constant 32 : i32
    %add3A_234 = vector.broadcast %add3A_233 : i32 to vector<16xi32>
    %add3A_235 = arith.addi %add3A_234, %iota3A : vector<16xi32>
    %swap3A_236 = arith.constant 22 : i32
    %swap3A_237 = arith.index_cast %swap3A_236 : i32 to index
    %swap3A_238 = arith.constant 0 : index
    %swap3A_239 = tpu.vector_load %arg13[%swap3A_237, %swap3A_238] {strides = array<i32>} : memref<24x16xi32, #tpu.memory_space<vmem>>, vector<16xi32>,
    tpu.vector_store %arg13[%swap3A_237, %swap3A_238], %add3A_235 {strides = array<i32>} : memref<24x16xi32, #tpu.memory_space<vmem>>, vector<16xi32>,
    %shift_right_arithmetic3A_240 = arith.constant 3 : i32
    %shift_right_arithmetic3A_241 = vector.broadcast %shift_right_arithmetic3A_240 : i32 to vector<16xi32>
    %shift_right_arithmetic3A_242 = arith.shrsi %iota3A, %shift_right_arithmetic3A_241 : vector<16xi32>
    %add3A_243 = arith.constant 6 : i32
    %add3A_244 = vector.broadcast %add3A_243 : i32 to vector<16xi32>
    %add3A_245 = arith.addi %add3A_244, %shift_right_arithmetic3A_242 : vector<16xi32>
    %shift_left3A_246 = arith.constant 11 : i32
    %shift_left3A_247 = vector.broadcast %shift_left3A_246 : i32 to vector<16xi32>
    %shift_left3A_248 = arith.shli %add3A_245, %shift_left3A_247 : vector<16xi32>
    %and3A_249 = arith.constant 7 : i32
    %and3A_250 = vector.broadcast %and3A_249 : i32 to vector<16xi32>
    %and3A_251 = arith.andi %iota3A, %and3A_250 : vector<16xi32>
    %shift_left3A_252 = arith.constant 7 : i32
    %shift_left3A_253 = vector.broadcast %shift_left3A_252 : i32 to vector<16xi32>
    %shift_left3A_254 = arith.shli %and3A_251, %shift_left3A_253 : vector<16xi32>
    %add3A_255 = arith.addi %shift_left3A_248, %shift_left3A_254 : vector<16xi32>
    %swap3A_256 = arith.constant 19 : i32
    %swap3A_257 = arith.index_cast %swap3A_256 : i32 to index
    %swap3A_258 = arith.constant 0 : index
    %swap3A_259 = tpu.vector_load %arg13[%swap3A_257, %swap3A_258] {strides = array<i32>} : memref<24x16xi32, #tpu.memory_space<vmem>>, vector<16xi32>,
    tpu.vector_store %arg13[%swap3A_257, %swap3A_258], %add3A_255 {strides = array<i32>} : memref<24x16xi32, #tpu.memory_space<vmem>>, vector<16xi32>,
    %add3A_260 = arith.constant 48 : i32
    %add3A_261 = vector.broadcast %add3A_260 : i32 to vector<16xi32>
    %add3A_262 = arith.addi %add3A_261, %iota3A : vector<16xi32>
    %swap3A_263 = arith.constant 23 : i32
    %swap3A_264 = arith.index_cast %swap3A_263 : i32 to index
    %swap3A_265 = arith.constant 0 : index
    %swap3A_266 = tpu.vector_load %arg13[%swap3A_264, %swap3A_265] {strides = array<i32>} : memref<24x16xi32, #tpu.memory_space<vmem>>, vector<16xi32>,
    tpu.vector_store %arg13[%swap3A_264, %swap3A_265], %add3A_262 {strides = array<i32>} : memref<24x16xi32, #tpu.memory_space<vmem>>, vector<16xi32>,
    %add3A_267 = arith.constant 0 : i32
    %add3A_268 = arith.addi %mul3A_2, %add3A_267 : i32
    %jit3A = arith.constant 16 : i32
    %div3A = arith.divsi %add3A_268, %jit3A : i32
    %sign3A = arith.constant 0 : i32
    %sign3A_269 = arith.cmpi sgt, %add3A_268, %sign3A : i32
    %sign3A_270 = arith.extui %sign3A_269 : i1 to i32
    %sign3A_271 = arith.constant 0 : i32
    %sign3A_272 = arith.cmpi slt, %add3A_268, %sign3A_271 : i32
    %sign3A_273 = arith.extui %sign3A_272 : i1 to i32
    %sign3A_274 = arith.subi %sign3A_270, %sign3A_273 : i32
    %sign3A_275 = arith.constant 0 : i32
    %sign3A_276 = arith.cmpi sgt, %jit3A, %sign3A_275 : i32
    %sign3A_277 = arith.extui %sign3A_276 : i1 to i32
    %sign3A_278 = arith.constant 0 : i32
    %sign3A_279 = arith.cmpi slt, %jit3A, %sign3A_278 : i32
    %sign3A_280 = arith.extui %sign3A_279 : i1 to i32
    %sign3A_281 = arith.subi %sign3A_277, %sign3A_280 : i32
    %ne3A = arith.cmpi ne, %sign3A_274, %sign3A_281 : i32
    %rem3A = arith.remsi %add3A_268, %jit3A : i32
    %ne3A_282 = arith.constant 0 : i32
    %ne3A_283 = arith.cmpi ne, %rem3A, %ne3A_282 : i32
    %and3A_284 = arith.andi %ne3A, %ne3A_283 : i1
    %sub3A = arith.constant 1 : i32
    %sub3A_285 = arith.subi %div3A, %sub3A : i32
    %select_n3A = arith.select %and3A_284, %sub3A_285, %div3A : i32
    %jit3A_286 = arith.constant 16 : i32
    %eq3A = arith.constant 0 : i32
    %eq3A_287 = arith.cmpi eq, %jit3A_286, %eq3A : i32
    %jit3A_288 = arith.constant 1 : i32
    %select_n3A_289 = arith.select %eq3A_287, %jit3A_288, %jit3A_286 : i32
    %rem3A_290 = arith.remsi %add3A_268, %select_n3A_289 : i32
    %ne3A_291 = arith.constant 0 : i32
    %ne3A_292 = arith.cmpi ne, %rem3A_290, %ne3A_291 : i32
    %lt3A = arith.constant 0 : i32
    %lt3A_293 = arith.cmpi slt, %rem3A_290, %lt3A : i32
    %lt3A_294 = arith.constant 0 : i32
    %lt3A_295 = arith.cmpi slt, %select_n3A_289, %lt3A_294 : i32
    %ne3A_296 = arith.xori %lt3A_293, %lt3A_295 : i1
    %and3A_297 = arith.andi %ne3A_296, %ne3A_292 : i1
    %add3A_298 = arith.addi %rem3A_290, %select_n3A_289 : i32
    %select_n3A_299 = arith.select %and3A_297, %add3A_298, %rem3A_290 : i32
    %mul3A_300 = arith.constant 2 : i32
    %mul3A_301 = arith.muli %select_n3A_299, %mul3A_300 : i32
    %shift_right_arithmetic3A_302 = arith.constant 3 : i32
    %shift_right_arithmetic3A_303 = arith.shrsi %select_n3A, %shift_right_arithmetic3A_302 : i32
    %mul3A_304 = arith.constant 32 : i32
    %mul3A_305 = arith.muli %shift_right_arithmetic3A_303, %mul3A_304 : i32
    %add3A_306 = arith.addi %mul3A_305, %mul3A_301 : i32
    %add3A_307 = arith.constant 0 : i32
    %add3A_308 = arith.addi %add3A_306, %add3A_307 : i32
    %mul3A_309 = arith.constant 1024 : i32
    %mul3A_310 = arith.muli %add3A_308, %mul3A_309 : i32
    %and3A_311 = arith.constant 7 : i32
    %and3A_312 = arith.andi %select_n3A, %and3A_311 : i32
    %mul3A_313 = arith.constant 128 : i32
    %mul3A_314 = arith.muli %and3A_312, %mul3A_313 : i32
    %add3A_315 = arith.addi %mul3A_310, %mul3A_314 : i32
    %dma_start3A = arith.constant 0 : i32
    %dma_start3A_316 = tpu.memref_slice %arg6[%dma_start3A] : memref<256xi32, #tpu.memory_space<vmem>> -> memref<128xi32, #tpu.memory_space<vmem>>
    %dma_start3A_317 = tpu.memref_slice %arg2[%add3A_315] : memref<819200xi32, #tpu.memory_space<hbm>> -> memref<128xi32, #tpu.memory_space<hbm>>
    %dma_start3A_318 = arith.constant 0 : i32
    %dma_start3A_319 = tpu.memref_slice %arg6[%dma_start3A_318] : memref<256xi32, #tpu.memory_space<vmem>> -> memref<128xi32, #tpu.memory_space<vmem>>
    %dma_start3A_320 = tpu.memref_slice %arg2[%add3A_315] : memref<819200xi32, #tpu.memory_space<hbm>> -> memref<128xi32, #tpu.memory_space<hbm>>
    tpu.enqueue_dma source(%dma_start3A_320 : memref<128xi32, #tpu.memory_space<hbm>>) target(%dma_start3A_319 : memref<128xi32, #tpu.memory_space<vmem>>) target_semaphore(%arg18 : memref<!tpu.dma_semaphore, #tpu.memory_space<semaphore_mem>>)
    %shift_right_arithmetic3A_321 = arith.constant 3 : i32
    %shift_right_arithmetic3A_322 = arith.shrsi %select_n3A, %shift_right_arithmetic3A_321 : i32
    %mul3A_323 = arith.constant 32 : i32
    %mul3A_324 = arith.muli %shift_right_arithmetic3A_322, %mul3A_323 : i32
    %add3A_325 = arith.addi %mul3A_324, %mul3A_301 : i32
    %add3A_326 = arith.constant 1 : i32
    %add3A_327 = arith.addi %add3A_325, %add3A_326 : i32
    %mul3A_328 = arith.constant 1024 : i32
    %mul3A_329 = arith.muli %add3A_327, %mul3A_328 : i32
    %and3A_330 = arith.constant 7 : i32
    %and3A_331 = arith.andi %select_n3A, %and3A_330 : i32
    %mul3A_332 = arith.constant 128 : i32
    %mul3A_333 = arith.muli %and3A_331, %mul3A_332 : i32
    %add3A_334 = arith.addi %mul3A_329, %mul3A_333 : i32
    %dma_start3A_335 = arith.constant 128 : i32
    %dma_start3A_336 = tpu.memref_slice %arg6[%dma_start3A_335] : memref<256xi32, #tpu.memory_space<vmem>> -> memref<128xi32, #tpu.memory_space<vmem>>
    %dma_start3A_337 = tpu.memref_slice %arg2[%add3A_334] : memref<819200xi32, #tpu.memory_space<hbm>> -> memref<128xi32, #tpu.memory_space<hbm>>
    %dma_start3A_338 = arith.constant 128 : i32
    %dma_start3A_339 = tpu.memref_slice %arg6[%dma_start3A_338] : memref<256xi32, #tpu.memory_space<vmem>> -> memref<128xi32, #tpu.memory_space<vmem>>
    %dma_start3A_340 = tpu.memref_slice %arg2[%add3A_334] : memref<819200xi32, #tpu.memory_space<hbm>> -> memref<128xi32, #tpu.memory_space<hbm>>
    tpu.enqueue_dma source(%dma_start3A_340 : memref<128xi32, #tpu.memory_space<hbm>>) target(%dma_start3A_339 : memref<128xi32, #tpu.memory_space<vmem>>) target_semaphore(%arg18 : memref<!tpu.dma_semaphore, #tpu.memory_space<semaphore_mem>>)
    %add3A_341 = arith.constant 0 : i32
    %add3A_342 = arith.addi %mul3A_2, %add3A_341 : i32
    %jit3A_343 = arith.constant 16 : i32
    %div3A_344 = arith.divsi %add3A_342, %jit3A_343 : i32
    %sign3A_345 = arith.constant 0 : i32
    %sign3A_346 = arith.cmpi sgt, %add3A_342, %sign3A_345 : i32
    %sign3A_347 = arith.extui %sign3A_346 : i1 to i32
    %sign3A_348 = arith.constant 0 : i32
    %sign3A_349 = arith.cmpi slt, %add3A_342, %sign3A_348 : i32
    %sign3A_350 = arith.extui %sign3A_349 : i1 to i32
    %sign3A_351 = arith.subi %sign3A_347, %sign3A_350 : i32
    %sign3A_352 = arith.constant 0 : i32
    %sign3A_353 = arith.cmpi sgt, %jit3A_343, %sign3A_352 : i32
    %sign3A_354 = arith.extui %sign3A_353 : i1 to i32
    %sign3A_355 = arith.constant 0 : i32
    %sign3A_356 = arith.cmpi slt, %jit3A_343, %sign3A_355 : i32
    %sign3A_357 = arith.extui %sign3A_356 : i1 to i32
    %sign3A_358 = arith.subi %sign3A_354, %sign3A_357 : i32
    %ne3A_359 = arith.cmpi ne, %sign3A_351, %sign3A_358 : i32
    %rem3A_360 = arith.remsi %add3A_342, %jit3A_343 : i32
    %ne3A_361 = arith.constant 0 : i32
    %ne3A_362 = arith.cmpi ne, %rem3A_360, %ne3A_361 : i32
    %and3A_363 = arith.andi %ne3A_359, %ne3A_362 : i1
    %sub3A_364 = arith.constant 1 : i32
    %sub3A_365 = arith.subi %div3A_344, %sub3A_364 : i32
    %select_n3A_366 = arith.select %and3A_363, %sub3A_365, %div3A_344 : i32
    %jit3A_367 = arith.constant 16 : i32
    %eq3A_368 = arith.constant 0 : i32
    %eq3A_369 = arith.cmpi eq, %jit3A_367, %eq3A_368 : i32
    %jit3A_370 = arith.constant 1 : i32
    %select_n3A_371 = arith.select %eq3A_369, %jit3A_370, %jit3A_367 : i32
    %rem3A_372 = arith.remsi %add3A_342, %select_n3A_371 : i32
    %ne3A_373 = arith.constant 0 : i32
    %ne3A_374 = arith.cmpi ne, %rem3A_372, %ne3A_373 : i32
    %lt3A_375 = arith.constant 0 : i32
    %lt3A_376 = arith.cmpi slt, %rem3A_372, %lt3A_375 : i32
    %lt3A_377 = arith.constant 0 : i32
    %lt3A_378 = arith.cmpi slt, %select_n3A_371, %lt3A_377 : i32
    %ne3A_379 = arith.xori %lt3A_376, %lt3A_378 : i1
    %and3A_380 = arith.andi %ne3A_379, %ne3A_374 : i1
    %add3A_381 = arith.addi %rem3A_372, %select_n3A_371 : i32
    %select_n3A_382 = arith.select %and3A_380, %add3A_381, %rem3A_372 : i32
    %mul3A_383 = arith.constant 2 : i32
    %mul3A_384 = arith.muli %select_n3A_382, %mul3A_383 : i32
    %shift_right_arithmetic3A_385 = arith.constant 3 : i32
    %shift_right_arithmetic3A_386 = arith.shrsi %select_n3A_366, %shift_right_arithmetic3A_385 : i32
    %mul3A_387 = arith.constant 32 : i32
    %mul3A_388 = arith.muli %shift_right_arithmetic3A_386, %mul3A_387 : i32
    %add3A_389 = arith.addi %mul3A_388, %mul3A_384 : i32
    %add3A_390 = arith.constant 0 : i32
    %add3A_391 = arith.addi %add3A_389, %add3A_390 : i32
    %mul3A_392 = arith.constant 1024 : i32
    %mul3A_393 = arith.muli %add3A_391, %mul3A_392 : i32
    %and3A_394 = arith.constant 7 : i32
    %and3A_395 = arith.andi %select_n3A_366, %and3A_394 : i32
    %mul3A_396 = arith.constant 128 : i32
    %mul3A_397 = arith.muli %and3A_395, %mul3A_396 : i32
    %add3A_398 = arith.addi %mul3A_393, %mul3A_397 : i32
    %dma_wait3A = arith.constant 0 : i32
    %dma_wait3A_399 = tpu.memref_slice %arg6[%dma_wait3A] : memref<256xi32, #tpu.memory_space<vmem>> -> memref<128xi32, #tpu.memory_space<vmem>>
    %dma_wait3A_400 = tpu.memref_slice %arg2[%add3A_398] : memref<819200xi32, #tpu.memory_space<hbm>> -> memref<128xi32, #tpu.memory_space<hbm>>
    %dma_wait3A_401 = arith.constant 0 : i32
    %dma_wait3A_402 = tpu.memref_slice %arg6[%dma_wait3A_401] : memref<256xi32, #tpu.memory_space<vmem>> -> memref<128xi32, #tpu.memory_space<vmem>>
    %dma_wait3A_403 = tpu.memref_slice %arg2[%add3A_398] : memref<819200xi32, #tpu.memory_space<hbm>> -> memref<128xi32, #tpu.memory_space<hbm>>
    tpu.wait_dma2 semaphore(%arg18 : memref<!tpu.dma_semaphore, #tpu.memory_space<semaphore_mem>>) src(%dma_wait3A_403 : memref<128xi32, #tpu.memory_space<hbm>>) dst(%dma_wait3A_402 : memref<128xi32, #tpu.memory_space<vmem>>)
    %shift_right_arithmetic3A_404 = arith.constant 3 : i32
    %shift_right_arithmetic3A_405 = arith.shrsi %select_n3A_366, %shift_right_arithmetic3A_404 : i32
    %mul3A_406 = arith.constant 32 : i32
    %mul3A_407 = arith.muli %shift_right_arithmetic3A_405, %mul3A_406 : i32
    %add3A_408 = arith.addi %mul3A_407, %mul3A_384 : i32
    %add3A_409 = arith.constant 1 : i32
    %add3A_410 = arith.addi %add3A_408, %add3A_409 : i32
    %mul3A_411 = arith.constant 1024 : i32
    %mul3A_412 = arith.muli %add3A_410, %mul3A_411 : i32
    %and3A_413 = arith.constant 7 : i32
    %and3A_414 = arith.andi %select_n3A_366, %and3A_413 : i32
    %mul3A_415 = arith.constant 128 : i32
    %mul3A_416 = arith.muli %and3A_414, %mul3A_415 : i32
    %add3A_417 = arith.addi %mul3A_412, %mul3A_416 : i32
    %dma_wait3A_418 = arith.constant 128 : i32
    %dma_wait3A_419 = tpu.memref_slice %arg6[%dma_wait3A_418] : memref<256xi32, #tpu.memory_space<vmem>> -> memref<128xi32, #tpu.memory_space<vmem>>
    %dma_wait3A_420 = tpu.memref_slice %arg2[%add3A_417] : memref<819200xi32, #tpu.memory_space<hbm>> -> memref<128xi32, #tpu.memory_space<hbm>>
    %dma_wait3A_421 = arith.constant 128 : i32
    %dma_wait3A_422 = tpu.memref_slice %arg6[%dma_wait3A_421] : memref<256xi32, #tpu.memory_space<vmem>> -> memref<128xi32, #tpu.memory_space<vmem>>
    %dma_wait3A_423 = tpu.memref_slice %arg2[%add3A_417] : memref<819200xi32, #tpu.memory_space<hbm>> -> memref<128xi32, #tpu.memory_space<hbm>>
    tpu.wait_dma2 semaphore(%arg18 : memref<!tpu.dma_semaphore, #tpu.memory_space<semaphore_mem>>) src(%dma_wait3A_423 : memref<128xi32, #tpu.memory_space<hbm>>) dst(%dma_wait3A_422 : memref<128xi32, #tpu.memory_space<vmem>>)
    %dma_start3A_424 = arith.constant 0 : i32
    %dma_start3A_425 = arith.constant 0 : i32
    %dma_start3A_426 = tpu.memref_slice %arg3[%dma_start3A_424, %dma_start3A_425] : memref<100000x64xf32, #tpu.memory_space<hbm>> -> memref<100000x64xf32, #tpu.memory_space<hbm>>
    tpu.enqueue_indirect_dma source(%dma_start3A_426 : memref<100000x64xf32, #tpu.memory_space<hbm>>) target(%arg8 : memref<256x64xf32, #tpu.memory_space<vmem>>) offsets(%arg6 : memref<256xi32, #tpu.memory_space<vmem>>) semaphore(%arg14 : memref<!tpu.dma_semaphore, #tpu.memory_space<semaphore_mem>>)
    %add3A_427 = arith.constant 1 : i32
    %add3A_428 = arith.addi %mul3A_2, %add3A_427 : i32
    %jit3A_429 = arith.constant 16 : i32
    %div3A_430 = arith.divsi %add3A_428, %jit3A_429 : i32
    %sign3A_431 = arith.constant 0 : i32
    %sign3A_432 = arith.cmpi sgt, %add3A_428, %sign3A_431 : i32
    %sign3A_433 = arith.extui %sign3A_432 : i1 to i32
    %sign3A_434 = arith.constant 0 : i32
    %sign3A_435 = arith.cmpi slt, %add3A_428, %sign3A_434 : i32
    %sign3A_436 = arith.extui %sign3A_435 : i1 to i32
    %sign3A_437 = arith.subi %sign3A_433, %sign3A_436 : i32
    %sign3A_438 = arith.constant 0 : i32
    %sign3A_439 = arith.cmpi sgt, %jit3A_429, %sign3A_438 : i32
    %sign3A_440 = arith.extui %sign3A_439 : i1 to i32
    %sign3A_441 = arith.constant 0 : i32
    %sign3A_442 = arith.cmpi slt, %jit3A_429, %sign3A_441 : i32
    %sign3A_443 = arith.extui %sign3A_442 : i1 to i32
    %sign3A_444 = arith.subi %sign3A_440, %sign3A_443 : i32
    %ne3A_445 = arith.cmpi ne, %sign3A_437, %sign3A_444 : i32
    %rem3A_446 = arith.remsi %add3A_428, %jit3A_429 : i32
    %ne3A_447 = arith.constant 0 : i32
    %ne3A_448 = arith.cmpi ne, %rem3A_446, %ne3A_447 : i32
    %and3A_449 = arith.andi %ne3A_445, %ne3A_448 : i1
    %sub3A_450 = arith.constant 1 : i32
    %sub3A_451 = arith.subi %div3A_430, %sub3A_450 : i32
    %select_n3A_452 = arith.select %and3A_449, %sub3A_451, %div3A_430 : i32
    %jit3A_453 = arith.constant 16 : i32
    %eq3A_454 = arith.constant 0 : i32
    %eq3A_455 = arith.cmpi eq, %jit3A_453, %eq3A_454 : i32
    %jit3A_456 = arith.constant 1 : i32
    %select_n3A_457 = arith.select %eq3A_455, %jit3A_456, %jit3A_453 : i32
    %rem3A_458 = arith.remsi %add3A_428, %select_n3A_457 : i32
    %ne3A_459 = arith.constant 0 : i32
    %ne3A_460 = arith.cmpi ne, %rem3A_458, %ne3A_459 : i32
    %lt3A_461 = arith.constant 0 : i32
    %lt3A_462 = arith.cmpi slt, %rem3A_458, %lt3A_461 : i32
    %lt3A_463 = arith.constant 0 : i32
    %lt3A_464 = arith.cmpi slt, %select_n3A_457, %lt3A_463 : i32
    %ne3A_465 = arith.xori %lt3A_462, %lt3A_464 : i1
    %and3A_466 = arith.andi %ne3A_465, %ne3A_460 : i1
    %add3A_467 = arith.addi %rem3A_458, %select_n3A_457 : i32
    %select_n3A_468 = arith.select %and3A_466, %add3A_467, %rem3A_458 : i32
    %mul3A_469 = arith.constant 2 : i32
    %mul3A_470 = arith.muli %select_n3A_468, %mul3A_469 : i32
    %shift_right_arithmetic3A_471 = arith.constant 3 : i32
    %shift_right_arithmetic3A_472 = arith.shrsi %select_n3A_452, %shift_right_arithmetic3A_471 : i32
    %mul3A_473 = arith.constant 32 : i32
    %mul3A_474 = arith.muli %shift_right_arithmetic3A_472, %mul3A_473 : i32
    %add3A_475 = arith.addi %mul3A_474, %mul3A_470 : i32
    %add3A_476 = arith.constant 0 : i32
    %add3A_477 = arith.addi %add3A_475, %add3A_476 : i32
    %mul3A_478 = arith.constant 1024 : i32
    %mul3A_479 = arith.muli %add3A_477, %mul3A_478 : i32
    %and3A_480 = arith.constant 7 : i32
    %and3A_481 = arith.andi %select_n3A_452, %and3A_480 : i32
    %mul3A_482 = arith.constant 128 : i32
    %mul3A_483 = arith.muli %and3A_481, %mul3A_482 : i32
    %add3A_484 = arith.addi %mul3A_479, %mul3A_483 : i32
    %dma_start3A_485 = arith.constant 0 : i32
    %dma_start3A_486 = tpu.memref_slice %arg7[%dma_start3A_485] : memref<256xi32, #tpu.memory_space<vmem>> -> memref<128xi32, #tpu.memory_space<vmem>>
    %dma_start3A_487 = tpu.memref_slice %arg2[%add3A_484] : memref<819200xi32, #tpu.memory_space<hbm>> -> memref<128xi32, #tpu.memory_space<hbm>>
    %dma_start3A_488 = arith.constant 0 : i32
    %dma_start3A_489 = tpu.memref_slice %arg7[%dma_start3A_488] : memref<256xi32, #tpu.memory_space<vmem>> -> memref<128xi32, #tpu.memory_space<vmem>>
    %dma_start3A_490 = tpu.memref_slice %arg2[%add3A_484] : memref<819200xi32, #tpu.memory_space<hbm>> -> memref<128xi32, #tpu.memory_space<hbm>>
    tpu.enqueue_dma source(%dma_start3A_490 : memref<128xi32, #tpu.memory_space<hbm>>) target(%dma_start3A_489 : memref<128xi32, #tpu.memory_space<vmem>>) target_semaphore(%arg19 : memref<!tpu.dma_semaphore, #tpu.memory_space<semaphore_mem>>)
    %shift_right_arithmetic3A_491 = arith.constant 3 : i32
    %shift_right_arithmetic3A_492 = arith.shrsi %select_n3A_452, %shift_right_arithmetic3A_491 : i32
    %mul3A_493 = arith.constant 32 : i32
    %mul3A_494 = arith.muli %shift_right_arithmetic3A_492, %mul3A_493 : i32
    %add3A_495 = arith.addi %mul3A_494, %mul3A_470 : i32
    %add3A_496 = arith.constant 1 : i32
    %add3A_497 = arith.addi %add3A_495, %add3A_496 : i32
    %mul3A_498 = arith.constant 1024 : i32
    %mul3A_499 = arith.muli %add3A_497, %mul3A_498 : i32
    %and3A_500 = arith.constant 7 : i32
    %and3A_501 = arith.andi %select_n3A_452, %and3A_500 : i32
    %mul3A_502 = arith.constant 128 : i32
    %mul3A_503 = arith.muli %and3A_501, %mul3A_502 : i32
    %add3A_504 = arith.addi %mul3A_499, %mul3A_503 : i32
    %dma_start3A_505 = arith.constant 128 : i32
    %dma_start3A_506 = tpu.memref_slice %arg7[%dma_start3A_505] : memref<256xi32, #tpu.memory_space<vmem>> -> memref<128xi32, #tpu.memory_space<vmem>>
    %dma_start3A_507 = tpu.memref_slice %arg2[%add3A_504] : memref<819200xi32, #tpu.memory_space<hbm>> -> memref<128xi32, #tpu.memory_space<hbm>>
    %dma_start3A_508 = arith.constant 128 : i32
    %dma_start3A_509 = tpu.memref_slice %arg7[%dma_start3A_508] : memref<256xi32, #tpu.memory_space<vmem>> -> memref<128xi32, #tpu.memory_space<vmem>>
    %dma_start3A_510 = tpu.memref_slice %arg2[%add3A_504] : memref<819200xi32, #tpu.memory_space<hbm>> -> memref<128xi32, #tpu.memory_space<hbm>>
    tpu.enqueue_dma source(%dma_start3A_510 : memref<128xi32, #tpu.memory_space<hbm>>) target(%dma_start3A_509 : memref<128xi32, #tpu.memory_space<vmem>>) target_semaphore(%arg19 : memref<!tpu.dma_semaphore, #tpu.memory_space<semaphore_mem>>)
    %add3A_511 = arith.constant 1 : i32
    %add3A_512 = arith.addi %mul3A_2, %add3A_511 : i32
    %jit3A_513 = arith.constant 16 : i32
    %div3A_514 = arith.divsi %add3A_512, %jit3A_513 : i32
    %sign3A_515 = arith.constant 0 : i32
    %sign3A_516 = arith.cmpi sgt, %add3A_512, %sign3A_515 : i32
    %sign3A_517 = arith.extui %sign3A_516 : i1 to i32
    %sign3A_518 = arith.constant 0 : i32
    %sign3A_519 = arith.cmpi slt, %add3A_512, %sign3A_518 : i32
    %sign3A_520 = arith.extui %sign3A_519 : i1 to i32
    %sign3A_521 = arith.subi %sign3A_517, %sign3A_520 : i32
    %sign3A_522 = arith.constant 0 : i32
    %sign3A_523 = arith.cmpi sgt, %jit3A_513, %sign3A_522 : i32
    %sign3A_524 = arith.extui %sign3A_523 : i1 to i32
    %sign3A_525 = arith.constant 0 : i32
    %sign3A_526 = arith.cmpi slt, %jit3A_513, %sign3A_525 : i32
    %sign3A_527 = arith.extui %sign3A_526 : i1 to i32
    %sign3A_528 = arith.subi %sign3A_524, %sign3A_527 : i32
    %ne3A_529 = arith.cmpi ne, %sign3A_521, %sign3A_528 : i32
    %rem3A_530 = arith.remsi %add3A_512, %jit3A_513 : i32
    %ne3A_531 = arith.constant 0 : i32
    %ne3A_532 = arith.cmpi ne, %rem3A_530, %ne3A_531 : i32
    %and3A_533 = arith.andi %ne3A_529, %ne3A_532 : i1
    %sub3A_534 = arith.constant 1 : i32
    %sub3A_535 = arith.subi %div3A_514, %sub3A_534 : i32
    %select_n3A_536 = arith.select %and3A_533, %sub3A_535, %div3A_514 : i32
    %jit3A_537 = arith.constant 16 : i32
    %eq3A_538 = arith.constant 0 : i32
    %eq3A_539 = arith.cmpi eq, %jit3A_537, %eq3A_538 : i32
    %jit3A_540 = arith.constant 1 : i32
    %select_n3A_541 = arith.select %eq3A_539, %jit3A_540, %jit3A_537 : i32
    %rem3A_542 = arith.remsi %add3A_512, %select_n3A_541 : i32
    %ne3A_543 = arith.constant 0 : i32
    %ne3A_544 = arith.cmpi ne, %rem3A_542, %ne3A_543 : i32
    %lt3A_545 = arith.constant 0 : i32
    %lt3A_546 = arith.cmpi slt, %rem3A_542, %lt3A_545 : i32
    %lt3A_547 = arith.constant 0 : i32
    %lt3A_548 = arith.cmpi slt, %select_n3A_541, %lt3A_547 : i32
    %ne3A_549 = arith.xori %lt3A_546, %lt3A_548 : i1
    %and3A_550 = arith.andi %ne3A_549, %ne3A_544 : i1
    %add3A_551 = arith.addi %rem3A_542, %select_n3A_541 : i32
    %select_n3A_552 = arith.select %and3A_550, %add3A_551, %rem3A_542 : i32
    %mul3A_553 = arith.constant 2 : i32
    %mul3A_554 = arith.muli %select_n3A_552, %mul3A_553 : i32
    %shift_right_arithmetic3A_555 = arith.constant 3 : i32
    %shift_right_arithmetic3A_556 = arith.shrsi %select_n3A_536, %shift_right_arithmetic3A_555 : i32
    %mul3A_557 = arith.constant 32 : i32
    %mul3A_558 = arith.muli %shift_right_arithmetic3A_556, %mul3A_557 : i32
    %add3A_559 = arith.addi %mul3A_558, %mul3A_554 : i32
    %add3A_560 = arith.constant 0 : i32
    %add3A_561 = arith.addi %add3A_559, %add3A_560 : i32
    %mul3A_562 = arith.constant 1024 : i32
    %mul3A_563 = arith.muli %add3A_561, %mul3A_562 : i32
    %and3A_564 = arith.constant 7 : i32
    %and3A_565 = arith.andi %select_n3A_536, %and3A_564 : i32
    %mul3A_566 = arith.constant 128 : i32
    %mul3A_567 = arith.muli %and3A_565, %mul3A_566 : i32
    %add3A_568 = arith.addi %mul3A_563, %mul3A_567 : i32
    %dma_wait3A_569 = arith.constant 0 : i32
    %dma_wait3A_570 = tpu.memref_slice %arg7[%dma_wait3A_569] : memref<256xi32, #tpu.memory_space<vmem>> -> memref<128xi32, #tpu.memory_space<vmem>>
    %dma_wait3A_571 = tpu.memref_slice %arg2[%add3A_568] : memref<819200xi32, #tpu.memory_space<hbm>> -> memref<128xi32, #tpu.memory_space<hbm>>
    %dma_wait3A_572 = arith.constant 0 : i32
    %dma_wait3A_573 = tpu.memref_slice %arg7[%dma_wait3A_572] : memref<256xi32, #tpu.memory_space<vmem>> -> memref<128xi32, #tpu.memory_space<vmem>>
    %dma_wait3A_574 = tpu.memref_slice %arg2[%add3A_568] : memref<819200xi32, #tpu.memory_space<hbm>> -> memref<128xi32, #tpu.memory_space<hbm>>
    tpu.wait_dma2 semaphore(%arg19 : memref<!tpu.dma_semaphore, #tpu.memory_space<semaphore_mem>>) src(%dma_wait3A_574 : memref<128xi32, #tpu.memory_space<hbm>>) dst(%dma_wait3A_573 : memref<128xi32, #tpu.memory_space<vmem>>)
    %shift_right_arithmetic3A_575 = arith.constant 3 : i32
    %shift_right_arithmetic3A_576 = arith.shrsi %select_n3A_536, %shift_right_arithmetic3A_575 : i32
    %mul3A_577 = arith.constant 32 : i32
    %mul3A_578 = arith.muli %shift_right_arithmetic3A_576, %mul3A_577 : i32
    %add3A_579 = arith.addi %mul3A_578, %mul3A_554 : i32
    %add3A_580 = arith.constant 1 : i32
    %add3A_581 = arith.addi %add3A_579, %add3A_580 : i32
    %mul3A_582 = arith.constant 1024 : i32
    %mul3A_583 = arith.muli %add3A_581, %mul3A_582 : i32
    %and3A_584 = arith.constant 7 : i32
    %and3A_585 = arith.andi %select_n3A_536, %and3A_584 : i32
    %mul3A_586 = arith.constant 128 : i32
    %mul3A_587 = arith.muli %and3A_585, %mul3A_586 : i32
    %add3A_588 = arith.addi %mul3A_583, %mul3A_587 : i32
    %dma_wait3A_589 = arith.constant 128 : i32
    %dma_wait3A_590 = tpu.memref_slice %arg7[%dma_wait3A_589] : memref<256xi32, #tpu.memory_space<vmem>> -> memref<128xi32, #tpu.memory_space<vmem>>
    %dma_wait3A_591 = tpu.memref_slice %arg2[%add3A_588] : memref<819200xi32, #tpu.memory_space<hbm>> -> memref<128xi32, #tpu.memory_space<hbm>>
    %dma_wait3A_592 = arith.constant 128 : i32
    %dma_wait3A_593 = tpu.memref_slice %arg7[%dma_wait3A_592] : memref<256xi32, #tpu.memory_space<vmem>> -> memref<128xi32, #tpu.memory_space<vmem>>
    %dma_wait3A_594 = tpu.memref_slice %arg2[%add3A_588] : memref<819200xi32, #tpu.memory_space<hbm>> -> memref<128xi32, #tpu.memory_space<hbm>>
    tpu.wait_dma2 semaphore(%arg19 : memref<!tpu.dma_semaphore, #tpu.memory_space<semaphore_mem>>) src(%dma_wait3A_594 : memref<128xi32, #tpu.memory_space<hbm>>) dst(%dma_wait3A_593 : memref<128xi32, #tpu.memory_space<vmem>>)
    %dma_start3A_595 = arith.constant 0 : i32
    %dma_start3A_596 = arith.constant 0 : i32
    %dma_start3A_597 = tpu.memref_slice %arg3[%dma_start3A_595, %dma_start3A_596] : memref<100000x64xf32, #tpu.memory_space<hbm>> -> memref<100000x64xf32, #tpu.memory_space<hbm>>
    tpu.enqueue_indirect_dma source(%dma_start3A_597 : memref<100000x64xf32, #tpu.memory_space<hbm>>) target(%arg9 : memref<256x64xf32, #tpu.memory_space<vmem>>) offsets(%arg7 : memref<256xi32, #tpu.memory_space<vmem>>) semaphore(%arg15 : memref<!tpu.dma_semaphore, #tpu.memory_space<semaphore_mem>>)
    %scan3A = arith.constant 0 : i32
    %scan3A_598 = arith.constant 0 : i32
    %scan3A_599 = arith.constant 50 : i32
    %scan3A_600 = arith.addi %scan3A_598, %scan3A_599 : i32
    %scan3A_601 = arith.constant 1 : i32
    scf.for %scan3A_939 = %scan3A_598 to %scan3A_600 step %scan3A_601  : i32 {
      %mul3A_940 = arith.constant 2 : i32
      %mul3A_941 = arith.muli %scan3A_939, %mul3A_940 : i32
      %add3A_942 = arith.addi %mul3A_2, %mul3A_941 : i32
      %add3A_943 = arith.constant 0 : i32
      %add3A_944 = arith.addi %add3A_942, %add3A_943 : i32
      %gt3A = arith.constant 0 : i32
      %gt3A_945 = arith.cmpi sgt, %scan3A_939, %gt3A : i32
      %convert_element_type3A = arith.extui %gt3A_945 : i1 to i32
      %cond3A = arith.constant 0 : i32
      %cond3A_946 = arith.cmpi ne, %convert_element_type3A, %cond3A : i32
      scf.if %cond3A_946 {
        %sub3A_1484 = arith.constant 2 : i32
        %sub3A_1485 = arith.subi %add3A_944, %sub3A_1484 : i32
        %jit3A_1486 = arith.constant 16 : i32
        %div3A_1487 = arith.divsi %sub3A_1485, %jit3A_1486 : i32
        %sign3A_1488 = arith.constant 0 : i32
        %sign3A_1489 = arith.cmpi sgt, %sub3A_1485, %sign3A_1488 : i32
        %sign3A_1490 = arith.extui %sign3A_1489 : i1 to i32
        %sign3A_1491 = arith.constant 0 : i32
        %sign3A_1492 = arith.cmpi slt, %sub3A_1485, %sign3A_1491 : i32
        %sign3A_1493 = arith.extui %sign3A_1492 : i1 to i32
        %sign3A_1494 = arith.subi %sign3A_1490, %sign3A_1493 : i32
        %sign3A_1495 = arith.constant 0 : i32
        %sign3A_1496 = arith.cmpi sgt, %jit3A_1486, %sign3A_1495 : i32
        %sign3A_1497 = arith.extui %sign3A_1496 : i1 to i32
        %sign3A_1498 = arith.constant 0 : i32
        %sign3A_1499 = arith.cmpi slt, %jit3A_1486, %sign3A_1498 : i32
        %sign3A_1500 = arith.extui %sign3A_1499 : i1 to i32
        %sign3A_1501 = arith.subi %sign3A_1497, %sign3A_1500 : i32
        %ne3A_1502 = arith.cmpi ne, %sign3A_1494, %sign3A_1501 : i32
        %rem3A_1503 = arith.remsi %sub3A_1485, %jit3A_1486 : i32
        %ne3A_1504 = arith.constant 0 : i32
        %ne3A_1505 = arith.cmpi ne, %rem3A_1503, %ne3A_1504 : i32
        %and3A_1506 = arith.andi %ne3A_1502, %ne3A_1505 : i1
        %sub3A_1507 = arith.constant 1 : i32
        %sub3A_1508 = arith.subi %div3A_1487, %sub3A_1507 : i32
        %select_n3A_1509 = arith.select %and3A_1506, %sub3A_1508, %div3A_1487 : i32
        %jit3A_1510 = arith.constant 16 : i32
        %eq3A_1511 = arith.constant 0 : i32
        %eq3A_1512 = arith.cmpi eq, %jit3A_1510, %eq3A_1511 : i32
        %jit3A_1513 = arith.constant 1 : i32
        %select_n3A_1514 = arith.select %eq3A_1512, %jit3A_1513, %jit3A_1510 : i32
        %rem3A_1515 = arith.remsi %sub3A_1485, %select_n3A_1514 : i32
        %ne3A_1516 = arith.constant 0 : i32
        %ne3A_1517 = arith.cmpi ne, %rem3A_1515, %ne3A_1516 : i32
        %lt3A_1518 = arith.constant 0 : i32
        %lt3A_1519 = arith.cmpi slt, %rem3A_1515, %lt3A_1518 : i32
        %lt3A_1520 = arith.constant 0 : i32
        %lt3A_1521 = arith.cmpi slt, %select_n3A_1514, %lt3A_1520 : i32
        %ne3A_1522 = arith.xori %lt3A_1519, %lt3A_1521 : i1
        %and3A_1523 = arith.andi %ne3A_1522, %ne3A_1517 : i1
        %add3A_1524 = arith.addi %rem3A_1515, %select_n3A_1514 : i32
        %select_n3A_1525 = arith.select %and3A_1523, %add3A_1524, %rem3A_1515 : i32
        %mul3A_1526 = arith.constant 2 : i32
        %mul3A_1527 = arith.muli %select_n3A_1525, %mul3A_1526 : i32
        %mul3A_1528 = arith.constant 8 : i32
        %mul3A_1529 = arith.muli %select_n3A_1509, %mul3A_1528 : i32
        %add3A_1530 = arith.constant 0 : i32
        %add3A_1531 = arith.addi %mul3A_1529, %add3A_1530 : i32
        %mul3A_1532 = arith.constant 32 : i32
        %mul3A_1533 = arith.muli %add3A_1531, %mul3A_1532 : i32
        %add3A_1534 = arith.addi %mul3A_1533, %mul3A_1527 : i32
        %mul3A_1535 = arith.constant 1024 : i32
        %mul3A_1536 = arith.muli %add3A_1534, %mul3A_1535 : i32
        %dma_wait3A_1537 = arith.constant 0 : i32
        %dma_wait3A_1538 = tpu.memref_slice %arg10[%dma_wait3A_1537] : memref<16384xf32, #tpu.memory_space<vmem>> -> memref<2048xf32, #tpu.memory_space<vmem>>
        %dma_wait3A_1539 = tpu.memref_slice %arg5[%mul3A_1536] : memref<52428800xf32, #tpu.memory_space<hbm>> -> memref<2048xf32, #tpu.memory_space<hbm>>
        %dma_wait3A_1540 = tpu.memref_slice %arg5[%mul3A_1536] : memref<52428800xf32, #tpu.memory_space<hbm>> -> memref<2048xf32, #tpu.memory_space<hbm>>
        %dma_wait3A_1541 = arith.constant 0 : i32
        %dma_wait3A_1542 = tpu.memref_slice %arg10[%dma_wait3A_1541] : memref<16384xf32, #tpu.memory_space<vmem>> -> memref<2048xf32, #tpu.memory_space<vmem>>
        tpu.wait_dma2 semaphore(%arg16 : memref<!tpu.dma_semaphore, #tpu.memory_space<semaphore_mem>>) src(%dma_wait3A_1542 : memref<2048xf32, #tpu.memory_space<vmem>>) dst(%dma_wait3A_1540 : memref<2048xf32, #tpu.memory_space<hbm>>)
        %mul3A_1543 = arith.constant 8 : i32
        %mul3A_1544 = arith.muli %select_n3A_1509, %mul3A_1543 : i32
        %add3A_1545 = arith.constant 1 : i32
        %add3A_1546 = arith.addi %mul3A_1544, %add3A_1545 : i32
        %mul3A_1547 = arith.constant 32 : i32
        %mul3A_1548 = arith.muli %add3A_1546, %mul3A_1547 : i32
        %add3A_1549 = arith.addi %mul3A_1548, %mul3A_1527 : i32
        %mul3A_1550 = arith.constant 1024 : i32
        %mul3A_1551 = arith.muli %add3A_1549, %mul3A_1550 : i32
        %dma_wait3A_1552 = arith.constant 2048 : i32
        %dma_wait3A_1553 = tpu.memref_slice %arg10[%dma_wait3A_1552] : memref<16384xf32, #tpu.memory_space<vmem>> -> memref<2048xf32, #tpu.memory_space<vmem>>
        %dma_wait3A_1554 = tpu.memref_slice %arg5[%mul3A_1551] : memref<52428800xf32, #tpu.memory_space<hbm>> -> memref<2048xf32, #tpu.memory_space<hbm>>
        %dma_wait3A_1555 = tpu.memref_slice %arg5[%mul3A_1551] : memref<52428800xf32, #tpu.memory_space<hbm>> -> memref<2048xf32, #tpu.memory_space<hbm>>
        %dma_wait3A_1556 = arith.constant 2048 : i32
        %dma_wait3A_1557 = tpu.memref_slice %arg10[%dma_wait3A_1556] : memref<16384xf32, #tpu.memory_space<vmem>> -> memref<2048xf32, #tpu.memory_space<vmem>>
        tpu.wait_dma2 semaphore(%arg16 : memref<!tpu.dma_semaphore, #tpu.memory_space<semaphore_mem>>) src(%dma_wait3A_1557 : memref<2048xf32, #tpu.memory_space<vmem>>) dst(%dma_wait3A_1555 : memref<2048xf32, #tpu.memory_space<hbm>>)
        %mul3A_1558 = arith.constant 8 : i32
        %mul3A_1559 = arith.muli %select_n3A_1509, %mul3A_1558 : i32
        %add3A_1560 = arith.constant 2 : i32
        %add3A_1561 = arith.addi %mul3A_1559, %add3A_1560 : i32
        %mul3A_1562 = arith.constant 32 : i32
        %mul3A_1563 = arith.muli %add3A_1561, %mul3A_1562 : i32
        %add3A_1564 = arith.addi %mul3A_1563, %mul3A_1527 : i32
        %mul3A_1565 = arith.constant 1024 : i32
        %mul3A_1566 = arith.muli %add3A_1564, %mul3A_1565 : i32
        %dma_wait3A_1567 = arith.constant 4096 : i32
        %dma_wait3A_1568 = tpu.memref_slice %arg10[%dma_wait3A_1567] : memref<16384xf32, #tpu.memory_space<vmem>> -> memref<2048xf32, #tpu.memory_space<vmem>>
        %dma_wait3A_1569 = tpu.memref_slice %arg5[%mul3A_1566] : memref<52428800xf32, #tpu.memory_space<hbm>> -> memref<2048xf32, #tpu.memory_space<hbm>>
        %dma_wait3A_1570 = tpu.memref_slice %arg5[%mul3A_1566] : memref<52428800xf32, #tpu.memory_space<hbm>> -> memref<2048xf32, #tpu.memory_space<hbm>>
        %dma_wait3A_1571 = arith.constant 4096 : i32
        %dma_wait3A_1572 = tpu.memref_slice %arg10[%dma_wait3A_1571] : memref<16384xf32, #tpu.memory_space<vmem>> -> memref<2048xf32, #tpu.memory_space<vmem>>
        tpu.wait_dma2 semaphore(%arg16 : memref<!tpu.dma_semaphore, #tpu.memory_space<semaphore_mem>>) src(%dma_wait3A_1572 : memref<2048xf32, #tpu.memory_space<vmem>>) dst(%dma_wait3A_1570 : memref<2048xf32, #tpu.memory_space<hbm>>)
        %mul3A_1573 = arith.constant 8 : i32
        %mul3A_1574 = arith.muli %select_n3A_1509, %mul3A_1573 : i32
        %add3A_1575 = arith.constant 3 : i32
        %add3A_1576 = arith.addi %mul3A_1574, %add3A_1575 : i32
        %mul3A_1577 = arith.constant 32 : i32
        %mul3A_1578 = arith.muli %add3A_1576, %mul3A_1577 : i32
        %add3A_1579 = arith.addi %mul3A_1578, %mul3A_1527 : i32
        %mul3A_1580 = arith.constant 1024 : i32
        %mul3A_1581 = arith.muli %add3A_1579, %mul3A_1580 : i32
        %dma_wait3A_1582 = arith.constant 6144 : i32
        %dma_wait3A_1583 = tpu.memref_slice %arg10[%dma_wait3A_1582] : memref<16384xf32, #tpu.memory_space<vmem>> -> memref<2048xf32, #tpu.memory_space<vmem>>
        %dma_wait3A_1584 = tpu.memref_slice %arg5[%mul3A_1581] : memref<52428800xf32, #tpu.memory_space<hbm>> -> memref<2048xf32, #tpu.memory_space<hbm>>
        %dma_wait3A_1585 = tpu.memref_slice %arg5[%mul3A_1581] : memref<52428800xf32, #tpu.memory_space<hbm>> -> memref<2048xf32, #tpu.memory_space<hbm>>
        %dma_wait3A_1586 = arith.constant 6144 : i32
        %dma_wait3A_1587 = tpu.memref_slice %arg10[%dma_wait3A_1586] : memref<16384xf32, #tpu.memory_space<vmem>> -> memref<2048xf32, #tpu.memory_space<vmem>>
        tpu.wait_dma2 semaphore(%arg16 : memref<!tpu.dma_semaphore, #tpu.memory_space<semaphore_mem>>) src(%dma_wait3A_1587 : memref<2048xf32, #tpu.memory_space<vmem>>) dst(%dma_wait3A_1585 : memref<2048xf32, #tpu.memory_space<hbm>>)
        %mul3A_1588 = arith.constant 8 : i32
        %mul3A_1589 = arith.muli %select_n3A_1509, %mul3A_1588 : i32
        %add3A_1590 = arith.constant 4 : i32
        %add3A_1591 = arith.addi %mul3A_1589, %add3A_1590 : i32
        %mul3A_1592 = arith.constant 32 : i32
        %mul3A_1593 = arith.muli %add3A_1591, %mul3A_1592 : i32
        %add3A_1594 = arith.addi %mul3A_1593, %mul3A_1527 : i32
        %mul3A_1595 = arith.constant 1024 : i32
        %mul3A_1596 = arith.muli %add3A_1594, %mul3A_1595 : i32
        %dma_wait3A_1597 = arith.constant 8192 : i32
        %dma_wait3A_1598 = tpu.memref_slice %arg10[%dma_wait3A_1597] : memref<16384xf32, #tpu.memory_space<vmem>> -> memref<2048xf32, #tpu.memory_space<vmem>>
        %dma_wait3A_1599 = tpu.memref_slice %arg5[%mul3A_1596] : memref<52428800xf32, #tpu.memory_space<hbm>> -> memref<2048xf32, #tpu.memory_space<hbm>>
        %dma_wait3A_1600 = tpu.memref_slice %arg5[%mul3A_1596] : memref<52428800xf32, #tpu.memory_space<hbm>> -> memref<2048xf32, #tpu.memory_space<hbm>>
        %dma_wait3A_1601 = arith.constant 8192 : i32
        %dma_wait3A_1602 = tpu.memref_slice %arg10[%dma_wait3A_1601] : memref<16384xf32, #tpu.memory_space<vmem>> -> memref<2048xf32, #tpu.memory_space<vmem>>
        tpu.wait_dma2 semaphore(%arg16 : memref<!tpu.dma_semaphore, #tpu.memory_space<semaphore_mem>>) src(%dma_wait3A_1602 : memref<2048xf32, #tpu.memory_space<vmem>>) dst(%dma_wait3A_1600 : memref<2048xf32, #tpu.memory_space<hbm>>)
        %mul3A_1603 = arith.constant 8 : i32
        %mul3A_1604 = arith.muli %select_n3A_1509, %mul3A_1603 : i32
        %add3A_1605 = arith.constant 5 : i32
        %add3A_1606 = arith.addi %mul3A_1604, %add3A_1605 : i32
        %mul3A_1607 = arith.constant 32 : i32
        %mul3A_1608 = arith.muli %add3A_1606, %mul3A_1607 : i32
        %add3A_1609 = arith.addi %mul3A_1608, %mul3A_1527 : i32
        %mul3A_1610 = arith.constant 1024 : i32
        %mul3A_1611 = arith.muli %add3A_1609, %mul3A_1610 : i32
        %dma_wait3A_1612 = arith.constant 10240 : i32
        %dma_wait3A_1613 = tpu.memref_slice %arg10[%dma_wait3A_1612] : memref<16384xf32, #tpu.memory_space<vmem>> -> memref<2048xf32, #tpu.memory_space<vmem>>
        %dma_wait3A_1614 = tpu.memref_slice %arg5[%mul3A_1611] : memref<52428800xf32, #tpu.memory_space<hbm>> -> memref<2048xf32, #tpu.memory_space<hbm>>
        %dma_wait3A_1615 = tpu.memref_slice %arg5[%mul3A_1611] : memref<52428800xf32, #tpu.memory_space<hbm>> -> memref<2048xf32, #tpu.memory_space<hbm>>
        %dma_wait3A_1616 = arith.constant 10240 : i32
        %dma_wait3A_1617 = tpu.memref_slice %arg10[%dma_wait3A_1616] : memref<16384xf32, #tpu.memory_space<vmem>> -> memref<2048xf32, #tpu.memory_space<vmem>>
        tpu.wait_dma2 semaphore(%arg16 : memref<!tpu.dma_semaphore, #tpu.memory_space<semaphore_mem>>) src(%dma_wait3A_1617 : memref<2048xf32, #tpu.memory_space<vmem>>) dst(%dma_wait3A_1615 : memref<2048xf32, #tpu.memory_space<hbm>>)
        %mul3A_1618 = arith.constant 8 : i32
        %mul3A_1619 = arith.muli %select_n3A_1509, %mul3A_1618 : i32
        %add3A_1620 = arith.constant 6 : i32
        %add3A_1621 = arith.addi %mul3A_1619, %add3A_1620 : i32
        %mul3A_1622 = arith.constant 32 : i32
        %mul3A_1623 = arith.muli %add3A_1621, %mul3A_1622 : i32
        %add3A_1624 = arith.addi %mul3A_1623, %mul3A_1527 : i32
        %mul3A_1625 = arith.constant 1024 : i32
        %mul3A_1626 = arith.muli %add3A_1624, %mul3A_1625 : i32
        %dma_wait3A_1627 = arith.constant 12288 : i32
        %dma_wait3A_1628 = tpu.memref_slice %arg10[%dma_wait3A_1627] : memref<16384xf32, #tpu.memory_space<vmem>> -> memref<2048xf32, #tpu.memory_space<vmem>>
        %dma_wait3A_1629 = tpu.memref_slice %arg5[%mul3A_1626] : memref<52428800xf32, #tpu.memory_space<hbm>> -> memref<2048xf32, #tpu.memory_space<hbm>>
        %dma_wait3A_1630 = tpu.memref_slice %arg5[%mul3A_1626] : memref<52428800xf32, #tpu.memory_space<hbm>> -> memref<2048xf32, #tpu.memory_space<hbm>>
        %dma_wait3A_1631 = arith.constant 12288 : i32
        %dma_wait3A_1632 = tpu.memref_slice %arg10[%dma_wait3A_1631] : memref<16384xf32, #tpu.memory_space<vmem>> -> memref<2048xf32, #tpu.memory_space<vmem>>
        tpu.wait_dma2 semaphore(%arg16 : memref<!tpu.dma_semaphore, #tpu.memory_space<semaphore_mem>>) src(%dma_wait3A_1632 : memref<2048xf32, #tpu.memory_space<vmem>>) dst(%dma_wait3A_1630 : memref<2048xf32, #tpu.memory_space<hbm>>)
        %mul3A_1633 = arith.constant 8 : i32
        %mul3A_1634 = arith.muli %select_n3A_1509, %mul3A_1633 : i32
        %add3A_1635 = arith.constant 7 : i32
        %add3A_1636 = arith.addi %mul3A_1634, %add3A_1635 : i32
        %mul3A_1637 = arith.constant 32 : i32
        %mul3A_1638 = arith.muli %add3A_1636, %mul3A_1637 : i32
        %add3A_1639 = arith.addi %mul3A_1638, %mul3A_1527 : i32
        %mul3A_1640 = arith.constant 1024 : i32
        %mul3A_1641 = arith.muli %add3A_1639, %mul3A_1640 : i32
        %dma_wait3A_1642 = arith.constant 14336 : i32
        %dma_wait3A_1643 = tpu.memref_slice %arg10[%dma_wait3A_1642] : memref<16384xf32, #tpu.memory_space<vmem>> -> memref<2048xf32, #tpu.memory_space<vmem>>
        %dma_wait3A_1644 = tpu.memref_slice %arg5[%mul3A_1641] : memref<52428800xf32, #tpu.memory_space<hbm>> -> memref<2048xf32, #tpu.memory_space<hbm>>
        %dma_wait3A_1645 = tpu.memref_slice %arg5[%mul3A_1641] : memref<52428800xf32, #tpu.memory_space<hbm>> -> memref<2048xf32, #tpu.memory_space<hbm>>
        %dma_wait3A_1646 = arith.constant 14336 : i32
        %dma_wait3A_1647 = tpu.memref_slice %arg10[%dma_wait3A_1646] : memref<16384xf32, #tpu.memory_space<vmem>> -> memref<2048xf32, #tpu.memory_space<vmem>>
        tpu.wait_dma2 semaphore(%arg16 : memref<!tpu.dma_semaphore, #tpu.memory_space<semaphore_mem>>) src(%dma_wait3A_1647 : memref<2048xf32, #tpu.memory_space<vmem>>) dst(%dma_wait3A_1645 : memref<2048xf32, #tpu.memory_space<hbm>>)
      } else {
      }
      %dma_wait3A_947 = arith.constant 0 : i32
      %dma_wait3A_948 = arith.constant 0 : i32
      %dma_wait3A_949 = tpu.memref_slice %arg3[%dma_wait3A_947, %dma_wait3A_948] : memref<100000x64xf32, #tpu.memory_space<hbm>> -> memref<100000x64xf32, #tpu.memory_space<hbm>>
      tpu.wait_indirect_dma semaphore(%arg14 : memref<!tpu.dma_semaphore, #tpu.memory_space<semaphore_mem>>) src(%dma_wait3A_949 : memref<100000x64xf32, #tpu.memory_space<hbm>>) dst(%arg8 : memref<256x64xf32, #tpu.memory_space<vmem>>)
      %lt3A_950 = arith.constant 49 : i32
      %lt3A_951 = arith.cmpi slt, %scan3A_939, %lt3A_950 : i32
      %convert_element_type3A_952 = arith.extui %lt3A_951 : i1 to i32
      %cond3A_953 = arith.constant 0 : i32
      %cond3A_954 = arith.cmpi ne, %convert_element_type3A_952, %cond3A_953 : i32
      scf.if %cond3A_954 {
        %add3A_1484 = arith.constant 2 : i32
        %add3A_1485 = arith.addi %add3A_944, %add3A_1484 : i32
        %jit3A_1486 = arith.constant 16 : i32
        %div3A_1487 = arith.divsi %add3A_1485, %jit3A_1486 : i32
        %sign3A_1488 = arith.constant 0 : i32
        %sign3A_1489 = arith.cmpi sgt, %add3A_1485, %sign3A_1488 : i32
        %sign3A_1490 = arith.extui %sign3A_1489 : i1 to i32
        %sign3A_1491 = arith.constant 0 : i32
        %sign3A_1492 = arith.cmpi slt, %add3A_1485, %sign3A_1491 : i32
        %sign3A_1493 = arith.extui %sign3A_1492 : i1 to i32
        %sign3A_1494 = arith.subi %sign3A_1490, %sign3A_1493 : i32
        %sign3A_1495 = arith.constant 0 : i32
        %sign3A_1496 = arith.cmpi sgt, %jit3A_1486, %sign3A_1495 : i32
        %sign3A_1497 = arith.extui %sign3A_1496 : i1 to i32
        %sign3A_1498 = arith.constant 0 : i32
        %sign3A_1499 = arith.cmpi slt, %jit3A_1486, %sign3A_1498 : i32
        %sign3A_1500 = arith.extui %sign3A_1499 : i1 to i32
        %sign3A_1501 = arith.subi %sign3A_1497, %sign3A_1500 : i32
        %ne3A_1502 = arith.cmpi ne, %sign3A_1494, %sign3A_1501 : i32
        %rem3A_1503 = arith.remsi %add3A_1485, %jit3A_1486 : i32
        %ne3A_1504 = arith.constant 0 : i32
        %ne3A_1505 = arith.cmpi ne, %rem3A_1503, %ne3A_1504 : i32
        %and3A_1506 = arith.andi %ne3A_1502, %ne3A_1505 : i1
        %sub3A_1507 = arith.constant 1 : i32
        %sub3A_1508 = arith.subi %div3A_1487, %sub3A_1507 : i32
        %select_n3A_1509 = arith.select %and3A_1506, %sub3A_1508, %div3A_1487 : i32
        %jit3A_1510 = arith.constant 16 : i32
        %eq3A_1511 = arith.constant 0 : i32
        %eq3A_1512 = arith.cmpi eq, %jit3A_1510, %eq3A_1511 : i32
        %jit3A_1513 = arith.constant 1 : i32
        %select_n3A_1514 = arith.select %eq3A_1512, %jit3A_1513, %jit3A_1510 : i32
        %rem3A_1515 = arith.remsi %add3A_1485, %select_n3A_1514 : i32
        %ne3A_1516 = arith.constant 0 : i32
        %ne3A_1517 = arith.cmpi ne, %rem3A_1515, %ne3A_1516 : i32
        %lt3A_1518 = arith.constant 0 : i32
        %lt3A_1519 = arith.cmpi slt, %rem3A_1515, %lt3A_1518 : i32
        %lt3A_1520 = arith.constant 0 : i32
        %lt3A_1521 = arith.cmpi slt, %select_n3A_1514, %lt3A_1520 : i32
        %ne3A_1522 = arith.xori %lt3A_1519, %lt3A_1521 : i1
        %and3A_1523 = arith.andi %ne3A_1522, %ne3A_1517 : i1
        %add3A_1524 = arith.addi %rem3A_1515, %select_n3A_1514 : i32
        %select_n3A_1525 = arith.select %and3A_1523, %add3A_1524, %rem3A_1515 : i32
        %mul3A_1526 = arith.constant 2 : i32
        %mul3A_1527 = arith.muli %select_n3A_1525, %mul3A_1526 : i32
        %shift_right_arithmetic3A_1528 = arith.constant 3 : i32
        %shift_right_arithmetic3A_1529 = arith.shrsi %select_n3A_1509, %shift_right_arithmetic3A_1528 : i32
        %mul3A_1530 = arith.constant 32 : i32
        %mul3A_1531 = arith.muli %shift_right_arithmetic3A_1529, %mul3A_1530 : i32
        %add3A_1532 = arith.addi %mul3A_1531, %mul3A_1527 : i32
        %add3A_1533 = arith.constant 0 : i32
        %add3A_1534 = arith.addi %add3A_1532, %add3A_1533 : i32
        %mul3A_1535 = arith.constant 1024 : i32
        %mul3A_1536 = arith.muli %add3A_1534, %mul3A_1535 : i32
        %and3A_1537 = arith.constant 7 : i32
        %and3A_1538 = arith.andi %select_n3A_1509, %and3A_1537 : i32
        %mul3A_1539 = arith.constant 128 : i32
        %mul3A_1540 = arith.muli %and3A_1538, %mul3A_1539 : i32
        %add3A_1541 = arith.addi %mul3A_1536, %mul3A_1540 : i32
        %dma_start3A_1542 = arith.constant 0 : i32
        %dma_start3A_1543 = tpu.memref_slice %arg6[%dma_start3A_1542] : memref<256xi32, #tpu.memory_space<vmem>> -> memref<128xi32, #tpu.memory_space<vmem>>
        %dma_start3A_1544 = tpu.memref_slice %arg2[%add3A_1541] : memref<819200xi32, #tpu.memory_space<hbm>> -> memref<128xi32, #tpu.memory_space<hbm>>
        %dma_start3A_1545 = arith.constant 0 : i32
        %dma_start3A_1546 = tpu.memref_slice %arg6[%dma_start3A_1545] : memref<256xi32, #tpu.memory_space<vmem>> -> memref<128xi32, #tpu.memory_space<vmem>>
        %dma_start3A_1547 = tpu.memref_slice %arg2[%add3A_1541] : memref<819200xi32, #tpu.memory_space<hbm>> -> memref<128xi32, #tpu.memory_space<hbm>>
        tpu.enqueue_dma source(%dma_start3A_1547 : memref<128xi32, #tpu.memory_space<hbm>>) target(%dma_start3A_1546 : memref<128xi32, #tpu.memory_space<vmem>>) target_semaphore(%arg18 : memref<!tpu.dma_semaphore, #tpu.memory_space<semaphore_mem>>)
        %shift_right_arithmetic3A_1548 = arith.constant 3 : i32
        %shift_right_arithmetic3A_1549 = arith.shrsi %select_n3A_1509, %shift_right_arithmetic3A_1548 : i32
        %mul3A_1550 = arith.constant 32 : i32
        %mul3A_1551 = arith.muli %shift_right_arithmetic3A_1549, %mul3A_1550 : i32
        %add3A_1552 = arith.addi %mul3A_1551, %mul3A_1527 : i32
        %add3A_1553 = arith.constant 1 : i32
        %add3A_1554 = arith.addi %add3A_1552, %add3A_1553 : i32
        %mul3A_1555 = arith.constant 1024 : i32
        %mul3A_1556 = arith.muli %add3A_1554, %mul3A_1555 : i32
        %and3A_1557 = arith.constant 7 : i32
        %and3A_1558 = arith.andi %select_n3A_1509, %and3A_1557 : i32
        %mul3A_1559 = arith.constant 128 : i32
        %mul3A_1560 = arith.muli %and3A_1558, %mul3A_1559 : i32
        %add3A_1561 = arith.addi %mul3A_1556, %mul3A_1560 : i32
        %dma_start3A_1562 = arith.constant 128 : i32
        %dma_start3A_1563 = tpu.memref_slice %arg6[%dma_start3A_1562] : memref<256xi32, #tpu.memory_space<vmem>> -> memref<128xi32, #tpu.memory_space<vmem>>
        %dma_start3A_1564 = tpu.memref_slice %arg2[%add3A_1561] : memref<819200xi32, #tpu.memory_space<hbm>> -> memref<128xi32, #tpu.memory_space<hbm>>
        %dma_start3A_1565 = arith.constant 128 : i32
        %dma_start3A_1566 = tpu.memref_slice %arg6[%dma_start3A_1565] : memref<256xi32, #tpu.memory_space<vmem>> -> memref<128xi32, #tpu.memory_space<vmem>>
        %dma_start3A_1567 = tpu.memref_slice %arg2[%add3A_1561] : memref<819200xi32, #tpu.memory_space<hbm>> -> memref<128xi32, #tpu.memory_space<hbm>>
        tpu.enqueue_dma source(%dma_start3A_1567 : memref<128xi32, #tpu.memory_space<hbm>>) target(%dma_start3A_1566 : memref<128xi32, #tpu.memory_space<vmem>>) target_semaphore(%arg18 : memref<!tpu.dma_semaphore, #tpu.memory_space<semaphore_mem>>)
      } else {
      }
      %jit3A_955 = arith.constant 16 : i32
      %div3A_956 = arith.divsi %add3A_944, %jit3A_955 : i32
      %sign3A_957 = arith.constant 0 : i32
      %sign3A_958 = arith.cmpi sgt, %add3A_944, %sign3A_957 : i32
      %sign3A_959 = arith.extui %sign3A_958 : i1 to i32
      %sign3A_960 = arith.constant 0 : i32
      %sign3A_961 = arith.cmpi slt, %add3A_944, %sign3A_960 : i32
      %sign3A_962 = arith.extui %sign3A_961 : i1 to i32
      %sign3A_963 = arith.subi %sign3A_959, %sign3A_962 : i32
      %sign3A_964 = arith.constant 0 : i32
      %sign3A_965 = arith.cmpi sgt, %jit3A_955, %sign3A_964 : i32
      %sign3A_966 = arith.extui %sign3A_965 : i1 to i32
      %sign3A_967 = arith.constant 0 : i32
      %sign3A_968 = arith.cmpi slt, %jit3A_955, %sign3A_967 : i32
      %sign3A_969 = arith.extui %sign3A_968 : i1 to i32
      %sign3A_970 = arith.subi %sign3A_966, %sign3A_969 : i32
      %ne3A_971 = arith.cmpi ne, %sign3A_963, %sign3A_970 : i32
      %rem3A_972 = arith.remsi %add3A_944, %jit3A_955 : i32
      %ne3A_973 = arith.constant 0 : i32
      %ne3A_974 = arith.cmpi ne, %rem3A_972, %ne3A_973 : i32
      %and3A_975 = arith.andi %ne3A_971, %ne3A_974 : i1
      %sub3A_976 = arith.constant 1 : i32
      %sub3A_977 = arith.subi %div3A_956, %sub3A_976 : i32
      %select_n3A_978 = arith.select %and3A_975, %sub3A_977, %div3A_956 : i32
      %get3A = arith.constant 0 : i32
      %get3A_979 = arith.index_cast %get3A : i32 to index
      %get3A_980 = arith.constant 0 : index
      %get3A_981 = tpu.vector_load %arg13[%get3A_979, %get3A_980] {strides = array<i32>} : memref<24x16xi32, #tpu.memory_space<vmem>>, vector<16xi32>,
      %get3A_982 = arith.constant 1 : i32
      %get3A_983 = arith.index_cast %get3A_982 : i32 to index
      %get3A_984 = arith.constant 0 : index
      %get3A_985 = tpu.vector_load %arg13[%get3A_983, %get3A_984] {strides = array<i32>} : memref<24x16xi32, #tpu.memory_space<vmem>>, vector<16xi32>,
      %get3A_986 = arith.constant 2 : i32
      %get3A_987 = arith.index_cast %get3A_986 : i32 to index
      %get3A_988 = arith.constant 0 : index
      %get3A_989 = tpu.vector_load %arg13[%get3A_987, %get3A_988] {strides = array<i32>} : memref<24x16xi32, #tpu.memory_space<vmem>>, vector<16xi32>,
      %get3A_990 = arith.constant 3 : i32
      %get3A_991 = arith.index_cast %get3A_990 : i32 to index
      %get3A_992 = arith.constant 0 : index
      %get3A_993 = tpu.vector_load %arg13[%get3A_991, %get3A_992] {strides = array<i32>} : memref<24x16xi32, #tpu.memory_space<vmem>>, vector<16xi32>,
      %get3A_994 = arith.constant 4 : i32
      %get3A_995 = arith.index_cast %get3A_994 : i32 to index
      %get3A_996 = arith.constant 0 : index
      %get3A_997 = tpu.vector_load %arg13[%get3A_995, %get3A_996] {strides = array<i32>} : memref<24x16xi32, #tpu.memory_space<vmem>>, vector<16xi32>,
      %get3A_998 = arith.constant 5 : i32
      %get3A_999 = arith.index_cast %get3A_998 : i32 to index
      %get3A_1000 = arith.constant 0 : index
      %get3A_1001 = tpu.vector_load %arg13[%get3A_999, %get3A_1000] {strides = array<i32>} : memref<24x16xi32, #tpu.memory_space<vmem>>, vector<16xi32>,
      %get3A_1002 = arith.constant 6 : i32
      %get3A_1003 = arith.index_cast %get3A_1002 : i32 to index
      %get3A_1004 = arith.constant 0 : index
      %get3A_1005 = tpu.vector_load %arg13[%get3A_1003, %get3A_1004] {strides = array<i32>} : memref<24x16xi32, #tpu.memory_space<vmem>>, vector<16xi32>,
      %get3A_1006 = arith.constant 7 : i32
      %get3A_1007 = arith.index_cast %get3A_1006 : i32 to index
      %get3A_1008 = arith.constant 0 : index
      %get3A_1009 = tpu.vector_load %arg13[%get3A_1007, %get3A_1008] {strides = array<i32>} : memref<24x16xi32, #tpu.memory_space<vmem>>, vector<16xi32>,
      %get3A_1010 = arith.constant 8 : i32
      %get3A_1011 = arith.index_cast %get3A_1010 : i32 to index
      %get3A_1012 = arith.constant 0 : index
      %get3A_1013 = tpu.vector_load %arg13[%get3A_1011, %get3A_1012] {strides = array<i32>} : memref<24x16xi32, #tpu.memory_space<vmem>>, vector<16xi32>,
      %get3A_1014 = arith.constant 9 : i32
      %get3A_1015 = arith.index_cast %get3A_1014 : i32 to index
      %get3A_1016 = arith.constant 0 : index
      %get3A_1017 = tpu.vector_load %arg13[%get3A_1015, %get3A_1016] {strides = array<i32>} : memref<24x16xi32, #tpu.memory_space<vmem>>, vector<16xi32>,
      %get3A_1018 = arith.constant 10 : i32
      %get3A_1019 = arith.index_cast %get3A_1018 : i32 to index
      %get3A_1020 = arith.constant 0 : index
      %get3A_1021 = tpu.vector_load %arg13[%get3A_1019, %get3A_1020] {strides = array<i32>} : memref<24x16xi32, #tpu.memory_space<vmem>>, vector<16xi32>,
      %get3A_1022 = arith.constant 11 : i32
      %get3A_1023 = arith.index_cast %get3A_1022 : i32 to index
      %get3A_1024 = arith.constant 0 : index
      %get3A_1025 = tpu.vector_load %arg13[%get3A_1023, %get3A_1024] {strides = array<i32>} : memref<24x16xi32, #tpu.memory_space<vmem>>, vector<16xi32>,
      %get3A_1026 = arith.constant 12 : i32
      %get3A_1027 = arith.index_cast %get3A_1026 : i32 to index
      %get3A_1028 = arith.constant 0 : index
      %get3A_1029 = tpu.vector_load %arg13[%get3A_1027, %get3A_1028] {strides = array<i32>} : memref<24x16xi32, #tpu.memory_space<vmem>>, vector<16xi32>,
      %get3A_1030 = arith.constant 13 : i32
      %get3A_1031 = arith.index_cast %get3A_1030 : i32 to index
      %get3A_1032 = arith.constant 0 : index
      %get3A_1033 = tpu.vector_load %arg13[%get3A_1031, %get3A_1032] {strides = array<i32>} : memref<24x16xi32, #tpu.memory_space<vmem>>, vector<16xi32>,
      %get3A_1034 = arith.constant 14 : i32
      %get3A_1035 = arith.index_cast %get3A_1034 : i32 to index
      %get3A_1036 = arith.constant 0 : index
      %get3A_1037 = tpu.vector_load %arg13[%get3A_1035, %get3A_1036] {strides = array<i32>} : memref<24x16xi32, #tpu.memory_space<vmem>>, vector<16xi32>,
      %get3A_1038 = arith.constant 15 : i32
      %get3A_1039 = arith.index_cast %get3A_1038 : i32 to index
      %get3A_1040 = arith.constant 0 : index
      %get3A_1041 = tpu.vector_load %arg13[%get3A_1039, %get3A_1040] {strides = array<i32>} : memref<24x16xi32, #tpu.memory_space<vmem>>, vector<16xi32>,
      %parallel_loop3A = arith.constant 0 : i32
      %parallel_loop3A_1042 = arith.constant 64 : i32
      %parallel_loop3A_1043 = arith.constant 1 : i32
      scf.for %parallel_loop3A_1484 = %parallel_loop3A to %parallel_loop3A_1042 step %parallel_loop3A_1043  : i32 {
        %parallel_loop3A_1485 = arith.constant 3 : i32
        %parallel_loop3A_1486 = arith.shrsi %parallel_loop3A_1484, %parallel_loop3A_1485 : i32
        %parallel_loop3A_1487 = arith.constant 2 : i32
        %parallel_loop3A_1488 = arith.shrsi %parallel_loop3A_1484, %parallel_loop3A_1487 : i32
        %parallel_loop3A_1489 = arith.constant 1 : i32
        %parallel_loop3A_1490 = arith.andi %parallel_loop3A_1488, %parallel_loop3A_1489 : i32
        %parallel_loop3A_1491 = arith.constant 3 : i32
        %parallel_loop3A_1492 = arith.andi %parallel_loop3A_1484, %parallel_loop3A_1491 : i32
        %parallel_loop3A_1493 = arith.constant 128 : i32
        %parallel_loop3A_1494 = arith.muli %parallel_loop3A_1490, %parallel_loop3A_1493 : i32
        %parallel_loop3A_1495 = arith.constant 16 : i32
        %parallel_loop3A_1496 = arith.muli %parallel_loop3A_1486, %parallel_loop3A_1495 : i32
        %parallel_loop3A_1497 = arith.addi %parallel_loop3A_1494, %parallel_loop3A_1496 : i32
        %parallel_loop3A_1498 = arith.constant 1024 : i32
        %parallel_loop3A_1499 = arith.muli %parallel_loop3A_1490, %parallel_loop3A_1498 : i32
        %parallel_loop3A_1500 = arith.constant 16 : i32
        %parallel_loop3A_1501 = arith.muli %parallel_loop3A_1486, %parallel_loop3A_1500 : i32
        %parallel_loop3A_1502 = arith.addi %parallel_loop3A_1499, %parallel_loop3A_1501 : i32
        %parallel_loop3A_1503 = arith.constant 16 : i32
        %parallel_loop3A_1504 = arith.muli %parallel_loop3A_1492, %parallel_loop3A_1503 : i32
        %parallel_loop3A_1505 = arith.index_cast %select_n3A_978 : i32 to index
        %parallel_loop3A_1506 = arith.index_cast %parallel_loop3A_1504 : i32 to index
        %parallel_loop3A_1507 = tpu.vector_load %arg12[%parallel_loop3A_1505, %parallel_loop3A_1506] {strides = array<i32>} : memref<200x64xf32, #tpu.memory_space<vmem>>, vector<16xf32>,
        %parallel_loop3A_1508 = arith.constant 20 : i32
        %parallel_loop3A_1509 = arith.addi %parallel_loop3A_1508, %parallel_loop3A_1492 : i32
        %parallel_loop3A_1510 = arith.index_cast %parallel_loop3A_1509 : i32 to index
        %parallel_loop3A_1511 = arith.constant 0 : index
        %parallel_loop3A_1512 = tpu.vector_load %arg13[%parallel_loop3A_1510, %parallel_loop3A_1511] {strides = array<i32>} : memref<24x16xi32, #tpu.memory_space<vmem>>, vector<16xi32>,
        %parallel_loop3A_1513 = arith.constant 16 : i32
        %parallel_loop3A_1514 = arith.addi %parallel_loop3A_1513, %parallel_loop3A_1492 : i32
        %parallel_loop3A_1515 = arith.index_cast %parallel_loop3A_1514 : i32 to index
        %parallel_loop3A_1516 = arith.constant 0 : index
        %parallel_loop3A_1517 = tpu.vector_load %arg13[%parallel_loop3A_1515, %parallel_loop3A_1516] {strides = array<i32>} : memref<24x16xi32, #tpu.memory_space<vmem>>, vector<16xi32>,
        %parallel_loop3A_1518 = vector.broadcast %parallel_loop3A_1502 : i32 to vector<16xi32>
        %parallel_loop3A_1519 = arith.addi %parallel_loop3A_1517, %parallel_loop3A_1518 : vector<16xi32>
        %parallel_loop3A_1520 = vector.broadcast %parallel_loop3A_1497 : i32 to vector<16xi32>
        %parallel_loop3A_1521 = arith.addi %get3A_981, %parallel_loop3A_1520 : vector<16xi32>
        %parallel_loop3A_1522 = tpu.vector_load_idx %arg8[%parallel_loop3A_1521, %parallel_loop3A_1512] : memref<256x64xf32, #tpu.memory_space<vmem>>[vector<16xi32>, vector<16xi32>], vector<16xf32>,
        %parallel_loop3A_1523 = arith.addi %parallel_loop3A_1519, %get3A_981 : vector<16xi32>
        %parallel_loop3A_1524 = arith.addf %parallel_loop3A_1522, %parallel_loop3A_1507 : vector<16xf32>
        tpu.vector_store_idx %arg10[%parallel_loop3A_1523], %parallel_loop3A_1524 : memref<16384xf32, #tpu.memory_space<vmem>>[vector<16xi32>], vector<16xf32>,
        %parallel_loop3A_1525 = vector.broadcast %parallel_loop3A_1497 : i32 to vector<16xi32>
        %parallel_loop3A_1526 = arith.addi %get3A_985, %parallel_loop3A_1525 : vector<16xi32>
        %parallel_loop3A_1527 = tpu.vector_load_idx %arg8[%parallel_loop3A_1526, %parallel_loop3A_1512] : memref<256x64xf32, #tpu.memory_space<vmem>>[vector<16xi32>, vector<16xi32>], vector<16xf32>,
        %parallel_loop3A_1528 = arith.addi %parallel_loop3A_1519, %get3A_985 : vector<16xi32>
        %parallel_loop3A_1529 = arith.addf %parallel_loop3A_1527, %parallel_loop3A_1507 : vector<16xf32>
        tpu.vector_store_idx %arg10[%parallel_loop3A_1528], %parallel_loop3A_1529 : memref<16384xf32, #tpu.memory_space<vmem>>[vector<16xi32>], vector<16xf32>,
        %parallel_loop3A_1530 = vector.broadcast %parallel_loop3A_1497 : i32 to vector<16xi32>
        %parallel_loop3A_1531 = arith.addi %get3A_989, %parallel_loop3A_1530 : vector<16xi32>
        %parallel_loop3A_1532 = tpu.vector_load_idx %arg8[%parallel_loop3A_1531, %parallel_loop3A_1512] : memref<256x64xf32, #tpu.memory_space<vmem>>[vector<16xi32>, vector<16xi32>], vector<16xf32>,
        %parallel_loop3A_1533 = arith.addi %parallel_loop3A_1519, %get3A_989 : vector<16xi32>
        %parallel_loop3A_1534 = arith.addf %parallel_loop3A_1532, %parallel_loop3A_1507 : vector<16xf32>
        tpu.vector_store_idx %arg10[%parallel_loop3A_1533], %parallel_loop3A_1534 : memref<16384xf32, #tpu.memory_space<vmem>>[vector<16xi32>], vector<16xf32>,
        %parallel_loop3A_1535 = vector.broadcast %parallel_loop3A_1497 : i32 to vector<16xi32>
        %parallel_loop3A_1536 = arith.addi %get3A_993, %parallel_loop3A_1535 : vector<16xi32>
        %parallel_loop3A_1537 = tpu.vector_load_idx %arg8[%parallel_loop3A_1536, %parallel_loop3A_1512] : memref<256x64xf32, #tpu.memory_space<vmem>>[vector<16xi32>, vector<16xi32>], vector<16xf32>,
        %parallel_loop3A_1538 = arith.addi %parallel_loop3A_1519, %get3A_993 : vector<16xi32>
        %parallel_loop3A_1539 = arith.addf %parallel_loop3A_1537, %parallel_loop3A_1507 : vector<16xf32>
        tpu.vector_store_idx %arg10[%parallel_loop3A_1538], %parallel_loop3A_1539 : memref<16384xf32, #tpu.memory_space<vmem>>[vector<16xi32>], vector<16xf32>,
        %parallel_loop3A_1540 = vector.broadcast %parallel_loop3A_1497 : i32 to vector<16xi32>
        %parallel_loop3A_1541 = arith.addi %get3A_997, %parallel_loop3A_1540 : vector<16xi32>
        %parallel_loop3A_1542 = tpu.vector_load_idx %arg8[%parallel_loop3A_1541, %parallel_loop3A_1512] : memref<256x64xf32, #tpu.memory_space<vmem>>[vector<16xi32>, vector<16xi32>], vector<16xf32>,
        %parallel_loop3A_1543 = arith.addi %parallel_loop3A_1519, %get3A_997 : vector<16xi32>
        %parallel_loop3A_1544 = arith.addf %parallel_loop3A_1542, %parallel_loop3A_1507 : vector<16xf32>
        tpu.vector_store_idx %arg10[%parallel_loop3A_1543], %parallel_loop3A_1544 : memref<16384xf32, #tpu.memory_space<vmem>>[vector<16xi32>], vector<16xf32>,
        %parallel_loop3A_1545 = vector.broadcast %parallel_loop3A_1497 : i32 to vector<16xi32>
        %parallel_loop3A_1546 = arith.addi %get3A_1001, %parallel_loop3A_1545 : vector<16xi32>
        %parallel_loop3A_1547 = tpu.vector_load_idx %arg8[%parallel_loop3A_1546, %parallel_loop3A_1512] : memref<256x64xf32, #tpu.memory_space<vmem>>[vector<16xi32>, vector<16xi32>], vector<16xf32>,
        %parallel_loop3A_1548 = arith.addi %parallel_loop3A_1519, %get3A_1001 : vector<16xi32>
        %parallel_loop3A_1549 = arith.addf %parallel_loop3A_1547, %parallel_loop3A_1507 : vector<16xf32>
        tpu.vector_store_idx %arg10[%parallel_loop3A_1548], %parallel_loop3A_1549 : memref<16384xf32, #tpu.memory_space<vmem>>[vector<16xi32>], vector<16xf32>,
        %parallel_loop3A_1550 = vector.broadcast %parallel_loop3A_1497 : i32 to vector<16xi32>
        %parallel_loop3A_1551 = arith.addi %get3A_1005, %parallel_loop3A_1550 : vector<16xi32>
        %parallel_loop3A_1552 = tpu.vector_load_idx %arg8[%parallel_loop3A_1551, %parallel_loop3A_1512] : memref<256x64xf32, #tpu.memory_space<vmem>>[vector<16xi32>, vector<16xi32>], vector<16xf32>,
        %parallel_loop3A_1553 = arith.addi %parallel_loop3A_1519, %get3A_1005 : vector<16xi32>
        %parallel_loop3A_1554 = arith.addf %parallel_loop3A_1552, %parallel_loop3A_1507 : vector<16xf32>
        tpu.vector_store_idx %arg10[%parallel_loop3A_1553], %parallel_loop3A_1554 : memref<16384xf32, #tpu.memory_space<vmem>>[vector<16xi32>], vector<16xf32>,
        %parallel_loop3A_1555 = vector.broadcast %parallel_loop3A_1497 : i32 to vector<16xi32>
        %parallel_loop3A_1556 = arith.addi %get3A_1009, %parallel_loop3A_1555 : vector<16xi32>
        %parallel_loop3A_1557 = tpu.vector_load_idx %arg8[%parallel_loop3A_1556, %parallel_loop3A_1512] : memref<256x64xf32, #tpu.memory_space<vmem>>[vector<16xi32>, vector<16xi32>], vector<16xf32>,
        %parallel_loop3A_1558 = arith.addi %parallel_loop3A_1519, %get3A_1009 : vector<16xi32>
        %parallel_loop3A_1559 = arith.addf %parallel_loop3A_1557, %parallel_loop3A_1507 : vector<16xf32>
        tpu.vector_store_idx %arg10[%parallel_loop3A_1558], %parallel_loop3A_1559 : memref<16384xf32, #tpu.memory_space<vmem>>[vector<16xi32>], vector<16xf32>,
        %parallel_loop3A_1560 = vector.broadcast %parallel_loop3A_1497 : i32 to vector<16xi32>
        %parallel_loop3A_1561 = arith.addi %get3A_1013, %parallel_loop3A_1560 : vector<16xi32>
        %parallel_loop3A_1562 = tpu.vector_load_idx %arg8[%parallel_loop3A_1561, %parallel_loop3A_1512] : memref<256x64xf32, #tpu.memory_space<vmem>>[vector<16xi32>, vector<16xi32>], vector<16xf32>,
        %parallel_loop3A_1563 = arith.addi %parallel_loop3A_1519, %get3A_1013 : vector<16xi32>
        %parallel_loop3A_1564 = arith.addf %parallel_loop3A_1562, %parallel_loop3A_1507 : vector<16xf32>
        tpu.vector_store_idx %arg10[%parallel_loop3A_1563], %parallel_loop3A_1564 : memref<16384xf32, #tpu.memory_space<vmem>>[vector<16xi32>], vector<16xf32>,
        %parallel_loop3A_1565 = vector.broadcast %parallel_loop3A_1497 : i32 to vector<16xi32>
        %parallel_loop3A_1566 = arith.addi %get3A_1017, %parallel_loop3A_1565 : vector<16xi32>
        %parallel_loop3A_1567 = tpu.vector_load_idx %arg8[%parallel_loop3A_1566, %parallel_loop3A_1512] : memref<256x64xf32, #tpu.memory_space<vmem>>[vector<16xi32>, vector<16xi32>], vector<16xf32>,
        %parallel_loop3A_1568 = arith.addi %parallel_loop3A_1519, %get3A_1017 : vector<16xi32>
        %parallel_loop3A_1569 = arith.addf %parallel_loop3A_1567, %parallel_loop3A_1507 : vector<16xf32>
        tpu.vector_store_idx %arg10[%parallel_loop3A_1568], %parallel_loop3A_1569 : memref<16384xf32, #tpu.memory_space<vmem>>[vector<16xi32>], vector<16xf32>,
        %parallel_loop3A_1570 = vector.broadcast %parallel_loop3A_1497 : i32 to vector<16xi32>
        %parallel_loop3A_1571 = arith.addi %get3A_1021, %parallel_loop3A_1570 : vector<16xi32>
        %parallel_loop3A_1572 = tpu.vector_load_idx %arg8[%parallel_loop3A_1571, %parallel_loop3A_1512] : memref<256x64xf32, #tpu.memory_space<vmem>>[vector<16xi32>, vector<16xi32>], vector<16xf32>,
        %parallel_loop3A_1573 = arith.addi %parallel_loop3A_1519, %get3A_1021 : vector<16xi32>
        %parallel_loop3A_1574 = arith.addf %parallel_loop3A_1572, %parallel_loop3A_1507 : vector<16xf32>
        tpu.vector_store_idx %arg10[%parallel_loop3A_1573], %parallel_loop3A_1574 : memref<16384xf32, #tpu.memory_space<vmem>>[vector<16xi32>], vector<16xf32>,
        %parallel_loop3A_1575 = vector.broadcast %parallel_loop3A_1497 : i32 to vector<16xi32>
        %parallel_loop3A_1576 = arith.addi %get3A_1025, %parallel_loop3A_1575 : vector<16xi32>
        %parallel_loop3A_1577 = tpu.vector_load_idx %arg8[%parallel_loop3A_1576, %parallel_loop3A_1512] : memref<256x64xf32, #tpu.memory_space<vmem>>[vector<16xi32>, vector<16xi32>], vector<16xf32>,
        %parallel_loop3A_1578 = arith.addi %parallel_loop3A_1519, %get3A_1025 : vector<16xi32>
        %parallel_loop3A_1579 = arith.addf %parallel_loop3A_1577, %parallel_loop3A_1507 : vector<16xf32>
        tpu.vector_store_idx %arg10[%parallel_loop3A_1578], %parallel_loop3A_1579 : memref<16384xf32, #tpu.memory_space<vmem>>[vector<16xi32>], vector<16xf32>,
        %parallel_loop3A_1580 = vector.broadcast %parallel_loop3A_1497 : i32 to vector<16xi32>
        %parallel_loop3A_1581 = arith.addi %get3A_1029, %parallel_loop3A_1580 : vector<16xi32>
        %parallel_loop3A_1582 = tpu.vector_load_idx %arg8[%parallel_loop3A_1581, %parallel_loop3A_1512] : memref<256x64xf32, #tpu.memory_space<vmem>>[vector<16xi32>, vector<16xi32>], vector<16xf32>,
        %parallel_loop3A_1583 = arith.addi %parallel_loop3A_1519, %get3A_1029 : vector<16xi32>
        %parallel_loop3A_1584 = arith.addf %parallel_loop3A_1582, %parallel_loop3A_1507 : vector<16xf32>
        tpu.vector_store_idx %arg10[%parallel_loop3A_1583], %parallel_loop3A_1584 : memref<16384xf32, #tpu.memory_space<vmem>>[vector<16xi32>], vector<16xf32>,
        %parallel_loop3A_1585 = vector.broadcast %parallel_loop3A_1497 : i32 to vector<16xi32>
        %parallel_loop3A_1586 = arith.addi %get3A_1033, %parallel_loop3A_1585 : vector<16xi32>
        %parallel_loop3A_1587 = tpu.vector_load_idx %arg8[%parallel_loop3A_1586, %parallel_loop3A_1512] : memref<256x64xf32, #tpu.memory_space<vmem>>[vector<16xi32>, vector<16xi32>], vector<16xf32>,
        %parallel_loop3A_1588 = arith.addi %parallel_loop3A_1519, %get3A_1033 : vector<16xi32>
        %parallel_loop3A_1589 = arith.addf %parallel_loop3A_1587, %parallel_loop3A_1507 : vector<16xf32>
        tpu.vector_store_idx %arg10[%parallel_loop3A_1588], %parallel_loop3A_1589 : memref<16384xf32, #tpu.memory_space<vmem>>[vector<16xi32>], vector<16xf32>,
        %parallel_loop3A_1590 = vector.broadcast %parallel_loop3A_1497 : i32 to vector<16xi32>
        %parallel_loop3A_1591 = arith.addi %get3A_1037, %parallel_loop3A_1590 : vector<16xi32>
        %parallel_loop3A_1592 = tpu.vector_load_idx %arg8[%parallel_loop3A_1591, %parallel_loop3A_1512] : memref<256x64xf32, #tpu.memory_space<vmem>>[vector<16xi32>, vector<16xi32>], vector<16xf32>,
        %parallel_loop3A_1593 = arith.addi %parallel_loop3A_1519, %get3A_1037 : vector<16xi32>
        %parallel_loop3A_1594 = arith.addf %parallel_loop3A_1592, %parallel_loop3A_1507 : vector<16xf32>
        tpu.vector_store_idx %arg10[%parallel_loop3A_1593], %parallel_loop3A_1594 : memref<16384xf32, #tpu.memory_space<vmem>>[vector<16xi32>], vector<16xf32>,
        %parallel_loop3A_1595 = vector.broadcast %parallel_loop3A_1497 : i32 to vector<16xi32>
        %parallel_loop3A_1596 = arith.addi %get3A_1041, %parallel_loop3A_1595 : vector<16xi32>
        %parallel_loop3A_1597 = tpu.vector_load_idx %arg8[%parallel_loop3A_1596, %parallel_loop3A_1512] : memref<256x64xf32, #tpu.memory_space<vmem>>[vector<16xi32>, vector<16xi32>], vector<16xf32>,
        %parallel_loop3A_1598 = arith.addi %parallel_loop3A_1519, %get3A_1041 : vector<16xi32>
        %parallel_loop3A_1599 = arith.addf %parallel_loop3A_1597, %parallel_loop3A_1507 : vector<16xf32>
        tpu.vector_store_idx %arg10[%parallel_loop3A_1598], %parallel_loop3A_1599 : memref<16384xf32, #tpu.memory_space<vmem>>[vector<16xi32>], vector<16xf32>,
      } {sc.loop_unroll_factor = 1 : i64, sc.parallel_access}
      %jit3A_1044 = arith.constant 16 : i32
      %div3A_1045 = arith.divsi %add3A_944, %jit3A_1044 : i32
      %sign3A_1046 = arith.constant 0 : i32
      %sign3A_1047 = arith.cmpi sgt, %add3A_944, %sign3A_1046 : i32
      %sign3A_1048 = arith.extui %sign3A_1047 : i1 to i32
      %sign3A_1049 = arith.constant 0 : i32
      %sign3A_1050 = arith.cmpi slt, %add3A_944, %sign3A_1049 : i32
      %sign3A_1051 = arith.extui %sign3A_1050 : i1 to i32
      %sign3A_1052 = arith.subi %sign3A_1048, %sign3A_1051 : i32
      %sign3A_1053 = arith.constant 0 : i32
      %sign3A_1054 = arith.cmpi sgt, %jit3A_1044, %sign3A_1053 : i32
      %sign3A_1055 = arith.extui %sign3A_1054 : i1 to i32
      %sign3A_1056 = arith.constant 0 : i32
      %sign3A_1057 = arith.cmpi slt, %jit3A_1044, %sign3A_1056 : i32
      %sign3A_1058 = arith.extui %sign3A_1057 : i1 to i32
      %sign3A_1059 = arith.subi %sign3A_1055, %sign3A_1058 : i32
      %ne3A_1060 = arith.cmpi ne, %sign3A_1052, %sign3A_1059 : i32
      %rem3A_1061 = arith.remsi %add3A_944, %jit3A_1044 : i32
      %ne3A_1062 = arith.constant 0 : i32
      %ne3A_1063 = arith.cmpi ne, %rem3A_1061, %ne3A_1062 : i32
      %and3A_1064 = arith.andi %ne3A_1060, %ne3A_1063 : i1
      %sub3A_1065 = arith.constant 1 : i32
      %sub3A_1066 = arith.subi %div3A_1045, %sub3A_1065 : i32
      %select_n3A_1067 = arith.select %and3A_1064, %sub3A_1066, %div3A_1045 : i32
      %jit3A_1068 = arith.constant 16 : i32
      %eq3A_1069 = arith.constant 0 : i32
      %eq3A_1070 = arith.cmpi eq, %jit3A_1068, %eq3A_1069 : i32
      %jit3A_1071 = arith.constant 1 : i32
      %select_n3A_1072 = arith.select %eq3A_1070, %jit3A_1071, %jit3A_1068 : i32
      %rem3A_1073 = arith.remsi %add3A_944, %select_n3A_1072 : i32
      %ne3A_1074 = arith.constant 0 : i32
      %ne3A_1075 = arith.cmpi ne, %rem3A_1073, %ne3A_1074 : i32
      %lt3A_1076 = arith.constant 0 : i32
      %lt3A_1077 = arith.cmpi slt, %rem3A_1073, %lt3A_1076 : i32
      %lt3A_1078 = arith.constant 0 : i32
      %lt3A_1079 = arith.cmpi slt, %select_n3A_1072, %lt3A_1078 : i32
      %ne3A_1080 = arith.xori %lt3A_1077, %lt3A_1079 : i1
      %and3A_1081 = arith.andi %ne3A_1080, %ne3A_1075 : i1
      %add3A_1082 = arith.addi %rem3A_1073, %select_n3A_1072 : i32
      %select_n3A_1083 = arith.select %and3A_1081, %add3A_1082, %rem3A_1073 : i32
      %mul3A_1084 = arith.constant 2 : i32
      %mul3A_1085 = arith.muli %select_n3A_1083, %mul3A_1084 : i32
      %mul3A_1086 = arith.constant 8 : i32
      %mul3A_1087 = arith.muli %select_n3A_1067, %mul3A_1086 : i32
      %add3A_1088 = arith.constant 0 : i32
      %add3A_1089 = arith.addi %mul3A_1087, %add3A_1088 : i32
      %mul3A_1090 = arith.constant 32 : i32
      %mul3A_1091 = arith.muli %add3A_1089, %mul3A_1090 : i32
      %add3A_1092 = arith.addi %mul3A_1091, %mul3A_1085 : i32
      %mul3A_1093 = arith.constant 1024 : i32
      %mul3A_1094 = arith.muli %add3A_1092, %mul3A_1093 : i32
      %dma_start3A_1095 = arith.constant 0 : i32
      %dma_start3A_1096 = tpu.memref_slice %arg10[%dma_start3A_1095] : memref<16384xf32, #tpu.memory_space<vmem>> -> memref<2048xf32, #tpu.memory_space<vmem>>
      %dma_start3A_1097 = tpu.memref_slice %arg5[%mul3A_1094] : memref<52428800xf32, #tpu.memory_space<hbm>> -> memref<2048xf32, #tpu.memory_space<hbm>>
      %dma_start3A_1098 = tpu.memref_slice %arg5[%mul3A_1094] : memref<52428800xf32, #tpu.memory_space<hbm>> -> memref<2048xf32, #tpu.memory_space<hbm>>
      %dma_start3A_1099 = arith.constant 0 : i32
      %dma_start3A_1100 = tpu.memref_slice %arg10[%dma_start3A_1099] : memref<16384xf32, #tpu.memory_space<vmem>> -> memref<2048xf32, #tpu.memory_space<vmem>>
      tpu.enqueue_dma source(%dma_start3A_1100 : memref<2048xf32, #tpu.memory_space<vmem>>) target(%dma_start3A_1098 : memref<2048xf32, #tpu.memory_space<hbm>>) target_semaphore(%arg16 : memref<!tpu.dma_semaphore, #tpu.memory_space<semaphore_mem>>)
      %mul3A_1101 = arith.constant 8 : i32
      %mul3A_1102 = arith.muli %select_n3A_1067, %mul3A_1101 : i32
      %add3A_1103 = arith.constant 1 : i32
      %add3A_1104 = arith.addi %mul3A_1102, %add3A_1103 : i32
      %mul3A_1105 = arith.constant 32 : i32
      %mul3A_1106 = arith.muli %add3A_1104, %mul3A_1105 : i32
      %add3A_1107 = arith.addi %mul3A_1106, %mul3A_1085 : i32
      %mul3A_1108 = arith.constant 1024 : i32
      %mul3A_1109 = arith.muli %add3A_1107, %mul3A_1108 : i32
      %dma_start3A_1110 = arith.constant 2048 : i32
      %dma_start3A_1111 = tpu.memref_slice %arg10[%dma_start3A_1110] : memref<16384xf32, #tpu.memory_space<vmem>> -> memref<2048xf32, #tpu.memory_space<vmem>>
      %dma_start3A_1112 = tpu.memref_slice %arg5[%mul3A_1109] : memref<52428800xf32, #tpu.memory_space<hbm>> -> memref<2048xf32, #tpu.memory_space<hbm>>
      %dma_start3A_1113 = tpu.memref_slice %arg5[%mul3A_1109] : memref<52428800xf32, #tpu.memory_space<hbm>> -> memref<2048xf32, #tpu.memory_space<hbm>>
      %dma_start3A_1114 = arith.constant 2048 : i32
      %dma_start3A_1115 = tpu.memref_slice %arg10[%dma_start3A_1114] : memref<16384xf32, #tpu.memory_space<vmem>> -> memref<2048xf32, #tpu.memory_space<vmem>>
      tpu.enqueue_dma source(%dma_start3A_1115 : memref<2048xf32, #tpu.memory_space<vmem>>) target(%dma_start3A_1113 : memref<2048xf32, #tpu.memory_space<hbm>>) target_semaphore(%arg16 : memref<!tpu.dma_semaphore, #tpu.memory_space<semaphore_mem>>)
      %mul3A_1116 = arith.constant 8 : i32
      %mul3A_1117 = arith.muli %select_n3A_1067, %mul3A_1116 : i32
      %add3A_1118 = arith.constant 2 : i32
      %add3A_1119 = arith.addi %mul3A_1117, %add3A_1118 : i32
      %mul3A_1120 = arith.constant 32 : i32
      %mul3A_1121 = arith.muli %add3A_1119, %mul3A_1120 : i32
      %add3A_1122 = arith.addi %mul3A_1121, %mul3A_1085 : i32
      %mul3A_1123 = arith.constant 1024 : i32
      %mul3A_1124 = arith.muli %add3A_1122, %mul3A_1123 : i32
      %dma_start3A_1125 = arith.constant 4096 : i32
      %dma_start3A_1126 = tpu.memref_slice %arg10[%dma_start3A_1125] : memref<16384xf32, #tpu.memory_space<vmem>> -> memref<2048xf32, #tpu.memory_space<vmem>>
      %dma_start3A_1127 = tpu.memref_slice %arg5[%mul3A_1124] : memref<52428800xf32, #tpu.memory_space<hbm>> -> memref<2048xf32, #tpu.memory_space<hbm>>
      %dma_start3A_1128 = tpu.memref_slice %arg5[%mul3A_1124] : memref<52428800xf32, #tpu.memory_space<hbm>> -> memref<2048xf32, #tpu.memory_space<hbm>>
      %dma_start3A_1129 = arith.constant 4096 : i32
      %dma_start3A_1130 = tpu.memref_slice %arg10[%dma_start3A_1129] : memref<16384xf32, #tpu.memory_space<vmem>> -> memref<2048xf32, #tpu.memory_space<vmem>>
      tpu.enqueue_dma source(%dma_start3A_1130 : memref<2048xf32, #tpu.memory_space<vmem>>) target(%dma_start3A_1128 : memref<2048xf32, #tpu.memory_space<hbm>>) target_semaphore(%arg16 : memref<!tpu.dma_semaphore, #tpu.memory_space<semaphore_mem>>)
      %mul3A_1131 = arith.constant 8 : i32
      %mul3A_1132 = arith.muli %select_n3A_1067, %mul3A_1131 : i32
      %add3A_1133 = arith.constant 3 : i32
      %add3A_1134 = arith.addi %mul3A_1132, %add3A_1133 : i32
      %mul3A_1135 = arith.constant 32 : i32
      %mul3A_1136 = arith.muli %add3A_1134, %mul3A_1135 : i32
      %add3A_1137 = arith.addi %mul3A_1136, %mul3A_1085 : i32
      %mul3A_1138 = arith.constant 1024 : i32
      %mul3A_1139 = arith.muli %add3A_1137, %mul3A_1138 : i32
      %dma_start3A_1140 = arith.constant 6144 : i32
      %dma_start3A_1141 = tpu.memref_slice %arg10[%dma_start3A_1140] : memref<16384xf32, #tpu.memory_space<vmem>> -> memref<2048xf32, #tpu.memory_space<vmem>>
      %dma_start3A_1142 = tpu.memref_slice %arg5[%mul3A_1139] : memref<52428800xf32, #tpu.memory_space<hbm>> -> memref<2048xf32, #tpu.memory_space<hbm>>
      %dma_start3A_1143 = tpu.memref_slice %arg5[%mul3A_1139] : memref<52428800xf32, #tpu.memory_space<hbm>> -> memref<2048xf32, #tpu.memory_space<hbm>>
      %dma_start3A_1144 = arith.constant 6144 : i32
      %dma_start3A_1145 = tpu.memref_slice %arg10[%dma_start3A_1144] : memref<16384xf32, #tpu.memory_space<vmem>> -> memref<2048xf32, #tpu.memory_space<vmem>>
      tpu.enqueue_dma source(%dma_start3A_1145 : memref<2048xf32, #tpu.memory_space<vmem>>) target(%dma_start3A_1143 : memref<2048xf32, #tpu.memory_space<hbm>>) target_semaphore(%arg16 : memref<!tpu.dma_semaphore, #tpu.memory_space<semaphore_mem>>)
      %mul3A_1146 = arith.constant 8 : i32
      %mul3A_1147 = arith.muli %select_n3A_1067, %mul3A_1146 : i32
      %add3A_1148 = arith.constant 4 : i32
      %add3A_1149 = arith.addi %mul3A_1147, %add3A_1148 : i32
      %mul3A_1150 = arith.constant 32 : i32
      %mul3A_1151 = arith.muli %add3A_1149, %mul3A_1150 : i32
      %add3A_1152 = arith.addi %mul3A_1151, %mul3A_1085 : i32
      %mul3A_1153 = arith.constant 1024 : i32
      %mul3A_1154 = arith.muli %add3A_1152, %mul3A_1153 : i32
      %dma_start3A_1155 = arith.constant 8192 : i32
      %dma_start3A_1156 = tpu.memref_slice %arg10[%dma_start3A_1155] : memref<16384xf32, #tpu.memory_space<vmem>> -> memref<2048xf32, #tpu.memory_space<vmem>>
      %dma_start3A_1157 = tpu.memref_slice %arg5[%mul3A_1154] : memref<52428800xf32, #tpu.memory_space<hbm>> -> memref<2048xf32, #tpu.memory_space<hbm>>
      %dma_start3A_1158 = tpu.memref_slice %arg5[%mul3A_1154] : memref<52428800xf32, #tpu.memory_space<hbm>> -> memref<2048xf32, #tpu.memory_space<hbm>>
      %dma_start3A_1159 = arith.constant 8192 : i32
      %dma_start3A_1160 = tpu.memref_slice %arg10[%dma_start3A_1159] : memref<16384xf32, #tpu.memory_space<vmem>> -> memref<2048xf32, #tpu.memory_space<vmem>>
      tpu.enqueue_dma source(%dma_start3A_1160 : memref<2048xf32, #tpu.memory_space<vmem>>) target(%dma_start3A_1158 : memref<2048xf32, #tpu.memory_space<hbm>>) target_semaphore(%arg16 : memref<!tpu.dma_semaphore, #tpu.memory_space<semaphore_mem>>)
      %mul3A_1161 = arith.constant 8 : i32
      %mul3A_1162 = arith.muli %select_n3A_1067, %mul3A_1161 : i32
      %add3A_1163 = arith.constant 5 : i32
      %add3A_1164 = arith.addi %mul3A_1162, %add3A_1163 : i32
      %mul3A_1165 = arith.constant 32 : i32
      %mul3A_1166 = arith.muli %add3A_1164, %mul3A_1165 : i32
      %add3A_1167 = arith.addi %mul3A_1166, %mul3A_1085 : i32
      %mul3A_1168 = arith.constant 1024 : i32
      %mul3A_1169 = arith.muli %add3A_1167, %mul3A_1168 : i32
      %dma_start3A_1170 = arith.constant 10240 : i32
      %dma_start3A_1171 = tpu.memref_slice %arg10[%dma_start3A_1170] : memref<16384xf32, #tpu.memory_space<vmem>> -> memref<2048xf32, #tpu.memory_space<vmem>>
      %dma_start3A_1172 = tpu.memref_slice %arg5[%mul3A_1169] : memref<52428800xf32, #tpu.memory_space<hbm>> -> memref<2048xf32, #tpu.memory_space<hbm>>
      %dma_start3A_1173 = tpu.memref_slice %arg5[%mul3A_1169] : memref<52428800xf32, #tpu.memory_space<hbm>> -> memref<2048xf32, #tpu.memory_space<hbm>>
      %dma_start3A_1174 = arith.constant 10240 : i32
      %dma_start3A_1175 = tpu.memref_slice %arg10[%dma_start3A_1174] : memref<16384xf32, #tpu.memory_space<vmem>> -> memref<2048xf32, #tpu.memory_space<vmem>>
      tpu.enqueue_dma source(%dma_start3A_1175 : memref<2048xf32, #tpu.memory_space<vmem>>) target(%dma_start3A_1173 : memref<2048xf32, #tpu.memory_space<hbm>>) target_semaphore(%arg16 : memref<!tpu.dma_semaphore, #tpu.memory_space<semaphore_mem>>)
      %mul3A_1176 = arith.constant 8 : i32
      %mul3A_1177 = arith.muli %select_n3A_1067, %mul3A_1176 : i32
      %add3A_1178 = arith.constant 6 : i32
      %add3A_1179 = arith.addi %mul3A_1177, %add3A_1178 : i32
      %mul3A_1180 = arith.constant 32 : i32
      %mul3A_1181 = arith.muli %add3A_1179, %mul3A_1180 : i32
      %add3A_1182 = arith.addi %mul3A_1181, %mul3A_1085 : i32
      %mul3A_1183 = arith.constant 1024 : i32
      %mul3A_1184 = arith.muli %add3A_1182, %mul3A_1183 : i32
      %dma_start3A_1185 = arith.constant 12288 : i32
      %dma_start3A_1186 = tpu.memref_slice %arg10[%dma_start3A_1185] : memref<16384xf32, #tpu.memory_space<vmem>> -> memref<2048xf32, #tpu.memory_space<vmem>>
      %dma_start3A_1187 = tpu.memref_slice %arg5[%mul3A_1184] : memref<52428800xf32, #tpu.memory_space<hbm>> -> memref<2048xf32, #tpu.memory_space<hbm>>
      %dma_start3A_1188 = tpu.memref_slice %arg5[%mul3A_1184] : memref<52428800xf32, #tpu.memory_space<hbm>> -> memref<2048xf32, #tpu.memory_space<hbm>>
      %dma_start3A_1189 = arith.constant 12288 : i32
      %dma_start3A_1190 = tpu.memref_slice %arg10[%dma_start3A_1189] : memref<16384xf32, #tpu.memory_space<vmem>> -> memref<2048xf32, #tpu.memory_space<vmem>>
      tpu.enqueue_dma source(%dma_start3A_1190 : memref<2048xf32, #tpu.memory_space<vmem>>) target(%dma_start3A_1188 : memref<2048xf32, #tpu.memory_space<hbm>>) target_semaphore(%arg16 : memref<!tpu.dma_semaphore, #tpu.memory_space<semaphore_mem>>)
      %mul3A_1191 = arith.constant 8 : i32
      %mul3A_1192 = arith.muli %select_n3A_1067, %mul3A_1191 : i32
      %add3A_1193 = arith.constant 7 : i32
      %add3A_1194 = arith.addi %mul3A_1192, %add3A_1193 : i32
      %mul3A_1195 = arith.constant 32 : i32
      %mul3A_1196 = arith.muli %add3A_1194, %mul3A_1195 : i32
      %add3A_1197 = arith.addi %mul3A_1196, %mul3A_1085 : i32
      %mul3A_1198 = arith.constant 1024 : i32
      %mul3A_1199 = arith.muli %add3A_1197, %mul3A_1198 : i32
      %dma_start3A_1200 = arith.constant 14336 : i32
      %dma_start3A_1201 = tpu.memref_slice %arg10[%dma_start3A_1200] : memref<16384xf32, #tpu.memory_space<vmem>> -> memref<2048xf32, #tpu.memory_space<vmem>>
      %dma_start3A_1202 = tpu.memref_slice %arg5[%mul3A_1199] : memref<52428800xf32, #tpu.memory_space<hbm>> -> memref<2048xf32, #tpu.memory_space<hbm>>
      %dma_start3A_1203 = tpu.memref_slice %arg5[%mul3A_1199] : memref<52428800xf32, #tpu.memory_space<hbm>> -> memref<2048xf32, #tpu.memory_space<hbm>>
      %dma_start3A_1204 = arith.constant 14336 : i32
      %dma_start3A_1205 = tpu.memref_slice %arg10[%dma_start3A_1204] : memref<16384xf32, #tpu.memory_space<vmem>> -> memref<2048xf32, #tpu.memory_space<vmem>>
      tpu.enqueue_dma source(%dma_start3A_1205 : memref<2048xf32, #tpu.memory_space<vmem>>) target(%dma_start3A_1203 : memref<2048xf32, #tpu.memory_space<hbm>>) target_semaphore(%arg16 : memref<!tpu.dma_semaphore, #tpu.memory_space<semaphore_mem>>)
      %lt3A_1206 = arith.constant 49 : i32
      %lt3A_1207 = arith.cmpi slt, %scan3A_939, %lt3A_1206 : i32
      %convert_element_type3A_1208 = arith.extui %lt3A_1207 : i1 to i32
      %cond3A_1209 = arith.constant 0 : i32
      %cond3A_1210 = arith.cmpi ne, %convert_element_type3A_1208, %cond3A_1209 : i32
      scf.if %cond3A_1210 {
        %add3A_1484 = arith.constant 2 : i32
        %add3A_1485 = arith.addi %add3A_944, %add3A_1484 : i32
        %jit3A_1486 = arith.constant 16 : i32
        %div3A_1487 = arith.divsi %add3A_1485, %jit3A_1486 : i32
        %sign3A_1488 = arith.constant 0 : i32
        %sign3A_1489 = arith.cmpi sgt, %add3A_1485, %sign3A_1488 : i32
        %sign3A_1490 = arith.extui %sign3A_1489 : i1 to i32
        %sign3A_1491 = arith.constant 0 : i32
        %sign3A_1492 = arith.cmpi slt, %add3A_1485, %sign3A_1491 : i32
        %sign3A_1493 = arith.extui %sign3A_1492 : i1 to i32
        %sign3A_1494 = arith.subi %sign3A_1490, %sign3A_1493 : i32
        %sign3A_1495 = arith.constant 0 : i32
        %sign3A_1496 = arith.cmpi sgt, %jit3A_1486, %sign3A_1495 : i32
        %sign3A_1497 = arith.extui %sign3A_1496 : i1 to i32
        %sign3A_1498 = arith.constant 0 : i32
        %sign3A_1499 = arith.cmpi slt, %jit3A_1486, %sign3A_1498 : i32
        %sign3A_1500 = arith.extui %sign3A_1499 : i1 to i32
        %sign3A_1501 = arith.subi %sign3A_1497, %sign3A_1500 : i32
        %ne3A_1502 = arith.cmpi ne, %sign3A_1494, %sign3A_1501 : i32
        %rem3A_1503 = arith.remsi %add3A_1485, %jit3A_1486 : i32
        %ne3A_1504 = arith.constant 0 : i32
        %ne3A_1505 = arith.cmpi ne, %rem3A_1503, %ne3A_1504 : i32
        %and3A_1506 = arith.andi %ne3A_1502, %ne3A_1505 : i1
        %sub3A_1507 = arith.constant 1 : i32
        %sub3A_1508 = arith.subi %div3A_1487, %sub3A_1507 : i32
        %select_n3A_1509 = arith.select %and3A_1506, %sub3A_1508, %div3A_1487 : i32
        %jit3A_1510 = arith.constant 16 : i32
        %eq3A_1511 = arith.constant 0 : i32
        %eq3A_1512 = arith.cmpi eq, %jit3A_1510, %eq3A_1511 : i32
        %jit3A_1513 = arith.constant 1 : i32
        %select_n3A_1514 = arith.select %eq3A_1512, %jit3A_1513, %jit3A_1510 : i32
        %rem3A_1515 = arith.remsi %add3A_1485, %select_n3A_1514 : i32
        %ne3A_1516 = arith.constant 0 : i32
        %ne3A_1517 = arith.cmpi ne, %rem3A_1515, %ne3A_1516 : i32
        %lt3A_1518 = arith.constant 0 : i32
        %lt3A_1519 = arith.cmpi slt, %rem3A_1515, %lt3A_1518 : i32
        %lt3A_1520 = arith.constant 0 : i32
        %lt3A_1521 = arith.cmpi slt, %select_n3A_1514, %lt3A_1520 : i32
        %ne3A_1522 = arith.xori %lt3A_1519, %lt3A_1521 : i1
        %and3A_1523 = arith.andi %ne3A_1522, %ne3A_1517 : i1
        %add3A_1524 = arith.addi %rem3A_1515, %select_n3A_1514 : i32
        %select_n3A_1525 = arith.select %and3A_1523, %add3A_1524, %rem3A_1515 : i32
        %mul3A_1526 = arith.constant 2 : i32
        %mul3A_1527 = arith.muli %select_n3A_1525, %mul3A_1526 : i32
        %shift_right_arithmetic3A_1528 = arith.constant 3 : i32
        %shift_right_arithmetic3A_1529 = arith.shrsi %select_n3A_1509, %shift_right_arithmetic3A_1528 : i32
        %mul3A_1530 = arith.constant 32 : i32
        %mul3A_1531 = arith.muli %shift_right_arithmetic3A_1529, %mul3A_1530 : i32
        %add3A_1532 = arith.addi %mul3A_1531, %mul3A_1527 : i32
        %add3A_1533 = arith.constant 0 : i32
        %add3A_1534 = arith.addi %add3A_1532, %add3A_1533 : i32
        %mul3A_1535 = arith.constant 1024 : i32
        %mul3A_1536 = arith.muli %add3A_1534, %mul3A_1535 : i32
        %and3A_1537 = arith.constant 7 : i32
        %and3A_1538 = arith.andi %select_n3A_1509, %and3A_1537 : i32
        %mul3A_1539 = arith.constant 128 : i32
        %mul3A_1540 = arith.muli %and3A_1538, %mul3A_1539 : i32
        %add3A_1541 = arith.addi %mul3A_1536, %mul3A_1540 : i32
        %dma_wait3A_1542 = arith.constant 0 : i32
        %dma_wait3A_1543 = tpu.memref_slice %arg6[%dma_wait3A_1542] : memref<256xi32, #tpu.memory_space<vmem>> -> memref<128xi32, #tpu.memory_space<vmem>>
        %dma_wait3A_1544 = tpu.memref_slice %arg2[%add3A_1541] : memref<819200xi32, #tpu.memory_space<hbm>> -> memref<128xi32, #tpu.memory_space<hbm>>
        %dma_wait3A_1545 = arith.constant 0 : i32
        %dma_wait3A_1546 = tpu.memref_slice %arg6[%dma_wait3A_1545] : memref<256xi32, #tpu.memory_space<vmem>> -> memref<128xi32, #tpu.memory_space<vmem>>
        %dma_wait3A_1547 = tpu.memref_slice %arg2[%add3A_1541] : memref<819200xi32, #tpu.memory_space<hbm>> -> memref<128xi32, #tpu.memory_space<hbm>>
        tpu.wait_dma2 semaphore(%arg18 : memref<!tpu.dma_semaphore, #tpu.memory_space<semaphore_mem>>) src(%dma_wait3A_1547 : memref<128xi32, #tpu.memory_space<hbm>>) dst(%dma_wait3A_1546 : memref<128xi32, #tpu.memory_space<vmem>>)
        %shift_right_arithmetic3A_1548 = arith.constant 3 : i32
        %shift_right_arithmetic3A_1549 = arith.shrsi %select_n3A_1509, %shift_right_arithmetic3A_1548 : i32
        %mul3A_1550 = arith.constant 32 : i32
        %mul3A_1551 = arith.muli %shift_right_arithmetic3A_1549, %mul3A_1550 : i32
        %add3A_1552 = arith.addi %mul3A_1551, %mul3A_1527 : i32
        %add3A_1553 = arith.constant 1 : i32
        %add3A_1554 = arith.addi %add3A_1552, %add3A_1553 : i32
        %mul3A_1555 = arith.constant 1024 : i32
        %mul3A_1556 = arith.muli %add3A_1554, %mul3A_1555 : i32
        %and3A_1557 = arith.constant 7 : i32
        %and3A_1558 = arith.andi %select_n3A_1509, %and3A_1557 : i32
        %mul3A_1559 = arith.constant 128 : i32
        %mul3A_1560 = arith.muli %and3A_1558, %mul3A_1559 : i32
        %add3A_1561 = arith.addi %mul3A_1556, %mul3A_1560 : i32
        %dma_wait3A_1562 = arith.constant 128 : i32
        %dma_wait3A_1563 = tpu.memref_slice %arg6[%dma_wait3A_1562] : memref<256xi32, #tpu.memory_space<vmem>> -> memref<128xi32, #tpu.memory_space<vmem>>
        %dma_wait3A_1564 = tpu.memref_slice %arg2[%add3A_1561] : memref<819200xi32, #tpu.memory_space<hbm>> -> memref<128xi32, #tpu.memory_space<hbm>>
        %dma_wait3A_1565 = arith.constant 128 : i32
        %dma_wait3A_1566 = tpu.memref_slice %arg6[%dma_wait3A_1565] : memref<256xi32, #tpu.memory_space<vmem>> -> memref<128xi32, #tpu.memory_space<vmem>>
        %dma_wait3A_1567 = tpu.memref_slice %arg2[%add3A_1561] : memref<819200xi32, #tpu.memory_space<hbm>> -> memref<128xi32, #tpu.memory_space<hbm>>
        tpu.wait_dma2 semaphore(%arg18 : memref<!tpu.dma_semaphore, #tpu.memory_space<semaphore_mem>>) src(%dma_wait3A_1567 : memref<128xi32, #tpu.memory_space<hbm>>) dst(%dma_wait3A_1566 : memref<128xi32, #tpu.memory_space<vmem>>)
        %dma_start3A_1568 = arith.constant 0 : i32
        %dma_start3A_1569 = arith.constant 0 : i32
        %dma_start3A_1570 = tpu.memref_slice %arg3[%dma_start3A_1568, %dma_start3A_1569] : memref<100000x64xf32, #tpu.memory_space<hbm>> -> memref<100000x64xf32, #tpu.memory_space<hbm>>
        tpu.enqueue_indirect_dma source(%dma_start3A_1570 : memref<100000x64xf32, #tpu.memory_space<hbm>>) target(%arg8 : memref<256x64xf32, #tpu.memory_space<vmem>>) offsets(%arg6 : memref<256xi32, #tpu.memory_space<vmem>>) semaphore(%arg14 : memref<!tpu.dma_semaphore, #tpu.memory_space<semaphore_mem>>)
      } else {
      }
      %add3A_1211 = arith.constant 1 : i32
      %add3A_1212 = arith.addi %add3A_942, %add3A_1211 : i32
      %gt3A_1213 = arith.constant 0 : i32
      %gt3A_1214 = arith.cmpi sgt, %scan3A_939, %gt3A_1213 : i32
      %convert_element_type3A_1215 = arith.extui %gt3A_1214 : i1 to i32
      %cond3A_1216 = arith.constant 0 : i32
      %cond3A_1217 = arith.cmpi ne, %convert_element_type3A_1215, %cond3A_1216 : i32
      scf.if %cond3A_1217 {
        %sub3A_1484 = arith.constant 2 : i32
        %sub3A_1485 = arith.subi %add3A_1212, %sub3A_1484 : i32
        %jit3A_1486 = arith.constant 16 : i32
        %div3A_1487 = arith.divsi %sub3A_1485, %jit3A_1486 : i32
        %sign3A_1488 = arith.constant 0 : i32
        %sign3A_1489 = arith.cmpi sgt, %sub3A_1485, %sign3A_1488 : i32
        %sign3A_1490 = arith.extui %sign3A_1489 : i1 to i32
        %sign3A_1491 = arith.constant 0 : i32
        %sign3A_1492 = arith.cmpi slt, %sub3A_1485, %sign3A_1491 : i32
        %sign3A_1493 = arith.extui %sign3A_1492 : i1 to i32
        %sign3A_1494 = arith.subi %sign3A_1490, %sign3A_1493 : i32
        %sign3A_1495 = arith.constant 0 : i32
        %sign3A_1496 = arith.cmpi sgt, %jit3A_1486, %sign3A_1495 : i32
        %sign3A_1497 = arith.extui %sign3A_1496 : i1 to i32
        %sign3A_1498 = arith.constant 0 : i32
        %sign3A_1499 = arith.cmpi slt, %jit3A_1486, %sign3A_1498 : i32
        %sign3A_1500 = arith.extui %sign3A_1499 : i1 to i32
        %sign3A_1501 = arith.subi %sign3A_1497, %sign3A_1500 : i32
        %ne3A_1502 = arith.cmpi ne, %sign3A_1494, %sign3A_1501 : i32
        %rem3A_1503 = arith.remsi %sub3A_1485, %jit3A_1486 : i32
        %ne3A_1504 = arith.constant 0 : i32
        %ne3A_1505 = arith.cmpi ne, %rem3A_1503, %ne3A_1504 : i32
        %and3A_1506 = arith.andi %ne3A_1502, %ne3A_1505 : i1
        %sub3A_1507 = arith.constant 1 : i32
        %sub3A_1508 = arith.subi %div3A_1487, %sub3A_1507 : i32
        %select_n3A_1509 = arith.select %and3A_1506, %sub3A_1508, %div3A_1487 : i32
        %jit3A_1510 = arith.constant 16 : i32
        %eq3A_1511 = arith.constant 0 : i32
        %eq3A_1512 = arith.cmpi eq, %jit3A_1510, %eq3A_1511 : i32
        %jit3A_1513 = arith.constant 1 : i32
        %select_n3A_1514 = arith.select %eq3A_1512, %jit3A_1513, %jit3A_1510 : i32
        %rem3A_1515 = arith.remsi %sub3A_1485, %select_n3A_1514 : i32
        %ne3A_1516 = arith.constant 0 : i32
        %ne3A_1517 = arith.cmpi ne, %rem3A_1515, %ne3A_1516 : i32
        %lt3A_1518 = arith.constant 0 : i32
        %lt3A_1519 = arith.cmpi slt, %rem3A_1515, %lt3A_1518 : i32
        %lt3A_1520 = arith.constant 0 : i32
        %lt3A_1521 = arith.cmpi slt, %select_n3A_1514, %lt3A_1520 : i32
        %ne3A_1522 = arith.xori %lt3A_1519, %lt3A_1521 : i1
        %and3A_1523 = arith.andi %ne3A_1522, %ne3A_1517 : i1
        %add3A_1524 = arith.addi %rem3A_1515, %select_n3A_1514 : i32
        %select_n3A_1525 = arith.select %and3A_1523, %add3A_1524, %rem3A_1515 : i32
        %mul3A_1526 = arith.constant 2 : i32
        %mul3A_1527 = arith.muli %select_n3A_1525, %mul3A_1526 : i32
        %mul3A_1528 = arith.constant 8 : i32
        %mul3A_1529 = arith.muli %select_n3A_1509, %mul3A_1528 : i32
        %add3A_1530 = arith.constant 0 : i32
        %add3A_1531 = arith.addi %mul3A_1529, %add3A_1530 : i32
        %mul3A_1532 = arith.constant 32 : i32
        %mul3A_1533 = arith.muli %add3A_1531, %mul3A_1532 : i32
        %add3A_1534 = arith.addi %mul3A_1533, %mul3A_1527 : i32
        %mul3A_1535 = arith.constant 1024 : i32
        %mul3A_1536 = arith.muli %add3A_1534, %mul3A_1535 : i32
        %dma_wait3A_1537 = arith.constant 0 : i32
        %dma_wait3A_1538 = tpu.memref_slice %arg11[%dma_wait3A_1537] : memref<16384xf32, #tpu.memory_space<vmem>> -> memref<2048xf32, #tpu.memory_space<vmem>>
        %dma_wait3A_1539 = tpu.memref_slice %arg5[%mul3A_1536] : memref<52428800xf32, #tpu.memory_space<hbm>> -> memref<2048xf32, #tpu.memory_space<hbm>>
        %dma_wait3A_1540 = tpu.memref_slice %arg5[%mul3A_1536] : memref<52428800xf32, #tpu.memory_space<hbm>> -> memref<2048xf32, #tpu.memory_space<hbm>>
        %dma_wait3A_1541 = arith.constant 0 : i32
        %dma_wait3A_1542 = tpu.memref_slice %arg11[%dma_wait3A_1541] : memref<16384xf32, #tpu.memory_space<vmem>> -> memref<2048xf32, #tpu.memory_space<vmem>>
        tpu.wait_dma2 semaphore(%arg17 : memref<!tpu.dma_semaphore, #tpu.memory_space<semaphore_mem>>) src(%dma_wait3A_1542 : memref<2048xf32, #tpu.memory_space<vmem>>) dst(%dma_wait3A_1540 : memref<2048xf32, #tpu.memory_space<hbm>>)
        %mul3A_1543 = arith.constant 8 : i32
        %mul3A_1544 = arith.muli %select_n3A_1509, %mul3A_1543 : i32
        %add3A_1545 = arith.constant 1 : i32
        %add3A_1546 = arith.addi %mul3A_1544, %add3A_1545 : i32
        %mul3A_1547 = arith.constant 32 : i32
        %mul3A_1548 = arith.muli %add3A_1546, %mul3A_1547 : i32
        %add3A_1549 = arith.addi %mul3A_1548, %mul3A_1527 : i32
        %mul3A_1550 = arith.constant 1024 : i32
        %mul3A_1551 = arith.muli %add3A_1549, %mul3A_1550 : i32
        %dma_wait3A_1552 = arith.constant 2048 : i32
        %dma_wait3A_1553 = tpu.memref_slice %arg11[%dma_wait3A_1552] : memref<16384xf32, #tpu.memory_space<vmem>> -> memref<2048xf32, #tpu.memory_space<vmem>>
        %dma_wait3A_1554 = tpu.memref_slice %arg5[%mul3A_1551] : memref<52428800xf32, #tpu.memory_space<hbm>> -> memref<2048xf32, #tpu.memory_space<hbm>>
        %dma_wait3A_1555 = tpu.memref_slice %arg5[%mul3A_1551] : memref<52428800xf32, #tpu.memory_space<hbm>> -> memref<2048xf32, #tpu.memory_space<hbm>>
        %dma_wait3A_1556 = arith.constant 2048 : i32
        %dma_wait3A_1557 = tpu.memref_slice %arg11[%dma_wait3A_1556] : memref<16384xf32, #tpu.memory_space<vmem>> -> memref<2048xf32, #tpu.memory_space<vmem>>
        tpu.wait_dma2 semaphore(%arg17 : memref<!tpu.dma_semaphore, #tpu.memory_space<semaphore_mem>>) src(%dma_wait3A_1557 : memref<2048xf32, #tpu.memory_space<vmem>>) dst(%dma_wait3A_1555 : memref<2048xf32, #tpu.memory_space<hbm>>)
        %mul3A_1558 = arith.constant 8 : i32
        %mul3A_1559 = arith.muli %select_n3A_1509, %mul3A_1558 : i32
        %add3A_1560 = arith.constant 2 : i32
        %add3A_1561 = arith.addi %mul3A_1559, %add3A_1560 : i32
        %mul3A_1562 = arith.constant 32 : i32
        %mul3A_1563 = arith.muli %add3A_1561, %mul3A_1562 : i32
        %add3A_1564 = arith.addi %mul3A_1563, %mul3A_1527 : i32
        %mul3A_1565 = arith.constant 1024 : i32
        %mul3A_1566 = arith.muli %add3A_1564, %mul3A_1565 : i32
        %dma_wait3A_1567 = arith.constant 4096 : i32
        %dma_wait3A_1568 = tpu.memref_slice %arg11[%dma_wait3A_1567] : memref<16384xf32, #tpu.memory_space<vmem>> -> memref<2048xf32, #tpu.memory_space<vmem>>
        %dma_wait3A_1569 = tpu.memref_slice %arg5[%mul3A_1566] : memref<52428800xf32, #tpu.memory_space<hbm>> -> memref<2048xf32, #tpu.memory_space<hbm>>
        %dma_wait3A_1570 = tpu.memref_slice %arg5[%mul3A_1566] : memref<52428800xf32, #tpu.memory_space<hbm>> -> memref<2048xf32, #tpu.memory_space<hbm>>
        %dma_wait3A_1571 = arith.constant 4096 : i32
        %dma_wait3A_1572 = tpu.memref_slice %arg11[%dma_wait3A_1571] : memref<16384xf32, #tpu.memory_space<vmem>> -> memref<2048xf32, #tpu.memory_space<vmem>>
        tpu.wait_dma2 semaphore(%arg17 : memref<!tpu.dma_semaphore, #tpu.memory_space<semaphore_mem>>) src(%dma_wait3A_1572 : memref<2048xf32, #tpu.memory_space<vmem>>) dst(%dma_wait3A_1570 : memref<2048xf32, #tpu.memory_space<hbm>>)
        %mul3A_1573 = arith.constant 8 : i32
        %mul3A_1574 = arith.muli %select_n3A_1509, %mul3A_1573 : i32
        %add3A_1575 = arith.constant 3 : i32
        %add3A_1576 = arith.addi %mul3A_1574, %add3A_1575 : i32
        %mul3A_1577 = arith.constant 32 : i32
        %mul3A_1578 = arith.muli %add3A_1576, %mul3A_1577 : i32
        %add3A_1579 = arith.addi %mul3A_1578, %mul3A_1527 : i32
        %mul3A_1580 = arith.constant 1024 : i32
        %mul3A_1581 = arith.muli %add3A_1579, %mul3A_1580 : i32
        %dma_wait3A_1582 = arith.constant 6144 : i32
        %dma_wait3A_1583 = tpu.memref_slice %arg11[%dma_wait3A_1582] : memref<16384xf32, #tpu.memory_space<vmem>> -> memref<2048xf32, #tpu.memory_space<vmem>>
        %dma_wait3A_1584 = tpu.memref_slice %arg5[%mul3A_1581] : memref<52428800xf32, #tpu.memory_space<hbm>> -> memref<2048xf32, #tpu.memory_space<hbm>>
        %dma_wait3A_1585 = tpu.memref_slice %arg5[%mul3A_1581] : memref<52428800xf32, #tpu.memory_space<hbm>> -> memref<2048xf32, #tpu.memory_space<hbm>>
        %dma_wait3A_1586 = arith.constant 6144 : i32
        %dma_wait3A_1587 = tpu.memref_slice %arg11[%dma_wait3A_1586] : memref<16384xf32, #tpu.memory_space<vmem>> -> memref<2048xf32, #tpu.memory_space<vmem>>
        tpu.wait_dma2 semaphore(%arg17 : memref<!tpu.dma_semaphore, #tpu.memory_space<semaphore_mem>>) src(%dma_wait3A_1587 : memref<2048xf32, #tpu.memory_space<vmem>>) dst(%dma_wait3A_1585 : memref<2048xf32, #tpu.memory_space<hbm>>)
        %mul3A_1588 = arith.constant 8 : i32
        %mul3A_1589 = arith.muli %select_n3A_1509, %mul3A_1588 : i32
        %add3A_1590 = arith.constant 4 : i32
        %add3A_1591 = arith.addi %mul3A_1589, %add3A_1590 : i32
        %mul3A_1592 = arith.constant 32 : i32
        %mul3A_1593 = arith.muli %add3A_1591, %mul3A_1592 : i32
        %add3A_1594 = arith.addi %mul3A_1593, %mul3A_1527 : i32
        %mul3A_1595 = arith.constant 1024 : i32
        %mul3A_1596 = arith.muli %add3A_1594, %mul3A_1595 : i32
        %dma_wait3A_1597 = arith.constant 8192 : i32
        %dma_wait3A_1598 = tpu.memref_slice %arg11[%dma_wait3A_1597] : memref<16384xf32, #tpu.memory_space<vmem>> -> memref<2048xf32, #tpu.memory_space<vmem>>
        %dma_wait3A_1599 = tpu.memref_slice %arg5[%mul3A_1596] : memref<52428800xf32, #tpu.memory_space<hbm>> -> memref<2048xf32, #tpu.memory_space<hbm>>
        %dma_wait3A_1600 = tpu.memref_slice %arg5[%mul3A_1596] : memref<52428800xf32, #tpu.memory_space<hbm>> -> memref<2048xf32, #tpu.memory_space<hbm>>
        %dma_wait3A_1601 = arith.constant 8192 : i32
        %dma_wait3A_1602 = tpu.memref_slice %arg11[%dma_wait3A_1601] : memref<16384xf32, #tpu.memory_space<vmem>> -> memref<2048xf32, #tpu.memory_space<vmem>>
        tpu.wait_dma2 semaphore(%arg17 : memref<!tpu.dma_semaphore, #tpu.memory_space<semaphore_mem>>) src(%dma_wait3A_1602 : memref<2048xf32, #tpu.memory_space<vmem>>) dst(%dma_wait3A_1600 : memref<2048xf32, #tpu.memory_space<hbm>>)
        %mul3A_1603 = arith.constant 8 : i32
        %mul3A_1604 = arith.muli %select_n3A_1509, %mul3A_1603 : i32
        %add3A_1605 = arith.constant 5 : i32
        %add3A_1606 = arith.addi %mul3A_1604, %add3A_1605 : i32
        %mul3A_1607 = arith.constant 32 : i32
        %mul3A_1608 = arith.muli %add3A_1606, %mul3A_1607 : i32
        %add3A_1609 = arith.addi %mul3A_1608, %mul3A_1527 : i32
        %mul3A_1610 = arith.constant 1024 : i32
        %mul3A_1611 = arith.muli %add3A_1609, %mul3A_1610 : i32
        %dma_wait3A_1612 = arith.constant 10240 : i32
        %dma_wait3A_1613 = tpu.memref_slice %arg11[%dma_wait3A_1612] : memref<16384xf32, #tpu.memory_space<vmem>> -> memref<2048xf32, #tpu.memory_space<vmem>>
        %dma_wait3A_1614 = tpu.memref_slice %arg5[%mul3A_1611] : memref<52428800xf32, #tpu.memory_space<hbm>> -> memref<2048xf32, #tpu.memory_space<hbm>>
        %dma_wait3A_1615 = tpu.memref_slice %arg5[%mul3A_1611] : memref<52428800xf32, #tpu.memory_space<hbm>> -> memref<2048xf32, #tpu.memory_space<hbm>>
        %dma_wait3A_1616 = arith.constant 10240 : i32
        %dma_wait3A_1617 = tpu.memref_slice %arg11[%dma_wait3A_1616] : memref<16384xf32, #tpu.memory_space<vmem>> -> memref<2048xf32, #tpu.memory_space<vmem>>
        tpu.wait_dma2 semaphore(%arg17 : memref<!tpu.dma_semaphore, #tpu.memory_space<semaphore_mem>>) src(%dma_wait3A_1617 : memref<2048xf32, #tpu.memory_space<vmem>>) dst(%dma_wait3A_1615 : memref<2048xf32, #tpu.memory_space<hbm>>)
        %mul3A_1618 = arith.constant 8 : i32
        %mul3A_1619 = arith.muli %select_n3A_1509, %mul3A_1618 : i32
        %add3A_1620 = arith.constant 6 : i32
        %add3A_1621 = arith.addi %mul3A_1619, %add3A_1620 : i32
        %mul3A_1622 = arith.constant 32 : i32
        %mul3A_1623 = arith.muli %add3A_1621, %mul3A_1622 : i32
        %add3A_1624 = arith.addi %mul3A_1623, %mul3A_1527 : i32
        %mul3A_1625 = arith.constant 1024 : i32
        %mul3A_1626 = arith.muli %add3A_1624, %mul3A_1625 : i32
        %dma_wait3A_1627 = arith.constant 12288 : i32
        %dma_wait3A_1628 = tpu.memref_slice %arg11[%dma_wait3A_1627] : memref<16384xf32, #tpu.memory_space<vmem>> -> memref<2048xf32, #tpu.memory_space<vmem>>
        %dma_wait3A_1629 = tpu.memref_slice %arg5[%mul3A_1626] : memref<52428800xf32, #tpu.memory_space<hbm>> -> memref<2048xf32, #tpu.memory_space<hbm>>
        %dma_wait3A_1630 = tpu.memref_slice %arg5[%mul3A_1626] : memref<52428800xf32, #tpu.memory_space<hbm>> -> memref<2048xf32, #tpu.memory_space<hbm>>
        %dma_wait3A_1631 = arith.constant 12288 : i32
        %dma_wait3A_1632 = tpu.memref_slice %arg11[%dma_wait3A_1631] : memref<16384xf32, #tpu.memory_space<vmem>> -> memref<2048xf32, #tpu.memory_space<vmem>>
        tpu.wait_dma2 semaphore(%arg17 : memref<!tpu.dma_semaphore, #tpu.memory_space<semaphore_mem>>) src(%dma_wait3A_1632 : memref<2048xf32, #tpu.memory_space<vmem>>) dst(%dma_wait3A_1630 : memref<2048xf32, #tpu.memory_space<hbm>>)
        %mul3A_1633 = arith.constant 8 : i32
        %mul3A_1634 = arith.muli %select_n3A_1509, %mul3A_1633 : i32
        %add3A_1635 = arith.constant 7 : i32
        %add3A_1636 = arith.addi %mul3A_1634, %add3A_1635 : i32
        %mul3A_1637 = arith.constant 32 : i32
        %mul3A_1638 = arith.muli %add3A_1636, %mul3A_1637 : i32
        %add3A_1639 = arith.addi %mul3A_1638, %mul3A_1527 : i32
        %mul3A_1640 = arith.constant 1024 : i32
        %mul3A_1641 = arith.muli %add3A_1639, %mul3A_1640 : i32
        %dma_wait3A_1642 = arith.constant 14336 : i32
        %dma_wait3A_1643 = tpu.memref_slice %arg11[%dma_wait3A_1642] : memref<16384xf32, #tpu.memory_space<vmem>> -> memref<2048xf32, #tpu.memory_space<vmem>>
        %dma_wait3A_1644 = tpu.memref_slice %arg5[%mul3A_1641] : memref<52428800xf32, #tpu.memory_space<hbm>> -> memref<2048xf32, #tpu.memory_space<hbm>>
        %dma_wait3A_1645 = tpu.memref_slice %arg5[%mul3A_1641] : memref<52428800xf32, #tpu.memory_space<hbm>> -> memref<2048xf32, #tpu.memory_space<hbm>>
        %dma_wait3A_1646 = arith.constant 14336 : i32
        %dma_wait3A_1647 = tpu.memref_slice %arg11[%dma_wait3A_1646] : memref<16384xf32, #tpu.memory_space<vmem>> -> memref<2048xf32, #tpu.memory_space<vmem>>
        tpu.wait_dma2 semaphore(%arg17 : memref<!tpu.dma_semaphore, #tpu.memory_space<semaphore_mem>>) src(%dma_wait3A_1647 : memref<2048xf32, #tpu.memory_space<vmem>>) dst(%dma_wait3A_1645 : memref<2048xf32, #tpu.memory_space<hbm>>)
      } else {
      }
      %dma_wait3A_1218 = arith.constant 0 : i32
      %dma_wait3A_1219 = arith.constant 0 : i32
      %dma_wait3A_1220 = tpu.memref_slice %arg3[%dma_wait3A_1218, %dma_wait3A_1219] : memref<100000x64xf32, #tpu.memory_space<hbm>> -> memref<100000x64xf32, #tpu.memory_space<hbm>>
      tpu.wait_indirect_dma semaphore(%arg15 : memref<!tpu.dma_semaphore, #tpu.memory_space<semaphore_mem>>) src(%dma_wait3A_1220 : memref<100000x64xf32, #tpu.memory_space<hbm>>) dst(%arg9 : memref<256x64xf32, #tpu.memory_space<vmem>>)
      %lt3A_1221 = arith.constant 49 : i32
      %lt3A_1222 = arith.cmpi slt, %scan3A_939, %lt3A_1221 : i32
      %convert_element_type3A_1223 = arith.extui %lt3A_1222 : i1 to i32
      %cond3A_1224 = arith.constant 0 : i32
      %cond3A_1225 = arith.cmpi ne, %convert_element_type3A_1223, %cond3A_1224 : i32
      scf.if %cond3A_1225 {
        %add3A_1484 = arith.constant 2 : i32
        %add3A_1485 = arith.addi %add3A_1212, %add3A_1484 : i32
        %jit3A_1486 = arith.constant 16 : i32
        %div3A_1487 = arith.divsi %add3A_1485, %jit3A_1486 : i32
        %sign3A_1488 = arith.constant 0 : i32
        %sign3A_1489 = arith.cmpi sgt, %add3A_1485, %sign3A_1488 : i32
        %sign3A_1490 = arith.extui %sign3A_1489 : i1 to i32
        %sign3A_1491 = arith.constant 0 : i32
        %sign3A_1492 = arith.cmpi slt, %add3A_1485, %sign3A_1491 : i32
        %sign3A_1493 = arith.extui %sign3A_1492 : i1 to i32
        %sign3A_1494 = arith.subi %sign3A_1490, %sign3A_1493 : i32
        %sign3A_1495 = arith.constant 0 : i32
        %sign3A_1496 = arith.cmpi sgt, %jit3A_1486, %sign3A_1495 : i32
        %sign3A_1497 = arith.extui %sign3A_1496 : i1 to i32
        %sign3A_1498 = arith.constant 0 : i32
        %sign3A_1499 = arith.cmpi slt, %jit3A_1486, %sign3A_1498 : i32
        %sign3A_1500 = arith.extui %sign3A_1499 : i1 to i32
        %sign3A_1501 = arith.subi %sign3A_1497, %sign3A_1500 : i32
        %ne3A_1502 = arith.cmpi ne, %sign3A_1494, %sign3A_1501 : i32
        %rem3A_1503 = arith.remsi %add3A_1485, %jit3A_1486 : i32
        %ne3A_1504 = arith.constant 0 : i32
        %ne3A_1505 = arith.cmpi ne, %rem3A_1503, %ne3A_1504 : i32
        %and3A_1506 = arith.andi %ne3A_1502, %ne3A_1505 : i1
        %sub3A_1507 = arith.constant 1 : i32
        %sub3A_1508 = arith.subi %div3A_1487, %sub3A_1507 : i32
        %select_n3A_1509 = arith.select %and3A_1506, %sub3A_1508, %div3A_1487 : i32
        %jit3A_1510 = arith.constant 16 : i32
        %eq3A_1511 = arith.constant 0 : i32
        %eq3A_1512 = arith.cmpi eq, %jit3A_1510, %eq3A_1511 : i32
        %jit3A_1513 = arith.constant 1 : i32
        %select_n3A_1514 = arith.select %eq3A_1512, %jit3A_1513, %jit3A_1510 : i32
        %rem3A_1515 = arith.remsi %add3A_1485, %select_n3A_1514 : i32
        %ne3A_1516 = arith.constant 0 : i32
        %ne3A_1517 = arith.cmpi ne, %rem3A_1515, %ne3A_1516 : i32
        %lt3A_1518 = arith.constant 0 : i32
        %lt3A_1519 = arith.cmpi slt, %rem3A_1515, %lt3A_1518 : i32
        %lt3A_1520 = arith.constant 0 : i32
        %lt3A_1521 = arith.cmpi slt, %select_n3A_1514, %lt3A_1520 : i32
        %ne3A_1522 = arith.xori %lt3A_1519, %lt3A_1521 : i1
        %and3A_1523 = arith.andi %ne3A_1522, %ne3A_1517 : i1
        %add3A_1524 = arith.addi %rem3A_1515, %select_n3A_1514 : i32
        %select_n3A_1525 = arith.select %and3A_1523, %add3A_1524, %rem3A_1515 : i32
        %mul3A_1526 = arith.constant 2 : i32
        %mul3A_1527 = arith.muli %select_n3A_1525, %mul3A_1526 : i32
        %shift_right_arithmetic3A_1528 = arith.constant 3 : i32
        %shift_right_arithmetic3A_1529 = arith.shrsi %select_n3A_1509, %shift_right_arithmetic3A_1528 : i32
        %mul3A_1530 = arith.constant 32 : i32
        %mul3A_1531 = arith.muli %shift_right_arithmetic3A_1529, %mul3A_1530 : i32
        %add3A_1532 = arith.addi %mul3A_1531, %mul3A_1527 : i32
        %add3A_1533 = arith.constant 0 : i32
        %add3A_1534 = arith.addi %add3A_1532, %add3A_1533 : i32
        %mul3A_1535 = arith.constant 1024 : i32
        %mul3A_1536 = arith.muli %add3A_1534, %mul3A_1535 : i32
        %and3A_1537 = arith.constant 7 : i32
        %and3A_1538 = arith.andi %select_n3A_1509, %and3A_1537 : i32
        %mul3A_1539 = arith.constant 128 : i32
        %mul3A_1540 = arith.muli %and3A_1538, %mul3A_1539 : i32
        %add3A_1541 = arith.addi %mul3A_1536, %mul3A_1540 : i32
        %dma_start3A_1542 = arith.constant 0 : i32
        %dma_start3A_1543 = tpu.memref_slice %arg7[%dma_start3A_1542] : memref<256xi32, #tpu.memory_space<vmem>> -> memref<128xi32, #tpu.memory_space<vmem>>
        %dma_start3A_1544 = tpu.memref_slice %arg2[%add3A_1541] : memref<819200xi32, #tpu.memory_space<hbm>> -> memref<128xi32, #tpu.memory_space<hbm>>
        %dma_start3A_1545 = arith.constant 0 : i32
        %dma_start3A_1546 = tpu.memref_slice %arg7[%dma_start3A_1545] : memref<256xi32, #tpu.memory_space<vmem>> -> memref<128xi32, #tpu.memory_space<vmem>>
        %dma_start3A_1547 = tpu.memref_slice %arg2[%add3A_1541] : memref<819200xi32, #tpu.memory_space<hbm>> -> memref<128xi32, #tpu.memory_space<hbm>>
        tpu.enqueue_dma source(%dma_start3A_1547 : memref<128xi32, #tpu.memory_space<hbm>>) target(%dma_start3A_1546 : memref<128xi32, #tpu.memory_space<vmem>>) target_semaphore(%arg19 : memref<!tpu.dma_semaphore, #tpu.memory_space<semaphore_mem>>)
        %shift_right_arithmetic3A_1548 = arith.constant 3 : i32
        %shift_right_arithmetic3A_1549 = arith.shrsi %select_n3A_1509, %shift_right_arithmetic3A_1548 : i32
        %mul3A_1550 = arith.constant 32 : i32
        %mul3A_1551 = arith.muli %shift_right_arithmetic3A_1549, %mul3A_1550 : i32
        %add3A_1552 = arith.addi %mul3A_1551, %mul3A_1527 : i32
        %add3A_1553 = arith.constant 1 : i32
        %add3A_1554 = arith.addi %add3A_1552, %add3A_1553 : i32
        %mul3A_1555 = arith.constant 1024 : i32
        %mul3A_1556 = arith.muli %add3A_1554, %mul3A_1555 : i32
        %and3A_1557 = arith.constant 7 : i32
        %and3A_1558 = arith.andi %select_n3A_1509, %and3A_1557 : i32
        %mul3A_1559 = arith.constant 128 : i32
        %mul3A_1560 = arith.muli %and3A_1558, %mul3A_1559 : i32
        %add3A_1561 = arith.addi %mul3A_1556, %mul3A_1560 : i32
        %dma_start3A_1562 = arith.constant 128 : i32
        %dma_start3A_1563 = tpu.memref_slice %arg7[%dma_start3A_1562] : memref<256xi32, #tpu.memory_space<vmem>> -> memref<128xi32, #tpu.memory_space<vmem>>
        %dma_start3A_1564 = tpu.memref_slice %arg2[%add3A_1561] : memref<819200xi32, #tpu.memory_space<hbm>> -> memref<128xi32, #tpu.memory_space<hbm>>
        %dma_start3A_1565 = arith.constant 128 : i32
        %dma_start3A_1566 = tpu.memref_slice %arg7[%dma_start3A_1565] : memref<256xi32, #tpu.memory_space<vmem>> -> memref<128xi32, #tpu.memory_space<vmem>>
        %dma_start3A_1567 = tpu.memref_slice %arg2[%add3A_1561] : memref<819200xi32, #tpu.memory_space<hbm>> -> memref<128xi32, #tpu.memory_space<hbm>>
        tpu.enqueue_dma source(%dma_start3A_1567 : memref<128xi32, #tpu.memory_space<hbm>>) target(%dma_start3A_1566 : memref<128xi32, #tpu.memory_space<vmem>>) target_semaphore(%arg19 : memref<!tpu.dma_semaphore, #tpu.memory_space<semaphore_mem>>)
      } else {
      }
      %jit3A_1226 = arith.constant 16 : i32
      %div3A_1227 = arith.divsi %add3A_1212, %jit3A_1226 : i32
      %sign3A_1228 = arith.constant 0 : i32
      %sign3A_1229 = arith.cmpi sgt, %add3A_1212, %sign3A_1228 : i32
      %sign3A_1230 = arith.extui %sign3A_1229 : i1 to i32
      %sign3A_1231 = arith.constant 0 : i32
      %sign3A_1232 = arith.cmpi slt, %add3A_1212, %sign3A_1231 : i32
      %sign3A_1233 = arith.extui %sign3A_1232 : i1 to i32
      %sign3A_1234 = arith.subi %sign3A_1230, %sign3A_1233 : i32
      %sign3A_1235 = arith.constant 0 : i32
      %sign3A_1236 = arith.cmpi sgt, %jit3A_1226, %sign3A_1235 : i32
      %sign3A_1237 = arith.extui %sign3A_1236 : i1 to i32
      %sign3A_1238 = arith.constant 0 : i32
      %sign3A_1239 = arith.cmpi slt, %jit3A_1226, %sign3A_1238 : i32
      %sign3A_1240 = arith.extui %sign3A_1239 : i1 to i32
      %sign3A_1241 = arith.subi %sign3A_1237, %sign3A_1240 : i32
      %ne3A_1242 = arith.cmpi ne, %sign3A_1234, %sign3A_1241 : i32
      %rem3A_1243 = arith.remsi %add3A_1212, %jit3A_1226 : i32
      %ne3A_1244 = arith.constant 0 : i32
      %ne3A_1245 = arith.cmpi ne, %rem3A_1243, %ne3A_1244 : i32
      %and3A_1246 = arith.andi %ne3A_1242, %ne3A_1245 : i1
      %sub3A_1247 = arith.constant 1 : i32
      %sub3A_1248 = arith.subi %div3A_1227, %sub3A_1247 : i32
      %select_n3A_1249 = arith.select %and3A_1246, %sub3A_1248, %div3A_1227 : i32
      %get3A_1250 = arith.constant 0 : i32
      %get3A_1251 = arith.index_cast %get3A_1250 : i32 to index
      %get3A_1252 = arith.constant 0 : index
      %get3A_1253 = tpu.vector_load %arg13[%get3A_1251, %get3A_1252] {strides = array<i32>} : memref<24x16xi32, #tpu.memory_space<vmem>>, vector<16xi32>,
      %get3A_1254 = arith.constant 1 : i32
      %get3A_1255 = arith.index_cast %get3A_1254 : i32 to index
      %get3A_1256 = arith.constant 0 : index
      %get3A_1257 = tpu.vector_load %arg13[%get3A_1255, %get3A_1256] {strides = array<i32>} : memref<24x16xi32, #tpu.memory_space<vmem>>, vector<16xi32>,
      %get3A_1258 = arith.constant 2 : i32
      %get3A_1259 = arith.index_cast %get3A_1258 : i32 to index
      %get3A_1260 = arith.constant 0 : index
      %get3A_1261 = tpu.vector_load %arg13[%get3A_1259, %get3A_1260] {strides = array<i32>} : memref<24x16xi32, #tpu.memory_space<vmem>>, vector<16xi32>,
      %get3A_1262 = arith.constant 3 : i32
      %get3A_1263 = arith.index_cast %get3A_1262 : i32 to index
      %get3A_1264 = arith.constant 0 : index
      %get3A_1265 = tpu.vector_load %arg13[%get3A_1263, %get3A_1264] {strides = array<i32>} : memref<24x16xi32, #tpu.memory_space<vmem>>, vector<16xi32>,
      %get3A_1266 = arith.constant 4 : i32
      %get3A_1267 = arith.index_cast %get3A_1266 : i32 to index
      %get3A_1268 = arith.constant 0 : index
      %get3A_1269 = tpu.vector_load %arg13[%get3A_1267, %get3A_1268] {strides = array<i32>} : memref<24x16xi32, #tpu.memory_space<vmem>>, vector<16xi32>,
      %get3A_1270 = arith.constant 5 : i32
      %get3A_1271 = arith.index_cast %get3A_1270 : i32 to index
      %get3A_1272 = arith.constant 0 : index
      %get3A_1273 = tpu.vector_load %arg13[%get3A_1271, %get3A_1272] {strides = array<i32>} : memref<24x16xi32, #tpu.memory_space<vmem>>, vector<16xi32>,
      %get3A_1274 = arith.constant 6 : i32
      %get3A_1275 = arith.index_cast %get3A_1274 : i32 to index
      %get3A_1276 = arith.constant 0 : index
      %get3A_1277 = tpu.vector_load %arg13[%get3A_1275, %get3A_1276] {strides = array<i32>} : memref<24x16xi32, #tpu.memory_space<vmem>>, vector<16xi32>,
      %get3A_1278 = arith.constant 7 : i32
      %get3A_1279 = arith.index_cast %get3A_1278 : i32 to index
      %get3A_1280 = arith.constant 0 : index
      %get3A_1281 = tpu.vector_load %arg13[%get3A_1279, %get3A_1280] {strides = array<i32>} : memref<24x16xi32, #tpu.memory_space<vmem>>, vector<16xi32>,
      %get3A_1282 = arith.constant 8 : i32
      %get3A_1283 = arith.index_cast %get3A_1282 : i32 to index
      %get3A_1284 = arith.constant 0 : index
      %get3A_1285 = tpu.vector_load %arg13[%get3A_1283, %get3A_1284] {strides = array<i32>} : memref<24x16xi32, #tpu.memory_space<vmem>>, vector<16xi32>,
      %get3A_1286 = arith.constant 9 : i32
      %get3A_1287 = arith.index_cast %get3A_1286 : i32 to index
      %get3A_1288 = arith.constant 0 : index
      %get3A_1289 = tpu.vector_load %arg13[%get3A_1287, %get3A_1288] {strides = array<i32>} : memref<24x16xi32, #tpu.memory_space<vmem>>, vector<16xi32>,
      %get3A_1290 = arith.constant 10 : i32
      %get3A_1291 = arith.index_cast %get3A_1290 : i32 to index
      %get3A_1292 = arith.constant 0 : index
      %get3A_1293 = tpu.vector_load %arg13[%get3A_1291, %get3A_1292] {strides = array<i32>} : memref<24x16xi32, #tpu.memory_space<vmem>>, vector<16xi32>,
      %get3A_1294 = arith.constant 11 : i32
      %get3A_1295 = arith.index_cast %get3A_1294 : i32 to index
      %get3A_1296 = arith.constant 0 : index
      %get3A_1297 = tpu.vector_load %arg13[%get3A_1295, %get3A_1296] {strides = array<i32>} : memref<24x16xi32, #tpu.memory_space<vmem>>, vector<16xi32>,
      %get3A_1298 = arith.constant 12 : i32
      %get3A_1299 = arith.index_cast %get3A_1298 : i32 to index
      %get3A_1300 = arith.constant 0 : index
      %get3A_1301 = tpu.vector_load %arg13[%get3A_1299, %get3A_1300] {strides = array<i32>} : memref<24x16xi32, #tpu.memory_space<vmem>>, vector<16xi32>,
      %get3A_1302 = arith.constant 13 : i32
      %get3A_1303 = arith.index_cast %get3A_1302 : i32 to index
      %get3A_1304 = arith.constant 0 : index
      %get3A_1305 = tpu.vector_load %arg13[%get3A_1303, %get3A_1304] {strides = array<i32>} : memref<24x16xi32, #tpu.memory_space<vmem>>, vector<16xi32>,
      %get3A_1306 = arith.constant 14 : i32
      %get3A_1307 = arith.index_cast %get3A_1306 : i32 to index
      %get3A_1308 = arith.constant 0 : index
      %get3A_1309 = tpu.vector_load %arg13[%get3A_1307, %get3A_1308] {strides = array<i32>} : memref<24x16xi32, #tpu.memory_space<vmem>>, vector<16xi32>,
      %get3A_1310 = arith.constant 15 : i32
      %get3A_1311 = arith.index_cast %get3A_1310 : i32 to index
      %get3A_1312 = arith.constant 0 : index
      %get3A_1313 = tpu.vector_load %arg13[%get3A_1311, %get3A_1312] {strides = array<i32>} : memref<24x16xi32, #tpu.memory_space<vmem>>, vector<16xi32>,
      %parallel_loop3A_1314 = arith.constant 0 : i32
      %parallel_loop3A_1315 = arith.constant 64 : i32
      %parallel_loop3A_1316 = arith.constant 1 : i32
      scf.for %parallel_loop3A_1484 = %parallel_loop3A_1314 to %parallel_loop3A_1315 step %parallel_loop3A_1316  : i32 {
        %parallel_loop3A_1485 = arith.constant 3 : i32
        %parallel_loop3A_1486 = arith.shrsi %parallel_loop3A_1484, %parallel_loop3A_1485 : i32
        %parallel_loop3A_1487 = arith.constant 2 : i32
        %parallel_loop3A_1488 = arith.shrsi %parallel_loop3A_1484, %parallel_loop3A_1487 : i32
        %parallel_loop3A_1489 = arith.constant 1 : i32
        %parallel_loop3A_1490 = arith.andi %parallel_loop3A_1488, %parallel_loop3A_1489 : i32
        %parallel_loop3A_1491 = arith.constant 3 : i32
        %parallel_loop3A_1492 = arith.andi %parallel_loop3A_1484, %parallel_loop3A_1491 : i32
        %parallel_loop3A_1493 = arith.constant 128 : i32
        %parallel_loop3A_1494 = arith.muli %parallel_loop3A_1490, %parallel_loop3A_1493 : i32
        %parallel_loop3A_1495 = arith.constant 16 : i32
        %parallel_loop3A_1496 = arith.muli %parallel_loop3A_1486, %parallel_loop3A_1495 : i32
        %parallel_loop3A_1497 = arith.addi %parallel_loop3A_1494, %parallel_loop3A_1496 : i32
        %parallel_loop3A_1498 = arith.constant 1024 : i32
        %parallel_loop3A_1499 = arith.muli %parallel_loop3A_1490, %parallel_loop3A_1498 : i32
        %parallel_loop3A_1500 = arith.constant 16 : i32
        %parallel_loop3A_1501 = arith.muli %parallel_loop3A_1486, %parallel_loop3A_1500 : i32
        %parallel_loop3A_1502 = arith.addi %parallel_loop3A_1499, %parallel_loop3A_1501 : i32
        %parallel_loop3A_1503 = arith.constant 16 : i32
        %parallel_loop3A_1504 = arith.muli %parallel_loop3A_1492, %parallel_loop3A_1503 : i32
        %parallel_loop3A_1505 = arith.index_cast %select_n3A_1249 : i32 to index
        %parallel_loop3A_1506 = arith.index_cast %parallel_loop3A_1504 : i32 to index
        %parallel_loop3A_1507 = tpu.vector_load %arg12[%parallel_loop3A_1505, %parallel_loop3A_1506] {strides = array<i32>} : memref<200x64xf32, #tpu.memory_space<vmem>>, vector<16xf32>,
        %parallel_loop3A_1508 = arith.constant 20 : i32
        %parallel_loop3A_1509 = arith.addi %parallel_loop3A_1508, %parallel_loop3A_1492 : i32
        %parallel_loop3A_1510 = arith.index_cast %parallel_loop3A_1509 : i32 to index
        %parallel_loop3A_1511 = arith.constant 0 : index
        %parallel_loop3A_1512 = tpu.vector_load %arg13[%parallel_loop3A_1510, %parallel_loop3A_1511] {strides = array<i32>} : memref<24x16xi32, #tpu.memory_space<vmem>>, vector<16xi32>,
        %parallel_loop3A_1513 = arith.constant 16 : i32
        %parallel_loop3A_1514 = arith.addi %parallel_loop3A_1513, %parallel_loop3A_1492 : i32
        %parallel_loop3A_1515 = arith.index_cast %parallel_loop3A_1514 : i32 to index
        %parallel_loop3A_1516 = arith.constant 0 : index
        %parallel_loop3A_1517 = tpu.vector_load %arg13[%parallel_loop3A_1515, %parallel_loop3A_1516] {strides = array<i32>} : memref<24x16xi32, #tpu.memory_space<vmem>>, vector<16xi32>,
        %parallel_loop3A_1518 = vector.broadcast %parallel_loop3A_1502 : i32 to vector<16xi32>
        %parallel_loop3A_1519 = arith.addi %parallel_loop3A_1517, %parallel_loop3A_1518 : vector<16xi32>
        %parallel_loop3A_1520 = vector.broadcast %parallel_loop3A_1497 : i32 to vector<16xi32>
        %parallel_loop3A_1521 = arith.addi %get3A_1253, %parallel_loop3A_1520 : vector<16xi32>
        %parallel_loop3A_1522 = tpu.vector_load_idx %arg9[%parallel_loop3A_1521, %parallel_loop3A_1512] : memref<256x64xf32, #tpu.memory_space<vmem>>[vector<16xi32>, vector<16xi32>], vector<16xf32>,
        %parallel_loop3A_1523 = arith.addi %parallel_loop3A_1519, %get3A_1253 : vector<16xi32>
        %parallel_loop3A_1524 = arith.addf %parallel_loop3A_1522, %parallel_loop3A_1507 : vector<16xf32>
        tpu.vector_store_idx %arg11[%parallel_loop3A_1523], %parallel_loop3A_1524 : memref<16384xf32, #tpu.memory_space<vmem>>[vector<16xi32>], vector<16xf32>,
        %parallel_loop3A_1525 = vector.broadcast %parallel_loop3A_1497 : i32 to vector<16xi32>
        %parallel_loop3A_1526 = arith.addi %get3A_1257, %parallel_loop3A_1525 : vector<16xi32>
        %parallel_loop3A_1527 = tpu.vector_load_idx %arg9[%parallel_loop3A_1526, %parallel_loop3A_1512] : memref<256x64xf32, #tpu.memory_space<vmem>>[vector<16xi32>, vector<16xi32>], vector<16xf32>,
        %parallel_loop3A_1528 = arith.addi %parallel_loop3A_1519, %get3A_1257 : vector<16xi32>
        %parallel_loop3A_1529 = arith.addf %parallel_loop3A_1527, %parallel_loop3A_1507 : vector<16xf32>
        tpu.vector_store_idx %arg11[%parallel_loop3A_1528], %parallel_loop3A_1529 : memref<16384xf32, #tpu.memory_space<vmem>>[vector<16xi32>], vector<16xf32>,
        %parallel_loop3A_1530 = vector.broadcast %parallel_loop3A_1497 : i32 to vector<16xi32>
        %parallel_loop3A_1531 = arith.addi %get3A_1261, %parallel_loop3A_1530 : vector<16xi32>
        %parallel_loop3A_1532 = tpu.vector_load_idx %arg9[%parallel_loop3A_1531, %parallel_loop3A_1512] : memref<256x64xf32, #tpu.memory_space<vmem>>[vector<16xi32>, vector<16xi32>], vector<16xf32>,
        %parallel_loop3A_1533 = arith.addi %parallel_loop3A_1519, %get3A_1261 : vector<16xi32>
        %parallel_loop3A_1534 = arith.addf %parallel_loop3A_1532, %parallel_loop3A_1507 : vector<16xf32>
        tpu.vector_store_idx %arg11[%parallel_loop3A_1533], %parallel_loop3A_1534 : memref<16384xf32, #tpu.memory_space<vmem>>[vector<16xi32>], vector<16xf32>,
        %parallel_loop3A_1535 = vector.broadcast %parallel_loop3A_1497 : i32 to vector<16xi32>
        %parallel_loop3A_1536 = arith.addi %get3A_1265, %parallel_loop3A_1535 : vector<16xi32>
        %parallel_loop3A_1537 = tpu.vector_load_idx %arg9[%parallel_loop3A_1536, %parallel_loop3A_1512] : memref<256x64xf32, #tpu.memory_space<vmem>>[vector<16xi32>, vector<16xi32>], vector<16xf32>,
        %parallel_loop3A_1538 = arith.addi %parallel_loop3A_1519, %get3A_1265 : vector<16xi32>
        %parallel_loop3A_1539 = arith.addf %parallel_loop3A_1537, %parallel_loop3A_1507 : vector<16xf32>
        tpu.vector_store_idx %arg11[%parallel_loop3A_1538], %parallel_loop3A_1539 : memref<16384xf32, #tpu.memory_space<vmem>>[vector<16xi32>], vector<16xf32>,
        %parallel_loop3A_1540 = vector.broadcast %parallel_loop3A_1497 : i32 to vector<16xi32>
        %parallel_loop3A_1541 = arith.addi %get3A_1269, %parallel_loop3A_1540 : vector<16xi32>
        %parallel_loop3A_1542 = tpu.vector_load_idx %arg9[%parallel_loop3A_1541, %parallel_loop3A_1512] : memref<256x64xf32, #tpu.memory_space<vmem>>[vector<16xi32>, vector<16xi32>], vector<16xf32>,
        %parallel_loop3A_1543 = arith.addi %parallel_loop3A_1519, %get3A_1269 : vector<16xi32>
        %parallel_loop3A_1544 = arith.addf %parallel_loop3A_1542, %parallel_loop3A_1507 : vector<16xf32>
        tpu.vector_store_idx %arg11[%parallel_loop3A_1543], %parallel_loop3A_1544 : memref<16384xf32, #tpu.memory_space<vmem>>[vector<16xi32>], vector<16xf32>,
        %parallel_loop3A_1545 = vector.broadcast %parallel_loop3A_1497 : i32 to vector<16xi32>
        %parallel_loop3A_1546 = arith.addi %get3A_1273, %parallel_loop3A_1545 : vector<16xi32>
        %parallel_loop3A_1547 = tpu.vector_load_idx %arg9[%parallel_loop3A_1546, %parallel_loop3A_1512] : memref<256x64xf32, #tpu.memory_space<vmem>>[vector<16xi32>, vector<16xi32>], vector<16xf32>,
        %parallel_loop3A_1548 = arith.addi %parallel_loop3A_1519, %get3A_1273 : vector<16xi32>
        %parallel_loop3A_1549 = arith.addf %parallel_loop3A_1547, %parallel_loop3A_1507 : vector<16xf32>
        tpu.vector_store_idx %arg11[%parallel_loop3A_1548], %parallel_loop3A_1549 : memref<16384xf32, #tpu.memory_space<vmem>>[vector<16xi32>], vector<16xf32>,
        %parallel_loop3A_1550 = vector.broadcast %parallel_loop3A_1497 : i32 to vector<16xi32>
        %parallel_loop3A_1551 = arith.addi %get3A_1277, %parallel_loop3A_1550 : vector<16xi32>
        %parallel_loop3A_1552 = tpu.vector_load_idx %arg9[%parallel_loop3A_1551, %parallel_loop3A_1512] : memref<256x64xf32, #tpu.memory_space<vmem>>[vector<16xi32>, vector<16xi32>], vector<16xf32>,
        %parallel_loop3A_1553 = arith.addi %parallel_loop3A_1519, %get3A_1277 : vector<16xi32>
        %parallel_loop3A_1554 = arith.addf %parallel_loop3A_1552, %parallel_loop3A_1507 : vector<16xf32>
        tpu.vector_store_idx %arg11[%parallel_loop3A_1553], %parallel_loop3A_1554 : memref<16384xf32, #tpu.memory_space<vmem>>[vector<16xi32>], vector<16xf32>,
        %parallel_loop3A_1555 = vector.broadcast %parallel_loop3A_1497 : i32 to vector<16xi32>
        %parallel_loop3A_1556 = arith.addi %get3A_1281, %parallel_loop3A_1555 : vector<16xi32>
        %parallel_loop3A_1557 = tpu.vector_load_idx %arg9[%parallel_loop3A_1556, %parallel_loop3A_1512] : memref<256x64xf32, #tpu.memory_space<vmem>>[vector<16xi32>, vector<16xi32>], vector<16xf32>,
        %parallel_loop3A_1558 = arith.addi %parallel_loop3A_1519, %get3A_1281 : vector<16xi32>
        %parallel_loop3A_1559 = arith.addf %parallel_loop3A_1557, %parallel_loop3A_1507 : vector<16xf32>
        tpu.vector_store_idx %arg11[%parallel_loop3A_1558], %parallel_loop3A_1559 : memref<16384xf32, #tpu.memory_space<vmem>>[vector<16xi32>], vector<16xf32>,
        %parallel_loop3A_1560 = vector.broadcast %parallel_loop3A_1497 : i32 to vector<16xi32>
        %parallel_loop3A_1561 = arith.addi %get3A_1285, %parallel_loop3A_1560 : vector<16xi32>
        %parallel_loop3A_1562 = tpu.vector_load_idx %arg9[%parallel_loop3A_1561, %parallel_loop3A_1512] : memref<256x64xf32, #tpu.memory_space<vmem>>[vector<16xi32>, vector<16xi32>], vector<16xf32>,
        %parallel_loop3A_1563 = arith.addi %parallel_loop3A_1519, %get3A_1285 : vector<16xi32>
        %parallel_loop3A_1564 = arith.addf %parallel_loop3A_1562, %parallel_loop3A_1507 : vector<16xf32>
        tpu.vector_store_idx %arg11[%parallel_loop3A_1563], %parallel_loop3A_1564 : memref<16384xf32, #tpu.memory_space<vmem>>[vector<16xi32>], vector<16xf32>,
        %parallel_loop3A_1565 = vector.broadcast %parallel_loop3A_1497 : i32 to vector<16xi32>
        %parallel_loop3A_1566 = arith.addi %get3A_1289, %parallel_loop3A_1565 : vector<16xi32>
        %parallel_loop3A_1567 = tpu.vector_load_idx %arg9[%parallel_loop3A_1566, %parallel_loop3A_1512] : memref<256x64xf32, #tpu.memory_space<vmem>>[vector<16xi32>, vector<16xi32>], vector<16xf32>,
        %parallel_loop3A_1568 = arith.addi %parallel_loop3A_1519, %get3A_1289 : vector<16xi32>
        %parallel_loop3A_1569 = arith.addf %parallel_loop3A_1567, %parallel_loop3A_1507 : vector<16xf32>
        tpu.vector_store_idx %arg11[%parallel_loop3A_1568], %parallel_loop3A_1569 : memref<16384xf32, #tpu.memory_space<vmem>>[vector<16xi32>], vector<16xf32>,
        %parallel_loop3A_1570 = vector.broadcast %parallel_loop3A_1497 : i32 to vector<16xi32>
        %parallel_loop3A_1571 = arith.addi %get3A_1293, %parallel_loop3A_1570 : vector<16xi32>
        %parallel_loop3A_1572 = tpu.vector_load_idx %arg9[%parallel_loop3A_1571, %parallel_loop3A_1512] : memref<256x64xf32, #tpu.memory_space<vmem>>[vector<16xi32>, vector<16xi32>], vector<16xf32>,
        %parallel_loop3A_1573 = arith.addi %parallel_loop3A_1519, %get3A_1293 : vector<16xi32>
        %parallel_loop3A_1574 = arith.addf %parallel_loop3A_1572, %parallel_loop3A_1507 : vector<16xf32>
        tpu.vector_store_idx %arg11[%parallel_loop3A_1573], %parallel_loop3A_1574 : memref<16384xf32, #tpu.memory_space<vmem>>[vector<16xi32>], vector<16xf32>,
        %parallel_loop3A_1575 = vector.broadcast %parallel_loop3A_1497 : i32 to vector<16xi32>
        %parallel_loop3A_1576 = arith.addi %get3A_1297, %parallel_loop3A_1575 : vector<16xi32>
        %parallel_loop3A_1577 = tpu.vector_load_idx %arg9[%parallel_loop3A_1576, %parallel_loop3A_1512] : memref<256x64xf32, #tpu.memory_space<vmem>>[vector<16xi32>, vector<16xi32>], vector<16xf32>,
        %parallel_loop3A_1578 = arith.addi %parallel_loop3A_1519, %get3A_1297 : vector<16xi32>
        %parallel_loop3A_1579 = arith.addf %parallel_loop3A_1577, %parallel_loop3A_1507 : vector<16xf32>
        tpu.vector_store_idx %arg11[%parallel_loop3A_1578], %parallel_loop3A_1579 : memref<16384xf32, #tpu.memory_space<vmem>>[vector<16xi32>], vector<16xf32>,
        %parallel_loop3A_1580 = vector.broadcast %parallel_loop3A_1497 : i32 to vector<16xi32>
        %parallel_loop3A_1581 = arith.addi %get3A_1301, %parallel_loop3A_1580 : vector<16xi32>
        %parallel_loop3A_1582 = tpu.vector_load_idx %arg9[%parallel_loop3A_1581, %parallel_loop3A_1512] : memref<256x64xf32, #tpu.memory_space<vmem>>[vector<16xi32>, vector<16xi32>], vector<16xf32>,
        %parallel_loop3A_1583 = arith.addi %parallel_loop3A_1519, %get3A_1301 : vector<16xi32>
        %parallel_loop3A_1584 = arith.addf %parallel_loop3A_1582, %parallel_loop3A_1507 : vector<16xf32>
        tpu.vector_store_idx %arg11[%parallel_loop3A_1583], %parallel_loop3A_1584 : memref<16384xf32, #tpu.memory_space<vmem>>[vector<16xi32>], vector<16xf32>,
        %parallel_loop3A_1585 = vector.broadcast %parallel_loop3A_1497 : i32 to vector<16xi32>
        %parallel_loop3A_1586 = arith.addi %get3A_1305, %parallel_loop3A_1585 : vector<16xi32>
        %parallel_loop3A_1587 = tpu.vector_load_idx %arg9[%parallel_loop3A_1586, %parallel_loop3A_1512] : memref<256x64xf32, #tpu.memory_space<vmem>>[vector<16xi32>, vector<16xi32>], vector<16xf32>,
        %parallel_loop3A_1588 = arith.addi %parallel_loop3A_1519, %get3A_1305 : vector<16xi32>
        %parallel_loop3A_1589 = arith.addf %parallel_loop3A_1587, %parallel_loop3A_1507 : vector<16xf32>
        tpu.vector_store_idx %arg11[%parallel_loop3A_1588], %parallel_loop3A_1589 : memref<16384xf32, #tpu.memory_space<vmem>>[vector<16xi32>], vector<16xf32>,
        %parallel_loop3A_1590 = vector.broadcast %parallel_loop3A_1497 : i32 to vector<16xi32>
        %parallel_loop3A_1591 = arith.addi %get3A_1309, %parallel_loop3A_1590 : vector<16xi32>
        %parallel_loop3A_1592 = tpu.vector_load_idx %arg9[%parallel_loop3A_1591, %parallel_loop3A_1512] : memref<256x64xf32, #tpu.memory_space<vmem>>[vector<16xi32>, vector<16xi32>], vector<16xf32>,
        %parallel_loop3A_1593 = arith.addi %parallel_loop3A_1519, %get3A_1309 : vector<16xi32>
        %parallel_loop3A_1594 = arith.addf %parallel_loop3A_1592, %parallel_loop3A_1507 : vector<16xf32>
        tpu.vector_store_idx %arg11[%parallel_loop3A_1593], %parallel_loop3A_1594 : memref<16384xf32, #tpu.memory_space<vmem>>[vector<16xi32>], vector<16xf32>,
        %parallel_loop3A_1595 = vector.broadcast %parallel_loop3A_1497 : i32 to vector<16xi32>
        %parallel_loop3A_1596 = arith.addi %get3A_1313, %parallel_loop3A_1595 : vector<16xi32>
        %parallel_loop3A_1597 = tpu.vector_load_idx %arg9[%parallel_loop3A_1596, %parallel_loop3A_1512] : memref<256x64xf32, #tpu.memory_space<vmem>>[vector<16xi32>, vector<16xi32>], vector<16xf32>,
        %parallel_loop3A_1598 = arith.addi %parallel_loop3A_1519, %get3A_1313 : vector<16xi32>
        %parallel_loop3A_1599 = arith.addf %parallel_loop3A_1597, %parallel_loop3A_1507 : vector<16xf32>
        tpu.vector_store_idx %arg11[%parallel_loop3A_1598], %parallel_loop3A_1599 : memref<16384xf32, #tpu.memory_space<vmem>>[vector<16xi32>], vector<16xf32>,
      } {sc.loop_unroll_factor = 1 : i64, sc.parallel_access}
      %jit3A_1317 = arith.constant 16 : i32
      %div3A_1318 = arith.divsi %add3A_1212, %jit3A_1317 : i32
      %sign3A_1319 = arith.constant 0 : i32
      %sign3A_1320 = arith.cmpi sgt, %add3A_1212, %sign3A_1319 : i32
      %sign3A_1321 = arith.extui %sign3A_1320 : i1 to i32
      %sign3A_1322 = arith.constant 0 : i32
      %sign3A_1323 = arith.cmpi slt, %add3A_1212, %sign3A_1322 : i32
      %sign3A_1324 = arith.extui %sign3A_1323 : i1 to i32
      %sign3A_1325 = arith.subi %sign3A_1321, %sign3A_1324 : i32
      %sign3A_1326 = arith.constant 0 : i32
      %sign3A_1327 = arith.cmpi sgt, %jit3A_1317, %sign3A_1326 : i32
      %sign3A_1328 = arith.extui %sign3A_1327 : i1 to i32
      %sign3A_1329 = arith.constant 0 : i32
      %sign3A_1330 = arith.cmpi slt, %jit3A_1317, %sign3A_1329 : i32
      %sign3A_1331 = arith.extui %sign3A_1330 : i1 to i32
      %sign3A_1332 = arith.subi %sign3A_1328, %sign3A_1331 : i32
      %ne3A_1333 = arith.cmpi ne, %sign3A_1325, %sign3A_1332 : i32
      %rem3A_1334 = arith.remsi %add3A_1212, %jit3A_1317 : i32
      %ne3A_1335 = arith.constant 0 : i32
      %ne3A_1336 = arith.cmpi ne, %rem3A_1334, %ne3A_1335 : i32
      %and3A_1337 = arith.andi %ne3A_1333, %ne3A_1336 : i1
      %sub3A_1338 = arith.constant 1 : i32
      %sub3A_1339 = arith.subi %div3A_1318, %sub3A_1338 : i32
      %select_n3A_1340 = arith.select %and3A_1337, %sub3A_1339, %div3A_1318 : i32
      %jit3A_1341 = arith.constant 16 : i32
      %eq3A_1342 = arith.constant 0 : i32
      %eq3A_1343 = arith.cmpi eq, %jit3A_1341, %eq3A_1342 : i32
      %jit3A_1344 = arith.constant 1 : i32
      %select_n3A_1345 = arith.select %eq3A_1343, %jit3A_1344, %jit3A_1341 : i32
      %rem3A_1346 = arith.remsi %add3A_1212, %select_n3A_1345 : i32
      %ne3A_1347 = arith.constant 0 : i32
      %ne3A_1348 = arith.cmpi ne, %rem3A_1346, %ne3A_1347 : i32
      %lt3A_1349 = arith.constant 0 : i32
      %lt3A_1350 = arith.cmpi slt, %rem3A_1346, %lt3A_1349 : i32
      %lt3A_1351 = arith.constant 0 : i32
      %lt3A_1352 = arith.cmpi slt, %select_n3A_1345, %lt3A_1351 : i32
      %ne3A_1353 = arith.xori %lt3A_1350, %lt3A_1352 : i1
      %and3A_1354 = arith.andi %ne3A_1353, %ne3A_1348 : i1
      %add3A_1355 = arith.addi %rem3A_1346, %select_n3A_1345 : i32
      %select_n3A_1356 = arith.select %and3A_1354, %add3A_1355, %rem3A_1346 : i32
      %mul3A_1357 = arith.constant 2 : i32
      %mul3A_1358 = arith.muli %select_n3A_1356, %mul3A_1357 : i32
      %mul3A_1359 = arith.constant 8 : i32
      %mul3A_1360 = arith.muli %select_n3A_1340, %mul3A_1359 : i32
      %add3A_1361 = arith.constant 0 : i32
      %add3A_1362 = arith.addi %mul3A_1360, %add3A_1361 : i32
      %mul3A_1363 = arith.constant 32 : i32
      %mul3A_1364 = arith.muli %add3A_1362, %mul3A_1363 : i32
      %add3A_1365 = arith.addi %mul3A_1364, %mul3A_1358 : i32
      %mul3A_1366 = arith.constant 1024 : i32
      %mul3A_1367 = arith.muli %add3A_1365, %mul3A_1366 : i32
      %dma_start3A_1368 = arith.constant 0 : i32
      %dma_start3A_1369 = tpu.memref_slice %arg11[%dma_start3A_1368] : memref<16384xf32, #tpu.memory_space<vmem>> -> memref<2048xf32, #tpu.memory_space<vmem>>
      %dma_start3A_1370 = tpu.memref_slice %arg5[%mul3A_1367] : memref<52428800xf32, #tpu.memory_space<hbm>> -> memref<2048xf32, #tpu.memory_space<hbm>>
      %dma_start3A_1371 = tpu.memref_slice %arg5[%mul3A_1367] : memref<52428800xf32, #tpu.memory_space<hbm>> -> memref<2048xf32, #tpu.memory_space<hbm>>
      %dma_start3A_1372 = arith.constant 0 : i32
      %dma_start3A_1373 = tpu.memref_slice %arg11[%dma_start3A_1372] : memref<16384xf32, #tpu.memory_space<vmem>> -> memref<2048xf32, #tpu.memory_space<vmem>>
      tpu.enqueue_dma source(%dma_start3A_1373 : memref<2048xf32, #tpu.memory_space<vmem>>) target(%dma_start3A_1371 : memref<2048xf32, #tpu.memory_space<hbm>>) target_semaphore(%arg17 : memref<!tpu.dma_semaphore, #tpu.memory_space<semaphore_mem>>)
      %mul3A_1374 = arith.constant 8 : i32
      %mul3A_1375 = arith.muli %select_n3A_1340, %mul3A_1374 : i32
      %add3A_1376 = arith.constant 1 : i32
      %add3A_1377 = arith.addi %mul3A_1375, %add3A_1376 : i32
      %mul3A_1378 = arith.constant 32 : i32
      %mul3A_1379 = arith.muli %add3A_1377, %mul3A_1378 : i32
      %add3A_1380 = arith.addi %mul3A_1379, %mul3A_1358 : i32
      %mul3A_1381 = arith.constant 1024 : i32
      %mul3A_1382 = arith.muli %add3A_1380, %mul3A_1381 : i32
      %dma_start3A_1383 = arith.constant 2048 : i32
      %dma_start3A_1384 = tpu.memref_slice %arg11[%dma_start3A_1383] : memref<16384xf32, #tpu.memory_space<vmem>> -> memref<2048xf32, #tpu.memory_space<vmem>>
      %dma_start3A_1385 = tpu.memref_slice %arg5[%mul3A_1382] : memref<52428800xf32, #tpu.memory_space<hbm>> -> memref<2048xf32, #tpu.memory_space<hbm>>
      %dma_start3A_1386 = tpu.memref_slice %arg5[%mul3A_1382] : memref<52428800xf32, #tpu.memory_space<hbm>> -> memref<2048xf32, #tpu.memory_space<hbm>>
      %dma_start3A_1387 = arith.constant 2048 : i32
      %dma_start3A_1388 = tpu.memref_slice %arg11[%dma_start3A_1387] : memref<16384xf32, #tpu.memory_space<vmem>> -> memref<2048xf32, #tpu.memory_space<vmem>>
      tpu.enqueue_dma source(%dma_start3A_1388 : memref<2048xf32, #tpu.memory_space<vmem>>) target(%dma_start3A_1386 : memref<2048xf32, #tpu.memory_space<hbm>>) target_semaphore(%arg17 : memref<!tpu.dma_semaphore, #tpu.memory_space<semaphore_mem>>)
      %mul3A_1389 = arith.constant 8 : i32
      %mul3A_1390 = arith.muli %select_n3A_1340, %mul3A_1389 : i32
      %add3A_1391 = arith.constant 2 : i32
      %add3A_1392 = arith.addi %mul3A_1390, %add3A_1391 : i32
      %mul3A_1393 = arith.constant 32 : i32
      %mul3A_1394 = arith.muli %add3A_1392, %mul3A_1393 : i32
      %add3A_1395 = arith.addi %mul3A_1394, %mul3A_1358 : i32
      %mul3A_1396 = arith.constant 1024 : i32
      %mul3A_1397 = arith.muli %add3A_1395, %mul3A_1396 : i32
      %dma_start3A_1398 = arith.constant 4096 : i32
      %dma_start3A_1399 = tpu.memref_slice %arg11[%dma_start3A_1398] : memref<16384xf32, #tpu.memory_space<vmem>> -> memref<2048xf32, #tpu.memory_space<vmem>>
      %dma_start3A_1400 = tpu.memref_slice %arg5[%mul3A_1397] : memref<52428800xf32, #tpu.memory_space<hbm>> -> memref<2048xf32, #tpu.memory_space<hbm>>
      %dma_start3A_1401 = tpu.memref_slice %arg5[%mul3A_1397] : memref<52428800xf32, #tpu.memory_space<hbm>> -> memref<2048xf32, #tpu.memory_space<hbm>>
      %dma_start3A_1402 = arith.constant 4096 : i32
      %dma_start3A_1403 = tpu.memref_slice %arg11[%dma_start3A_1402] : memref<16384xf32, #tpu.memory_space<vmem>> -> memref<2048xf32, #tpu.memory_space<vmem>>
      tpu.enqueue_dma source(%dma_start3A_1403 : memref<2048xf32, #tpu.memory_space<vmem>>) target(%dma_start3A_1401 : memref<2048xf32, #tpu.memory_space<hbm>>) target_semaphore(%arg17 : memref<!tpu.dma_semaphore, #tpu.memory_space<semaphore_mem>>)
      %mul3A_1404 = arith.constant 8 : i32
      %mul3A_1405 = arith.muli %select_n3A_1340, %mul3A_1404 : i32
      %add3A_1406 = arith.constant 3 : i32
      %add3A_1407 = arith.addi %mul3A_1405, %add3A_1406 : i32
      %mul3A_1408 = arith.constant 32 : i32
      %mul3A_1409 = arith.muli %add3A_1407, %mul3A_1408 : i32
      %add3A_1410 = arith.addi %mul3A_1409, %mul3A_1358 : i32
      %mul3A_1411 = arith.constant 1024 : i32
      %mul3A_1412 = arith.muli %add3A_1410, %mul3A_1411 : i32
      %dma_start3A_1413 = arith.constant 6144 : i32
      %dma_start3A_1414 = tpu.memref_slice %arg11[%dma_start3A_1413] : memref<16384xf32, #tpu.memory_space<vmem>> -> memref<2048xf32, #tpu.memory_space<vmem>>
      %dma_start3A_1415 = tpu.memref_slice %arg5[%mul3A_1412] : memref<52428800xf32, #tpu.memory_space<hbm>> -> memref<2048xf32, #tpu.memory_space<hbm>>
      %dma_start3A_1416 = tpu.memref_slice %arg5[%mul3A_1412] : memref<52428800xf32, #tpu.memory_space<hbm>> -> memref<2048xf32, #tpu.memory_space<hbm>>
      %dma_start3A_1417 = arith.constant 6144 : i32
      %dma_start3A_1418 = tpu.memref_slice %arg11[%dma_start3A_1417] : memref<16384xf32, #tpu.memory_space<vmem>> -> memref<2048xf32, #tpu.memory_space<vmem>>
      tpu.enqueue_dma source(%dma_start3A_1418 : memref<2048xf32, #tpu.memory_space<vmem>>) target(%dma_start3A_1416 : memref<2048xf32, #tpu.memory_space<hbm>>) target_semaphore(%arg17 : memref<!tpu.dma_semaphore, #tpu.memory_space<semaphore_mem>>)
      %mul3A_1419 = arith.constant 8 : i32
      %mul3A_1420 = arith.muli %select_n3A_1340, %mul3A_1419 : i32
      %add3A_1421 = arith.constant 4 : i32
      %add3A_1422 = arith.addi %mul3A_1420, %add3A_1421 : i32
      %mul3A_1423 = arith.constant 32 : i32
      %mul3A_1424 = arith.muli %add3A_1422, %mul3A_1423 : i32
      %add3A_1425 = arith.addi %mul3A_1424, %mul3A_1358 : i32
      %mul3A_1426 = arith.constant 1024 : i32
      %mul3A_1427 = arith.muli %add3A_1425, %mul3A_1426 : i32
      %dma_start3A_1428 = arith.constant 8192 : i32
      %dma_start3A_1429 = tpu.memref_slice %arg11[%dma_start3A_1428] : memref<16384xf32, #tpu.memory_space<vmem>> -> memref<2048xf32, #tpu.memory_space<vmem>>
      %dma_start3A_1430 = tpu.memref_slice %arg5[%mul3A_1427] : memref<52428800xf32, #tpu.memory_space<hbm>> -> memref<2048xf32, #tpu.memory_space<hbm>>
      %dma_start3A_1431 = tpu.memref_slice %arg5[%mul3A_1427] : memref<52428800xf32, #tpu.memory_space<hbm>> -> memref<2048xf32, #tpu.memory_space<hbm>>
      %dma_start3A_1432 = arith.constant 8192 : i32
      %dma_start3A_1433 = tpu.memref_slice %arg11[%dma_start3A_1432] : memref<16384xf32, #tpu.memory_space<vmem>> -> memref<2048xf32, #tpu.memory_space<vmem>>
      tpu.enqueue_dma source(%dma_start3A_1433 : memref<2048xf32, #tpu.memory_space<vmem>>) target(%dma_start3A_1431 : memref<2048xf32, #tpu.memory_space<hbm>>) target_semaphore(%arg17 : memref<!tpu.dma_semaphore, #tpu.memory_space<semaphore_mem>>)
      %mul3A_1434 = arith.constant 8 : i32
      %mul3A_1435 = arith.muli %select_n3A_1340, %mul3A_1434 : i32
      %add3A_1436 = arith.constant 5 : i32
      %add3A_1437 = arith.addi %mul3A_1435, %add3A_1436 : i32
      %mul3A_1438 = arith.constant 32 : i32
      %mul3A_1439 = arith.muli %add3A_1437, %mul3A_1438 : i32
      %add3A_1440 = arith.addi %mul3A_1439, %mul3A_1358 : i32
      %mul3A_1441 = arith.constant 1024 : i32
      %mul3A_1442 = arith.muli %add3A_1440, %mul3A_1441 : i32
      %dma_start3A_1443 = arith.constant 10240 : i32
      %dma_start3A_1444 = tpu.memref_slice %arg11[%dma_start3A_1443] : memref<16384xf32, #tpu.memory_space<vmem>> -> memref<2048xf32, #tpu.memory_space<vmem>>
      %dma_start3A_1445 = tpu.memref_slice %arg5[%mul3A_1442] : memref<52428800xf32, #tpu.memory_space<hbm>> -> memref<2048xf32, #tpu.memory_space<hbm>>
      %dma_start3A_1446 = tpu.memref_slice %arg5[%mul3A_1442] : memref<52428800xf32, #tpu.memory_space<hbm>> -> memref<2048xf32, #tpu.memory_space<hbm>>
      %dma_start3A_1447 = arith.constant 10240 : i32
      %dma_start3A_1448 = tpu.memref_slice %arg11[%dma_start3A_1447] : memref<16384xf32, #tpu.memory_space<vmem>> -> memref<2048xf32, #tpu.memory_space<vmem>>
      tpu.enqueue_dma source(%dma_start3A_1448 : memref<2048xf32, #tpu.memory_space<vmem>>) target(%dma_start3A_1446 : memref<2048xf32, #tpu.memory_space<hbm>>) target_semaphore(%arg17 : memref<!tpu.dma_semaphore, #tpu.memory_space<semaphore_mem>>)
      %mul3A_1449 = arith.constant 8 : i32
      %mul3A_1450 = arith.muli %select_n3A_1340, %mul3A_1449 : i32
      %add3A_1451 = arith.constant 6 : i32
      %add3A_1452 = arith.addi %mul3A_1450, %add3A_1451 : i32
      %mul3A_1453 = arith.constant 32 : i32
      %mul3A_1454 = arith.muli %add3A_1452, %mul3A_1453 : i32
      %add3A_1455 = arith.addi %mul3A_1454, %mul3A_1358 : i32
      %mul3A_1456 = arith.constant 1024 : i32
      %mul3A_1457 = arith.muli %add3A_1455, %mul3A_1456 : i32
      %dma_start3A_1458 = arith.constant 12288 : i32
      %dma_start3A_1459 = tpu.memref_slice %arg11[%dma_start3A_1458] : memref<16384xf32, #tpu.memory_space<vmem>> -> memref<2048xf32, #tpu.memory_space<vmem>>
      %dma_start3A_1460 = tpu.memref_slice %arg5[%mul3A_1457] : memref<52428800xf32, #tpu.memory_space<hbm>> -> memref<2048xf32, #tpu.memory_space<hbm>>
      %dma_start3A_1461 = tpu.memref_slice %arg5[%mul3A_1457] : memref<52428800xf32, #tpu.memory_space<hbm>> -> memref<2048xf32, #tpu.memory_space<hbm>>
      %dma_start3A_1462 = arith.constant 12288 : i32
      %dma_start3A_1463 = tpu.memref_slice %arg11[%dma_start3A_1462] : memref<16384xf32, #tpu.memory_space<vmem>> -> memref<2048xf32, #tpu.memory_space<vmem>>
      tpu.enqueue_dma source(%dma_start3A_1463 : memref<2048xf32, #tpu.memory_space<vmem>>) target(%dma_start3A_1461 : memref<2048xf32, #tpu.memory_space<hbm>>) target_semaphore(%arg17 : memref<!tpu.dma_semaphore, #tpu.memory_space<semaphore_mem>>)
      %mul3A_1464 = arith.constant 8 : i32
      %mul3A_1465 = arith.muli %select_n3A_1340, %mul3A_1464 : i32
      %add3A_1466 = arith.constant 7 : i32
      %add3A_1467 = arith.addi %mul3A_1465, %add3A_1466 : i32
      %mul3A_1468 = arith.constant 32 : i32
      %mul3A_1469 = arith.muli %add3A_1467, %mul3A_1468 : i32
      %add3A_1470 = arith.addi %mul3A_1469, %mul3A_1358 : i32
      %mul3A_1471 = arith.constant 1024 : i32
      %mul3A_1472 = arith.muli %add3A_1470, %mul3A_1471 : i32
      %dma_start3A_1473 = arith.constant 14336 : i32
      %dma_start3A_1474 = tpu.memref_slice %arg11[%dma_start3A_1473] : memref<16384xf32, #tpu.memory_space<vmem>> -> memref<2048xf32, #tpu.memory_space<vmem>>
      %dma_start3A_1475 = tpu.memref_slice %arg5[%mul3A_1472] : memref<52428800xf32, #tpu.memory_space<hbm>> -> memref<2048xf32, #tpu.memory_space<hbm>>
      %dma_start3A_1476 = tpu.memref_slice %arg5[%mul3A_1472] : memref<52428800xf32, #tpu.memory_space<hbm>> -> memref<2048xf32, #tpu.memory_space<hbm>>
      %dma_start3A_1477 = arith.constant 14336 : i32
      %dma_start3A_1478 = tpu.memref_slice %arg11[%dma_start3A_1477] : memref<16384xf32, #tpu.memory_space<vmem>> -> memref<2048xf32, #tpu.memory_space<vmem>>
      tpu.enqueue_dma source(%dma_start3A_1478 : memref<2048xf32, #tpu.memory_space<vmem>>) target(%dma_start3A_1476 : memref<2048xf32, #tpu.memory_space<hbm>>) target_semaphore(%arg17 : memref<!tpu.dma_semaphore, #tpu.memory_space<semaphore_mem>>)
      %lt3A_1479 = arith.constant 49 : i32
      %lt3A_1480 = arith.cmpi slt, %scan3A_939, %lt3A_1479 : i32
      %convert_element_type3A_1481 = arith.extui %lt3A_1480 : i1 to i32
      %cond3A_1482 = arith.constant 0 : i32
      %cond3A_1483 = arith.cmpi ne, %convert_element_type3A_1481, %cond3A_1482 : i32
      scf.if %cond3A_1483 {
        %add3A_1484 = arith.constant 2 : i32
        %add3A_1485 = arith.addi %add3A_1212, %add3A_1484 : i32
        %jit3A_1486 = arith.constant 16 : i32
        %div3A_1487 = arith.divsi %add3A_1485, %jit3A_1486 : i32
        %sign3A_1488 = arith.constant 0 : i32
        %sign3A_1489 = arith.cmpi sgt, %add3A_1485, %sign3A_1488 : i32
        %sign3A_1490 = arith.extui %sign3A_1489 : i1 to i32
        %sign3A_1491 = arith.constant 0 : i32
        %sign3A_1492 = arith.cmpi slt, %add3A_1485, %sign3A_1491 : i32
        %sign3A_1493 = arith.extui %sign3A_1492 : i1 to i32
        %sign3A_1494 = arith.subi %sign3A_1490, %sign3A_1493 : i32
        %sign3A_1495 = arith.constant 0 : i32
        %sign3A_1496 = arith.cmpi sgt, %jit3A_1486, %sign3A_1495 : i32
        %sign3A_1497 = arith.extui %sign3A_1496 : i1 to i32
        %sign3A_1498 = arith.constant 0 : i32
        %sign3A_1499 = arith.cmpi slt, %jit3A_1486, %sign3A_1498 : i32
        %sign3A_1500 = arith.extui %sign3A_1499 : i1 to i32
        %sign3A_1501 = arith.subi %sign3A_1497, %sign3A_1500 : i32
        %ne3A_1502 = arith.cmpi ne, %sign3A_1494, %sign3A_1501 : i32
        %rem3A_1503 = arith.remsi %add3A_1485, %jit3A_1486 : i32
        %ne3A_1504 = arith.constant 0 : i32
        %ne3A_1505 = arith.cmpi ne, %rem3A_1503, %ne3A_1504 : i32
        %and3A_1506 = arith.andi %ne3A_1502, %ne3A_1505 : i1
        %sub3A_1507 = arith.constant 1 : i32
        %sub3A_1508 = arith.subi %div3A_1487, %sub3A_1507 : i32
        %select_n3A_1509 = arith.select %and3A_1506, %sub3A_1508, %div3A_1487 : i32
        %jit3A_1510 = arith.constant 16 : i32
        %eq3A_1511 = arith.constant 0 : i32
        %eq3A_1512 = arith.cmpi eq, %jit3A_1510, %eq3A_1511 : i32
        %jit3A_1513 = arith.constant 1 : i32
        %select_n3A_1514 = arith.select %eq3A_1512, %jit3A_1513, %jit3A_1510 : i32
        %rem3A_1515 = arith.remsi %add3A_1485, %select_n3A_1514 : i32
        %ne3A_1516 = arith.constant 0 : i32
        %ne3A_1517 = arith.cmpi ne, %rem3A_1515, %ne3A_1516 : i32
        %lt3A_1518 = arith.constant 0 : i32
        %lt3A_1519 = arith.cmpi slt, %rem3A_1515, %lt3A_1518 : i32
        %lt3A_1520 = arith.constant 0 : i32
        %lt3A_1521 = arith.cmpi slt, %select_n3A_1514, %lt3A_1520 : i32
        %ne3A_1522 = arith.xori %lt3A_1519, %lt3A_1521 : i1
        %and3A_1523 = arith.andi %ne3A_1522, %ne3A_1517 : i1
        %add3A_1524 = arith.addi %rem3A_1515, %select_n3A_1514 : i32
        %select_n3A_1525 = arith.select %and3A_1523, %add3A_1524, %rem3A_1515 : i32
        %mul3A_1526 = arith.constant 2 : i32
        %mul3A_1527 = arith.muli %select_n3A_1525, %mul3A_1526 : i32
        %shift_right_arithmetic3A_1528 = arith.constant 3 : i32
        %shift_right_arithmetic3A_1529 = arith.shrsi %select_n3A_1509, %shift_right_arithmetic3A_1528 : i32
        %mul3A_1530 = arith.constant 32 : i32
        %mul3A_1531 = arith.muli %shift_right_arithmetic3A_1529, %mul3A_1530 : i32
        %add3A_1532 = arith.addi %mul3A_1531, %mul3A_1527 : i32
        %add3A_1533 = arith.constant 0 : i32
        %add3A_1534 = arith.addi %add3A_1532, %add3A_1533 : i32
        %mul3A_1535 = arith.constant 1024 : i32
        %mul3A_1536 = arith.muli %add3A_1534, %mul3A_1535 : i32
        %and3A_1537 = arith.constant 7 : i32
        %and3A_1538 = arith.andi %select_n3A_1509, %and3A_1537 : i32
        %mul3A_1539 = arith.constant 128 : i32
        %mul3A_1540 = arith.muli %and3A_1538, %mul3A_1539 : i32
        %add3A_1541 = arith.addi %mul3A_1536, %mul3A_1540 : i32
        %dma_wait3A_1542 = arith.constant 0 : i32
        %dma_wait3A_1543 = tpu.memref_slice %arg7[%dma_wait3A_1542] : memref<256xi32, #tpu.memory_space<vmem>> -> memref<128xi32, #tpu.memory_space<vmem>>
        %dma_wait3A_1544 = tpu.memref_slice %arg2[%add3A_1541] : memref<819200xi32, #tpu.memory_space<hbm>> -> memref<128xi32, #tpu.memory_space<hbm>>
        %dma_wait3A_1545 = arith.constant 0 : i32
        %dma_wait3A_1546 = tpu.memref_slice %arg7[%dma_wait3A_1545] : memref<256xi32, #tpu.memory_space<vmem>> -> memref<128xi32, #tpu.memory_space<vmem>>
        %dma_wait3A_1547 = tpu.memref_slice %arg2[%add3A_1541] : memref<819200xi32, #tpu.memory_space<hbm>> -> memref<128xi32, #tpu.memory_space<hbm>>
        tpu.wait_dma2 semaphore(%arg19 : memref<!tpu.dma_semaphore, #tpu.memory_space<semaphore_mem>>) src(%dma_wait3A_1547 : memref<128xi32, #tpu.memory_space<hbm>>) dst(%dma_wait3A_1546 : memref<128xi32, #tpu.memory_space<vmem>>)
        %shift_right_arithmetic3A_1548 = arith.constant 3 : i32
        %shift_right_arithmetic3A_1549 = arith.shrsi %select_n3A_1509, %shift_right_arithmetic3A_1548 : i32
        %mul3A_1550 = arith.constant 32 : i32
        %mul3A_1551 = arith.muli %shift_right_arithmetic3A_1549, %mul3A_1550 : i32
        %add3A_1552 = arith.addi %mul3A_1551, %mul3A_1527 : i32
        %add3A_1553 = arith.constant 1 : i32
        %add3A_1554 = arith.addi %add3A_1552, %add3A_1553 : i32
        %mul3A_1555 = arith.constant 1024 : i32
        %mul3A_1556 = arith.muli %add3A_1554, %mul3A_1555 : i32
        %and3A_1557 = arith.constant 7 : i32
        %and3A_1558 = arith.andi %select_n3A_1509, %and3A_1557 : i32
        %mul3A_1559 = arith.constant 128 : i32
        %mul3A_1560 = arith.muli %and3A_1558, %mul3A_1559 : i32
        %add3A_1561 = arith.addi %mul3A_1556, %mul3A_1560 : i32
        %dma_wait3A_1562 = arith.constant 128 : i32
        %dma_wait3A_1563 = tpu.memref_slice %arg7[%dma_wait3A_1562] : memref<256xi32, #tpu.memory_space<vmem>> -> memref<128xi32, #tpu.memory_space<vmem>>
        %dma_wait3A_1564 = tpu.memref_slice %arg2[%add3A_1561] : memref<819200xi32, #tpu.memory_space<hbm>> -> memref<128xi32, #tpu.memory_space<hbm>>
        %dma_wait3A_1565 = arith.constant 128 : i32
        %dma_wait3A_1566 = tpu.memref_slice %arg7[%dma_wait3A_1565] : memref<256xi32, #tpu.memory_space<vmem>> -> memref<128xi32, #tpu.memory_space<vmem>>
        %dma_wait3A_1567 = tpu.memref_slice %arg2[%add3A_1561] : memref<819200xi32, #tpu.memory_space<hbm>> -> memref<128xi32, #tpu.memory_space<hbm>>
        tpu.wait_dma2 semaphore(%arg19 : memref<!tpu.dma_semaphore, #tpu.memory_space<semaphore_mem>>) src(%dma_wait3A_1567 : memref<128xi32, #tpu.memory_space<hbm>>) dst(%dma_wait3A_1566 : memref<128xi32, #tpu.memory_space<vmem>>)
        %dma_start3A_1568 = arith.constant 0 : i32
        %dma_start3A_1569 = arith.constant 0 : i32
        %dma_start3A_1570 = tpu.memref_slice %arg3[%dma_start3A_1568, %dma_start3A_1569] : memref<100000x64xf32, #tpu.memory_space<hbm>> -> memref<100000x64xf32, #tpu.memory_space<hbm>>
        tpu.enqueue_indirect_dma source(%dma_start3A_1570 : memref<100000x64xf32, #tpu.memory_space<hbm>>) target(%arg9 : memref<256x64xf32, #tpu.memory_space<vmem>>) offsets(%arg7 : memref<256xi32, #tpu.memory_space<vmem>>) semaphore(%arg15 : memref<!tpu.dma_semaphore, #tpu.memory_space<semaphore_mem>>)
      } else {
      }
    }
    %scan3A_602 = arith.constant 50 : i32
    %add3A_603 = arith.constant 100 : i32
    %add3A_604 = arith.addi %mul3A_2, %add3A_603 : i32
    %sub3A_605 = arith.constant 2 : i32
    %sub3A_606 = arith.subi %add3A_604, %sub3A_605 : i32
    %add3A_607 = arith.constant 0 : i32
    %add3A_608 = arith.addi %sub3A_606, %add3A_607 : i32
    %jit3A_609 = arith.constant 16 : i32
    %div3A_610 = arith.divsi %add3A_608, %jit3A_609 : i32
    %sign3A_611 = arith.constant 0 : i32
    %sign3A_612 = arith.cmpi sgt, %add3A_608, %sign3A_611 : i32
    %sign3A_613 = arith.extui %sign3A_612 : i1 to i32
    %sign3A_614 = arith.constant 0 : i32
    %sign3A_615 = arith.cmpi slt, %add3A_608, %sign3A_614 : i32
    %sign3A_616 = arith.extui %sign3A_615 : i1 to i32
    %sign3A_617 = arith.subi %sign3A_613, %sign3A_616 : i32
    %sign3A_618 = arith.constant 0 : i32
    %sign3A_619 = arith.cmpi sgt, %jit3A_609, %sign3A_618 : i32
    %sign3A_620 = arith.extui %sign3A_619 : i1 to i32
    %sign3A_621 = arith.constant 0 : i32
    %sign3A_622 = arith.cmpi slt, %jit3A_609, %sign3A_621 : i32
    %sign3A_623 = arith.extui %sign3A_622 : i1 to i32
    %sign3A_624 = arith.subi %sign3A_620, %sign3A_623 : i32
    %ne3A_625 = arith.cmpi ne, %sign3A_617, %sign3A_624 : i32
    %rem3A_626 = arith.remsi %add3A_608, %jit3A_609 : i32
    %ne3A_627 = arith.constant 0 : i32
    %ne3A_628 = arith.cmpi ne, %rem3A_626, %ne3A_627 : i32
    %and3A_629 = arith.andi %ne3A_625, %ne3A_628 : i1
    %sub3A_630 = arith.constant 1 : i32
    %sub3A_631 = arith.subi %div3A_610, %sub3A_630 : i32
    %select_n3A_632 = arith.select %and3A_629, %sub3A_631, %div3A_610 : i32
    %jit3A_633 = arith.constant 16 : i32
    %eq3A_634 = arith.constant 0 : i32
    %eq3A_635 = arith.cmpi eq, %jit3A_633, %eq3A_634 : i32
    %jit3A_636 = arith.constant 1 : i32
    %select_n3A_637 = arith.select %eq3A_635, %jit3A_636, %jit3A_633 : i32
    %rem3A_638 = arith.remsi %add3A_608, %select_n3A_637 : i32
    %ne3A_639 = arith.constant 0 : i32
    %ne3A_640 = arith.cmpi ne, %rem3A_638, %ne3A_639 : i32
    %lt3A_641 = arith.constant 0 : i32
    %lt3A_642 = arith.cmpi slt, %rem3A_638, %lt3A_641 : i32
    %lt3A_643 = arith.constant 0 : i32
    %lt3A_644 = arith.cmpi slt, %select_n3A_637, %lt3A_643 : i32
    %ne3A_645 = arith.xori %lt3A_642, %lt3A_644 : i1
    %and3A_646 = arith.andi %ne3A_645, %ne3A_640 : i1
    %add3A_647 = arith.addi %rem3A_638, %select_n3A_637 : i32
    %select_n3A_648 = arith.select %and3A_646, %add3A_647, %rem3A_638 : i32
    %mul3A_649 = arith.constant 2 : i32
    %mul3A_650 = arith.muli %select_n3A_648, %mul3A_649 : i32
    %mul3A_651 = arith.constant 8 : i32
    %mul3A_652 = arith.muli %select_n3A_632, %mul3A_651 : i32
    %add3A_653 = arith.constant 0 : i32
    %add3A_654 = arith.addi %mul3A_652, %add3A_653 : i32
    %mul3A_655 = arith.constant 32 : i32
    %mul3A_656 = arith.muli %add3A_654, %mul3A_655 : i32
    %add3A_657 = arith.addi %mul3A_656, %mul3A_650 : i32
    %mul3A_658 = arith.constant 1024 : i32
    %mul3A_659 = arith.muli %add3A_657, %mul3A_658 : i32
    %dma_wait3A_660 = arith.constant 0 : i32
    %dma_wait3A_661 = tpu.memref_slice %arg10[%dma_wait3A_660] : memref<16384xf32, #tpu.memory_space<vmem>> -> memref<2048xf32, #tpu.memory_space<vmem>>
    %dma_wait3A_662 = tpu.memref_slice %arg5[%mul3A_659] : memref<52428800xf32, #tpu.memory_space<hbm>> -> memref<2048xf32, #tpu.memory_space<hbm>>
    %dma_wait3A_663 = tpu.memref_slice %arg5[%mul3A_659] : memref<52428800xf32, #tpu.memory_space<hbm>> -> memref<2048xf32, #tpu.memory_space<hbm>>
    %dma_wait3A_664 = arith.constant 0 : i32
    %dma_wait3A_665 = tpu.memref_slice %arg10[%dma_wait3A_664] : memref<16384xf32, #tpu.memory_space<vmem>> -> memref<2048xf32, #tpu.memory_space<vmem>>
    tpu.wait_dma2 semaphore(%arg16 : memref<!tpu.dma_semaphore, #tpu.memory_space<semaphore_mem>>) src(%dma_wait3A_665 : memref<2048xf32, #tpu.memory_space<vmem>>) dst(%dma_wait3A_663 : memref<2048xf32, #tpu.memory_space<hbm>>)
    %mul3A_666 = arith.constant 8 : i32
    %mul3A_667 = arith.muli %select_n3A_632, %mul3A_666 : i32
    %add3A_668 = arith.constant 1 : i32
    %add3A_669 = arith.addi %mul3A_667, %add3A_668 : i32
    %mul3A_670 = arith.constant 32 : i32
    %mul3A_671 = arith.muli %add3A_669, %mul3A_670 : i32
    %add3A_672 = arith.addi %mul3A_671, %mul3A_650 : i32
    %mul3A_673 = arith.constant 1024 : i32
    %mul3A_674 = arith.muli %add3A_672, %mul3A_673 : i32
    %dma_wait3A_675 = arith.constant 2048 : i32
    %dma_wait3A_676 = tpu.memref_slice %arg10[%dma_wait3A_675] : memref<16384xf32, #tpu.memory_space<vmem>> -> memref<2048xf32, #tpu.memory_space<vmem>>
    %dma_wait3A_677 = tpu.memref_slice %arg5[%mul3A_674] : memref<52428800xf32, #tpu.memory_space<hbm>> -> memref<2048xf32, #tpu.memory_space<hbm>>
    %dma_wait3A_678 = tpu.memref_slice %arg5[%mul3A_674] : memref<52428800xf32, #tpu.memory_space<hbm>> -> memref<2048xf32, #tpu.memory_space<hbm>>
    %dma_wait3A_679 = arith.constant 2048 : i32
    %dma_wait3A_680 = tpu.memref_slice %arg10[%dma_wait3A_679] : memref<16384xf32, #tpu.memory_space<vmem>> -> memref<2048xf32, #tpu.memory_space<vmem>>
    tpu.wait_dma2 semaphore(%arg16 : memref<!tpu.dma_semaphore, #tpu.memory_space<semaphore_mem>>) src(%dma_wait3A_680 : memref<2048xf32, #tpu.memory_space<vmem>>) dst(%dma_wait3A_678 : memref<2048xf32, #tpu.memory_space<hbm>>)
    %mul3A_681 = arith.constant 8 : i32
    %mul3A_682 = arith.muli %select_n3A_632, %mul3A_681 : i32
    %add3A_683 = arith.constant 2 : i32
    %add3A_684 = arith.addi %mul3A_682, %add3A_683 : i32
    %mul3A_685 = arith.constant 32 : i32
    %mul3A_686 = arith.muli %add3A_684, %mul3A_685 : i32
    %add3A_687 = arith.addi %mul3A_686, %mul3A_650 : i32
    %mul3A_688 = arith.constant 1024 : i32
    %mul3A_689 = arith.muli %add3A_687, %mul3A_688 : i32
    %dma_wait3A_690 = arith.constant 4096 : i32
    %dma_wait3A_691 = tpu.memref_slice %arg10[%dma_wait3A_690] : memref<16384xf32, #tpu.memory_space<vmem>> -> memref<2048xf32, #tpu.memory_space<vmem>>
    %dma_wait3A_692 = tpu.memref_slice %arg5[%mul3A_689] : memref<52428800xf32, #tpu.memory_space<hbm>> -> memref<2048xf32, #tpu.memory_space<hbm>>
    %dma_wait3A_693 = tpu.memref_slice %arg5[%mul3A_689] : memref<52428800xf32, #tpu.memory_space<hbm>> -> memref<2048xf32, #tpu.memory_space<hbm>>
    %dma_wait3A_694 = arith.constant 4096 : i32
    %dma_wait3A_695 = tpu.memref_slice %arg10[%dma_wait3A_694] : memref<16384xf32, #tpu.memory_space<vmem>> -> memref<2048xf32, #tpu.memory_space<vmem>>
    tpu.wait_dma2 semaphore(%arg16 : memref<!tpu.dma_semaphore, #tpu.memory_space<semaphore_mem>>) src(%dma_wait3A_695 : memref<2048xf32, #tpu.memory_space<vmem>>) dst(%dma_wait3A_693 : memref<2048xf32, #tpu.memory_space<hbm>>)
    %mul3A_696 = arith.constant 8 : i32
    %mul3A_697 = arith.muli %select_n3A_632, %mul3A_696 : i32
    %add3A_698 = arith.constant 3 : i32
    %add3A_699 = arith.addi %mul3A_697, %add3A_698 : i32
    %mul3A_700 = arith.constant 32 : i32
    %mul3A_701 = arith.muli %add3A_699, %mul3A_700 : i32
    %add3A_702 = arith.addi %mul3A_701, %mul3A_650 : i32
    %mul3A_703 = arith.constant 1024 : i32
    %mul3A_704 = arith.muli %add3A_702, %mul3A_703 : i32
    %dma_wait3A_705 = arith.constant 6144 : i32
    %dma_wait3A_706 = tpu.memref_slice %arg10[%dma_wait3A_705] : memref<16384xf32, #tpu.memory_space<vmem>> -> memref<2048xf32, #tpu.memory_space<vmem>>
    %dma_wait3A_707 = tpu.memref_slice %arg5[%mul3A_704] : memref<52428800xf32, #tpu.memory_space<hbm>> -> memref<2048xf32, #tpu.memory_space<hbm>>
    %dma_wait3A_708 = tpu.memref_slice %arg5[%mul3A_704] : memref<52428800xf32, #tpu.memory_space<hbm>> -> memref<2048xf32, #tpu.memory_space<hbm>>
    %dma_wait3A_709 = arith.constant 6144 : i32
    %dma_wait3A_710 = tpu.memref_slice %arg10[%dma_wait3A_709] : memref<16384xf32, #tpu.memory_space<vmem>> -> memref<2048xf32, #tpu.memory_space<vmem>>
    tpu.wait_dma2 semaphore(%arg16 : memref<!tpu.dma_semaphore, #tpu.memory_space<semaphore_mem>>) src(%dma_wait3A_710 : memref<2048xf32, #tpu.memory_space<vmem>>) dst(%dma_wait3A_708 : memref<2048xf32, #tpu.memory_space<hbm>>)
    %mul3A_711 = arith.constant 8 : i32
    %mul3A_712 = arith.muli %select_n3A_632, %mul3A_711 : i32
    %add3A_713 = arith.constant 4 : i32
    %add3A_714 = arith.addi %mul3A_712, %add3A_713 : i32
    %mul3A_715 = arith.constant 32 : i32
    %mul3A_716 = arith.muli %add3A_714, %mul3A_715 : i32
    %add3A_717 = arith.addi %mul3A_716, %mul3A_650 : i32
    %mul3A_718 = arith.constant 1024 : i32
    %mul3A_719 = arith.muli %add3A_717, %mul3A_718 : i32
    %dma_wait3A_720 = arith.constant 8192 : i32
    %dma_wait3A_721 = tpu.memref_slice %arg10[%dma_wait3A_720] : memref<16384xf32, #tpu.memory_space<vmem>> -> memref<2048xf32, #tpu.memory_space<vmem>>
    %dma_wait3A_722 = tpu.memref_slice %arg5[%mul3A_719] : memref<52428800xf32, #tpu.memory_space<hbm>> -> memref<2048xf32, #tpu.memory_space<hbm>>
    %dma_wait3A_723 = tpu.memref_slice %arg5[%mul3A_719] : memref<52428800xf32, #tpu.memory_space<hbm>> -> memref<2048xf32, #tpu.memory_space<hbm>>
    %dma_wait3A_724 = arith.constant 8192 : i32
    %dma_wait3A_725 = tpu.memref_slice %arg10[%dma_wait3A_724] : memref<16384xf32, #tpu.memory_space<vmem>> -> memref<2048xf32, #tpu.memory_space<vmem>>
    tpu.wait_dma2 semaphore(%arg16 : memref<!tpu.dma_semaphore, #tpu.memory_space<semaphore_mem>>) src(%dma_wait3A_725 : memref<2048xf32, #tpu.memory_space<vmem>>) dst(%dma_wait3A_723 : memref<2048xf32, #tpu.memory_space<hbm>>)
    %mul3A_726 = arith.constant 8 : i32
    %mul3A_727 = arith.muli %select_n3A_632, %mul3A_726 : i32
    %add3A_728 = arith.constant 5 : i32
    %add3A_729 = arith.addi %mul3A_727, %add3A_728 : i32
    %mul3A_730 = arith.constant 32 : i32
    %mul3A_731 = arith.muli %add3A_729, %mul3A_730 : i32
    %add3A_732 = arith.addi %mul3A_731, %mul3A_650 : i32
    %mul3A_733 = arith.constant 1024 : i32
    %mul3A_734 = arith.muli %add3A_732, %mul3A_733 : i32
    %dma_wait3A_735 = arith.constant 10240 : i32
    %dma_wait3A_736 = tpu.memref_slice %arg10[%dma_wait3A_735] : memref<16384xf32, #tpu.memory_space<vmem>> -> memref<2048xf32, #tpu.memory_space<vmem>>
    %dma_wait3A_737 = tpu.memref_slice %arg5[%mul3A_734] : memref<52428800xf32, #tpu.memory_space<hbm>> -> memref<2048xf32, #tpu.memory_space<hbm>>
    %dma_wait3A_738 = tpu.memref_slice %arg5[%mul3A_734] : memref<52428800xf32, #tpu.memory_space<hbm>> -> memref<2048xf32, #tpu.memory_space<hbm>>
    %dma_wait3A_739 = arith.constant 10240 : i32
    %dma_wait3A_740 = tpu.memref_slice %arg10[%dma_wait3A_739] : memref<16384xf32, #tpu.memory_space<vmem>> -> memref<2048xf32, #tpu.memory_space<vmem>>
    tpu.wait_dma2 semaphore(%arg16 : memref<!tpu.dma_semaphore, #tpu.memory_space<semaphore_mem>>) src(%dma_wait3A_740 : memref<2048xf32, #tpu.memory_space<vmem>>) dst(%dma_wait3A_738 : memref<2048xf32, #tpu.memory_space<hbm>>)
    %mul3A_741 = arith.constant 8 : i32
    %mul3A_742 = arith.muli %select_n3A_632, %mul3A_741 : i32
    %add3A_743 = arith.constant 6 : i32
    %add3A_744 = arith.addi %mul3A_742, %add3A_743 : i32
    %mul3A_745 = arith.constant 32 : i32
    %mul3A_746 = arith.muli %add3A_744, %mul3A_745 : i32
    %add3A_747 = arith.addi %mul3A_746, %mul3A_650 : i32
    %mul3A_748 = arith.constant 1024 : i32
    %mul3A_749 = arith.muli %add3A_747, %mul3A_748 : i32
    %dma_wait3A_750 = arith.constant 12288 : i32
    %dma_wait3A_751 = tpu.memref_slice %arg10[%dma_wait3A_750] : memref<16384xf32, #tpu.memory_space<vmem>> -> memref<2048xf32, #tpu.memory_space<vmem>>
    %dma_wait3A_752 = tpu.memref_slice %arg5[%mul3A_749] : memref<52428800xf32, #tpu.memory_space<hbm>> -> memref<2048xf32, #tpu.memory_space<hbm>>
    %dma_wait3A_753 = tpu.memref_slice %arg5[%mul3A_749] : memref<52428800xf32, #tpu.memory_space<hbm>> -> memref<2048xf32, #tpu.memory_space<hbm>>
    %dma_wait3A_754 = arith.constant 12288 : i32
    %dma_wait3A_755 = tpu.memref_slice %arg10[%dma_wait3A_754] : memref<16384xf32, #tpu.memory_space<vmem>> -> memref<2048xf32, #tpu.memory_space<vmem>>
    tpu.wait_dma2 semaphore(%arg16 : memref<!tpu.dma_semaphore, #tpu.memory_space<semaphore_mem>>) src(%dma_wait3A_755 : memref<2048xf32, #tpu.memory_space<vmem>>) dst(%dma_wait3A_753 : memref<2048xf32, #tpu.memory_space<hbm>>)
    %mul3A_756 = arith.constant 8 : i32
    %mul3A_757 = arith.muli %select_n3A_632, %mul3A_756 : i32
    %add3A_758 = arith.constant 7 : i32
    %add3A_759 = arith.addi %mul3A_757, %add3A_758 : i32
    %mul3A_760 = arith.constant 32 : i32
    %mul3A_761 = arith.muli %add3A_759, %mul3A_760 : i32
    %add3A_762 = arith.addi %mul3A_761, %mul3A_650 : i32
    %mul3A_763 = arith.constant 1024 : i32
    %mul3A_764 = arith.muli %add3A_762, %mul3A_763 : i32
    %dma_wait3A_765 = arith.constant 14336 : i32
    %dma_wait3A_766 = tpu.memref_slice %arg10[%dma_wait3A_765] : memref<16384xf32, #tpu.memory_space<vmem>> -> memref<2048xf32, #tpu.memory_space<vmem>>
    %dma_wait3A_767 = tpu.memref_slice %arg5[%mul3A_764] : memref<52428800xf32, #tpu.memory_space<hbm>> -> memref<2048xf32, #tpu.memory_space<hbm>>
    %dma_wait3A_768 = tpu.memref_slice %arg5[%mul3A_764] : memref<52428800xf32, #tpu.memory_space<hbm>> -> memref<2048xf32, #tpu.memory_space<hbm>>
    %dma_wait3A_769 = arith.constant 14336 : i32
    %dma_wait3A_770 = tpu.memref_slice %arg10[%dma_wait3A_769] : memref<16384xf32, #tpu.memory_space<vmem>> -> memref<2048xf32, #tpu.memory_space<vmem>>
    tpu.wait_dma2 semaphore(%arg16 : memref<!tpu.dma_semaphore, #tpu.memory_space<semaphore_mem>>) src(%dma_wait3A_770 : memref<2048xf32, #tpu.memory_space<vmem>>) dst(%dma_wait3A_768 : memref<2048xf32, #tpu.memory_space<hbm>>)
    %add3A_771 = arith.constant 100 : i32
    %add3A_772 = arith.addi %mul3A_2, %add3A_771 : i32
    %sub3A_773 = arith.constant 2 : i32
    %sub3A_774 = arith.subi %add3A_772, %sub3A_773 : i32
    %add3A_775 = arith.constant 1 : i32
    %add3A_776 = arith.addi %sub3A_774, %add3A_775 : i32
    %jit3A_777 = arith.constant 16 : i32
    %div3A_778 = arith.divsi %add3A_776, %jit3A_777 : i32
    %sign3A_779 = arith.constant 0 : i32
    %sign3A_780 = arith.cmpi sgt, %add3A_776, %sign3A_779 : i32
    %sign3A_781 = arith.extui %sign3A_780 : i1 to i32
    %sign3A_782 = arith.constant 0 : i32
    %sign3A_783 = arith.cmpi slt, %add3A_776, %sign3A_782 : i32
    %sign3A_784 = arith.extui %sign3A_783 : i1 to i32
    %sign3A_785 = arith.subi %sign3A_781, %sign3A_784 : i32
    %sign3A_786 = arith.constant 0 : i32
    %sign3A_787 = arith.cmpi sgt, %jit3A_777, %sign3A_786 : i32
    %sign3A_788 = arith.extui %sign3A_787 : i1 to i32
    %sign3A_789 = arith.constant 0 : i32
    %sign3A_790 = arith.cmpi slt, %jit3A_777, %sign3A_789 : i32
    %sign3A_791 = arith.extui %sign3A_790 : i1 to i32
    %sign3A_792 = arith.subi %sign3A_788, %sign3A_791 : i32
    %ne3A_793 = arith.cmpi ne, %sign3A_785, %sign3A_792 : i32
    %rem3A_794 = arith.remsi %add3A_776, %jit3A_777 : i32
    %ne3A_795 = arith.constant 0 : i32
    %ne3A_796 = arith.cmpi ne, %rem3A_794, %ne3A_795 : i32
    %and3A_797 = arith.andi %ne3A_793, %ne3A_796 : i1
    %sub3A_798 = arith.constant 1 : i32
    %sub3A_799 = arith.subi %div3A_778, %sub3A_798 : i32
    %select_n3A_800 = arith.select %and3A_797, %sub3A_799, %div3A_778 : i32
    %jit3A_801 = arith.constant 16 : i32
    %eq3A_802 = arith.constant 0 : i32
    %eq3A_803 = arith.cmpi eq, %jit3A_801, %eq3A_802 : i32
    %jit3A_804 = arith.constant 1 : i32
    %select_n3A_805 = arith.select %eq3A_803, %jit3A_804, %jit3A_801 : i32
    %rem3A_806 = arith.remsi %add3A_776, %select_n3A_805 : i32
    %ne3A_807 = arith.constant 0 : i32
    %ne3A_808 = arith.cmpi ne, %rem3A_806, %ne3A_807 : i32
    %lt3A_809 = arith.constant 0 : i32
    %lt3A_810 = arith.cmpi slt, %rem3A_806, %lt3A_809 : i32
    %lt3A_811 = arith.constant 0 : i32
    %lt3A_812 = arith.cmpi slt, %select_n3A_805, %lt3A_811 : i32
    %ne3A_813 = arith.xori %lt3A_810, %lt3A_812 : i1
    %and3A_814 = arith.andi %ne3A_813, %ne3A_808 : i1
    %add3A_815 = arith.addi %rem3A_806, %select_n3A_805 : i32
    %select_n3A_816 = arith.select %and3A_814, %add3A_815, %rem3A_806 : i32
    %mul3A_817 = arith.constant 2 : i32
    %mul3A_818 = arith.muli %select_n3A_816, %mul3A_817 : i32
    %mul3A_819 = arith.constant 8 : i32
    %mul3A_820 = arith.muli %select_n3A_800, %mul3A_819 : i32
    %add3A_821 = arith.constant 0 : i32
    %add3A_822 = arith.addi %mul3A_820, %add3A_821 : i32
    %mul3A_823 = arith.constant 32 : i32
    %mul3A_824 = arith.muli %add3A_822, %mul3A_823 : i32
    %add3A_825 = arith.addi %mul3A_824, %mul3A_818 : i32
    %mul3A_826 = arith.constant 1024 : i32
    %mul3A_827 = arith.muli %add3A_825, %mul3A_826 : i32
    %dma_wait3A_828 = arith.constant 0 : i32
    %dma_wait3A_829 = tpu.memref_slice %arg11[%dma_wait3A_828] : memref<16384xf32, #tpu.memory_space<vmem>> -> memref<2048xf32, #tpu.memory_space<vmem>>
    %dma_wait3A_830 = tpu.memref_slice %arg5[%mul3A_827] : memref<52428800xf32, #tpu.memory_space<hbm>> -> memref<2048xf32, #tpu.memory_space<hbm>>
    %dma_wait3A_831 = tpu.memref_slice %arg5[%mul3A_827] : memref<52428800xf32, #tpu.memory_space<hbm>> -> memref<2048xf32, #tpu.memory_space<hbm>>
    %dma_wait3A_832 = arith.constant 0 : i32
    %dma_wait3A_833 = tpu.memref_slice %arg11[%dma_wait3A_832] : memref<16384xf32, #tpu.memory_space<vmem>> -> memref<2048xf32, #tpu.memory_space<vmem>>
    tpu.wait_dma2 semaphore(%arg17 : memref<!tpu.dma_semaphore, #tpu.memory_space<semaphore_mem>>) src(%dma_wait3A_833 : memref<2048xf32, #tpu.memory_space<vmem>>) dst(%dma_wait3A_831 : memref<2048xf32, #tpu.memory_space<hbm>>)
    %mul3A_834 = arith.constant 8 : i32
    %mul3A_835 = arith.muli %select_n3A_800, %mul3A_834 : i32
    %add3A_836 = arith.constant 1 : i32
    %add3A_837 = arith.addi %mul3A_835, %add3A_836 : i32
    %mul3A_838 = arith.constant 32 : i32
    %mul3A_839 = arith.muli %add3A_837, %mul3A_838 : i32
    %add3A_840 = arith.addi %mul3A_839, %mul3A_818 : i32
    %mul3A_841 = arith.constant 1024 : i32
    %mul3A_842 = arith.muli %add3A_840, %mul3A_841 : i32
    %dma_wait3A_843 = arith.constant 2048 : i32
    %dma_wait3A_844 = tpu.memref_slice %arg11[%dma_wait3A_843] : memref<16384xf32, #tpu.memory_space<vmem>> -> memref<2048xf32, #tpu.memory_space<vmem>>
    %dma_wait3A_845 = tpu.memref_slice %arg5[%mul3A_842] : memref<52428800xf32, #tpu.memory_space<hbm>> -> memref<2048xf32, #tpu.memory_space<hbm>>
    %dma_wait3A_846 = tpu.memref_slice %arg5[%mul3A_842] : memref<52428800xf32, #tpu.memory_space<hbm>> -> memref<2048xf32, #tpu.memory_space<hbm>>
    %dma_wait3A_847 = arith.constant 2048 : i32
    %dma_wait3A_848 = tpu.memref_slice %arg11[%dma_wait3A_847] : memref<16384xf32, #tpu.memory_space<vmem>> -> memref<2048xf32, #tpu.memory_space<vmem>>
    tpu.wait_dma2 semaphore(%arg17 : memref<!tpu.dma_semaphore, #tpu.memory_space<semaphore_mem>>) src(%dma_wait3A_848 : memref<2048xf32, #tpu.memory_space<vmem>>) dst(%dma_wait3A_846 : memref<2048xf32, #tpu.memory_space<hbm>>)
    %mul3A_849 = arith.constant 8 : i32
    %mul3A_850 = arith.muli %select_n3A_800, %mul3A_849 : i32
    %add3A_851 = arith.constant 2 : i32
    %add3A_852 = arith.addi %mul3A_850, %add3A_851 : i32
    %mul3A_853 = arith.constant 32 : i32
    %mul3A_854 = arith.muli %add3A_852, %mul3A_853 : i32
    %add3A_855 = arith.addi %mul3A_854, %mul3A_818 : i32
    %mul3A_856 = arith.constant 1024 : i32
    %mul3A_857 = arith.muli %add3A_855, %mul3A_856 : i32
    %dma_wait3A_858 = arith.constant 4096 : i32
    %dma_wait3A_859 = tpu.memref_slice %arg11[%dma_wait3A_858] : memref<16384xf32, #tpu.memory_space<vmem>> -> memref<2048xf32, #tpu.memory_space<vmem>>
    %dma_wait3A_860 = tpu.memref_slice %arg5[%mul3A_857] : memref<52428800xf32, #tpu.memory_space<hbm>> -> memref<2048xf32, #tpu.memory_space<hbm>>
    %dma_wait3A_861 = tpu.memref_slice %arg5[%mul3A_857] : memref<52428800xf32, #tpu.memory_space<hbm>> -> memref<2048xf32, #tpu.memory_space<hbm>>
    %dma_wait3A_862 = arith.constant 4096 : i32
    %dma_wait3A_863 = tpu.memref_slice %arg11[%dma_wait3A_862] : memref<16384xf32, #tpu.memory_space<vmem>> -> memref<2048xf32, #tpu.memory_space<vmem>>
    tpu.wait_dma2 semaphore(%arg17 : memref<!tpu.dma_semaphore, #tpu.memory_space<semaphore_mem>>) src(%dma_wait3A_863 : memref<2048xf32, #tpu.memory_space<vmem>>) dst(%dma_wait3A_861 : memref<2048xf32, #tpu.memory_space<hbm>>)
    %mul3A_864 = arith.constant 8 : i32
    %mul3A_865 = arith.muli %select_n3A_800, %mul3A_864 : i32
    %add3A_866 = arith.constant 3 : i32
    %add3A_867 = arith.addi %mul3A_865, %add3A_866 : i32
    %mul3A_868 = arith.constant 32 : i32
    %mul3A_869 = arith.muli %add3A_867, %mul3A_868 : i32
    %add3A_870 = arith.addi %mul3A_869, %mul3A_818 : i32
    %mul3A_871 = arith.constant 1024 : i32
    %mul3A_872 = arith.muli %add3A_870, %mul3A_871 : i32
    %dma_wait3A_873 = arith.constant 6144 : i32
    %dma_wait3A_874 = tpu.memref_slice %arg11[%dma_wait3A_873] : memref<16384xf32, #tpu.memory_space<vmem>> -> memref<2048xf32, #tpu.memory_space<vmem>>
    %dma_wait3A_875 = tpu.memref_slice %arg5[%mul3A_872] : memref<52428800xf32, #tpu.memory_space<hbm>> -> memref<2048xf32, #tpu.memory_space<hbm>>
    %dma_wait3A_876 = tpu.memref_slice %arg5[%mul3A_872] : memref<52428800xf32, #tpu.memory_space<hbm>> -> memref<2048xf32, #tpu.memory_space<hbm>>
    %dma_wait3A_877 = arith.constant 6144 : i32
    %dma_wait3A_878 = tpu.memref_slice %arg11[%dma_wait3A_877] : memref<16384xf32, #tpu.memory_space<vmem>> -> memref<2048xf32, #tpu.memory_space<vmem>>
    tpu.wait_dma2 semaphore(%arg17 : memref<!tpu.dma_semaphore, #tpu.memory_space<semaphore_mem>>) src(%dma_wait3A_878 : memref<2048xf32, #tpu.memory_space<vmem>>) dst(%dma_wait3A_876 : memref<2048xf32, #tpu.memory_space<hbm>>)
    %mul3A_879 = arith.constant 8 : i32
    %mul3A_880 = arith.muli %select_n3A_800, %mul3A_879 : i32
    %add3A_881 = arith.constant 4 : i32
    %add3A_882 = arith.addi %mul3A_880, %add3A_881 : i32
    %mul3A_883 = arith.constant 32 : i32
    %mul3A_884 = arith.muli %add3A_882, %mul3A_883 : i32
    %add3A_885 = arith.addi %mul3A_884, %mul3A_818 : i32
    %mul3A_886 = arith.constant 1024 : i32
    %mul3A_887 = arith.muli %add3A_885, %mul3A_886 : i32
    %dma_wait3A_888 = arith.constant 8192 : i32
    %dma_wait3A_889 = tpu.memref_slice %arg11[%dma_wait3A_888] : memref<16384xf32, #tpu.memory_space<vmem>> -> memref<2048xf32, #tpu.memory_space<vmem>>
    %dma_wait3A_890 = tpu.memref_slice %arg5[%mul3A_887] : memref<52428800xf32, #tpu.memory_space<hbm>> -> memref<2048xf32, #tpu.memory_space<hbm>>
    %dma_wait3A_891 = tpu.memref_slice %arg5[%mul3A_887] : memref<52428800xf32, #tpu.memory_space<hbm>> -> memref<2048xf32, #tpu.memory_space<hbm>>
    %dma_wait3A_892 = arith.constant 8192 : i32
    %dma_wait3A_893 = tpu.memref_slice %arg11[%dma_wait3A_892] : memref<16384xf32, #tpu.memory_space<vmem>> -> memref<2048xf32, #tpu.memory_space<vmem>>
    tpu.wait_dma2 semaphore(%arg17 : memref<!tpu.dma_semaphore, #tpu.memory_space<semaphore_mem>>) src(%dma_wait3A_893 : memref<2048xf32, #tpu.memory_space<vmem>>) dst(%dma_wait3A_891 : memref<2048xf32, #tpu.memory_space<hbm>>)
    %mul3A_894 = arith.constant 8 : i32
    %mul3A_895 = arith.muli %select_n3A_800, %mul3A_894 : i32
    %add3A_896 = arith.constant 5 : i32
    %add3A_897 = arith.addi %mul3A_895, %add3A_896 : i32
    %mul3A_898 = arith.constant 32 : i32
    %mul3A_899 = arith.muli %add3A_897, %mul3A_898 : i32
    %add3A_900 = arith.addi %mul3A_899, %mul3A_818 : i32
    %mul3A_901 = arith.constant 1024 : i32
    %mul3A_902 = arith.muli %add3A_900, %mul3A_901 : i32
    %dma_wait3A_903 = arith.constant 10240 : i32
    %dma_wait3A_904 = tpu.memref_slice %arg11[%dma_wait3A_903] : memref<16384xf32, #tpu.memory_space<vmem>> -> memref<2048xf32, #tpu.memory_space<vmem>>
    %dma_wait3A_905 = tpu.memref_slice %arg5[%mul3A_902] : memref<52428800xf32, #tpu.memory_space<hbm>> -> memref<2048xf32, #tpu.memory_space<hbm>>
    %dma_wait3A_906 = tpu.memref_slice %arg5[%mul3A_902] : memref<52428800xf32, #tpu.memory_space<hbm>> -> memref<2048xf32, #tpu.memory_space<hbm>>
    %dma_wait3A_907 = arith.constant 10240 : i32
    %dma_wait3A_908 = tpu.memref_slice %arg11[%dma_wait3A_907] : memref<16384xf32, #tpu.memory_space<vmem>> -> memref<2048xf32, #tpu.memory_space<vmem>>
    tpu.wait_dma2 semaphore(%arg17 : memref<!tpu.dma_semaphore, #tpu.memory_space<semaphore_mem>>) src(%dma_wait3A_908 : memref<2048xf32, #tpu.memory_space<vmem>>) dst(%dma_wait3A_906 : memref<2048xf32, #tpu.memory_space<hbm>>)
    %mul3A_909 = arith.constant 8 : i32
    %mul3A_910 = arith.muli %select_n3A_800, %mul3A_909 : i32
    %add3A_911 = arith.constant 6 : i32
    %add3A_912 = arith.addi %mul3A_910, %add3A_911 : i32
    %mul3A_913 = arith.constant 32 : i32
    %mul3A_914 = arith.muli %add3A_912, %mul3A_913 : i32
    %add3A_915 = arith.addi %mul3A_914, %mul3A_818 : i32
    %mul3A_916 = arith.constant 1024 : i32
    %mul3A_917 = arith.muli %add3A_915, %mul3A_916 : i32
    %dma_wait3A_918 = arith.constant 12288 : i32
    %dma_wait3A_919 = tpu.memref_slice %arg11[%dma_wait3A_918] : memref<16384xf32, #tpu.memory_space<vmem>> -> memref<2048xf32, #tpu.memory_space<vmem>>
    %dma_wait3A_920 = tpu.memref_slice %arg5[%mul3A_917] : memref<52428800xf32, #tpu.memory_space<hbm>> -> memref<2048xf32, #tpu.memory_space<hbm>>
    %dma_wait3A_921 = tpu.memref_slice %arg5[%mul3A_917] : memref<52428800xf32, #tpu.memory_space<hbm>> -> memref<2048xf32, #tpu.memory_space<hbm>>
    %dma_wait3A_922 = arith.constant 12288 : i32
    %dma_wait3A_923 = tpu.memref_slice %arg11[%dma_wait3A_922] : memref<16384xf32, #tpu.memory_space<vmem>> -> memref<2048xf32, #tpu.memory_space<vmem>>
    tpu.wait_dma2 semaphore(%arg17 : memref<!tpu.dma_semaphore, #tpu.memory_space<semaphore_mem>>) src(%dma_wait3A_923 : memref<2048xf32, #tpu.memory_space<vmem>>) dst(%dma_wait3A_921 : memref<2048xf32, #tpu.memory_space<hbm>>)
    %mul3A_924 = arith.constant 8 : i32
    %mul3A_925 = arith.muli %select_n3A_800, %mul3A_924 : i32
    %add3A_926 = arith.constant 7 : i32
    %add3A_927 = arith.addi %mul3A_925, %add3A_926 : i32
    %mul3A_928 = arith.constant 32 : i32
    %mul3A_929 = arith.muli %add3A_927, %mul3A_928 : i32
    %add3A_930 = arith.addi %mul3A_929, %mul3A_818 : i32
    %mul3A_931 = arith.constant 1024 : i32
    %mul3A_932 = arith.muli %add3A_930, %mul3A_931 : i32
    %dma_wait3A_933 = arith.constant 14336 : i32
    %dma_wait3A_934 = tpu.memref_slice %arg11[%dma_wait3A_933] : memref<16384xf32, #tpu.memory_space<vmem>> -> memref<2048xf32, #tpu.memory_space<vmem>>
    %dma_wait3A_935 = tpu.memref_slice %arg5[%mul3A_932] : memref<52428800xf32, #tpu.memory_space<hbm>> -> memref<2048xf32, #tpu.memory_space<hbm>>
    %dma_wait3A_936 = tpu.memref_slice %arg5[%mul3A_932] : memref<52428800xf32, #tpu.memory_space<hbm>> -> memref<2048xf32, #tpu.memory_space<hbm>>
    %dma_wait3A_937 = arith.constant 14336 : i32
    %dma_wait3A_938 = tpu.memref_slice %arg11[%dma_wait3A_937] : memref<16384xf32, #tpu.memory_space<vmem>> -> memref<2048xf32, #tpu.memory_space<vmem>>
    tpu.wait_dma2 semaphore(%arg17 : memref<!tpu.dma_semaphore, #tpu.memory_space<semaphore_mem>>) src(%dma_wait3A_938 : memref<2048xf32, #tpu.memory_space<vmem>>) dst(%dma_wait3A_936 : memref<2048xf32, #tpu.memory_space<hbm>>)
    return
  }
}

</mosaic_0001>

<sc_bundles>
// kernel: kernel.3.cloned.1.call-start
scs
__scs_entry_jumppad:
0x0: {  	(pc) =	sbr.rel $0x88, $3  }
0x1: {  	(tag) =	ssettag $0x0;
	lr =	simm.s32 $0x1  }
0x2: {  	[smem:$0x3F9E] =	sst lr;
	_ =	strace $0xD0000000  }
0x3: {  	_ = 	snop  }
0x4: {  	_ = 	snop  }
0x5: {  	_ = 	snop  }
0x6: {  	_ = 	snop  }
0x7: {  	_ = 	snop  }
__scs_overlays_trampoline_lowered:
0x8: {  	[smem:$0x3FAD] =	sst s0  }
0x9: {  	[smem:$0x3FAE] =	sst s1  }
0xa: {  	[smem:$0x3FAF] =	sst s2  }
0xb: {  	[smem:$0x3FB0] =	sst s3  }
0xc: {  	[smem:$0x3FB1] =	sst s4  }
0xd: {  	[smem:$0x3FB2] =	sst s5  }
0xe: {  	[smem:$0x3FB3] =	sst s6  }
0xf: {  	[smem:$0x3FB4] =	sst s7  }
0x10: {  	[smem:$0x3FB5] =	sst s8  }
0x11: {  	[smem:$0x3FB6] =	sst s9;
	s0 =	simm.s32 @!p0 $0x0  }
0x12: {  	s1 =	sld [smem:$0x3F9C];
	s0 =	simm.s32 @p0 $0x1  }
0x13: {  	[smem:$0x3FB7] =	sst s0;
	s0 =	simm.s32 @!p1 $0x0  }
0x14: {  	s2 =	sld [smem:$0x3F9B];
	s0 =	simm.s32 @p1 $0x1  }
0x15: {  	[smem:$0x3FB8] =	sst s0;
	s0 =	simm.s32 @!p2 $0x0  }
0x16: {  	s3 =	sld [smem:$0x3FDB];
	s0 =	simm.s32 @p2 $0x1  }
0x17: {  	s4 =	simm.s32 $0x1BF5;
	[smem:$0x3FBA] =	sst s0  }
0x18: {  	s0 =	sld [smem:$0x3F9D];
	_ =	swait.ge [sflag:s4], $0x0  }
0x19: {  	s7 =	sld [smem:$0x3F9E]  }
0x1a: {  	s8 =	sadd.s32 $0xFFFFE003, lr  }
0x1b: {  	s9 =	sadd.s32 $0xFFFFFEF7, lr;
	s5 =	simm.s32 $0xFFFFFFFF;
	p2 =	slt.u32 s8, $0xFFFFF086  }
0x1c: {  	p1 =	slt.u32 s9, $0xF7A;
	s5 =	simm.s32 @!p2 $0x0  }
0x1d: {  	s5 =	simm.s32 @p1 $0x1;
	p0 =	seq.s32 s7, s2  }
0x1e: {  	s7 =	smul.u32 @!p0 $0xF7A, s2;
	p2 =	seq.s32 @!p0 s5, $0x0  }
0x1f: {  	s9 =	smul.u32 $0xF7A, s1;
	s8 =	simm.s32 @!p0 $0x1BF5;
	p2 =	por !p2, p0  }
0x20: {  	[sflag:s8] =	ssyncset.s32 @!p0 $0xFFFFF086;
	s6 =	sadd.s32 @!p0 s3, s7;
	s7 =	simm.s32 @!p0 $0x108  }
0x21: {  	s3 =	sadd.s32 s3, s9;
	s6 =	sadd.s32 @!p0 $0x88, s6;
	s7 =	simm.s32 @p2 $0x1082  }
0x22: {  	[simem:s7], [sflag:s8] =	dma.local @!p0 [hbm:s6], $0xF7A  }
0x23: {  	s9 =	sor.u32 $0xD0000000, s2;
	s6 =	simm.s32 $0x108;
	_ =	swait.ge @!p0 [sflag:s8], $0x0  }
0x24: {  	s3 =	sadd.s32 $0x88, s3;
	s6 =	simm.s32 @!p1 $0x1082;
	[sflag:s4] =	ssyncset.s32 $0xFFFFF086  }
0x25: {  	[simem:s6], [sflag:s4] =	dma.local [hbm:s3], $0xF7A  }
0x26: {  	[smem:$0x3F9E] =	sst s1;
	(tag) =	ssettag s2;
	_ =	strace s9  }
0x27: {  	s1 =	sld [smem:$0x3FAE]  }
0x28: {  	s2 =	sld [smem:$0x3FAF]  }
0x29: {  	s4 =	sld [smem:$0x3FB1]  }
0x2a: {  	p0 =	seq.s32 s5, $0x0;
	s5 =	sld [smem:$0x3FB2]  }
0x2b: {  	s6 =	sld [smem:$0x3FB3]  }
0x2c: {  	s7 =	sld [smem:$0x3FB4]  }
0x2d: {  	s3 =	simm.s32 $0x108;
	s8 =	sld [smem:$0x3FB5]  }
0x2e: {  	s3 =	simm.s32 @!p0 $0x1082;
	s9 =	sld [smem:$0x3FB6]  }
0x2f: {  	lr =	sadd.s32 s0, s3;
	s0 =	sld [smem:$0x3FAD]  }
0x30: {  	s3 =	sld [smem:$0x3FB0]  }
0x31: {  	[smem:$0x3FB9] =	sst s10  }
0x32: {  	s10 =	sld [smem:$0x3FB7];
	_ =	sdelay $0x3  }
0x33: {  	p0 =	seq.s32 s10, $0x1;
	s10 =	sld [smem:$0x3FB9];
	_ =	sdelay $0x3  }
0x34: {  	[smem:$0x3FB9] =	sst s10  }
0x35: {  	s10 =	sld [smem:$0x3FB8];
	_ =	sdelay $0x3  }
0x36: {  	p1 =	seq.s32 s10, $0x1;
	s10 =	sld [smem:$0x3FB9];
	_ =	sdelay $0x3  }
0x37: {  	[smem:$0x3FB9] =	sst s10  }
0x38: {  	s10 =	sld [smem:$0x3FBA]  }
0x39: {  	_ = 	snop;
	(pc) =	sbr.ind lr, $3  }
0x3a: {  	_ = 	snop  }
0x3b: {  	_ = 	snop  }
0x3c: {  	p2 =	seq.s32 s10, $0x1;
	s10 =	sld [smem:$0x3FB9]  }
0x3d: {  	_ =	shalt  }
0x3e: {  	_ =	shalt  }
0x3f: {  	_ =	shalt  }
0x40: {  	_ =	shalt  }
0x41: {  	_ =	shalt  }
0x42: {  	_ =	shalt  }
0x43: {  	_ =	shalt  }
0x44: {  	_ =	shalt  }
0x45: {  	_ =	shalt  }
0x46: {  	_ =	shalt  }
0x47: {  	_ =	shalt  }
0x48: {  	_ =	shalt  }
0x49: {  	_ =	shalt  }
0x4a: {  	_ =	shalt  }
0x4b: {  	_ =	shalt  }
0x4c: {  	_ =	shalt  }
0x4d: {  	_ =	shalt  }
0x4e: {  	_ =	shalt  }
0x4f: {  	_ =	shalt  }
0x50: {  	_ =	shalt  }
0x51: {  	_ =	shalt  }
0x52: {  	_ =	shalt  }
0x53: {  	_ =	shalt  }
0x54: {  	_ =	shalt  }
0x55: {  	_ =	shalt  }
0x56: {  	_ =	shalt  }
0x57: {  	_ =	shalt  }
0x58: {  	_ =	shalt  }
0x59: {  	_ =	shalt  }
0x5a: {  	_ =	shalt  }
0x5b: {  	_ =	shalt  }
0x5c: {  	_ =	shalt  }
0x5d: {  	_ =	shalt  }
0x5e: {  	_ =	shalt  }
0x5f: {  	_ =	shalt  }
0x60: {  	_ =	shalt  }
0x61: {  	_ =	shalt  }
0x62: {  	_ =	shalt  }
0x63: {  	_ =	shalt  }
0x64: {  	_ =	shalt  }
0x65: {  	_ =	shalt  }
0x66: {  	_ =	shalt  }
0x67: {  	_ =	shalt  }
0x68: {  	_ =	shalt  }
0x69: {  	_ =	shalt  }
0x6a: {  	_ =	shalt  }
0x6b: {  	_ =	shalt  }
0x6c: {  	_ =	shalt  }
0x6d: {  	_ =	shalt  }
0x6e: {  	_ =	shalt  }
0x6f: {  	_ =	shalt  }
0x70: {  	_ =	shalt  }
0x71: {  	_ =	shalt  }
0x72: {  	_ =	shalt  }
0x73: {  	_ =	shalt  }
0x74: {  	_ =	shalt  }
0x75: {  	_ =	shalt  }
0x76: {  	_ =	shalt  }
0x77: {  	_ =	shalt  }
0x78: {  	_ =	shalt  }
0x79: {  	_ =	shalt  }
0x7a: {  	_ =	shalt  }
0x7b: {  	_ =	shalt  }
0x7c: {  	_ =	shalt  }
0x7d: {  	_ =	shalt  }
0x7e: {  	_ =	shalt  }
0x7f: {  	_ =	shalt  }
0x80: {  	_ =	shalt  }
0x81: {  	_ =	shalt  }
0x82: {  	_ =	shalt  }
0x83: {  	_ =	shalt  }
0x84: {  	_ =	shalt  }
0x85: {  	_ =	shalt  }
0x86: {  	_ =	shalt  }
0x87: {  	_ =	shalt  }
.Lfunc_end0:
.L_simem_size_0:
called_computation_lowered:
.L_overlay_start_0:
0x88: {  	s2 =	sld [smem:$0x3FD9]  }
0x89: {  	s3 =	sld [smem:$0x3FFE];
	_ =	sdelay $0x1  }
0x8a: {  	s1 =	srdreg.scid  }
0x8b: {  	s0 =	sand.u32 $0x1, s1  }
0x8c: {  	s17 =	sshll.u32 s0, $0xA;
	s2 =	sadd.s32 s3, s2  }
0x8d: {  	s2 =	sadd.s32 s2, s17  }
0x8e: {  	[smem:$0x3FC5] =	sst s2  }
0x8f: {  	_ = 	snop  }
0x90: {  	s2 =	sld [smem:$0x3FC9]  }
0x91: {  	s18 =	sld [smem:$0x3FD0];
	(tm) =	ssettm $0x1  }
0x92: {  	s4 =	sld [smem:$0x3FFB];
	_ =	sdelay $0x3  }
0x93: {  	_ =	strace s4  }
0x94: {  	s4 =	sld [smem:$0x3FFC];
	_ =	sdelay $0x3  }
0x95: {  	_ =	strace s4  }
0x96: {  	s4 =	sld [smem:$0x3FFD];
	_ =	sdelay $0x3  }
0x97: {  	_ =	strace s4  }
0x98: {  	_ =	strace $0x8FFFFFFF  }
0x99: {  	s19 =	sld [smem:$0x3FDB];
	_ =	sdelay $0x1  }
0x9a: {  	s5 =	simm.s32 $_scs_section_size  }
0x9b: {  	s6 =	simm.s32 $_size__tile_overlayer_lowered;
	s7 =	simm.s32 $_tile_overlayer_lowered  }
0x9c: {  	s22 =	simm.s32 $0x1BFF;
	s21 =	sshll.u32 s7, $0x1;
	s4 =	sadd.s32 s5, s19  }
0x9d: {  	s8 =	simm.s32 $0x0;
	s20 =	sshll.u32 s6, $0x1;
	s6 =	sadd.s32 s21, s4  }
0x9e: {  	[timem:s8], [sflag:s22] =	dma.local [hbm:s6], s20  }
0x9f: {  	_ =	swait.ge [sflag:s22], s20  }
0xa0: {  	s5 =	ssub.s32 $0x0, s20;
	[sflag:s22] =	ssyncset.done $0x0  }
0xa1: {  	[sflag:s22] =	ssyncadd.s32 s5;
	_ =	sdelay $0x1  }
0xa2: {  	s23 =	simm.s32 $0x1B8B  }
0xa3: {  	_ =	swait.ge [sflag:s23], $0x1  }
0xa4: {  	[sflag:s23] =	ssyncset.done $0x0  }
0xa5: {  	s25 =	simm.s32 $0x1B8E;
	s24 =	sld [smem:$0x3FFE];
	[sflag:s23] =	ssyncadd.s32 $0xFFFFFFFF  }
0xa6: {  	s26 =	simm.s32 $execute0_lowered;
	[smem:$0x3FD2] =	sst s25  }
0xa7: {  	s6 =	sshll.u32 s26, $0x1;
	_ =	strace $0x80000046;
	[dreg:$0x1] =	wrdreg $0xFFFFFFFF  }
0xa8: {  	s28 =	simm.s32 $_size_execute0_lowered;
	s4 =	sadd.s32 s4, s6;
	[dreg:$0x0] =	wrdreg $0x0  }
0xa9: {  	s6 =	sshll.u32 s28, $0x1;
	[dreg:$0x2] =	wrdreg s4  }
0xaa: {  	[dreg:$0x3] =	wrdreg s6  }
0xab: {  	[dreg:$0x4] =	wrdreg $0xC0  }
0xac: {  	_ =	task [dreg:s8], $0x5FFFF  }
0xad: {  	[dreg:$0x1] =	wrdreg $0xFFFFFFFF  }
0xae: {  	[dreg:$0x0] =	wrdreg $0x60  }
0xaf: {  	[dreg:$0x2] =	wrdreg s2  }
0xb0: {  	[dreg:$0x3] =	wrdreg s24  }
0xb1: {  	[dreg:$0x4] =	wrdreg s18  }
0xb2: {  	[dreg:$0x5] =	wrdreg $0x9  }
0xb3: {  	_ =	task.clear_ibuf [dreg:s8], $0x6FFFF;
	_ =	strace $0x90000046  }
0xb4: {  	s29 =	simm.s32 $0x9;
	_ =	strace $0x80000048  }
0xb5: {  	_ =	swait.ge [sflag:s29], $0x1  }
0xb6: {  	[sflag:s29] =	ssyncadd.s32 $0xFFFFFFFF  }
0xb7: {  	_ =	strace $0x90000048  }
0xb8: {  	_ =	sfence  }
0xb9: {  	s30 =	sld [smem:$0x0];
	_ =	sdelay $0x2  }
0xba: {  	s31 =	sshll.u32 s1, $0xD;
	s1 =	sshrl.u32 s1, $0x2  }
0xbb: {  	s3 =	sand.u32 $0x4000, s31;
	s1 =	sadd.s32 s1, s30  }
0xbc: {  	s0 =	sor.u32 s3, s0;
	s1 =	sshll.u32 s1, $0x11  }
0xbd: {  	s0 =	sor.u32 s1, s0  }
0xbe: {  	s0 =	sadd.s32 $0x8F2B, s0  }
0xbf: {  	[sflag:s0] =	ssyncadd.remote.s32 $0x1  }
0xc0: {  	_ =	sfence.sel $0xFFFF  }
0xc1: {  	[dreg:$0x0] =	wrdreg $0xFFFFFFFF;
	(pc) =	sbr.abs _section_cstart, $3  }
0xc2: {  	[dreg:$0x1] =	wrdreg $0xFFFFFFFF  }
0xc3: {  	_ =	task.clear_ibuf [dreg:s8], $0x2FFFF;
	_ =	strace $0x9FFFFFFF  }
0xc4: {  	(tm) =	ssettm $0x7FFFFFFF  }
0xc5: {  	_ =	shalt  }
tec
execute0_lowered:
.L_overlay_start_1:
0x0: {  	(tag) =	ssettag $0x1  }
0x1: {  	v0 =	vimm.s32 $0xFEDCBA9;
	v1 =	vimm.s32 $0x87654321  }
0x2: {  	v2 =	vimm.s32 $0x10FEDCBA;
	v3 =	vimm.s32 $0x98765432;
	v4 =	vimm.s32 $0x210FEDCB  }
0x3: {  	v5 =	vimm.s32 $0xA9876543;
	v37 =	vimm.s32 $0x3210FEDC;
	v7 =	vimm.s32 $0xBA987654  }
0x4: {  	v38 =	vlaneseq.u32;
	v12 =	vimm.s32 $0x43210FED;
	v43 =	vimm.s32 $0xCBA98765  }
0x5: {  	v13 =	vimm.s32 $0xDCBA9876;
	v14 =	vimm.s32 $0x6543210F;
	v15 =	vimm.s32 $0xEDCBA987  }
0x6: {  	v45 =	vimm.s32 $0x76543210;
	v49 =	vimm.s32 $0xB80;
	vm14 =	vcmask $0x300  }
0x7: {  	vm13 =	vcmask $0x704;
	vm12 =	vcmask $0xB08;
	vm11 =	vcmask $0xF0C  }
0x8: {  	vm10 =	vcmask $0x1310;
	vm6 =	vcmask $0x1714;
	vm8 =	vcmask $0x1B18  }
0x9: {  	vm9 =	vcmask $0x1F1C;
	vm7 =	vcmask $0x2320;
	vm5 =	vcmask $0x2724  }
0xa: {  	vm0 =	vcmask $0x2B28;
	vm1 =	vcmask $0x2F2C;
	vm2 =	vcmask $0x3330  }
0xb: {  	vm3 =	vcmask $0x3734;
	vm4 =	vcmask $0x3B38;
	v57 =	vimm.s32 $0x1B80  }
0xc: {  	v59 =	vimm.s32 $0x2B80;
	v60 =	vimm.s32 $0x3B80;
	v0 =	vunpack.c.l.s4.s8 v0  }
0xd: {  	v1 =	vunpack.c.l.s4.s8 v1;
	v2 =	vunpack.c.l.s4.s8 v2;
	v3 =	vunpack.c.l.s4.s8 v3  }
0xe: {  	v4 =	vunpack.c.l.s4.s8 v4;
	v36 =	vunpack.c.l.s4.s8 v5;
	v9 =	vunpack.c.l.s4.s8 v37  }
0xf: {  	v7 =	vunpack.c.l.s4.s8 v7;
	v40 =	vunpack.c.l.s4.s8 v12;
	v12 =	vimm.s32 $0x543210FE  }
0x10: {  	v13 =	vunpack.c.l.s4.s8 v13;
	v14 =	vunpack.c.l.s4.s8 v14;
	v44 =	vunpack.c.l.s4.s8 v15  }
0x11: {  	v50 =	vsel vm14, $0x0, v49;
	v58 =	vsel vm14, $0x1000, v57;
	v20 =	vor.u32 $0x20, v38  }
0x12: {  	v22 =	vor.u32 $0x30, v38;
	v12 =	vunpack.c.l.s4.s8 v12;
	v6 =	vunpack.c.0.s8.s32 v0  }
0x13: {  	v1 =	vunpack.c.0.s8.s32 v1;
	v2 =	vunpack.c.0.s8.s32 v2;
	v3 =	vunpack.c.0.s8.s32 v3  }
0x14: {  	v4 =	vunpack.c.0.s8.s32 v4;
	v5 =	vunpack.c.0.s8.s32 v36;
	v9 =	vunpack.c.0.s8.s32 v9  }
0x15: {  	v7 =	vunpack.c.0.s8.s32 v7;
	v15 =	vunpack.c.0.s8.s32 v13;
	v14 =	vunpack.c.0.s8.s32 v14  }
0x16: {  	v18 =	vunpack.c.0.s8.s32 v44;
	v8 =	vcombine.low v1, v6;
	v10 =	vcombine.low v3, v2  }
0x17: {  	v17 =	vunpack.c.0.s8.s32 v12;
	v11 =	vcombine.low v5, v4;
	v42 =	vcombine.low v7, v9  }
0x18: {  	v12 =	vimm.s32 $0xFEDCBA98;
	v46 =	vcombine.low v18, v14;
	v1 =	vcombine.low v6, v1  }
0x19: {  	v12 =	vunpack.c.l.s4.s8 v12;
	v2 =	vcombine.low v2, v3;
	v51 =	vcombine.low v4, v5  }
0x1a: {  	v53 =	vcombine.low v9, v7;
	v56 =	vcombine.low v14, v18;
	v3 =	vsel vm14, $0x3000, v60  }
0x1b: {  	v18 =	vor.u32 $0x10, v38;
	v19 =	vcombine.low v15, v17;
	v1 =	vand.u32 $0xF, v1  }
0x1c: {  	v55 =	vcombine.low v17, v15;
	v3 =	vsel vm13, $0x3080, v3;
	[tilespmem:$0x1FFD0] =	vst v1;
	v1 =	vsel vm13, $0x80, v50  }
0x1d: {  	v8 =	vand.u32 $0xF, v8;
	v39 =	vand.u32 $0xF, v10;
	v1 =	vsel vm12, $0x100, v1  }
0x1e: {  	v41 =	vand.u32 $0xF, v11;
	v11 =	vunpack.c.l.s4.s8 v43;
	v1 =	vsel vm11, $0x180, v1  }
0x1f: {  	v10 =	vand.u32 $0xF, v42;
	v12 =	vunpack.c.0.s8.s32 v12;
	v1 =	vsel vm10, $0x200, v1  }
0x20: {  	v2 =	vand.u32 $0xF, v2;
	v52 =	vand.u32 $0xF, v51;
	v1 =	vsel vm6, $0x280, v1  }
0x21: {  	v15 =	vand.u32 $0xF, v56;
	v3 =	vsel vm12, $0x3100, v3;
	[tilespmem:$0x1FF50] =	vst v8;
	v1 =	vsel vm8, $0x300, v1  }
0x22: {  	s7 =	rddreg [dreg:$0x0];
	v8 =	vunpack.c.0.s8.s32 v40;
	[tilespmem:$0x1FF80] =	vst v10;
	v10 =	vand.u32 $0xF, v46;
	v1 =	vsel vm9, $0x380, v1  }
0x23: {  	s0 =	srdreg.scid;
	s2 =	rddreg [dreg:$0x1];
	[tilespmem:$0x1FFE0] =	vst v2;
	v14 =	vand.u32 $0xF, v55;
	v2 =	vsel vm14, $0x2000, v59;
	v1 =	vsel vm7, $0x800, v1  }
0x24: {  	s1 =	stileid.u32;
	s9 =	rddreg [dreg:$0x2];
	v3 =	vsel vm11, $0x3180, v3;
	v16 =	vunpack.c.0.s8.s32 v11;
	v1 =	vsel vm5, $0x880, v1  }
0x25: {  	s5 =	simm.s32 $0x0;
	s29 =	simm.s32 $0x6;
	s30 =	simm.s32 $0x4200;
	v11 =	vunpack.c.l.s4.s8 v45;
	v47 =	vand.u32 $0xF, v12;
	v1 =	vsel vm0, $0x900, v1  }
0x26: {  	s31 =	simm.s32 $0x1;
	s0 =	sand.u32 $0x1, s0;
	s1 =	sshll.u32 s1, $0x1;
	v12 =	vand.u32 $0xF, v53;
	v2 =	vsel vm13, $0x2080, v2;
	v1 =	vsel vm1, $0x980, v1  }
0x27: {  	s12 =	simm.s32 $0x2;
	s20 =	simm.s32 $0xC200;
	s1 =	sor.u32 s0, s1;
	v3 =	vsel vm10, $0x3200, v3;
	v2 =	vsel vm12, $0x2100, v2;
	v1 =	vsel vm2, $0xA00, v1  }
0x28: {  	[smem:$0x7FF] =	sst s5;
	s6 =	sadd.s32 $0xC00, s2;
	s4 =	smul.u32 $0x64, s1;
	v3 =	vsel vm6, $0x3280, v3;
	v13 =	vcombine.low v16, v8;
	v1 =	vsel vm3, $0xA80, v1  }
0x29: {  	s2 =	sadd.s32 $0x400, s2;
	s13 =	sadd.s32 $0x1000, s9;
	s14 =	sadd.s32 $0x2000, s9;
	[tilespmem:$0x1FF60] =	vst v39;
	v54 =	vcombine.low v8, v16;
	v16 =	vsel vm4, $0xB00, v1;
	v1 =	vsel vm13, $0x1080, v58  }
0x2a: {  	s15 =	sadd.s32 $0x3000, s9;
	s1 =	sshll.u32 s1, $0x3;
	s3 =	sshrl.u32 s4, $0x2;
	[tilespmem:$0x1FF70] =	vst v41;
	v11 =	vunpack.c.0.s8.s32 v11;
	v2 =	vsel vm11, $0x2180, v2;
	v1 =	vsel vm12, $0x1100, v1  }
0x2b: {  	s16 =	sadd.s32 $0x4000, s9;
	s1 =	sand.u32 $0x18, s1;
	s3 =	sand.u32 $0x3E0, s3;
	[tilespmem:$0x1FFF0] =	vst v52;
	v3 =	vsel vm8, $0x3300, v3;
	v2 =	vsel vm10, $0x2200, v2;
	v1 =	vsel vm11, $0x1180, v1  }
0x2c: {  	s17 =	sadd.s32 $0x5000, s9;
	s22 =	sshll.u32 s4, $0x3;
	s1 =	sor.u32 s1, s3;
	[tilespmem:$0x1FFB0] =	vst v10;
	v13 =	vand.u32 $0xF, v13;
	v48 =	vcombine.low v47, v11;
	v1 =	vsel vm10, $0x1200, v1  }
0x2d: {  	s8 =	sadd.s32 $0x80, s7;
	s3 =	sand.u32 $0x380, s22;
	s1 =	sshll.u32 s1, $0xA;
	v2 =	vsel vm6, $0x2280, v2;
	[tilespmem:$0x1FF90] =	vst v13;
	v13 =	vand.u32 $0xF, v19;
	v1 =	vsel vm6, $0x1280, v1  }
0x2e: {  	s18 =	sadd.s32 $0x6000, s9;
	s0 =	ssub.s32 $0x2, s0;
	s1 =	sor.u32 s3, s1;
	v3 =	vsel vm9, $0x3380, v3;
	v2 =	vsel vm8, $0x2300, v2;
	[tilespmem:$0x1FFA0] =	vst v13;
	v1 =	vsel vm8, $0x1300, v1  }
0x2f: {  	s19 =	sadd.s32 $0x7000, s9;
	s23 =	sshrl.u32 s0, $0x1;
	s24 =	sor.u32 $0x800, s1;
	v3 =	vsel vm7, $0x3800, v3;
	[tilespmem:$0x1FFC0] =	vst v48;
	v2 =	vsel vm9, $0x2380, v2;
	v1 =	vsel vm9, $0x1380, v1  }
0x30: {  	s1 =	sshrl.u32 s1, $0x3;
	v3 =	vsel vm5, $0x3880, v3;
	_ =	strace $0x80000047;
	[dreg:$0x4] =	wrdreg s4;
	v2 =	vsel vm7, $0x2800, v2;
	v1 =	vsel vm7, $0x1800, v1  }
0x31: {  	s0 =	ssub.s32 s0, s23;
	s25 =	sadd.s32 s7, s1;
	v13 =	vand.u32 $0xF, v54;
	[dreg:$0x5] =	wrdreg s2;
	v2 =	vsel vm5, $0x2880, v2;
	v1 =	vsel vm5, $0x1880, v1  }
.Ltmp0:
0x32: {  	s1 =	sadd.s32 s1, s8;
	v3 =	vsel vm0, $0x3900, v3;
	[dreg:$0x6] =	wrdreg s25;
	v2 =	vsel vm0, $0x2900, v2;
	v1 =	vsel vm0, $0x1900, v1;
	(pc) =	sbr.rel .LBB2_1-.Ltmp0, $4  }
0x33: {  	s0 =	smax.u32 s0, $0x1;
	s2 =	sshrl.u32 s24, $0x3;
	[dreg:$0x7] =	wrdreg s1;
	v3 =	vsel vm1, $0x3980, v3;
	v2 =	vsel vm1, $0x2980, v2;
	v1 =	vsel vm1, $0x1980, v1  }
0x34: {  	s9 =	simm.s32 $0x4;
	[dreg:$0xa] =	wrdreg s0;
	s26 =	sadd.s32 s7, s2;
	v62 =	vsel vm2, $0x3A00, v3;
	v2 =	vsel vm2, $0x2A00, v2;
	v1 =	vsel vm2, $0x1A00, v1  }
0x35: {  	s1 =	simm.s32 $0x0;
	s28 =	sadd.s32 s2, s8;
	[dreg:$0x8] =	wrdreg s26;
	v63 =	vsel vm3, $0x3A80, v62;
	v61 =	vsel vm3, $0x2A80, v2;
	v1 =	vsel vm3, $0x1A80, v1  }
0x36: {  	s2 =	simm.s32 $0x8200;
	[dreg:$0x9] =	wrdreg s28;
	s26 =	simm.s32 $0x200;
	v21 =	vsel vm4, $0x3B00, v63;
	v19 =	vsel vm4, $0x2B00, v61;
	v17 =	vsel vm4, $0x1B00, v1  }
.LBB2_12:
0x37: {  	s0 =	simm.s32 $0x3  }
0x38: {  	_ =	swait.ge [sflag:s0], $0x800  }
0x39: {  	[sflag:s0] =	ssyncset.done $0x0  }
0x3a: {  	[sflag:s0] =	ssyncadd.s32 $0xFFFFF800  }
0x3b: {  	_ =	swait.ge [sflag:s0], $0x800  }
0x3c: {  	[sflag:s0] =	ssyncset.done $0x0  }
0x3d: {  	[sflag:s0] =	ssyncadd.s32 $0xFFFFF800  }
0x3e: {  	_ =	swait.ge [sflag:s0], $0x800  }
0x3f: {  	[sflag:s0] =	ssyncset.done $0x0  }
0x40: {  	[sflag:s0] =	ssyncadd.s32 $0xFFFFF800  }
0x41: {  	_ =	swait.ge [sflag:s0], $0x800  }
0x42: {  	[sflag:s0] =	ssyncset.done $0x0  }
0x43: {  	[sflag:s0] =	ssyncadd.s32 $0xFFFFF800  }
0x44: {  	_ =	swait.ge [sflag:s0], $0x800  }
0x45: {  	[sflag:s0] =	ssyncset.done $0x0  }
0x46: {  	[sflag:s0] =	ssyncadd.s32 $0xFFFFF800  }
0x47: {  	_ =	swait.ge [sflag:s0], $0x800  }
0x48: {  	[sflag:s0] =	ssyncset.done $0x0  }
0x49: {  	[sflag:s0] =	ssyncadd.s32 $0xFFFFF800  }
0x4a: {  	_ =	swait.ge [sflag:s0], $0x800  }
0x4b: {  	[sflag:s0] =	ssyncset.done $0x0  }
0x4c: {  	[sflag:s0] =	ssyncadd.s32 $0xFFFFF800  }
0x4d: {  	_ =	swait.ge [sflag:s0], $0x800  }
0x4e: {  	[sflag:s0] =	ssyncset.done $0x0  }
0x4f: {  	[sflag:s0] =	ssyncadd.s32 $0xFFFFF800  }
0x50: {  	_ =	swait.ge [sflag:s9], $0x800  }
0x51: {  	[sflag:s9] =	ssyncset.done $0x0  }
0x52: {  	[sflag:s9] =	ssyncadd.s32 $0xFFFFF800  }
0x53: {  	_ =	swait.ge [sflag:s9], $0x800  }
0x54: {  	[sflag:s9] =	ssyncset.done $0x0  }
0x55: {  	[sflag:s9] =	ssyncadd.s32 $0xFFFFF800  }
0x56: {  	_ =	swait.ge [sflag:s9], $0x800  }
0x57: {  	[sflag:s9] =	ssyncset.done $0x0  }
0x58: {  	[sflag:s9] =	ssyncadd.s32 $0xFFFFF800  }
0x59: {  	_ =	swait.ge [sflag:s9], $0x800  }
0x5a: {  	[sflag:s9] =	ssyncset.done $0x0  }
0x5b: {  	[sflag:s9] =	ssyncadd.s32 $0xFFFFF800  }
0x5c: {  	_ =	swait.ge [sflag:s9], $0x800  }
0x5d: {  	[sflag:s9] =	ssyncset.done $0x0  }
0x5e: {  	[sflag:s9] =	ssyncadd.s32 $0xFFFFF800  }
0x5f: {  	_ =	swait.ge [sflag:s9], $0x800  }
0x60: {  	[sflag:s9] =	ssyncset.done $0x0  }
0x61: {  	[sflag:s9] =	ssyncadd.s32 $0xFFFFF800  }
0x62: {  	_ =	swait.ge [sflag:s9], $0x800  }
0x63: {  	[sflag:s9] =	ssyncset.done $0x0  }
0x64: {  	[sflag:s9] =	ssyncadd.s32 $0xFFFFF800  }
0x65: {  	_ =	swait.ge [sflag:s9], $0x800  }
0x66: {  	s1 =	rddreg [dreg:$0xb]  }
0x67: {  	s28 =	rddreg [dreg:$0xa];
	s1 =	sadd.s32 $0x1, s1  }
0x68: {  	p0 =	sne.s32 s1, s28  }
.Ltmp1:
0x69: {  	_ = 	snop;
	(pc) =	sbr.rel @!p0 .LBB2_13-.Ltmp1, $3  }
0x6a: {  	_ =	sdelay $0x1  }
0x6b: {  	[sflag:s9] =	ssyncset.done $0x0  }
0x6c: {  	[sflag:s9] =	ssyncadd.s32 $0xFFFFF800  }
.LBB2_1:
0x6d: {  	[dreg:$0xb] =	wrdreg s1  }
0x6e: {  	s0 =	rddreg [dreg:$0x5];
	s7 =	simm.s32 $0x10200;
	s10 =	simm.s32 $0x7  }
0x6f: {  	[tilespmem:s7], [sflag:$0x7] =	stream.linear.gather [hbm4b:s0+s5], $0x3200, $0x38;
	[tilespmem:$0x13580] =	vst v63  }
0x70: {  	_ =	swait.ge [sflag:s10], $0x3200  }
0x71: {  	[sflag:s10] =	ssyncset.done $0x0  }
0x72: {  	v0 =	vlaneseq.u32;
	[sflag:s10] =	ssyncadd.s32 $0xFFFFCE00  }
0x73: {  	[tilespmem:$0x13400] =	vst v0  }
0x74: {  	[tilespmem:$0x134C0] =	vst v12  }
0x75: {  	[tilespmem:$0x134D0] =	vst v13  }
0x76: {  	[tilespmem:$0x134E0] =	vst v14  }
0x77: {  	[tilespmem:$0x134F0] =	vst v15  }
0x78: {  	[tilespmem:$0x13500] =	vst v16  }
0x79: {  	[tilespmem:$0x13540] =	vst v0  }
0x7a: {  	[tilespmem:$0x13510] =	vst v17  }
0x7b: {  	v1 =	vld [tilespmem:$0x1FF50];
	[tilespmem:$0x13550] =	vst v18  }
0x7c: {  	v54 =	vld [tilespmem:$0x1FF60];
	[tilespmem:$0x13520] =	vst v19  }
0x7d: {  	v55 =	vld [tilespmem:$0x1FF70];
	[tilespmem:$0x13560] =	vst v20  }
0x7e: {  	v56 =	vld [tilespmem:$0x1FF80];
	[tilespmem:$0x13530] =	vst v21  }
0x7f: {  	v57 =	vld [tilespmem:$0x1FF90];
	[tilespmem:$0x13570] =	vst v22  }
0x80: {  	v58 =	vld [tilespmem:$0x1FFA0];
	[tilespmem:$0x13410] =	vst v1  }
0x81: {  	v59 =	vld [tilespmem:$0x1FFB0];
	[tilespmem:$0x13420] =	vst v54  }
0x82: {  	v60 =	vld [tilespmem:$0x1FFC0];
	[tilespmem:$0x13430] =	vst v55  }
0x83: {  	v61 =	vld [tilespmem:$0x1FFD0];
	[tilespmem:$0x13440] =	vst v56  }
0x84: {  	v62 =	vld [tilespmem:$0x1FFE0];
	[tilespmem:$0x13450] =	vst v57  }
0x85: {  	v63 =	vld [tilespmem:$0x1FFF0];
	[tilespmem:$0x13460] =	vst v58  }
0x86: {  	[tilespmem:$0x13470] =	vst v59  }
0x87: {  	[tilespmem:$0x13480] =	vst v60  }
0x88: {  	[tilespmem:$0x13490] =	vst v61  }
0x89: {  	[tilespmem:$0x134A0] =	vst v62  }
0x8a: {  	s11 =	rddreg [dreg:$0x6];
	[tilespmem:$0x134B0] =	vst v63  }
0x8b: {  	[tilespmem:s5], [sflag:$0x5] =	stream.linear.gather [hbm4b:s11+s5], $0x80, $0x38;
	[tilespmem:$0x13580] =	vst v63  }
0x8c: {  	s22 =	simm.s32 $0x80;
	s23 =	simm.s32 $0x5;
	s21 =	rddreg [dreg:$0x7]  }
0x8d: {  	[tilespmem:s22], [sflag:$0x5] =	stream.linear.gather [hbm4b:s21+s5], $0x80, $0x38;
	[tilespmem:$0x13580] =	vst v63  }
0x8e: {  	_ =	swait.ge [sflag:s23], $0x80  }
0x8f: {  	[sflag:s23] =	ssyncset.done $0x0  }
0x90: {  	[sflag:s23] =	ssyncadd.s32 $0xFFFFFF80  }
0x91: {  	_ =	swait.ge [sflag:s23], $0x80  }
0x92: {  	[sflag:s23] =	ssyncset.done $0x0  }
0x93: {  	s24 =	simm.s32 $0x100;
	[sflag:s23] =	ssyncadd.s32 $0xFFFFFF80  }
0x94: {  	[tilespmem:s26], [sflag:$0x1] =	stream.indirect.gather [hbm4b:s6+s24], $0x40, s5, s24, $0xb8;
	[tilespmem:$0x13580] =	vst v63  }
0x95: {  	s25 =	rddreg [dreg:$0x8]  }
0x96: {  	[tilespmem:s24], [sflag:$0x6] =	stream.linear.gather [hbm4b:s25+s5], $0x80, $0x38;
	[tilespmem:$0x13580] =	vst v63  }
0x97: {  	s3 =	simm.s32 $0x180;
	s28 =	rddreg [dreg:$0x9]  }
0x98: {  	[tilespmem:s3], [sflag:$0x6] =	stream.linear.gather [hbm4b:s28+s5], $0x80, $0x38;
	[tilespmem:$0x13580] =	vst v63  }
0x99: {  	_ =	swait.ge [sflag:s29], $0x80  }
0x9a: {  	[sflag:s29] =	ssyncset.done $0x0  }
0x9b: {  	[sflag:s29] =	ssyncadd.s32 $0xFFFFFF80  }
0x9c: {  	_ =	swait.ge [sflag:s29], $0x80  }
0x9d: {  	[sflag:s29] =	ssyncset.done $0x0  }
0x9e: {  	s10 =	simm.s32 $0x0;
	[sflag:s29] =	ssyncadd.s32 $0xFFFFFF80  }
0x9f: {  	[tilespmem:s30], [sflag:$0x2] =	stream.indirect.gather [hbm4b:s6+s24], $0x40, s24, s24, $0xb8;
	[tilespmem:$0x13580] =	vst v63  }
.LBB2_2:
0xa0: {  	p1 =	seq.s32 s10, $0x0  }
0xa1: {  	s0 =	simm.s32 @!p1 $0x3  }
0xa2: {  	_ =	swait.ge @!p1 [sflag:s0], $0x800  }
0xa3: {  	[sflag:s0] =	ssyncset.done @!p1 $0x0  }
0xa4: {  	[sflag:s0] =	ssyncadd.s32 @!p1 $0xFFFFF800  }
0xa5: {  	_ =	swait.ge @!p1 [sflag:s0], $0x800  }
0xa6: {  	[sflag:s0] =	ssyncset.done @!p1 $0x0  }
0xa7: {  	[sflag:s0] =	ssyncadd.s32 @!p1 $0xFFFFF800  }
0xa8: {  	_ =	swait.ge @!p1 [sflag:s0], $0x800  }
0xa9: {  	[sflag:s0] =	ssyncset.done @!p1 $0x0  }
0xaa: {  	[sflag:s0] =	ssyncadd.s32 @!p1 $0xFFFFF800  }
0xab: {  	_ =	swait.ge @!p1 [sflag:s0], $0x800  }
0xac: {  	[sflag:s0] =	ssyncset.done @!p1 $0x0  }
0xad: {  	[sflag:s0] =	ssyncadd.s32 @!p1 $0xFFFFF800  }
0xae: {  	_ =	swait.ge @!p1 [sflag:s0], $0x800  }
0xaf: {  	[sflag:s0] =	ssyncset.done @!p1 $0x0  }
0xb0: {  	[sflag:s0] =	ssyncadd.s32 @!p1 $0xFFFFF800  }
0xb1: {  	_ =	swait.ge @!p1 [sflag:s0], $0x800  }
0xb2: {  	[sflag:s0] =	ssyncset.done @!p1 $0x0  }
0xb3: {  	[sflag:s0] =	ssyncadd.s32 @!p1 $0xFFFFF800  }
0xb4: {  	_ =	swait.ge @!p1 [sflag:s0], $0x800  }
0xb5: {  	s1 =	sshll.u32 s10, $0x1;
	[sflag:s0] =	ssyncset.done @!p1 $0x0;
	s3 =	rddreg [dreg:$0x4]  }
0xb6: {  	p0 =	seq.s32 s10, $0x31;
	s11 =	sadd.s32 s3, s1;
	[sflag:s0] =	ssyncadd.s32 @!p1 $0xFFFFF800  }
0xb7: {  	_ =	swait.ge @!p1 [sflag:s0], $0x800;
	s1 =	sadd.s32 @!p0 $0x2, s11  }
0xb8: {  	[sflag:s0] =	ssyncset.done @!p1 $0x0;
	s3 =	sshll.u32 @!p0 s1, $0x8  }
0xb9: {  	s4 =	sshll.u32 @!p0 s1, $0xB;
	s1 =	sshll.u32 @!p0 s1, $0x3;
	[sflag:s0] =	ssyncadd.s32 @!p1 $0xFFFFF800  }
0xba: {  	s3 =	sand.u32 @!p0 $0xFFFF8000, s3;
	s4 =	sand.u32 @!p0 $0x7000, s4;
	_ =	swait.ge [sflag:s31], $0x4000  }
0xbb: {  	s1 =	sand.u32 @!p0 $0x380, s1;
	s0 =	sor.u32 @!p0 s4, s3;
	[sflag:s31] =	ssyncset.done $0x0  }
0xbc: {  	s0 =	sor.u32 @!p0 s1, s0;
	[sflag:s31] =	ssyncadd.s32 $0xFFFFC000  }
0xbd: {  	s0 =	sshrl.u32 @!p0 s0, $0x3;
	s1 =	rddreg [dreg:$0x0]  }
0xbe: {  	s3 =	simm.s32 @!p0 $0x0;
	s1 =	sadd.s32 @!p0 s1, s0  }
0xbf: {  	[tilespmem:s3], [sflag:$0x5] =	stream.linear.gather @!p0 [hbm4b:s1+s3], $0x80, $0x38;
	[tilespmem:$0x13580] =	vst v63  }
0xc0: {  	s22 =	simm.s32 $0x0;
	s0 =	sadd.s32 @!p0 s0, s8;
	s1 =	simm.s32 @!p0 $0x80  }
0xc1: {  	[tilespmem:s1], [sflag:$0x5] =	stream.linear.gather @!p0 [hbm4b:s0+s3], $0x80, $0x38;
	[tilespmem:$0x13580] =	vst v63  }
0xc2: {  	s23 =	sand.u32 $0x30, s22;
	v55 =	vld [tilespmem:$0x13400]  }
0xc3: {  	v1 =	vld [tilespmem:s23+$0x13540]  }
0xc4: {  	s24 =	simm.s32 $0x0;
	s25 =	sand.u32 $0x1, s22  }
0xc5: {  	s3 =	sand.u32 $0x70, s24;
	s0 =	sshll.u32 s25, $0x7;
	v54 =	vld [tilespmem:$0x13410]  }
0xc6: {  	s7 =	sshll.u32 s11, $0x2;
	v53 =	vld [tilespmem:$0x13420];
	s0 =	sor.u32 s3, s0  }
0xc7: {  	s7 =	sand.u32 $0x3FFFFFC0, s7;
	v52 =	vld [tilespmem:$0x13430];
	v2 =	vadd.s32 s0, v55  }
0xc8: {  	s7 =	sadd.s32 $0x10200, s7;
	v51 =	vld [tilespmem:$0x13440];
	v36 =	vand.u32 $0xFFFFFFF8, v1;
	v2 =	vshll.u32 v2, $0x6  }
0xc9: {  	v23 =	vmov s7;
	v50 =	vld [tilespmem:$0x13450];
	v33 =	vand.u32 $0x7, v1;
	v2 =	vadd.s32 v2, v36  }
0xca: {  	v45 =	vld [tilespmem:$0x13460];
	v1 =	vor.u32 v33, v2  }
0xcb: {  	v2 =	vld [tilespmem:s23+$0x13500]  }
0xcc: {  	v44 =	vld [tilespmem:$0x13470]  }
0xcd: {  	v43 =	vld [tilespmem:$0x13480]  }
0xce: {  	s21 =	sshll.u32 s25, $0xA;
	v24 =	vld.idx.msk [tilespmem:v23+s23+$0x0 ss:$0x1], $0xffff  }
0xcf: {  	s1 =	sor.u32 s3, s21;
	v3 =	vadd.s32 s0, v54;
	v1 =	vld.idx.msk [tilespmem:v1+s26+$0x0], $0xffff  }
0xd0: {  	v42 =	vld [tilespmem:$0x13490];
	v28 =	vadd.s32 s1, v2;
	v2 =	vshll.u32 v3, $0x6  }
0xd1: {  	v38 =	vld [tilespmem:$0x134A0];
	v3 =	vadd.s32 v55, v28;
	v2 =	vadd.s32 v2, v36  }
0xd2: {  	v35 =	vld [tilespmem:$0x134B0];
	v2 =	vor.u32 v33, v2  }
0xd3: {  	v31 =	vld [tilespmem:$0x134C0]  }
0xd4: {  	v27 =	vld [tilespmem:$0x134D0];
	v1 =	vadd.f32 v1, v24  }
0xd5: {  	v26 =	vld [tilespmem:$0x134E0]  }
0xd6: {  	v25 =	vld [tilespmem:$0x134F0];
	[tilespmem:v3+s2+$0x0] =	vst.idx.msk $0xffff, v1  }
0xd7: {  	v1 =	vld.idx.msk [tilespmem:v2+s26+$0x0], $0xffff;
	v2 =	vadd.s32 s0, v53  }
0xd8: {  	v2 =	vshll.u32 v2, $0x6  }
0xd9: {  	v3 =	vadd.s32 v54, v28;
	v2 =	vadd.s32 v2, v36  }
0xda: {  	v2 =	vor.u32 v33, v2;
	_ =	sdelay $0x1  }
0xdb: {  	v1 =	vadd.f32 v1, v24;
	_ =	sdelay $0x1  }
0xdc: {  	[tilespmem:v3+s2+$0x0] =	vst.idx.msk $0xffff, v1  }
0xdd: {  	s22 =	simm.s32 $0x10;
	v1 =	vld.idx.msk [tilespmem:v2+s26+$0x0], $0xffff;
	v2 =	vadd.s32 s0, v52  }
0xde: {  	s1 =	sand.u32 $0x30, s22;
	v2 =	vshll.u32 v2, $0x6  }
0xdf: {  	s23 =	simm.s32 $0x0;
	v4 =	vld [tilespmem:s1+$0x13540];
	v3 =	vadd.s32 v53, v28;
	v2 =	vadd.s32 v2, v36  }
0xe0: {  	s24 =	simm.s32 $0x2;
	s3 =	sand.u32 $0x1, s23;
	v2 =	vor.u32 v33, v2  }
0xe1: {  	s4 =	sand.u32 $0x70, s24;
	s25 =	sshll.u32 s3, $0x7  }
0xe2: {  	s22 =	sor.u32 s4, s25;
	v1 =	vadd.f32 v1, v24  }
0xe3: {  	v5 =	vadd.s32 s22, v55  }
0xe4: {  	v34 =	vand.u32 $0xFFFFFFF8, v4;
	[tilespmem:v3+s2+$0x0] =	vst.idx.msk $0xffff, v1;
	v3 =	vshll.u32 v5, $0x6  }
0xe5: {  	v32 =	vand.u32 $0x7, v4;
	v1 =	vadd.s32 s0, v51;
	v2 =	vld.idx.msk [tilespmem:v2+s26+$0x0], $0xffff;
	v3 =	vadd.s32 v3, v34  }
0xe6: {  	v1 =	vshll.u32 v1, $0x6;
	v3 =	vor.u32 v32, v3  }
0xe7: {  	v4 =	vadd.s32 v52, v28;
	v5 =	vld [tilespmem:s1+$0x13500];
	v1 =	vadd.s32 v1, v36  }
0xe8: {  	v1 =	vor.u32 v33, v1;
	_ =	sdelay $0x1  }
0xe9: {  	s7 =	sshll.u32 s3, $0xA;
	v30 =	vld.idx.msk [tilespmem:v23+s1+$0x0 ss:$0x1], $0xffff;
	v2 =	vadd.f32 v2, v24  }
0xea: {  	v6 =	vadd.s32 s22, v54;
	s1 =	sor.u32 s4, s7;
	v3 =	vld.idx.msk [tilespmem:v3+s26+$0x0], $0xffff  }
0xeb: {  	v29 =	vadd.s32 s1, v5;
	[tilespmem:v4+s2+$0x0] =	vst.idx.msk $0xffff, v2;
	v2 =	vshll.u32 v6, $0x6  }
0xec: {  	v5 =	vadd.s32 v55, v29;
	v4 =	vadd.s32 s0, v50;
	v1 =	vld.idx.msk [tilespmem:v1+s26+$0x0], $0xffff;
	v2 =	vadd.s32 v2, v34  }
0xed: {  	v4 =	vshll.u32 v4, $0x6;
	v2 =	vor.u32 v32, v2  }
0xee: {  	v6 =	vadd.s32 v51, v28;
	v4 =	vadd.s32 v4, v36  }
0xef: {  	v4 =	vor.u32 v33, v4;
	v3 =	vadd.f32 v3, v30;
	_ =	sdelay $0x1  }
0xf0: {  	v1 =	vadd.f32 v1, v24;
	[tilespmem:v5+s2+$0x0] =	vst.idx.msk $0xffff, v3  }
0xf1: {  	v3 =	vadd.s32 s22, v53;
	v2 =	vld.idx.msk [tilespmem:v2+s26+$0x0], $0xffff  }
0xf2: {  	[tilespmem:v6+s2+$0x0] =	vst.idx.msk $0xffff, v1;
	v1 =	vshll.u32 v3, $0x6  }
0xf3: {  	v5 =	vadd.s32 v54, v29;
	v3 =	vld.idx.msk [tilespmem:v4+s26+$0x0], $0xffff;
	v4 =	vadd.s32 s0, v45;
	v1 =	vadd.s32 v1, v34  }
0xf4: {  	v4 =	vshll.u32 v4, $0x6;
	v1 =	vor.u32 v32, v1  }
0xf5: {  	v6 =	vadd.s32 v50, v28;
	v4 =	vadd.s32 v4, v36  }
0xf6: {  	v4 =	vor.u32 v33, v4;
	v2 =	vadd.f32 v2, v30;
	_ =	sdelay $0x1  }
0xf7: {  	s21 =	simm.s32 $0x20;
	v3 =	vadd.f32 v3, v24;
	[tilespmem:v5+s2+$0x0] =	vst.idx.msk $0xffff, v2  }
0xf8: {  	s1 =	sand.u32 $0x30, s21;
	v2 =	vadd.s32 s22, v52;
	v1 =	vld.idx.msk [tilespmem:v1+s26+$0x0], $0xffff  }
0xf9: {  	v2 =	vshll.u32 v2, $0x6;
	[tilespmem:v6+s2+$0x0] =	vst.idx.msk $0xffff, v3;
	v6 =	vld [tilespmem:s1+$0x13540]  }
0xfa: {  	s23 =	simm.s32 $0x0;
	v5 =	vadd.s32 s0, v44;
	v2 =	vadd.s32 v2, v34;
	v3 =	vld.idx.msk [tilespmem:v4+s26+$0x0], $0xffff;
	v4 =	vadd.s32 v53, v29  }
0xfb: {  	s24 =	simm.s32 $0x4;
	s3 =	sand.u32 $0x1, s23;
	v5 =	vshll.u32 v5, $0x6;
	v2 =	vor.u32 v32, v2  }
0xfc: {  	s25 =	sshll.u32 s3, $0x7;
	v7 =	vadd.s32 v45, v28;
	s4 =	sand.u32 $0x70, s24;
	v5 =	vadd.s32 v5, v36  }
0xfd: {  	s24 =	sor.u32 s4, s25;
	v5 =	vor.u32 v33, v5;
	v1 =	vadd.f32 v1, v30  }
0xfe: {  	v8 =	vadd.s32 s24, v55  }
0xff: {  	v8 =	vshll.u32 v8, $0x6;
	v39 =	vand.u32 $0xFFFFFFF8, v6;
	[tilespmem:v4+s2+$0x0] =	vst.idx.msk $0xffff, v1;
	v1 =	vadd.f32 v3, v24  }
0x100: {  	v41 =	vand.u32 $0x7, v6;
	v3 =	vadd.s32 s22, v51;
	v4 =	vadd.s32 v8, v39;
	v2 =	vld.idx.msk [tilespmem:v2+s26+$0x0], $0xffff  }
0x101: {  	v3 =	vshll.u32 v3, $0x6;
	[tilespmem:v7+s2+$0x0] =	vst.idx.msk $0xffff, v1;
	v1 =	vor.u32 v41, v4;
	v7 =	vld [tilespmem:s1+$0x13500]  }
0x102: {  	v6 =	vadd.s32 s0, v43;
	v4 =	vadd.s32 v52, v29;
	v3 =	vadd.s32 v3, v34;
	v5 =	vld.idx.msk [tilespmem:v5+s26+$0x0], $0xffff  }
0x103: {  	v6 =	vshll.u32 v6, $0x6;
	v3 =	vor.u32 v32, v3  }
0x104: {  	v8 =	vadd.s32 v44, v28;
	v6 =	vadd.s32 v6, v36  }
0x105: {  	s3 =	sshll.u32 s3, $0xA;
	v37 =	vld.idx.msk [tilespmem:v23+s1+$0x0 ss:$0x1], $0xffff;
	v6 =	vor.u32 v33, v6;
	v2 =	vadd.f32 v2, v30  }
0x106: {  	v9 =	vadd.s32 s24, v54;
	s1 =	sor.u32 s4, s3;
	v1 =	vld.idx.msk [tilespmem:v1+s26+$0x0], $0xffff  }
0x107: {  	v40 =	vadd.s32 s1, v7;
	[tilespmem:v4+s2+$0x0] =	vst.idx.msk $0xffff, v2;
	v2 =	vadd.f32 v5, v24;
	v4 =	vshll.u32 v9, $0x6  }
0x108: {  	v5 =	vadd.s32 s22, v50;
	v7 =	vadd.s32 v55, v40;
	v3 =	vld.idx.msk [tilespmem:v3+s26+$0x0], $0xffff;
	v4 =	vadd.s32 v4, v39  }
0x109: {  	[tilespmem:v8+s2+$0x0] =	vst.idx.msk $0xffff, v2;
	v2 =	vor.u32 v41, v4;
	v4 =	vshll.u32 v5, $0x6  }
0x10a: {  	v5 =	vadd.s32 v51, v29;
	v8 =	vadd.s32 s0, v42;
	v6 =	vld.idx.msk [tilespmem:v6+s26+$0x0], $0xffff;
	v4 =	vadd.s32 v4, v34  }
0x10b: {  	v8 =	vshll.u32 v8, $0x6;
	v4 =	vor.u32 v32, v4;
	v1 =	vadd.f32 v1, v37  }
0x10c: {  	v9 =	vadd.s32 v43, v28;
	v8 =	vadd.s32 v8, v36  }
0x10d: {  	v8 =	vor.u32 v33, v8;
	v3 =	vadd.f32 v3, v30;
	[tilespmem:v7+s2+$0x0] =	vst.idx.msk $0xffff, v1  }
0x10e: {  	v1 =	vld.idx.msk [tilespmem:v2+s26+$0x0], $0xffff;
	v2 =	vadd.s32 s24, v53  }
0x10f: {  	[tilespmem:v5+s2+$0x0] =	vst.idx.msk $0xffff, v3;
	v3 =	vadd.f32 v6, v24;
	v2 =	vshll.u32 v2, $0x6  }
0x110: {  	v5 =	vadd.s32 s22, v45;
	v6 =	vadd.s32 v54, v40;
	v4 =	vld.idx.msk [tilespmem:v4+s26+$0x0], $0xffff;
	v2 =	vadd.s32 v2, v39  }
0x111: {  	[tilespmem:v9+s2+$0x0] =	vst.idx.msk $0xffff, v3;
	v3 =	vshll.u32 v5, $0x6;
	v2 =	vor.u32 v41, v2  }
0x112: {  	v7 =	vadd.s32 v50, v29;
	v5 =	vld.idx.msk [tilespmem:v8+s26+$0x0], $0xffff;
	v3 =	vadd.s32 v3, v34;
	v8 =	vadd.s32 s0, v38  }
0x113: {  	v3 =	vor.u32 v32, v3;
	v1 =	vadd.f32 v1, v37;
	v8 =	vshll.u32 v8, $0x6  }
0x114: {  	v9 =	vadd.s32 v42, v28;
	v8 =	vadd.s32 v8, v36  }
0x115: {  	s7 =	simm.s32 $0x30;
	s21 =	simm.s32 $0x0;
	v4 =	vadd.f32 v4, v30;
	[tilespmem:v6+s2+$0x0] =	vst.idx.msk $0xffff, v1;
	v1 =	vor.u32 v33, v8  }
0x116: {  	v61 =	vadd.s32 s0, v31;
	s23 =	simm.s32 $0x6;
	s3 =	sand.u32 $0x1, s21;
	s1 =	sand.u32 $0x30, s7;
	v6 =	vadd.s32 s24, v52;
	v2 =	vld.idx.msk [tilespmem:v2+s26+$0x0], $0xffff  }
0x117: {  	v47 =	vadd.s32 v38, v28;
	s4 =	sand.u32 $0x70, s23;
	s25 =	sshll.u32 s3, $0x7;
	v8 =	vld [tilespmem:s1+$0x13540];
	[tilespmem:v7+s2+$0x0] =	vst.idx.msk $0xffff, v4;
	v4 =	vadd.f32 v5, v24;
	v5 =	vshll.u32 v6, $0x6  }
0x118: {  	s28 =	sor.u32 s4, s25;
	v6 =	vadd.s32 s22, v44;
	v7 =	vadd.s32 v53, v40;
	v3 =	vld.idx.msk [tilespmem:v3+s26+$0x0], $0xffff;
	v5 =	vadd.s32 v5, v39  }
0x119: {  	v46 =	vadd.s32 s28, v55;
	[tilespmem:v9+s2+$0x0] =	vst.idx.msk $0xffff, v4;
	v4 =	vshll.u32 v6, $0x6;
	v5 =	vor.u32 v41, v5  }
0x11a: {  	v6 =	vadd.s32 v45, v29;
	v9 =	vadd.s32 s0, v35;
	v4 =	vadd.s32 v4, v34;
	v1 =	vld.idx.msk [tilespmem:v1+s26+$0x0], $0xffff  }
0x11b: {  	v9 =	vshll.u32 v9, $0x6;
	v4 =	vor.u32 v32, v4;
	v2 =	vadd.f32 v2, v37  }
0x11c: {  	v57 =	vadd.s32 v35, v28;
	v48 =	vshll.u32 v46, $0x6;
	v9 =	vadd.s32 v9, v36  }
0x11d: {  	v46 =	vand.u32 $0xFFFFFFF8, v8;
	v3 =	vadd.f32 v3, v30;
	[tilespmem:v7+s2+$0x0] =	vst.idx.msk $0xffff, v2;
	v2 =	vor.u32 v33, v9  }
0x11e: {  	v49 =	vand.u32 $0x7, v8;
	v7 =	vadd.s32 s24, v51;
	v9 =	vadd.s32 v48, v46;
	v5 =	vld.idx.msk [tilespmem:v5+s26+$0x0], $0xffff  }
0x11f: {  	v8 =	vld [tilespmem:s1+$0x13500];
	[tilespmem:v6+s2+$0x0] =	vst.idx.msk $0xffff, v3;
	v1 =	vadd.f32 v1, v24;
	v3 =	vor.u32 v49, v9;
	v6 =	vshll.u32 v7, $0x6  }
0x120: {  	v7 =	vadd.s32 v52, v40;
	v9 =	vadd.s32 s22, v43;
	v4 =	vld.idx.msk [tilespmem:v4+s26+$0x0], $0xffff;
	v6 =	vadd.s32 v6, v39  }
0x121: {  	v63 =	vadd.s32 s22, v42;
	[tilespmem:v47+s2+$0x0] =	vst.idx.msk $0xffff, v1;
	v1 =	vor.u32 v41, v6;
	v6 =	vshll.u32 v9, $0x6  }
0x122: {  	v62 =	vadd.s32 s24, v50;
	s3 =	sshll.u32 s3, $0xA;
	v9 =	vadd.s32 v44, v29;
	v2 =	vld.idx.msk [tilespmem:v2+s26+$0x0], $0xffff;
	v6 =	vadd.s32 v6, v34  }
0x123: {  	v48 =	vshll.u32 v61, $0x6;
	v47 =	vld.idx.msk [tilespmem:v23+s1+$0x0 ss:$0x1], $0xffff;
	s1 =	sor.u32 s4, s3;
	v5 =	vadd.f32 v5, v37;
	v6 =	vor.u32 v32, v6  }
0x124: {  	v56 =	vadd.s32 s28, v54;
	v58 =	vadd.s32 v48, v36;
	v48 =	vadd.s32 s1, v8;
	v3 =	vld.idx.msk [tilespmem:v3+s26+$0x0], $0xffff  }
0x125: {  	v8 =	vshll.u32 v56, $0x6;
	[tilespmem:v7+s2+$0x0] =	vst.idx.msk $0xffff, v5;
	v4 =	vadd.f32 v4, v30;
	v5 =	vor.u32 v33, v58  }
0x126: {  	v60 =	vadd.s32 v43, v29;
	v8 =	vadd.s32 v8, v46;
	v7 =	vadd.s32 v55, v48;
	v1 =	vld.idx.msk [tilespmem:v1+s26+$0x0], $0xffff  }
0x127: {  	[tilespmem:v9+s2+$0x0] =	vst.idx.msk $0xffff, v4;
	v2 =	vadd.f32 v2, v24;
	v4 =	vor.u32 v49, v8;
	v9 =	vshll.u32 v62, $0x6  }
0x128: {  	v61 =	vadd.s32 s0, v27;
	v8 =	vadd.s32 v51, v40;
	v6 =	vld.idx.msk [tilespmem:v6+s26+$0x0], $0xffff;
	v9 =	vadd.s32 v9, v39  }
0x129: {  	[tilespmem:v57+s2+$0x0] =	vst.idx.msk $0xffff, v2;
	v2 =	vadd.f32 v3, v47;
	v3 =	vor.u32 v41, v9;
	v9 =	vshll.u32 v63, $0x6  }
0x12a: {  	v62 =	vadd.s32 s28, v53;
	v63 =	vadd.s32 s24, v45;
	v5 =	vld.idx.msk [tilespmem:v5+s26+$0x0], $0xffff;
	v9 =	vadd.s32 v9, v34  }
0x12b: {  	v1 =	vadd.f32 v1, v37;
	[tilespmem:v7+s2+$0x0] =	vst.idx.msk $0xffff, v2;
	v2 =	vor.u32 v32, v9;
	v7 =	vshll.u32 v61, $0x6  }
0x12c: {  	v57 =	vadd.s32 v50, v40;
	v9 =	vadd.s32 v31, v28;
	v4 =	vld.idx.msk [tilespmem:v4+s26+$0x0], $0xffff;
	v7 =	vadd.s32 v7, v36  }
0x12d: {  	v6 =	vadd.f32 v6, v30;
	[tilespmem:v8+s2+$0x0] =	vst.idx.msk $0xffff, v1;
	v1 =	vor.u32 v33, v7;
	v8 =	vshll.u32 v62, $0x6  }
0x12e: {  	v61 =	vadd.s32 v27, v28;
	v7 =	vadd.s32 v54, v48;
	v3 =	vld.idx.msk [tilespmem:v3+s26+$0x0], $0xffff;
	v8 =	vadd.s32 v8, v46  }
0x12f: {  	v5 =	vadd.f32 v5, v24;
	[tilespmem:v60+s2+$0x0] =	vst.idx.msk $0xffff, v6;
	v6 =	vor.u32 v49, v8;
	v8 =	vshll.u32 v63, $0x6  }
0x130: {  	v60 =	vadd.s32 s0, v25;
	v56 =	vld.idx.msk [tilespmem:v2+s26+$0x0], $0xffff;
	v2 =	vadd.s32 v8, v39;
	v8 =	vadd.s32 s22, v38  }
0x131: {  	[tilespmem:v9+s2+$0x0] =	vst.idx.msk $0xffff, v5;
	v4 =	vadd.f32 v4, v47;
	v58 =	vor.u32 v41, v2;
	v2 =	vshll.u32 v8, $0x6  }
0x132: {  	v5 =	vadd.s32 s0, v26;
	v63 =	vld.idx.msk [tilespmem:v1+s26+$0x0], $0xffff;
	v1 =	vadd.s32 v42, v29;
	v2 =	vadd.s32 v2, v34  }
0x133: {  	s21 =	simm.s32 $0x8;
	v5 =	vshll.u32 v5, $0x6;
	[tilespmem:v7+s2+$0x0] =	vst.idx.msk $0xffff, v4;
	v4 =	vadd.f32 v3, v37;
	v2 =	vor.u32 v32, v2  }
0x134: {  	s23 =	simm.s32 $0x100;
	s7 =	simm.s32 $0x40;
	s4 =	simm.s32 $0x1;
	v9 =	vadd.s32 s28, v52;
	v8 =	vadd.s32 v53, v48;
	v7 =	vadd.s32 v5, v36  }
0x135: {  	s25 =	sand.u32 $0x70, s21;
	s3 =	sand.u32 $0x30, s7;
	s4 =	sand.u32 $0x1, s4;
	v6 =	vld.idx.msk [tilespmem:v6+s26+$0x0], $0xffff;
	v62 =	vor.u32 v33, v7;
	[tilespmem:v57+s2+$0x0] =	vst.idx.msk $0xffff, v4;
	v5 =	vadd.f32 v56, v30  }
0x136: {  	s7 =	simm.s32 $0x5;
	s1 =	sshll.u32 s4, $0x7;
	s0 =	sshrl.u32 s11, $0x4;
	v9 =	vshll.u32 v9, $0x6;
	v3 =	vadd.s32 s22, v35;
	v7 =	vadd.s32 s24, v44;
	v4 =	vld.idx.msk [tilespmem:v58+s26+$0x0], $0xffff  }
.LBB2_3:
0x137: {  	p1 =	sne.s32 s7, $0x3F;
	s1 =	sor.u32 s25, s1;
	v56 =	vld [tilespmem:s3+$0x13540];
	v9 =	vadd.s32 v9, v46;
	v57 =	vadd.s32 s28, v51;
	[tilespmem:v1+s2+$0x0] =	vst.idx.msk $0xffff, v5;
	v1 =	vadd.f32 v63, v24  }
0x138: {  	v7 =	vshll.u32 v7, $0x6;
	v5 =	vadd.s32 s1, v55;
	v9 =	vor.u32 v49, v9;
	v2 =	vld.idx.msk [tilespmem:v2+s26+$0x0], $0xffff  }
0x139: {  	v58 =	vadd.s32 v45, v40;
	v7 =	vadd.s32 v7, v39;
	[tilespmem:v61+s2+$0x0] =	vst.idx.msk $0xffff, v1;
	v1 =	vshll.u32 v60, $0x6  }
0x13a: {  	v3 =	vshll.u32 v3, $0x6;
	v6 =	vadd.f32 v6, v47;
	v7 =	vor.u32 v41, v7;
	v59 =	vld.idx.msk [tilespmem:v62+s26+$0x0], $0xffff  }
0x13b: {  	v3 =	vadd.s32 v3, v34;
	v5 =	vshll.u32 v5, $0x6;
	v61 =	vadd.s32 v38, v29;
	v60 =	vld.idx.msk [tilespmem:v23+s3+$0x0 ss:$0x1], $0xffff  }
0x13c: {  	v3 =	vor.u32 v32, v3;
	v4 =	vadd.f32 v4, v37;
	v62 =	vand.u32 $0xFFFFFFF8, v56;
	[tilespmem:v8+s2+$0x0] =	vst.idx.msk $0xffff, v6  }
0x13d: {  	v1 =	vadd.s32 v1, v36;
	v8 =	vadd.s32 v26, v28;
	v5 =	vadd.s32 v5, v62;
	v6 =	vld.idx.msk [tilespmem:v9+s26+$0x0], $0xffff  }
0x13e: {  	v1 =	vor.u32 v33, v1;
	v9 =	vand.u32 $0x7, v56;
	v2 =	vadd.f32 v2, v30;
	[tilespmem:v58+s2+$0x0] =	vst.idx.msk $0xffff, v4  }
0x13f: {  	v36 =	vmovc v34;
	v33 =	vshll.u32 v57, $0x6;
	v4 =	vor.u32 v9, v5;
	v5 =	vadd.s32 v52, v48;
	v7 =	vld.idx.msk [tilespmem:v7+s26+$0x0], $0xffff  }
0x140: {  	v0 =	vadd.s32 s24, v43;
	v33 =	vadd.s32 v33, v46;
	v56 =	vld [tilespmem:s3+$0x13500];
	[tilespmem:v61+s2+$0x0] =	vst.idx.msk $0xffff, v2;
	v2 =	vadd.f32 v59, v24  }
0x141: {  	v10 =	vshll.u32 v0, $0x6;
	v34 =	vmovc v39;
	v39 =	vmovc v46;
	v57 =	vor.u32 v49, v33;
	v46 =	vmov v62;
	v3 =	vld.idx.msk [tilespmem:v3+s26+$0x0], $0xffff  }
0x142: {  	v0 =	vadd.s32 v10, v34;
	v58 =	vadd.s32 v44, v40;
	v59 =	vadd.s32 s22, v31;
	[tilespmem:v8+s2+$0x0] =	vst.idx.msk $0xffff, v2  }
0x143: {  	v33 =	vmovc v32;
	s3 =	sshll.u32 s4, $0xA;
	v2 =	vadd.f32 v6, v47;
	v6 =	vor.u32 v41, v0;
	v8 =	vshll.u32 v59, $0x6;
	v1 =	vld.idx.msk [tilespmem:v1+s26+$0x0], $0xffff  }
0x144: {  	v32 =	vmovc v41;
	v61 =	vadd.s32 v35, v29;
	s3 =	sor.u32 s25, s3;
	v59 =	vadd.s32 s1, v54;
	v8 =	vadd.s32 v8, v36;
	v4 =	vld.idx.msk [tilespmem:v4+s26+$0x0], $0xffff  }
0x145: {  	v56 =	vadd.s32 s3, v56;
	[tilespmem:v5+s2+$0x0] =	vst.idx.msk $0xffff, v2;
	v2 =	vadd.f32 v7, v37;
	v5 =	vor.u32 v33, v8  }
0x146: {  	v28 =	vadd.s32 v25, v28;
	v41 =	vmovc v49;
	v8 =	vshll.u32 v59, $0x6;
	v7 =	vadd.s32 v55, v56;
	v57 =	vld.idx.msk [tilespmem:v57+s26+$0x0], $0xffff  }
0x147: {  	v0 =	vadd.s32 s28, v50;
	v8 =	vadd.s32 v8, v46;
	[tilespmem:v58+s2+$0x0] =	vst.idx.msk $0xffff, v2;
	v2 =	vadd.f32 v3, v30  }
0x148: {  	v49 =	vmovc v9;
	v3 =	vor.u32 v9, v8;
	v8 =	vadd.s32 v51, v48;
	v58 =	vshll.u32 v0, $0x6;
	v6 =	vld.idx.msk [tilespmem:v6+s26+$0x0], $0xffff  }
0x149: {  	v9 =	vadd.s32 v58, v39;
	v58 =	vadd.s32 s24, v42;
	v1 =	vadd.f32 v1, v24;
	[tilespmem:v61+s2+$0x0] =	vst.idx.msk $0xffff, v2  }
0x14a: {  	v24 =	vmovc v30;
	v2 =	vadd.f32 v4, v60;
	v4 =	vor.u32 v41, v9;
	v9 =	vshll.u32 v58, $0x6;
	v5 =	vld.idx.msk [tilespmem:v5+s26+$0x0], $0xffff  }
0x14b: {  	v0 =	vadd.s32 s22, v27;
	v58 =	vadd.s32 v43, v40;
	v9 =	vadd.s32 v9, v34;
	[tilespmem:v28+s2+$0x0] =	vst.idx.msk $0xffff, v1  }
0x14c: {  	v1 =	vadd.f32 v57, v47;
	[tilespmem:v7+s2+$0x0] =	vst.idx.msk $0xffff, v2;
	v2 =	vor.u32 v32, v9;
	v7 =	vshll.u32 v0, $0x6  }
0x14d: {  	v30 =	vmovc v37;
	v37 =	vmov v47;
	v9 =	vadd.s32 v31, v29;
	v3 =	vld.idx.msk [tilespmem:v3+s26+$0x0], $0xffff;
	v7 =	vadd.s32 v7, v36  }
0x14e: {  	v0 =	vadd.s32 s1, v53;
	[tilespmem:v8+s2+$0x0] =	vst.idx.msk $0xffff, v1;
	v1 =	vadd.f32 v6, v30;
	v6 =	vor.u32 v33, v7  }
0x14f: {  	v47 =	vmovc v60;
	v28 =	vmovc v29;
	v29 =	vmov v40;
	v7 =	vadd.s32 v54, v56;
	v8 =	vshll.u32 v0, $0x6;
	v4 =	vld.idx.msk [tilespmem:v4+s26+$0x0], $0xffff  }
0x150: {  	v0 =	vadd.s32 s28, v45;
	v8 =	vadd.s32 v8, v46;
	[tilespmem:v58+s2+$0x0] =	vst.idx.msk $0xffff, v1;
	v1 =	vadd.f32 v5, v24  }
0x151: {  	v60 =	vadd.s32 s22, v25;
	v40 =	vmovc v48;
	v48 =	vmovc v56;
	v5 =	vor.u32 v49, v8;
	v8 =	vshll.u32 v0, $0x6;
	v57 =	vld.idx.msk [tilespmem:v2+s26+$0x0], $0xffff  }
0x152: {  	v56 =	vadd.s32 v50, v40;
	v2 =	vadd.s32 v8, v39;
	v8 =	vadd.s32 s24, v38;
	[tilespmem:v9+s2+$0x0] =	vst.idx.msk $0xffff, v1  }
0x153: {  	v3 =	vadd.f32 v3, v47;
	v58 =	vor.u32 v41, v2;
	v2 =	vshll.u32 v8, $0x6;
	v63 =	vld.idx.msk [tilespmem:v6+s26+$0x0], $0xffff  }
.Ltmp2:
0x154: {  	v1 =	vadd.s32 v42, v29;
	v2 =	vadd.s32 v2, v34;
	v6 =	vadd.s32 s22, v26;
	s22 =	smov.u32 s24;
	s24 =	smov.u32 s28;
	(pc) =	sbr.rel @p1 .LBB2_3-.Ltmp2, $4  }
0x155: {  	s28 =	smov.u32 s1;
	v4 =	vadd.f32 v4, v37;
	v2 =	vor.u32 v32, v2;
	[tilespmem:v7+s2+$0x0] =	vst.idx.msk $0xffff, v3;
	v7 =	vshll.u32 v6, $0x6  }
0x156: {  	s21 =	sadd.s32 $0x2, s21;
	s23 =	sadd.s32 $0x40, s23;
	v61 =	vadd.s32 v27, v28;
	s1 =	sshrl.u32 s7, $0x2;
	v3 =	vadd.s32 s22, v35;
	v6 =	vld.idx.msk [tilespmem:v5+s26+$0x0], $0xffff;
	v7 =	vadd.s32 v7, v36  }
0x157: {  	s25 =	sand.u32 $0x70, s21;
	s3 =	sshrl.u32 s23, $0x2;
	s4 =	sand.u32 $0x1, s1;
	v9 =	vadd.s32 s28, v52;
	v5 =	vadd.f32 v57, v30;
	[tilespmem:v56+s2+$0x0] =	vst.idx.msk $0xffff, v4;
	v62 =	vor.u32 v33, v7  }
0x158: {  	s3 =	sand.u32 $0x30, s3;
	v8 =	vadd.s32 v53, v48;
	s7 =	sadd.s32 $0x1, s7;
	s1 =	sshll.u32 s4, $0x7;
	v9 =	vshll.u32 v9, $0x6;
	v7 =	vadd.s32 s24, v44;
	v4 =	vld.idx.msk [tilespmem:v58+s26+$0x0], $0xffff  }
0x159: {  	v56 =	vld [tilespmem:s3+$0x13540];
	_ =	sdelay $0x2  }
0x15a: {  	s21 =	sor.u32 s25, s1  }
0x15b: {  	v57 =	vadd.s32 s21, v55  }
0x15c: {  	v57 =	vshll.u32 v57, $0x6;
	v59 =	vand.u32 $0xFFFFFFF8, v56  }
0x15d: {  	v58 =	vand.u32 $0x7, v56;
	v57 =	vadd.s32 v57, v59  }
0x15e: {  	v57 =	vor.u32 v58, v57  }
0x15f: {  	v10 =	vld [tilespmem:s3+$0x13500];
	_ =	sdelay $0x2  }
0x160: {  	s23 =	sshll.u32 s4, $0xA;
	v56 =	vld.idx.msk [tilespmem:v23+s3+$0x0 ss:$0x1], $0xffff  }
0x161: {  	s1 =	sor.u32 s25, s23;
	v0 =	vadd.s32 s21, v54;
	v11 =	vld.idx.msk [tilespmem:v57+s26+$0x0], $0xffff  }
0x162: {  	v0 =	vshll.u32 v0, $0x6;
	v57 =	vadd.s32 s1, v10  }
0x163: {  	v0 =	vadd.s32 v0, v59;
	v10 =	vadd.s32 v55, v57  }
0x164: {  	v0 =	vor.u32 v58, v0;
	_ =	sdelay $0x1  }
0x165: {  	v11 =	vadd.f32 v11, v56;
	_ =	sdelay $0x1  }
0x166: {  	[tilespmem:v10+s2+$0x0] =	vst.idx.msk $0xffff, v11  }
0x167: {  	v55 =	vadd.s32 s21, v53;
	v0 =	vld.idx.msk [tilespmem:v0+s26+$0x0], $0xffff  }
0x168: {  	v10 =	vshll.u32 v55, $0x6  }
0x169: {  	v54 =	vadd.s32 v54, v57;
	v10 =	vadd.s32 v10, v59  }
0x16a: {  	v10 =	vor.u32 v58, v10;
	_ =	sdelay $0x1  }
0x16b: {  	v0 =	vadd.f32 v0, v56;
	_ =	sdelay $0x1  }
0x16c: {  	[tilespmem:v54+s2+$0x0] =	vst.idx.msk $0xffff, v0  }
0x16d: {  	v55 =	vadd.s32 s21, v52;
	v0 =	vld.idx.msk [tilespmem:v10+s26+$0x0], $0xffff  }
0x16e: {  	v9 =	vadd.s32 v9, v46;
	v10 =	vshll.u32 v55, $0x6  }
0x16f: {  	v9 =	vor.u32 v49, v9;
	v53 =	vadd.s32 v53, v57;
	v10 =	vadd.s32 v10, v59  }
0x170: {  	v10 =	vor.u32 v58, v10  }
0x171: {  	v6 =	vadd.f32 v6, v47  }
0x172: {  	v0 =	vadd.f32 v0, v56  }
0x173: {  	[tilespmem:v8+s2+$0x0] =	vst.idx.msk $0xffff, v6  }
0x174: {  	v8 =	vld.idx.msk [tilespmem:v9+s26+$0x0], $0xffff;
	v54 =	vadd.s32 s28, v51;
	[tilespmem:v53+s2+$0x0] =	vst.idx.msk $0xffff, v0  }
0x175: {  	v55 =	vadd.s32 s21, v51;
	v0 =	vshll.u32 v54, $0x6;
	v53 =	vld.idx.msk [tilespmem:v10+s26+$0x0], $0xffff  }
0x176: {  	v6 =	vshll.u32 v55, $0x6;
	v54 =	vadd.s32 v52, v48;
	v0 =	vadd.s32 v0, v46  }
0x177: {  	v55 =	vadd.s32 v52, v57;
	v6 =	vadd.s32 v6, v59;
	v0 =	vor.u32 v49, v0  }
0x178: {  	v6 =	vor.u32 v58, v6  }
0x179: {  	v8 =	vadd.f32 v8, v47  }
0x17a: {  	v9 =	vadd.f32 v53, v56  }
0x17b: {  	[tilespmem:v54+s2+$0x0] =	vst.idx.msk $0xffff, v8  }
0x17c: {  	v52 =	vadd.s32 s28, v50;
	v0 =	vld.idx.msk [tilespmem:v0+s26+$0x0], $0xffff;
	[tilespmem:v55+s2+$0x0] =	vst.idx.msk $0xffff, v9  }
0x17d: {  	v8 =	vshll.u32 v52, $0x6;
	v53 =	vadd.s32 s21, v50;
	v6 =	vld.idx.msk [tilespmem:v6+s26+$0x0], $0xffff  }
0x17e: {  	v54 =	vadd.s32 v51, v48;
	v8 =	vadd.s32 v8, v46;
	v9 =	vshll.u32 v53, $0x6  }
0x17f: {  	v8 =	vor.u32 v49, v8;
	v55 =	vadd.s32 v51, v57;
	v9 =	vadd.s32 v9, v59  }
0x180: {  	v9 =	vor.u32 v58, v9  }
0x181: {  	v0 =	vadd.f32 v0, v47  }
0x182: {  	v6 =	vadd.f32 v6, v56  }
0x183: {  	[tilespmem:v54+s2+$0x0] =	vst.idx.msk $0xffff, v0  }
0x184: {  	v51 =	vadd.s32 s28, v45;
	v0 =	vld.idx.msk [tilespmem:v8+s26+$0x0], $0xffff;
	[tilespmem:v55+s2+$0x0] =	vst.idx.msk $0xffff, v6  }
0x185: {  	v52 =	vshll.u32 v51, $0x6;
	v54 =	vadd.s32 s21, v45;
	v53 =	vld.idx.msk [tilespmem:v9+s26+$0x0], $0xffff  }
0x186: {  	v55 =	vadd.s32 v50, v48;
	v6 =	vadd.s32 v52, v46;
	v9 =	vshll.u32 v54, $0x6  }
0x187: {  	v52 =	vadd.s32 v50, v57;
	v6 =	vor.u32 v49, v6;
	v9 =	vadd.s32 v9, v59  }
0x188: {  	v9 =	vor.u32 v58, v9  }
0x189: {  	v7 =	vshll.u32 v7, $0x6;
	v0 =	vadd.f32 v0, v47  }
0x18a: {  	[tilespmem:v1+s2+$0x0] =	vst.idx.msk $0xffff, v5;
	v7 =	vadd.s32 v7, v39;
	v53 =	vadd.f32 v53, v56  }
0x18b: {  	v2 =	vld.idx.msk [tilespmem:v2+s26+$0x0], $0xffff;
	v1 =	vor.u32 v41, v7;
	[tilespmem:v55+s2+$0x0] =	vst.idx.msk $0xffff, v0  }
0x18c: {  	v3 =	vshll.u32 v3, $0x6;
	v54 =	vadd.s32 s28, v44;
	v0 =	vadd.f32 v4, v37;
	v4 =	vld.idx.msk [tilespmem:v6+s26+$0x0], $0xffff;
	[tilespmem:v52+s2+$0x0] =	vst.idx.msk $0xffff, v53  }
0x18d: {  	v50 =	vadd.s32 v45, v40;
	v55 =	vshll.u32 v54, $0x6;
	v52 =	vadd.s32 s21, v44;
	v51 =	vld.idx.msk [tilespmem:v9+s26+$0x0], $0xffff  }
0x18e: {  	v5 =	vadd.s32 v55, v46;
	v53 =	vadd.s32 v45, v48;
	v8 =	vshll.u32 v52, $0x6  }
0x18f: {  	v54 =	vadd.s32 v45, v57;
	v5 =	vor.u32 v49, v5;
	v8 =	vadd.s32 v8, v59  }
0x190: {  	v3 =	vadd.s32 v3, v34;
	v7 =	vadd.s32 v38, v29;
	v8 =	vor.u32 v58, v8  }
0x191: {  	v3 =	vor.u32 v32, v3;
	v4 =	vadd.f32 v4, v47  }
0x192: {  	v2 =	vadd.f32 v2, v30;
	v55 =	vadd.s32 s24, v43;
	[tilespmem:v50+s2+$0x0] =	vst.idx.msk $0xffff, v0;
	v11 =	vadd.f32 v51, v56  }
0x193: {  	v6 =	vadd.s32 v44, v40;
	v0 =	vshll.u32 v55, $0x6;
	v1 =	vld.idx.msk [tilespmem:v1+s26+$0x0], $0xffff;
	[tilespmem:v53+s2+$0x0] =	vst.idx.msk $0xffff, v4  }
0x194: {  	v45 =	vadd.s32 s22, v31;
	v50 =	vadd.s32 s28, v43;
	v55 =	vadd.s32 v44, v48;
	v5 =	vld.idx.msk [tilespmem:v5+s26+$0x0], $0xffff;
	[tilespmem:v54+s2+$0x0] =	vst.idx.msk $0xffff, v11  }
0x195: {  	[tilespmem:v7+s2+$0x0] =	vst.idx.msk $0xffff, v2;
	v0 =	vadd.s32 v0, v39;
	v52 =	vshll.u32 v50, $0x6;
	v54 =	vadd.s32 s21, v43;
	v53 =	vld.idx.msk [tilespmem:v8+s26+$0x0], $0xffff  }
0x196: {  	v3 =	vld.idx.msk [tilespmem:v3+s26+$0x0], $0xffff;
	v0 =	vor.u32 v41, v0;
	v4 =	vadd.s32 v52, v46;
	v8 =	vshll.u32 v54, $0x6  }
0x197: {  	v44 =	vadd.s32 v44, v57;
	v4 =	vor.u32 v49, v4;
	v8 =	vadd.s32 v8, v59  }
0x198: {  	v51 =	vshll.u32 v45, $0x6;
	v1 =	vadd.f32 v1, v37;
	v8 =	vor.u32 v58, v8  }
0x199: {  	v2 =	vadd.s32 v51, v34;
	v5 =	vadd.f32 v5, v47  }
0x19a: {  	v45 =	vadd.s32 s24, v42;
	v51 =	vadd.s32 v43, v40;
	[tilespmem:v6+s2+$0x0] =	vst.idx.msk $0xffff, v1;
	v50 =	vadd.f32 v53, v56  }
0x19b: {  	v52 =	vadd.s32 s28, v42;
	v1 =	vadd.f32 v3, v30;
	v3 =	vshll.u32 v45, $0x6;
	v0 =	vld.idx.msk [tilespmem:v0+s26+$0x0], $0xffff;
	[tilespmem:v55+s2+$0x0] =	vst.idx.msk $0xffff, v5  }
0x19c: {  	v11 =	vadd.s32 v35, v29;
	v3 =	vadd.s32 v3, v39;
	v4 =	vld.idx.msk [tilespmem:v4+s26+$0x0], $0xffff;
	[tilespmem:v44+s2+$0x0] =	vst.idx.msk $0xffff, v50  }
0x19d: {  	v54 =	vadd.s32 v43, v48;
	v5 =	vshll.u32 v52, $0x6;
	v53 =	vadd.s32 s21, v42;
	v6 =	vld.idx.msk [tilespmem:v8+s26+$0x0], $0xffff  }
0x19e: {  	v3 =	vor.u32 v41, v3;
	v5 =	vadd.s32 v5, v46;
	v8 =	vshll.u32 v53, $0x6  }
0x19f: {  	v55 =	vadd.s32 v43, v57;
	v5 =	vor.u32 v49, v5;
	v8 =	vadd.s32 v8, v59  }
0x1a0: {  	v2 =	vor.u32 v32, v2;
	v0 =	vadd.f32 v0, v37;
	v8 =	vor.u32 v58, v8  }
0x1a1: {  	[tilespmem:v11+s2+$0x0] =	vst.idx.msk $0xffff, v1;
	v11 =	vadd.s32 v31, v29;
	v44 =	vadd.f32 v4, v47  }
0x1a2: {  	v43 =	vadd.f32 v63, v24;
	[tilespmem:v51+s2+$0x0] =	vst.idx.msk $0xffff, v0;
	v50 =	vadd.f32 v6, v56  }
0x1a3: {  	v45 =	vadd.s32 s24, v38;
	v52 =	vadd.s32 v42, v40;
	v51 =	vadd.s32 s22, v27;
	v3 =	vld.idx.msk [tilespmem:v3+s26+$0x0], $0xffff;
	[tilespmem:v54+s2+$0x0] =	vst.idx.msk $0xffff, v44  }
0x1a4: {  	v0 =	vshll.u32 v45, $0x6;
	v45 =	vadd.s32 v42, v48;
	v54 =	vadd.s32 s28, v38;
	v5 =	vld.idx.msk [tilespmem:v5+s26+$0x0], $0xffff;
	[tilespmem:v55+s2+$0x0] =	vst.idx.msk $0xffff, v50  }
0x1a5: {  	v0 =	vadd.s32 v0, v39;
	v44 =	vadd.s32 s21, v38;
	v55 =	vshll.u32 v54, $0x6;
	v63 =	vld.idx.msk [tilespmem:v8+s26+$0x0], $0xffff  }
0x1a6: {  	v0 =	vor.u32 v41, v0;
	v4 =	vadd.s32 v55, v46;
	v8 =	vshll.u32 v44, $0x6  }
0x1a7: {  	v50 =	vadd.s32 v42, v57;
	v4 =	vor.u32 v49, v4;
	v8 =	vadd.s32 v8, v59  }
0x1a8: {  	v53 =	vshll.u32 v51, $0x6;
	v3 =	vadd.f32 v3, v37;
	v8 =	vor.u32 v58, v8  }
0x1a9: {  	v2 =	vld.idx.msk [tilespmem:v2+s26+$0x0], $0xffff;
	v51 =	vadd.s32 s24, v35;
	v1 =	vadd.s32 v53, v34;
	v5 =	vadd.f32 v5, v47  }
0x1aa: {  	v53 =	vshll.u32 v51, $0x6;
	v51 =	vadd.s32 v38, v57;
	[tilespmem:v52+s2+$0x0] =	vst.idx.msk $0xffff, v3;
	v52 =	vadd.f32 v63, v56  }
0x1ab: {  	v1 =	vor.u32 v32, v1;
	v6 =	vadd.s32 v53, v39;
	v0 =	vld.idx.msk [tilespmem:v0+s26+$0x0], $0xffff;
	[tilespmem:v45+s2+$0x0] =	vst.idx.msk $0xffff, v5  }
0x1ac: {  	v54 =	vadd.s32 v38, v40;
	v55 =	vshll.u32 v60, $0x6;
	v60 =	vadd.s32 s28, v35;
	v4 =	vld.idx.msk [tilespmem:v4+s26+$0x0], $0xffff;
	[tilespmem:v50+s2+$0x0] =	vst.idx.msk $0xffff, v52  }
0x1ad: {  	v44 =	vshll.u32 v60, $0x6;
	v63 =	vor.u32 v41, v6;
	v45 =	vadd.s32 s21, v35;
	v8 =	vld.idx.msk [tilespmem:v8+s26+$0x0], $0xffff  }
0x1ae: {  	v6 =	vadd.s32 v44, v46;
	v9 =	vshll.u32 v45, $0x6;
	v50 =	vadd.s32 v38, v48  }
0x1af: {  	v2 =	vadd.f32 v2, v30;
	v6 =	vor.u32 v49, v6;
	v9 =	vadd.s32 v9, v59  }
0x1b0: {  	v0 =	vadd.f32 v0, v37;
	v9 =	vor.u32 v58, v9  }
0x1b1: {  	[tilespmem:v11+s2+$0x0] =	vst.idx.msk $0xffff, v2;
	v53 =	vadd.s32 s24, v31;
	v52 =	vadd.f32 v4, v47  }
0x1b2: {  	v1 =	vld.idx.msk [tilespmem:v1+s26+$0x0], $0xffff;
	v60 =	vadd.s32 v35, v40;
	[tilespmem:v54+s2+$0x0] =	vst.idx.msk $0xffff, v0;
	v54 =	vadd.f32 v8, v56  }
0x1b3: {  	v5 =	vadd.s32 v55, v36;
	v0 =	vshll.u32 v53, $0x6;
	v3 =	vld.idx.msk [tilespmem:v63+s26+$0x0], $0xffff;
	[tilespmem:v50+s2+$0x0] =	vst.idx.msk $0xffff, v52  }
0x1b4: {  	v36 =	vadd.s32 s28, v31;
	v0 =	vadd.s32 v0, v39;
	v6 =	vld.idx.msk [tilespmem:v6+s26+$0x0], $0xffff;
	[tilespmem:v51+s2+$0x0] =	vst.idx.msk $0xffff, v54  }
0x1b5: {  	v45 =	vadd.s32 s21, v31;
	v38 =	vshll.u32 v36, $0x6;
	v0 =	vor.u32 v41, v0;
	v44 =	vld.idx.msk [tilespmem:v9+s26+$0x0], $0xffff  }
0x1b6: {  	v4 =	vadd.s32 v38, v46;
	v50 =	vadd.s32 v35, v48;
	v9 =	vshll.u32 v45, $0x6  }
0x1b7: {  	v4 =	vor.u32 v49, v4;
	v51 =	vadd.s32 v35, v57;
	v9 =	vadd.s32 v9, v59  }
0x1b8: {  	[tilespmem:v61+s2+$0x0] =	vst.idx.msk $0xffff, v43;
	v61 =	vadd.s32 s21, v27;
	v3 =	vadd.f32 v3, v37;
	v9 =	vor.u32 v58, v9  }
0x1b9: {  	v1 =	vadd.f32 v1, v30;
	v55 =	vadd.s32 s22, v26;
	v6 =	vadd.f32 v6, v47  }
0x1ba: {  	v53 =	vadd.s32 v27, v29;
	v52 =	vld.idx.msk [tilespmem:v62+s26+$0x0], $0xffff;
	[tilespmem:v60+s2+$0x0] =	vst.idx.msk $0xffff, v3;
	v7 =	vadd.f32 v44, v56  }
0x1bb: {  	v63 =	vshll.u32 v55, $0x6;
	v55 =	vadd.s32 v31, v40;
	v54 =	vadd.s32 s24, v27;
	v0 =	vld.idx.msk [tilespmem:v0+s26+$0x0], $0xffff;
	[tilespmem:v50+s2+$0x0] =	vst.idx.msk $0xffff, v6  }
0x1bc: {  	v2 =	vadd.s32 v63, v34;
	v3 =	vshll.u32 v54, $0x6;
	v60 =	vadd.s32 s28, v27;
	v4 =	vld.idx.msk [tilespmem:v4+s26+$0x0], $0xffff;
	[tilespmem:v51+s2+$0x0] =	vst.idx.msk $0xffff, v7  }
0x1bd: {  	v62 =	vadd.s32 v31, v48;
	v3 =	vadd.s32 v3, v39;
	v6 =	vshll.u32 v60, $0x6;
	v7 =	vld.idx.msk [tilespmem:v9+s26+$0x0], $0xffff  }
0x1be: {  	v3 =	vor.u32 v41, v3;
	v6 =	vadd.s32 v6, v46;
	v9 =	vshll.u32 v61, $0x6  }
0x1bf: {  	v63 =	vadd.s32 v31, v57;
	v6 =	vor.u32 v49, v6;
	v9 =	vadd.s32 v9, v59  }
0x1c0: {  	v42 =	vadd.s32 v26, v28;
	v0 =	vadd.f32 v0, v37;
	v9 =	vor.u32 v58, v9  }
0x1c1: {  	v5 =	vor.u32 v33, v5;
	[tilespmem:v53+s2+$0x0] =	vst.idx.msk $0xffff, v1;
	v38 =	vadd.f32 v4, v47  }
0x1c2: {  	v43 =	vadd.s32 s24, v26;
	v2 =	vor.u32 v32, v2;
	[tilespmem:v55+s2+$0x0] =	vst.idx.msk $0xffff, v0;
	v44 =	vadd.f32 v7, v56  }
0x1c3: {  	v45 =	vadd.s32 s22, v25;
	v31 =	vadd.f32 v52, v24;
	v52 =	vadd.s32 s28, v26;
	v3 =	vld.idx.msk [tilespmem:v3+s26+$0x0], $0xffff;
	[tilespmem:v62+s2+$0x0] =	vst.idx.msk $0xffff, v38  }
0x1c4: {  	v53 =	vshll.u32 v52, $0x6;
	v50 =	vadd.s32 v27, v40;
	v0 =	vshll.u32 v43, $0x6;
	v6 =	vld.idx.msk [tilespmem:v6+s26+$0x0], $0xffff;
	[tilespmem:v63+s2+$0x0] =	vst.idx.msk $0xffff, v44  }
0x1c5: {  	v60 =	vadd.s32 v27, v48;
	v55 =	vadd.s32 s21, v26;
	v0 =	vadd.s32 v0, v39;
	v54 =	vld.idx.msk [tilespmem:v9+s26+$0x0], $0xffff  }
0x1c6: {  	v0 =	vor.u32 v41, v0;
	v4 =	vadd.s32 v53, v46;
	v9 =	vshll.u32 v55, $0x6  }
0x1c7: {  	v61 =	vadd.s32 v27, v57;
	v4 =	vor.u32 v49, v4;
	v9 =	vadd.s32 v9, v59  }
0x1c8: {  	v51 =	vshll.u32 v45, $0x6;
	v3 =	vadd.f32 v3, v37;
	v9 =	vor.u32 v58, v9  }
0x1c9: {  	v52 =	vadd.s32 v26, v57;
	v1 =	vadd.s32 v51, v34;
	v6 =	vadd.f32 v6, v47  }
0x1ca: {  	v2 =	vld.idx.msk [tilespmem:v2+s26+$0x0], $0xffff;
	v51 =	vadd.s32 v26, v48;
	[tilespmem:v50+s2+$0x0] =	vst.idx.msk $0xffff, v3;
	v35 =	vadd.f32 v54, v56  }
0x1cb: {  	v1 =	vor.u32 v32, v1;
	v43 =	vadd.s32 s28, v25;
	v63 =	vadd.s32 s24, v25;
	v0 =	vld.idx.msk [tilespmem:v0+s26+$0x0], $0xffff;
	[tilespmem:v60+s2+$0x0] =	vst.idx.msk $0xffff, v6  }
0x1cc: {  	v45 =	vshll.u32 v43, $0x6;
	v62 =	vadd.s32 v26, v29;
	v36 =	vshll.u32 v63, $0x6;
	v4 =	vld.idx.msk [tilespmem:v4+s26+$0x0], $0xffff;
	[tilespmem:v61+s2+$0x0] =	vst.idx.msk $0xffff, v35  }
0x1cd: {  	v38 =	vadd.s32 v26, v40;
	v39 =	vadd.s32 v36, v39;
	v50 =	vadd.s32 s21, v25;
	v9 =	vld.idx.msk [tilespmem:v9+s26+$0x0], $0xffff  }
0x1ce: {  	v44 =	vor.u32 v41, v39;
	v7 =	vshll.u32 v50, $0x6;
	v6 =	vadd.s32 v45, v46  }
0x1cf: {  	v2 =	vadd.f32 v2, v30;
	v7 =	vadd.s32 v7, v59;
	v6 =	vor.u32 v49, v6  }
0x1d0: {  	[tilespmem:v42+s2+$0x0] =	vst.idx.msk $0xffff, v31;
	v7 =	vor.u32 v58, v7;
	v0 =	vadd.f32 v0, v37  }
0x1d1: {  	v5 =	vld.idx.msk [tilespmem:v5+s26+$0x0], $0xffff;
	[tilespmem:v62+s2+$0x0] =	vst.idx.msk $0xffff, v2;
	v53 =	vadd.f32 v4, v47  }
0x1d2: {  	v1 =	vld.idx.msk [tilespmem:v1+s26+$0x0], $0xffff;
	[tilespmem:v38+s2+$0x0] =	vst.idx.msk $0xffff, v0;
	v54 =	vadd.f32 v9, v56  }
0x1d3: {  	v55 =	vadd.s32 v25, v28;
	v3 =	vld.idx.msk [tilespmem:v44+s26+$0x0], $0xffff;
	[tilespmem:v51+s2+$0x0] =	vst.idx.msk $0xffff, v53  }
0x1d4: {  	v58 =	vadd.s32 v25, v29;
	v6 =	vld.idx.msk [tilespmem:v6+s26+$0x0], $0xffff;
	[tilespmem:v52+s2+$0x0] =	vst.idx.msk $0xffff, v54  }
0x1d5: {  	v59 =	vadd.s32 v25, v40;
	v7 =	vld.idx.msk [tilespmem:v7+s26+$0x0], $0xffff  }
0x1d6: {  	v5 =	vadd.f32 v5, v24;
	v60 =	vadd.s32 v25, v48  }
0x1d7: {  	v61 =	vadd.s32 v25, v57;
	v1 =	vadd.f32 v1, v30  }
0x1d8: {  	[tilespmem:v55+s2+$0x0] =	vst.idx.msk $0xffff, v5;
	v3 =	vadd.f32 v3, v37  }
0x1d9: {  	s3 =	sshll.u32 s11, $0x8;
	[tilespmem:v58+s2+$0x0] =	vst.idx.msk $0xffff, v1;
	v62 =	vadd.f32 v6, v47  }
0x1da: {  	s0 =	sshll.u32 s0, $0xF;
	s1 =	sand.u32 $0xE00, s3;
	[tilespmem:v59+s2+$0x0] =	vst.idx.msk $0xffff, v3;
	v63 =	vadd.f32 v7, v56  }
0x1db: {  	s25 =	rddreg [dreg:$0x2];
	s22 =	sor.u32 s0, s1;
	[tilespmem:v60+s2+$0x0] =	vst.idx.msk $0xffff, v62  }
0x1dc: {  	s0 =	sadd.s32 s25, s22;
	[tilespmem:v61+s2+$0x0] =	vst.idx.msk $0xffff, v63  }
0x1dd: {  	[hbm4b:s0+s5] =	stream.linear.scatter [tilespmem:s2], [sflag:$0x3], $0x800, $0x38;
	[tilespmem:$0x13580] =	vst v63  }
0x1de: {  	s7 =	simm.s32 $0x8A00;
	s4 =	sadd.s32 s22, s13  }
0x1df: {  	[hbm4b:s4+s5] =	stream.linear.scatter [tilespmem:s7], [sflag:$0x3], $0x800, $0x38;
	[tilespmem:$0x13580] =	vst v63  }
0x1e0: {  	s23 =	simm.s32 $0x9200;
	s21 =	sadd.s32 s22, s14  }
0x1e1: {  	[hbm4b:s21+s5] =	stream.linear.scatter [tilespmem:s23], [sflag:$0x3], $0x800, $0x38;
	[tilespmem:$0x13580] =	vst v63  }
0x1e2: {  	s28 =	simm.s32 $0x9A00;
	s24 =	sadd.s32 s22, s15  }
0x1e3: {  	[hbm4b:s24+s5] =	stream.linear.scatter [tilespmem:s28], [sflag:$0x3], $0x800, $0x38;
	[tilespmem:$0x13580] =	vst v63  }
0x1e4: {  	s3 =	simm.s32 $0xA200;
	s1 =	sadd.s32 s22, s16  }
0x1e5: {  	[hbm4b:s1+s5] =	stream.linear.scatter [tilespmem:s3], [sflag:$0x3], $0x800, $0x38;
	[tilespmem:$0x13580] =	vst v63  }
0x1e6: {  	s4 =	sadd.s32 s22, s17;
	s7 =	simm.s32 $0xAA00  }
0x1e7: {  	[hbm4b:s4+s5] =	stream.linear.scatter [tilespmem:s7], [sflag:$0x3], $0x800, $0x38;
	[tilespmem:$0x13580] =	vst v63  }
0x1e8: {  	s21 =	sadd.s32 s22, s18;
	s23 =	simm.s32 $0xB200  }
0x1e9: {  	[hbm4b:s21+s5] =	stream.linear.scatter [tilespmem:s23], [sflag:$0x3], $0x800, $0x38;
	[tilespmem:$0x13580] =	vst v63  }
0x1ea: {  	s0 =	simm.s32 @!p0 $0x5;
	s24 =	sadd.s32 s22, s19;
	s28 =	simm.s32 $0xBA00  }
0x1eb: {  	[hbm4b:s24+s5] =	stream.linear.scatter [tilespmem:s28], [sflag:$0x3], $0x800, $0x38;
	[tilespmem:$0x13580] =	vst v63  }
0x1ec: {  	p1 =	sne.s32 @!p0 s10, $0x0;
	_ =	swait.ge @!p0 [sflag:s0], $0x80  }
0x1ed: {  	p1 =	por p0, p1;
	[sflag:s0] =	ssyncset.done @!p0 $0x0  }
.Ltmp3:
0x1ee: {  	[sflag:s0] =	ssyncadd.s32 @!p0 $0xFFFFFF80;
	(pc) =	sbr.rel @!p1 .LBB2_5-.Ltmp3, $4  }
0x1ef: {  	_ =	swait.ge @!p0 [sflag:s0], $0x80  }
0x1f0: {  	s1 =	simm.s32 @!p0 $0x0;
	[sflag:s0] =	ssyncset.done @!p0 $0x0  }
0x1f1: {  	s3 =	simm.s32 @!p0 $0x200;
	[sflag:s0] =	ssyncadd.s32 @!p0 $0xFFFFFF80;
	s0 =	simm.s32 @!p0 $0x100  }
0x1f2: {  	[tilespmem:s3], [sflag:$0x1] =	stream.indirect.gather @!p0 [hbm4b:s6+s0], $0x40, s1, s0, $0xb8;
	[tilespmem:$0x13580] =	vst v63  }
0x1f3: {  	_ =	swait.ge [sflag:s9], $0x800  }
0x1f4: {  	[sflag:s9] =	ssyncset.done $0x0  }
0x1f5: {  	[sflag:s9] =	ssyncadd.s32 $0xFFFFF800  }
0x1f6: {  	_ =	swait.ge [sflag:s9], $0x800  }
0x1f7: {  	[sflag:s9] =	ssyncset.done $0x0  }
0x1f8: {  	[sflag:s9] =	ssyncadd.s32 $0xFFFFF800  }
0x1f9: {  	_ =	swait.ge [sflag:s9], $0x800  }
0x1fa: {  	[sflag:s9] =	ssyncset.done $0x0  }
0x1fb: {  	[sflag:s9] =	ssyncadd.s32 $0xFFFFF800  }
0x1fc: {  	_ =	swait.ge [sflag:s9], $0x800  }
0x1fd: {  	[sflag:s9] =	ssyncset.done $0x0  }
0x1fe: {  	[sflag:s9] =	ssyncadd.s32 $0xFFFFF800  }
0x1ff: {  	_ =	swait.ge [sflag:s9], $0x800  }
0x200: {  	[sflag:s9] =	ssyncset.done $0x0  }
0x201: {  	[sflag:s9] =	ssyncadd.s32 $0xFFFFF800  }
0x202: {  	_ =	swait.ge [sflag:s9], $0x800  }
0x203: {  	[sflag:s9] =	ssyncset.done $0x0  }
0x204: {  	[sflag:s9] =	ssyncadd.s32 $0xFFFFF800  }
0x205: {  	_ =	swait.ge [sflag:s9], $0x800  }
0x206: {  	[sflag:s9] =	ssyncset.done $0x0  }
0x207: {  	[sflag:s9] =	ssyncadd.s32 $0xFFFFF800  }
0x208: {  	_ =	swait.ge [sflag:s9], $0x800  }
.Ltmp4:
0x209: {  	[sflag:s9] =	ssyncset.done $0x0;
	(pc) =	sbr.rel @p0 .LBB2_8-.Ltmp4, $4  }
.Ltmp5:
0x20a: {  	[sflag:s9] =	ssyncadd.s32 $0xFFFFF800;
	(pc) =	sbr.rel @!p0 .LBB2_7-.Ltmp5, $4  }
0x20b: {  	_ =	swait.ge [sflag:s12], $0x4000  }
0x20c: {  	[sflag:s12] =	ssyncset.done $0x0  }
0x20d: {  	[sflag:s12] =	ssyncadd.s32 $0xFFFFC000  }
0x20e: {  	_ = 	snop  }
.LBB2_5:
0x20f: {  	_ =	swait.ge [sflag:s12], $0x4000  }
0x210: {  	[sflag:s12] =	ssyncset.done $0x0  }
0x211: {  	[sflag:s12] =	ssyncadd.s32 $0xFFFFC000  }
.LBB2_7:
0x212: {  	s0 =	sadd.s32 $0x3, s11  }
0x213: {  	s1 =	sshll.u32 s0, $0x8;
	s3 =	sshll.u32 s0, $0xB  }
0x214: {  	s0 =	sshll.u32 s0, $0x3;
	s1 =	sand.u32 $0xFFFF8000, s1;
	s3 =	sand.u32 $0x7800, s3  }
0x215: {  	s0 =	sand.u32 $0x380, s0;
	s1 =	sor.u32 s3, s1  }
0x216: {  	s0 =	sor.u32 s0, s1  }
0x217: {  	s23 =	rddreg [dreg:$0x0];
	s0 =	sshrl.u32 s0, $0x3  }
0x218: {  	s24 =	simm.s32 $0x100;
	s1 =	sadd.s32 s23, s0  }
0x219: {  	[tilespmem:s24], [sflag:$0x6] =	stream.linear.gather [hbm4b:s1+s5], $0x80, $0x38;
	[tilespmem:$0x13580] =	vst v63  }
0x21a: {  	s28 =	simm.s32 $0x180;
	s0 =	sadd.s32 s0, s8  }
0x21b: {  	[tilespmem:s28], [sflag:$0x6] =	stream.linear.gather [hbm4b:s0+s5], $0x80, $0x38;
	[tilespmem:$0x13580] =	vst v63  }
.LBB2_8:
0x21c: {  	s0 =	simm.s32 $0x0  }
0x21d: {  	v55 =	vld [tilespmem:$0x13400];
	s1 =	sand.u32 $0x30, s0  }
0x21e: {  	v0 =	vld [tilespmem:s1+$0x13540]  }
0x21f: {  	s3 =	simm.s32 $0x0;
	s4 =	sand.u32 $0x1, s0  }
0x220: {  	v54 =	vld [tilespmem:$0x13410];
	s3 =	sand.u32 $0x70, s3;
	s0 =	sshll.u32 s4, $0x7  }
0x221: {  	v53 =	vld [tilespmem:$0x13420];
	s0 =	sor.u32 s3, s0  }
0x222: {  	v52 =	vld [tilespmem:$0x13430];
	v1 =	vadd.s32 s0, v55  }
0x223: {  	v51 =	vld [tilespmem:$0x13440];
	v1 =	vshll.u32 v1, $0x6;
	v36 =	vand.u32 $0xFFFFFFF8, v0  }
0x224: {  	v50 =	vld [tilespmem:$0x13450];
	v33 =	vand.u32 $0x7, v0;
	v1 =	vadd.s32 v1, v36  }
0x225: {  	v45 =	vld [tilespmem:$0x13460];
	v0 =	vor.u32 v33, v1  }
0x226: {  	v1 =	vld [tilespmem:s1+$0x13500]  }
0x227: {  	v44 =	vld [tilespmem:$0x13470]  }
0x228: {  	v43 =	vld [tilespmem:$0x13480]  }
0x229: {  	v24 =	vld.idx.msk [tilespmem:v23+s1+$0x0 ss:$0x1], $0xffff;
	s11 =	sshll.u32 s4, $0xA  }
0x22a: {  	v2 =	vadd.s32 s0, v54;
	s1 =	sor.u32 s3, s11;
	v0 =	vld.idx.msk [tilespmem:v0+s30+$0x0], $0xffff  }
0x22b: {  	v42 =	vld [tilespmem:$0x13490];
	v28 =	vadd.s32 s1, v1;
	v1 =	vshll.u32 v2, $0x6  }
0x22c: {  	v38 =	vld [tilespmem:$0x134A0];
	v2 =	vadd.s32 v55, v28;
	v1 =	vadd.s32 v1, v36  }
0x22d: {  	v35 =	vld [tilespmem:$0x134B0];
	v1 =	vor.u32 v33, v1  }
0x22e: {  	v31 =	vld [tilespmem:$0x134C0]  }
0x22f: {  	v27 =	vld [tilespmem:$0x134D0];
	v0 =	vadd.f32 v0, v24  }
0x230: {  	v26 =	vld [tilespmem:$0x134E0]  }
0x231: {  	v25 =	vld [tilespmem:$0x134F0];
	[tilespmem:v2+s20+$0x0] =	vst.idx.msk $0xffff, v0  }
0x232: {  	v0 =	vld.idx.msk [tilespmem:v1+s30+$0x0], $0xffff;
	v1 =	vadd.s32 s0, v53  }
0x233: {  	v1 =	vshll.u32 v1, $0x6  }
0x234: {  	v2 =	vadd.s32 v54, v28;
	v1 =	vadd.s32 v1, v36  }
0x235: {  	v1 =	vor.u32 v33, v1;
	_ =	sdelay $0x1  }
0x236: {  	v0 =	vadd.f32 v0, v24;
	_ =	sdelay $0x1  }
0x237: {  	[tilespmem:v2+s20+$0x0] =	vst.idx.msk $0xffff, v0  }
0x238: {  	s21 =	simm.s32 $0x10;
	v0 =	vld.idx.msk [tilespmem:v1+s30+$0x0], $0xffff;
	v1 =	vadd.s32 s0, v52  }
0x239: {  	s1 =	sand.u32 $0x30, s21;
	v1 =	vshll.u32 v1, $0x6  }
0x23a: {  	s23 =	simm.s32 $0x0;
	v3 =	vld [tilespmem:s1+$0x13540];
	v2 =	vadd.s32 v53, v28;
	v1 =	vadd.s32 v1, v36  }
0x23b: {  	s24 =	simm.s32 $0x2;
	s3 =	sand.u32 $0x1, s23;
	v1 =	vor.u32 v33, v1  }
0x23c: {  	s4 =	sand.u32 $0x70, s24;
	s7 =	sshll.u32 s3, $0x7  }
0x23d: {  	s11 =	sor.u32 s4, s7;
	v0 =	vadd.f32 v0, v24  }
0x23e: {  	v4 =	vadd.s32 s11, v55  }
0x23f: {  	v34 =	vand.u32 $0xFFFFFFF8, v3;
	[tilespmem:v2+s20+$0x0] =	vst.idx.msk $0xffff, v0;
	v2 =	vshll.u32 v4, $0x6  }
0x240: {  	v32 =	vand.u32 $0x7, v3;
	v0 =	vadd.s32 s0, v51;
	v1 =	vld.idx.msk [tilespmem:v1+s30+$0x0], $0xffff;
	v2 =	vadd.s32 v2, v34  }
0x241: {  	v0 =	vshll.u32 v0, $0x6;
	v2 =	vor.u32 v32, v2  }
0x242: {  	v3 =	vadd.s32 v52, v28;
	v4 =	vld [tilespmem:s1+$0x13500];
	v0 =	vadd.s32 v0, v36  }
0x243: {  	v0 =	vor.u32 v33, v0;
	_ =	sdelay $0x1  }
0x244: {  	s3 =	sshll.u32 s3, $0xA;
	v30 =	vld.idx.msk [tilespmem:v23+s1+$0x0 ss:$0x1], $0xffff;
	v1 =	vadd.f32 v1, v24  }
0x245: {  	v5 =	vadd.s32 s11, v54;
	s1 =	sor.u32 s4, s3;
	v2 =	vld.idx.msk [tilespmem:v2+s30+$0x0], $0xffff  }
0x246: {  	v29 =	vadd.s32 s1, v4;
	[tilespmem:v3+s20+$0x0] =	vst.idx.msk $0xffff, v1;
	v1 =	vshll.u32 v5, $0x6  }
0x247: {  	v4 =	vadd.s32 v55, v29;
	v3 =	vadd.s32 s0, v50;
	v0 =	vld.idx.msk [tilespmem:v0+s30+$0x0], $0xffff;
	v1 =	vadd.s32 v1, v34  }
0x248: {  	v3 =	vshll.u32 v3, $0x6;
	v1 =	vor.u32 v32, v1  }
0x249: {  	v5 =	vadd.s32 v51, v28;
	v3 =	vadd.s32 v3, v36  }
0x24a: {  	v3 =	vor.u32 v33, v3;
	v2 =	vadd.f32 v2, v30;
	_ =	sdelay $0x1  }
0x24b: {  	v0 =	vadd.f32 v0, v24;
	[tilespmem:v4+s20+$0x0] =	vst.idx.msk $0xffff, v2  }
0x24c: {  	v2 =	vadd.s32 s11, v53;
	v1 =	vld.idx.msk [tilespmem:v1+s30+$0x0], $0xffff  }
0x24d: {  	[tilespmem:v5+s20+$0x0] =	vst.idx.msk $0xffff, v0;
	v0 =	vshll.u32 v2, $0x6  }
0x24e: {  	v4 =	vadd.s32 v54, v29;
	v2 =	vld.idx.msk [tilespmem:v3+s30+$0x0], $0xffff;
	v3 =	vadd.s32 s0, v45;
	v0 =	vadd.s32 v0, v34  }
0x24f: {  	v3 =	vshll.u32 v3, $0x6;
	v0 =	vor.u32 v32, v0  }
0x250: {  	v5 =	vadd.s32 v50, v28;
	v3 =	vadd.s32 v3, v36  }
0x251: {  	v3 =	vor.u32 v33, v3;
	v1 =	vadd.f32 v1, v30;
	_ =	sdelay $0x1  }
0x252: {  	s7 =	simm.s32 $0x20;
	v2 =	vadd.f32 v2, v24;
	[tilespmem:v4+s20+$0x0] =	vst.idx.msk $0xffff, v1  }
0x253: {  	s1 =	sand.u32 $0x30, s7;
	v1 =	vadd.s32 s11, v52;
	v0 =	vld.idx.msk [tilespmem:v0+s30+$0x0], $0xffff  }
0x254: {  	v1 =	vshll.u32 v1, $0x6;
	[tilespmem:v5+s20+$0x0] =	vst.idx.msk $0xffff, v2;
	v5 =	vld [tilespmem:s1+$0x13540]  }
0x255: {  	s21 =	simm.s32 $0x0;
	v4 =	vadd.s32 s0, v44;
	v1 =	vadd.s32 v1, v34;
	v2 =	vld.idx.msk [tilespmem:v3+s30+$0x0], $0xffff;
	v3 =	vadd.s32 v53, v29  }
0x256: {  	s23 =	simm.s32 $0x4;
	s3 =	sand.u32 $0x1, s21;
	v4 =	vshll.u32 v4, $0x6;
	v1 =	vor.u32 v32, v1  }
0x257: {  	v6 =	vadd.s32 v45, v28;
	s4 =	sand.u32 $0x70, s23;
	s24 =	sshll.u32 s3, $0x7;
	v4 =	vadd.s32 v4, v36  }
0x258: {  	s24 =	sor.u32 s4, s24;
	v4 =	vor.u32 v33, v4;
	v0 =	vadd.f32 v0, v30  }
0x259: {  	v7 =	vadd.s32 s24, v55  }
0x25a: {  	v7 =	vshll.u32 v7, $0x6;
	v39 =	vand.u32 $0xFFFFFFF8, v5;
	[tilespmem:v3+s20+$0x0] =	vst.idx.msk $0xffff, v0;
	v0 =	vadd.f32 v2, v24  }
0x25b: {  	v41 =	vand.u32 $0x7, v5;
	v2 =	vadd.s32 s11, v51;
	v3 =	vadd.s32 v7, v39;
	v1 =	vld.idx.msk [tilespmem:v1+s30+$0x0], $0xffff  }
0x25c: {  	v2 =	vshll.u32 v2, $0x6;
	[tilespmem:v6+s20+$0x0] =	vst.idx.msk $0xffff, v0;
	v0 =	vor.u32 v41, v3;
	v6 =	vld [tilespmem:s1+$0x13500]  }
0x25d: {  	v5 =	vadd.s32 s0, v43;
	v3 =	vadd.s32 v52, v29;
	v2 =	vadd.s32 v2, v34;
	v4 =	vld.idx.msk [tilespmem:v4+s30+$0x0], $0xffff  }
0x25e: {  	v5 =	vshll.u32 v5, $0x6;
	v2 =	vor.u32 v32, v2  }
0x25f: {  	v7 =	vadd.s32 v44, v28;
	v5 =	vadd.s32 v5, v36  }
0x260: {  	s3 =	sshll.u32 s3, $0xA;
	v37 =	vld.idx.msk [tilespmem:v23+s1+$0x0 ss:$0x1], $0xffff;
	v5 =	vor.u32 v33, v5;
	v1 =	vadd.f32 v1, v30  }
0x261: {  	v8 =	vadd.s32 s24, v54;
	s1 =	sor.u32 s4, s3;
	v0 =	vld.idx.msk [tilespmem:v0+s30+$0x0], $0xffff  }
0x262: {  	v40 =	vadd.s32 s1, v6;
	[tilespmem:v3+s20+$0x0] =	vst.idx.msk $0xffff, v1;
	v1 =	vadd.f32 v4, v24;
	v3 =	vshll.u32 v8, $0x6  }
0x263: {  	v4 =	vadd.s32 s11, v50;
	v6 =	vadd.s32 v55, v40;
	v2 =	vld.idx.msk [tilespmem:v2+s30+$0x0], $0xffff;
	v3 =	vadd.s32 v3, v39  }
0x264: {  	[tilespmem:v7+s20+$0x0] =	vst.idx.msk $0xffff, v1;
	v1 =	vor.u32 v41, v3;
	v3 =	vshll.u32 v4, $0x6  }
0x265: {  	v4 =	vadd.s32 v51, v29;
	v7 =	vadd.s32 s0, v42;
	v5 =	vld.idx.msk [tilespmem:v5+s30+$0x0], $0xffff;
	v3 =	vadd.s32 v3, v34  }
0x266: {  	v7 =	vshll.u32 v7, $0x6;
	v3 =	vor.u32 v32, v3;
	v0 =	vadd.f32 v0, v37  }
0x267: {  	v8 =	vadd.s32 v43, v28;
	v7 =	vadd.s32 v7, v36  }
0x268: {  	v7 =	vor.u32 v33, v7;
	v2 =	vadd.f32 v2, v30;
	[tilespmem:v6+s20+$0x0] =	vst.idx.msk $0xffff, v0  }
0x269: {  	v0 =	vld.idx.msk [tilespmem:v1+s30+$0x0], $0xffff;
	v1 =	vadd.s32 s24, v53  }
0x26a: {  	[tilespmem:v4+s20+$0x0] =	vst.idx.msk $0xffff, v2;
	v2 =	vadd.f32 v5, v24;
	v1 =	vshll.u32 v1, $0x6  }
0x26b: {  	v4 =	vadd.s32 s11, v45;
	v5 =	vadd.s32 v54, v40;
	v3 =	vld.idx.msk [tilespmem:v3+s30+$0x0], $0xffff;
	v1 =	vadd.s32 v1, v39  }
0x26c: {  	[tilespmem:v8+s20+$0x0] =	vst.idx.msk $0xffff, v2;
	v2 =	vshll.u32 v4, $0x6;
	v1 =	vor.u32 v41, v1  }
0x26d: {  	v6 =	vadd.s32 v50, v29;
	v4 =	vld.idx.msk [tilespmem:v7+s30+$0x0], $0xffff;
	v2 =	vadd.s32 v2, v34;
	v7 =	vadd.s32 s0, v38  }
0x26e: {  	v2 =	vor.u32 v32, v2;
	v0 =	vadd.f32 v0, v37;
	v7 =	vshll.u32 v7, $0x6  }
0x26f: {  	v8 =	vadd.s32 v42, v28;
	v7 =	vadd.s32 v7, v36  }
0x270: {  	s7 =	simm.s32 $0x0;
	s4 =	simm.s32 $0x30;
	v3 =	vadd.f32 v3, v30;
	[tilespmem:v5+s20+$0x0] =	vst.idx.msk $0xffff, v0;
	v0 =	vor.u32 v33, v7  }
0x271: {  	v59 =	vadd.s32 s0, v25;
	s21 =	simm.s32 $0x6;
	s3 =	sand.u32 $0x1, s7;
	s1 =	sand.u32 $0x30, s4;
	v5 =	vadd.s32 s24, v52;
	v1 =	vld.idx.msk [tilespmem:v1+s30+$0x0], $0xffff  }
0x272: {  	v10 =	vadd.s32 v38, v28;
	s23 =	sshll.u32 s3, $0x7;
	s4 =	sand.u32 $0x70, s21;
	v7 =	vld [tilespmem:s1+$0x13540];
	[tilespmem:v6+s20+$0x0] =	vst.idx.msk $0xffff, v3;
	v3 =	vadd.f32 v4, v24;
	v4 =	vshll.u32 v5, $0x6  }
0x273: {  	s28 =	sor.u32 s4, s23;
	v5 =	vadd.s32 s11, v44;
	v6 =	vadd.s32 v53, v40;
	v2 =	vld.idx.msk [tilespmem:v2+s30+$0x0], $0xffff;
	v4 =	vadd.s32 v4, v39  }
0x274: {  	v9 =	vadd.s32 s28, v55;
	[tilespmem:v8+s20+$0x0] =	vst.idx.msk $0xffff, v3;
	v3 =	vshll.u32 v5, $0x6;
	v4 =	vor.u32 v41, v4  }
0x275: {  	v5 =	vadd.s32 v45, v29;
	v8 =	vadd.s32 s0, v35;
	v3 =	vadd.s32 v3, v34;
	v0 =	vld.idx.msk [tilespmem:v0+s30+$0x0], $0xffff  }
0x276: {  	v8 =	vshll.u32 v8, $0x6;
	v3 =	vor.u32 v32, v3;
	v1 =	vadd.f32 v1, v37  }
0x277: {  	v11 =	vadd.s32 v35, v28;
	v9 =	vshll.u32 v9, $0x6;
	v8 =	vadd.s32 v8, v36  }
0x278: {  	v46 =	vand.u32 $0xFFFFFFF8, v7;
	v2 =	vadd.f32 v2, v30;
	[tilespmem:v6+s20+$0x0] =	vst.idx.msk $0xffff, v1;
	v1 =	vor.u32 v33, v8  }
0x279: {  	v49 =	vand.u32 $0x7, v7;
	v6 =	vadd.s32 s24, v51;
	v8 =	vadd.s32 v9, v46;
	v4 =	vld.idx.msk [tilespmem:v4+s30+$0x0], $0xffff  }
0x27a: {  	v7 =	vld [tilespmem:s1+$0x13500];
	[tilespmem:v5+s20+$0x0] =	vst.idx.msk $0xffff, v2;
	v0 =	vadd.f32 v0, v24;
	v2 =	vor.u32 v49, v8;
	v5 =	vshll.u32 v6, $0x6  }
0x27b: {  	v6 =	vadd.s32 v52, v40;
	v8 =	vadd.s32 s11, v43;
	v3 =	vld.idx.msk [tilespmem:v3+s30+$0x0], $0xffff;
	v5 =	vadd.s32 v5, v39  }
0x27c: {  	v60 =	vadd.s32 v27, v28;
	[tilespmem:v10+s20+$0x0] =	vst.idx.msk $0xffff, v0;
	v0 =	vor.u32 v41, v5;
	v5 =	vshll.u32 v8, $0x6  }
0x27d: {  	s3 =	sshll.u32 s3, $0xA;
	v9 =	vadd.s32 s0, v31;
	v8 =	vadd.s32 v44, v29;
	v1 =	vld.idx.msk [tilespmem:v1+s30+$0x0], $0xffff;
	v5 =	vadd.s32 v5, v34  }
0x27e: {  	v47 =	vld.idx.msk [tilespmem:v23+s1+$0x0 ss:$0x1], $0xffff;
	s1 =	sor.u32 s4, s3;
	v9 =	vshll.u32 v9, $0x6;
	v4 =	vadd.f32 v4, v37;
	v5 =	vor.u32 v32, v5  }
0x27f: {  	v9 =	vadd.s32 v9, v36;
	v48 =	vadd.s32 s1, v7;
	v10 =	vadd.s32 s28, v54;
	v2 =	vld.idx.msk [tilespmem:v2+s30+$0x0], $0xffff  }
0x280: {  	v7 =	vshll.u32 v10, $0x6;
	[tilespmem:v6+s20+$0x0] =	vst.idx.msk $0xffff, v4;
	v3 =	vadd.f32 v3, v30;
	v4 =	vor.u32 v33, v9  }
0x281: {  	v7 =	vadd.s32 v7, v46;
	v6 =	vadd.s32 v55, v48;
	v9 =	vadd.s32 s24, v50;
	v0 =	vld.idx.msk [tilespmem:v0+s30+$0x0], $0xffff  }
0x282: {  	[tilespmem:v8+s20+$0x0] =	vst.idx.msk $0xffff, v3;
	v1 =	vadd.f32 v1, v24;
	v3 =	vor.u32 v49, v7;
	v8 =	vshll.u32 v9, $0x6  }
0x283: {  	v7 =	vadd.s32 v51, v40;
	v9 =	vadd.s32 s11, v42;
	v5 =	vld.idx.msk [tilespmem:v5+s30+$0x0], $0xffff;
	v8 =	vadd.s32 v8, v39  }
0x284: {  	[tilespmem:v11+s20+$0x0] =	vst.idx.msk $0xffff, v1;
	v1 =	vadd.f32 v2, v47;
	v2 =	vor.u32 v41, v8;
	v8 =	vshll.u32 v9, $0x6  }
0x285: {  	v10 =	vadd.s32 s0, v27;
	v9 =	vadd.s32 v43, v29;
	v4 =	vld.idx.msk [tilespmem:v4+s30+$0x0], $0xffff;
	v8 =	vadd.s32 v8, v34  }
0x286: {  	v0 =	vadd.f32 v0, v37;
	[tilespmem:v6+s20+$0x0] =	vst.idx.msk $0xffff, v1;
	v1 =	vor.u32 v32, v8;
	v6 =	vshll.u32 v10, $0x6  }
0x287: {  	v8 =	vadd.s32 v31, v28;
	v10 =	vadd.s32 s28, v53;
	v3 =	vld.idx.msk [tilespmem:v3+s30+$0x0], $0xffff;
	v6 =	vadd.s32 v6, v36  }
0x288: {  	v5 =	vadd.f32 v5, v30;
	[tilespmem:v7+s20+$0x0] =	vst.idx.msk $0xffff, v0;
	v0 =	vor.u32 v33, v6;
	v7 =	vshll.u32 v10, $0x6  }
0x289: {  	v6 =	vadd.s32 v54, v48;
	v10 =	vadd.s32 s24, v45;
	v2 =	vld.idx.msk [tilespmem:v2+s30+$0x0], $0xffff;
	v7 =	vadd.s32 v7, v46  }
0x28a: {  	v4 =	vadd.f32 v4, v24;
	[tilespmem:v9+s20+$0x0] =	vst.idx.msk $0xffff, v5;
	v5 =	vor.u32 v49, v7;
	v7 =	vshll.u32 v10, $0x6  }
0x28b: {  	v10 =	vadd.s32 v50, v40;
	v9 =	vld.idx.msk [tilespmem:v1+s30+$0x0], $0xffff;
	v1 =	vadd.s32 v7, v39;
	v7 =	vadd.s32 s11, v38  }
0x28c: {  	[tilespmem:v8+s20+$0x0] =	vst.idx.msk $0xffff, v4;
	v3 =	vadd.f32 v3, v47;
	v4 =	vor.u32 v41, v1;
	v7 =	vshll.u32 v7, $0x6  }
0x28d: {  	v1 =	vadd.s32 v42, v29;
	v62 =	vld.idx.msk [tilespmem:v0+s30+$0x0], $0xffff;
	v0 =	vadd.s32 v7, v34;
	v7 =	vadd.s32 s0, v26  }
0x28e: {  	v8 =	vadd.f32 v2, v37;
	v2 =	vor.u32 v32, v0;
	v0 =	vshll.u32 v7, $0x6  }
0x28f: {  	s7 =	simm.s32 $0x40;
	s21 =	simm.s32 $0x100;
	s4 =	simm.s32 $0x1;
	[tilespmem:v6+s20+$0x0] =	vst.idx.msk $0xffff, v3;
	v3 =	vadd.s32 s11, v35;
	v7 =	vadd.s32 s28, v52;
	v0 =	vadd.s32 v0, v36  }
0x290: {  	s3 =	sand.u32 $0x30, s7;
	s4 =	sand.u32 $0x1, s4;
	s0 =	simm.s32 $0x8;
	v6 =	vld.idx.msk [tilespmem:v5+s30+$0x0], $0xffff;
	[tilespmem:v10+s20+$0x0] =	vst.idx.msk $0xffff, v8;
	v5 =	vadd.f32 v9, v30;
	v61 =	vor.u32 v33, v0  }
0x291: {  	s7 =	simm.s32 $0x5;
	s1 =	sshll.u32 s4, $0x7;
	s23 =	sand.u32 $0x70, s0;
	v8 =	vadd.s32 v53, v48;
	v9 =	vshll.u32 v7, $0x6;
	v7 =	vadd.s32 s24, v44;
	v4 =	vld.idx.msk [tilespmem:v4+s30+$0x0], $0xffff  }
.LBB2_9:
0x292: {  	p1 =	sne.s32 s7, $0x3F;
	s1 =	sor.u32 s23, s1;
	v0 =	vld [tilespmem:s3+$0x13540];
	v9 =	vadd.s32 v9, v46;
	v10 =	vadd.s32 s28, v51;
	[tilespmem:v1+s20+$0x0] =	vst.idx.msk $0xffff, v5;
	v1 =	vadd.f32 v62, v24  }
0x293: {  	v7 =	vshll.u32 v7, $0x6;
	v5 =	vadd.s32 s1, v55;
	v9 =	vor.u32 v49, v9;
	v2 =	vld.idx.msk [tilespmem:v2+s30+$0x0], $0xffff  }
0x294: {  	v11 =	vadd.s32 v45, v40;
	v7 =	vadd.s32 v7, v39;
	[tilespmem:v60+s20+$0x0] =	vst.idx.msk $0xffff, v1;
	v1 =	vshll.u32 v59, $0x6  }
0x295: {  	v3 =	vshll.u32 v3, $0x6;
	v6 =	vadd.f32 v6, v47;
	v7 =	vor.u32 v41, v7;
	v56 =	vld.idx.msk [tilespmem:v61+s30+$0x0], $0xffff  }
0x296: {  	v58 =	vadd.s32 v38, v29;
	v3 =	vadd.s32 v3, v34;
	v5 =	vshll.u32 v5, $0x6;
	v57 =	vld.idx.msk [tilespmem:v23+s3+$0x0 ss:$0x1], $0xffff  }
0x297: {  	v3 =	vor.u32 v32, v3;
	v4 =	vadd.f32 v4, v37;
	v59 =	vand.u32 $0xFFFFFFF8, v0;
	[tilespmem:v8+s20+$0x0] =	vst.idx.msk $0xffff, v6  }
0x298: {  	v1 =	vadd.s32 v1, v36;
	v8 =	vadd.s32 v26, v28;
	v5 =	vadd.s32 v5, v59;
	v6 =	vld.idx.msk [tilespmem:v9+s30+$0x0], $0xffff  }
0x299: {  	v1 =	vor.u32 v33, v1;
	v0 =	vand.u32 $0x7, v0;
	v2 =	vadd.f32 v2, v30;
	[tilespmem:v11+s20+$0x0] =	vst.idx.msk $0xffff, v4  }
0x29a: {  	v36 =	vmovc v34;
	v9 =	vshll.u32 v10, $0x6;
	v4 =	vor.u32 v0, v5;
	v5 =	vadd.s32 v52, v48;
	v7 =	vld.idx.msk [tilespmem:v7+s30+$0x0], $0xffff  }
0x29b: {  	v9 =	vadd.s32 v9, v46;
	v11 =	vadd.s32 s24, v43;
	v10 =	vld [tilespmem:s3+$0x13500];
	[tilespmem:v58+s20+$0x0] =	vst.idx.msk $0xffff, v2;
	v2 =	vadd.f32 v56, v24  }
0x29c: {  	v34 =	vmovc v39;
	v39 =	vmovc v46;
	v46 =	vmov v59;
	v9 =	vor.u32 v49, v9;
	v11 =	vshll.u32 v11, $0x6;
	v3 =	vld.idx.msk [tilespmem:v3+s30+$0x0], $0xffff  }
0x29d: {  	v56 =	vadd.s32 v44, v40;
	v11 =	vadd.s32 v11, v34;
	v58 =	vadd.s32 s11, v31;
	[tilespmem:v8+s20+$0x0] =	vst.idx.msk $0xffff, v2  }
0x29e: {  	v33 =	vmovc v32;
	s3 =	sshll.u32 s4, $0xA;
	v2 =	vadd.f32 v6, v47;
	v6 =	vor.u32 v41, v11;
	v8 =	vshll.u32 v58, $0x6;
	v1 =	vld.idx.msk [tilespmem:v1+s30+$0x0], $0xffff  }
0x29f: {  	v32 =	vmovc v41;
	s3 =	sor.u32 s23, s3;
	v11 =	vadd.s32 s1, v54;
	v58 =	vadd.s32 v35, v29;
	v8 =	vadd.s32 v8, v36;
	v4 =	vld.idx.msk [tilespmem:v4+s30+$0x0], $0xffff  }
0x2a0: {  	v10 =	vadd.s32 s3, v10;
	[tilespmem:v5+s20+$0x0] =	vst.idx.msk $0xffff, v2;
	v2 =	vadd.f32 v7, v37;
	v5 =	vor.u32 v33, v8  }
0x2a1: {  	v41 =	vmovc v49;
	v8 =	vshll.u32 v11, $0x6;
	v11 =	vadd.s32 v25, v28;
	v7 =	vadd.s32 v55, v10;
	v9 =	vld.idx.msk [tilespmem:v9+s30+$0x0], $0xffff  }
0x2a2: {  	v28 =	vadd.s32 s28, v50;
	v8 =	vadd.s32 v8, v46;
	[tilespmem:v56+s20+$0x0] =	vst.idx.msk $0xffff, v2;
	v2 =	vadd.f32 v3, v30  }
0x2a3: {  	v49 =	vmovc v0;
	v28 =	vshll.u32 v28, $0x6;
	v3 =	vor.u32 v0, v8;
	v8 =	vadd.s32 v51, v48;
	v6 =	vld.idx.msk [tilespmem:v6+s30+$0x0], $0xffff  }
0x2a4: {  	v0 =	vadd.s32 v28, v39;
	v28 =	vadd.s32 s24, v42;
	v1 =	vadd.f32 v1, v24;
	[tilespmem:v58+s20+$0x0] =	vst.idx.msk $0xffff, v2  }
0x2a5: {  	v0 =	vor.u32 v41, v0;
	v24 =	vmovc v30;
	v2 =	vadd.f32 v4, v57;
	v4 =	vshll.u32 v28, $0x6;
	v5 =	vld.idx.msk [tilespmem:v5+s30+$0x0], $0xffff  }
0x2a6: {  	v56 =	vadd.s32 v43, v40;
	v28 =	vadd.s32 s11, v27;
	v4 =	vadd.s32 v4, v34;
	[tilespmem:v11+s20+$0x0] =	vst.idx.msk $0xffff, v1  }
0x2a7: {  	v1 =	vadd.f32 v9, v47;
	[tilespmem:v7+s20+$0x0] =	vst.idx.msk $0xffff, v2;
	v2 =	vor.u32 v32, v4;
	v4 =	vshll.u32 v28, $0x6  }
0x2a8: {  	v30 =	vmovc v37;
	v37 =	vmov v47;
	v7 =	vadd.s32 v31, v29;
	v3 =	vld.idx.msk [tilespmem:v3+s30+$0x0], $0xffff;
	v4 =	vadd.s32 v4, v36  }
0x2a9: {  	v9 =	vadd.s32 s1, v53;
	[tilespmem:v8+s20+$0x0] =	vst.idx.msk $0xffff, v1;
	v1 =	vadd.f32 v6, v30;
	v4 =	vor.u32 v33, v4  }
0x2aa: {  	v47 =	vmovc v57;
	v28 =	vmovc v29;
	v29 =	vmov v40;
	v6 =	vadd.s32 v54, v10;
	v8 =	vshll.u32 v9, $0x6;
	v0 =	vld.idx.msk [tilespmem:v0+s30+$0x0], $0xffff  }
0x2ab: {  	v9 =	vadd.s32 s28, v45;
	v8 =	vadd.s32 v8, v46;
	[tilespmem:v56+s20+$0x0] =	vst.idx.msk $0xffff, v1;
	v1 =	vadd.f32 v5, v24  }
0x2ac: {  	v59 =	vadd.s32 s11, v25;
	v40 =	vmovc v48;
	v48 =	vmovc v10;
	v5 =	vor.u32 v49, v8;
	v8 =	vshll.u32 v9, $0x6;
	v9 =	vld.idx.msk [tilespmem:v2+s30+$0x0], $0xffff  }
0x2ad: {  	v10 =	vadd.s32 v50, v40;
	v2 =	vadd.s32 v8, v39;
	v8 =	vadd.s32 s24, v38;
	[tilespmem:v7+s20+$0x0] =	vst.idx.msk $0xffff, v1  }
0x2ae: {  	v3 =	vadd.f32 v3, v47;
	v7 =	vor.u32 v41, v2;
	v2 =	vshll.u32 v8, $0x6;
	v62 =	vld.idx.msk [tilespmem:v4+s30+$0x0], $0xffff  }
.Ltmp6:
0x2af: {  	v1 =	vadd.s32 v42, v29;
	v2 =	vadd.s32 v2, v34;
	v4 =	vadd.s32 s11, v26;
	s11 =	smov.u32 s24;
	s24 =	smov.u32 s28;
	(pc) =	sbr.rel @p1 .LBB2_9-.Ltmp6, $4  }
0x2b0: {  	s28 =	smov.u32 s1;
	v0 =	vadd.f32 v0, v37;
	v2 =	vor.u32 v32, v2;
	v4 =	vshll.u32 v4, $0x6;
	[tilespmem:v6+s20+$0x0] =	vst.idx.msk $0xffff, v3  }
0x2b1: {  	s0 =	sadd.s32 $0x2, s0;
	s21 =	sadd.s32 $0x40, s21;
	v60 =	vadd.s32 v27, v28;
	s1 =	sshrl.u32 s7, $0x2;
	v3 =	vadd.s32 s11, v35;
	v4 =	vadd.s32 v4, v36;
	v6 =	vld.idx.msk [tilespmem:v5+s30+$0x0], $0xffff  }
0x2b2: {  	s23 =	sand.u32 $0x70, s0;
	s3 =	sshrl.u32 s21, $0x2;
	s4 =	sand.u32 $0x1, s1;
	v11 =	vadd.s32 s28, v52;
	v5 =	vadd.f32 v9, v30;
	v61 =	vor.u32 v33, v4;
	[tilespmem:v10+s20+$0x0] =	vst.idx.msk $0xffff, v0  }
0x2b3: {  	s3 =	sand.u32 $0x30, s3;
	v8 =	vadd.s32 v53, v48;
	s7 =	sadd.s32 $0x1, s7;
	s1 =	sshll.u32 s4, $0x7;
	v9 =	vshll.u32 v11, $0x6;
	v4 =	vld.idx.msk [tilespmem:v7+s30+$0x0], $0xffff;
	v7 =	vadd.s32 s24, v44  }
0x2b4: {  	v0 =	vld [tilespmem:s3+$0x13540];
	_ =	sdelay $0x2  }
0x2b5: {  	s0 =	sor.u32 s23, s1  }
0x2b6: {  	v10 =	vadd.s32 s0, v55  }
0x2b7: {  	v10 =	vshll.u32 v10, $0x6;
	v58 =	vand.u32 $0xFFFFFFF8, v0  }
0x2b8: {  	v57 =	vand.u32 $0x7, v0;
	v10 =	vadd.s32 v10, v58  }
0x2b9: {  	v0 =	vor.u32 v57, v10  }
0x2ba: {  	v56 =	vld [tilespmem:s3+$0x13500];
	_ =	sdelay $0x2  }
0x2bb: {  	v23 =	vld.idx.msk [tilespmem:v23+s3+$0x0 ss:$0x1], $0xffff;
	s21 =	sshll.u32 s4, $0xA  }
0x2bc: {  	s1 =	sor.u32 s23, s21;
	v11 =	vadd.s32 s0, v54;
	v0 =	vld.idx.msk [tilespmem:v0+s30+$0x0], $0xffff  }
0x2bd: {  	v63 =	vshll.u32 v11, $0x6;
	v56 =	vadd.s32 s1, v56  }
0x2be: {  	v55 =	vadd.s32 v55, v56;
	v10 =	vadd.s32 v63, v58  }
0x2bf: {  	v10 =	vor.u32 v57, v10;
	_ =	sdelay $0x1  }
0x2c0: {  	v0 =	vadd.f32 v0, v23;
	_ =	sdelay $0x1  }
0x2c1: {  	[tilespmem:v55+s20+$0x0] =	vst.idx.msk $0xffff, v0  }
0x2c2: {  	v63 =	vadd.s32 s0, v53;
	v0 =	vld.idx.msk [tilespmem:v10+s30+$0x0], $0xffff  }
0x2c3: {  	v10 =	vshll.u32 v63, $0x6  }
0x2c4: {  	v55 =	vadd.s32 v54, v56;
	v10 =	vadd.s32 v10, v58  }
0x2c5: {  	v10 =	vor.u32 v57, v10;
	_ =	sdelay $0x1  }
0x2c6: {  	v0 =	vadd.f32 v0, v23;
	_ =	sdelay $0x1  }
0x2c7: {  	[tilespmem:v55+s20+$0x0] =	vst.idx.msk $0xffff, v0  }
0x2c8: {  	v63 =	vadd.s32 s0, v52;
	v0 =	vld.idx.msk [tilespmem:v10+s30+$0x0], $0xffff  }
0x2c9: {  	v9 =	vadd.s32 v9, v46;
	v10 =	vshll.u32 v63, $0x6  }
0x2ca: {  	v9 =	vor.u32 v49, v9;
	v54 =	vadd.s32 v53, v56;
	v10 =	vadd.s32 v10, v58  }
0x2cb: {  	v10 =	vor.u32 v57, v10  }
0x2cc: {  	v6 =	vadd.f32 v6, v47  }
0x2cd: {  	v0 =	vadd.f32 v0, v23  }
0x2ce: {  	[tilespmem:v8+s20+$0x0] =	vst.idx.msk $0xffff, v6  }
0x2cf: {  	v8 =	vld.idx.msk [tilespmem:v9+s30+$0x0], $0xffff;
	v55 =	vadd.s32 s28, v51;
	[tilespmem:v54+s20+$0x0] =	vst.idx.msk $0xffff, v0  }
0x2d0: {  	v53 =	vadd.s32 s0, v51;
	v63 =	vshll.u32 v55, $0x6;
	v54 =	vld.idx.msk [tilespmem:v10+s30+$0x0], $0xffff  }
0x2d1: {  	v6 =	vshll.u32 v53, $0x6;
	v55 =	vadd.s32 v52, v48;
	v0 =	vadd.s32 v63, v46  }
0x2d2: {  	v6 =	vadd.s32 v6, v58;
	v63 =	vadd.s32 v52, v56;
	v0 =	vor.u32 v49, v0  }
0x2d3: {  	v6 =	vor.u32 v57, v6  }
0x2d4: {  	v8 =	vadd.f32 v8, v47  }
0x2d5: {  	v9 =	vadd.f32 v54, v23  }
0x2d6: {  	[tilespmem:v55+s20+$0x0] =	vst.idx.msk $0xffff, v8  }
0x2d7: {  	v52 =	vadd.s32 s28, v50;
	v0 =	vld.idx.msk [tilespmem:v0+s30+$0x0], $0xffff;
	[tilespmem:v63+s20+$0x0] =	vst.idx.msk $0xffff, v9  }
0x2d8: {  	v53 =	vadd.s32 s0, v50;
	v8 =	vshll.u32 v52, $0x6;
	v6 =	vld.idx.msk [tilespmem:v6+s30+$0x0], $0xffff  }
0x2d9: {  	v8 =	vadd.s32 v8, v46;
	v54 =	vadd.s32 v51, v48;
	v9 =	vshll.u32 v53, $0x6  }
0x2da: {  	v55 =	vadd.s32 v51, v56;
	v8 =	vor.u32 v49, v8;
	v9 =	vadd.s32 v9, v58  }
0x2db: {  	v9 =	vor.u32 v57, v9  }
0x2dc: {  	v0 =	vadd.f32 v0, v47  }
0x2dd: {  	v6 =	vadd.f32 v6, v23  }
0x2de: {  	[tilespmem:v54+s20+$0x0] =	vst.idx.msk $0xffff, v0  }
0x2df: {  	v63 =	vadd.s32 s28, v45;
	v0 =	vld.idx.msk [tilespmem:v8+s30+$0x0], $0xffff;
	[tilespmem:v55+s20+$0x0] =	vst.idx.msk $0xffff, v6  }
0x2e0: {  	v53 =	vadd.s32 s0, v45;
	v51 =	vshll.u32 v63, $0x6;
	v52 =	vld.idx.msk [tilespmem:v9+s30+$0x0], $0xffff  }
0x2e1: {  	[tilespmem:v1+s20+$0x0] =	vst.idx.msk $0xffff, v5;
	v54 =	vadd.s32 v50, v48;
	v6 =	vadd.s32 v51, v46;
	v9 =	vshll.u32 v53, $0x6  }
0x2e2: {  	v2 =	vld.idx.msk [tilespmem:v2+s30+$0x0], $0xffff;
	v55 =	vadd.s32 v50, v56;
	v6 =	vor.u32 v49, v6;
	v9 =	vadd.s32 v9, v58  }
0x2e3: {  	v7 =	vshll.u32 v7, $0x6;
	v9 =	vor.u32 v57, v9  }
0x2e4: {  	v3 =	vshll.u32 v3, $0x6;
	v7 =	vadd.s32 v7, v39;
	v0 =	vadd.f32 v0, v47  }
0x2e5: {  	v3 =	vadd.s32 v3, v34;
	v1 =	vor.u32 v41, v7;
	v63 =	vadd.f32 v52, v23  }
0x2e6: {  	v7 =	vadd.s32 v38, v29;
	v3 =	vor.u32 v32, v3;
	[tilespmem:v54+s20+$0x0] =	vst.idx.msk $0xffff, v0  }
0x2e7: {  	v2 =	vadd.f32 v2, v30;
	v51 =	vld.idx.msk [tilespmem:v6+s30+$0x0], $0xffff;
	v52 =	vadd.s32 s28, v44;
	[tilespmem:v55+s20+$0x0] =	vst.idx.msk $0xffff, v63  }
0x2e8: {  	v50 =	vadd.s32 v45, v40;
	v53 =	vshll.u32 v52, $0x6;
	v55 =	vadd.s32 s0, v44;
	v54 =	vld.idx.msk [tilespmem:v9+s30+$0x0], $0xffff  }
0x2e9: {  	v63 =	vadd.s32 v45, v48;
	v5 =	vadd.s32 v53, v46;
	v8 =	vshll.u32 v55, $0x6  }
0x2ea: {  	v45 =	vadd.s32 v45, v56;
	v5 =	vor.u32 v49, v5;
	v8 =	vadd.s32 v8, v58  }
0x2eb: {  	v0 =	vadd.f32 v4, v37;
	v8 =	vor.u32 v57, v8  }
0x2ec: {  	[tilespmem:v7+s20+$0x0] =	vst.idx.msk $0xffff, v2;
	v4 =	vadd.f32 v51, v47  }
0x2ed: {  	v3 =	vld.idx.msk [tilespmem:v3+s30+$0x0], $0xffff;
	[tilespmem:v50+s20+$0x0] =	vst.idx.msk $0xffff, v0;
	v51 =	vadd.f32 v54, v23  }
0x2ee: {  	v6 =	vadd.s32 v44, v40;
	v50 =	vadd.s32 s24, v43;
	v52 =	vadd.s32 s11, v31;
	v1 =	vld.idx.msk [tilespmem:v1+s30+$0x0], $0xffff;
	[tilespmem:v63+s20+$0x0] =	vst.idx.msk $0xffff, v4  }
0x2ef: {  	v0 =	vshll.u32 v50, $0x6;
	v53 =	vadd.s32 s28, v43;
	v50 =	vadd.s32 v44, v48;
	v5 =	vld.idx.msk [tilespmem:v5+s30+$0x0], $0xffff;
	[tilespmem:v45+s20+$0x0] =	vst.idx.msk $0xffff, v51  }
0x2f0: {  	v0 =	vadd.s32 v0, v39;
	v55 =	vshll.u32 v53, $0x6;
	v45 =	vadd.s32 s0, v43;
	v63 =	vld.idx.msk [tilespmem:v8+s30+$0x0], $0xffff  }
0x2f1: {  	v0 =	vor.u32 v41, v0;
	v4 =	vadd.s32 v55, v46;
	v8 =	vshll.u32 v45, $0x6  }
0x2f2: {  	v4 =	vor.u32 v49, v4;
	v51 =	vadd.s32 v44, v56;
	v8 =	vadd.s32 v8, v58  }
0x2f3: {  	v53 =	vadd.f32 v3, v30;
	v1 =	vadd.f32 v1, v37;
	v8 =	vor.u32 v57, v8  }
0x2f4: {  	v54 =	vshll.u32 v52, $0x6;
	v52 =	vadd.s32 v35, v29;
	v5 =	vadd.f32 v5, v47  }
0x2f5: {  	v2 =	vadd.s32 v54, v34;
	[tilespmem:v6+s20+$0x0] =	vst.idx.msk $0xffff, v1;
	v54 =	vadd.s32 s24, v42;
	v55 =	vadd.f32 v63, v23  }
0x2f6: {  	v2 =	vor.u32 v32, v2;
	v0 =	vld.idx.msk [tilespmem:v0+s30+$0x0], $0xffff;
	v3 =	vshll.u32 v54, $0x6;
	[tilespmem:v50+s20+$0x0] =	vst.idx.msk $0xffff, v5  }
0x2f7: {  	v44 =	vadd.s32 s28, v42;
	v3 =	vadd.s32 v3, v39;
	v45 =	vadd.s32 s0, v42;
	v4 =	vld.idx.msk [tilespmem:v4+s30+$0x0], $0xffff;
	[tilespmem:v51+s20+$0x0] =	vst.idx.msk $0xffff, v55  }
0x2f8: {  	v3 =	vor.u32 v41, v3;
	v5 =	vshll.u32 v44, $0x6;
	v63 =	vadd.s32 v43, v40;
	v6 =	vld.idx.msk [tilespmem:v8+s30+$0x0], $0xffff  }
0x2f9: {  	v50 =	vadd.s32 v43, v48;
	v5 =	vadd.s32 v5, v46;
	v8 =	vshll.u32 v45, $0x6  }
0x2fa: {  	v5 =	vor.u32 v49, v5;
	v51 =	vadd.s32 v43, v56;
	v8 =	vadd.s32 v8, v58  }
0x2fb: {  	v0 =	vadd.f32 v0, v37;
	v8 =	vor.u32 v57, v8  }
0x2fc: {  	v11 =	vadd.s32 s28, v38;
	[tilespmem:v52+s20+$0x0] =	vst.idx.msk $0xffff, v53;
	v52 =	vadd.f32 v4, v47  }
0x2fd: {  	v53 =	vadd.s32 s24, v38;
	v2 =	vld.idx.msk [tilespmem:v2+s30+$0x0], $0xffff;
	v44 =	vshll.u32 v11, $0x6;
	[tilespmem:v63+s20+$0x0] =	vst.idx.msk $0xffff, v0;
	v54 =	vadd.f32 v6, v23  }
0x2fe: {  	v11 =	vadd.s32 v31, v29;
	v43 =	vadd.f32 v62, v24;
	v3 =	vld.idx.msk [tilespmem:v3+s30+$0x0], $0xffff;
	[tilespmem:v50+s20+$0x0] =	vst.idx.msk $0xffff, v52  }
0x2ff: {  	v62 =	vadd.s32 v42, v40;
	v0 =	vshll.u32 v53, $0x6;
	v5 =	vld.idx.msk [tilespmem:v5+s30+$0x0], $0xffff;
	[tilespmem:v51+s20+$0x0] =	vst.idx.msk $0xffff, v54  }
0x300: {  	v4 =	vadd.s32 v44, v46;
	v0 =	vadd.s32 v0, v39;
	v50 =	vadd.s32 s0, v38;
	v45 =	vld.idx.msk [tilespmem:v8+s30+$0x0], $0xffff  }
0x301: {  	v0 =	vor.u32 v41, v0;
	v51 =	vadd.s32 v42, v48;
	v8 =	vshll.u32 v50, $0x6  }
0x302: {  	v4 =	vor.u32 v49, v4;
	v52 =	vadd.s32 v42, v56;
	v8 =	vadd.s32 v8, v58  }
0x303: {  	v55 =	vadd.s32 s11, v27;
	v3 =	vadd.f32 v3, v37;
	v8 =	vor.u32 v57, v8  }
0x304: {  	v2 =	vadd.f32 v2, v30;
	v63 =	vshll.u32 v55, $0x6;
	v5 =	vadd.f32 v5, v47  }
0x305: {  	v53 =	vadd.s32 s24, v35;
	v1 =	vadd.s32 v63, v34;
	[tilespmem:v62+s20+$0x0] =	vst.idx.msk $0xffff, v3;
	v54 =	vadd.f32 v45, v23  }
0x306: {  	v44 =	vadd.s32 s28, v35;
	v55 =	vshll.u32 v53, $0x6;
	v1 =	vor.u32 v32, v1;
	v0 =	vld.idx.msk [tilespmem:v0+s30+$0x0], $0xffff;
	[tilespmem:v51+s20+$0x0] =	vst.idx.msk $0xffff, v5  }
0x307: {  	v6 =	vadd.s32 v55, v39;
	v50 =	vshll.u32 v44, $0x6;
	v4 =	vld.idx.msk [tilespmem:v4+s30+$0x0], $0xffff;
	[tilespmem:v52+s20+$0x0] =	vst.idx.msk $0xffff, v54  }
0x308: {  	v62 =	vadd.s32 v38, v40;
	v51 =	vadd.s32 s0, v35;
	v45 =	vor.u32 v41, v6;
	v8 =	vld.idx.msk [tilespmem:v8+s30+$0x0], $0xffff  }
0x309: {  	v6 =	vadd.s32 v50, v46;
	v9 =	vshll.u32 v51, $0x6;
	v52 =	vadd.s32 v38, v48  }
0x30a: {  	v53 =	vadd.s32 v38, v56;
	v6 =	vor.u32 v49, v6;
	v9 =	vadd.s32 v9, v58  }
0x30b: {  	[tilespmem:v60+s20+$0x0] =	vst.idx.msk $0xffff, v43;
	v9 =	vor.u32 v57, v9;
	v0 =	vadd.f32 v0, v37  }
0x30c: {  	v60 =	vadd.s32 v31, v40;
	[tilespmem:v11+s20+$0x0] =	vst.idx.msk $0xffff, v2;
	v54 =	vadd.f32 v4, v47  }
0x30d: {  	v63 =	vshll.u32 v59, $0x6;
	v55 =	vadd.s32 s24, v31;
	v1 =	vld.idx.msk [tilespmem:v1+s30+$0x0], $0xffff;
	[tilespmem:v62+s20+$0x0] =	vst.idx.msk $0xffff, v0;
	v59 =	vadd.f32 v8, v23  }
0x30e: {  	v44 =	vadd.s32 s28, v31;
	v5 =	vadd.s32 v63, v36;
	v0 =	vshll.u32 v55, $0x6;
	v3 =	vld.idx.msk [tilespmem:v45+s30+$0x0], $0xffff;
	[tilespmem:v52+s20+$0x0] =	vst.idx.msk $0xffff, v54  }
0x30f: {  	v63 =	vadd.s32 v35, v40;
	v0 =	vadd.s32 v0, v39;
	v6 =	vld.idx.msk [tilespmem:v6+s30+$0x0], $0xffff;
	[tilespmem:v53+s20+$0x0] =	vst.idx.msk $0xffff, v59  }
0x310: {  	v51 =	vadd.s32 s0, v31;
	v45 =	vshll.u32 v44, $0x6;
	v0 =	vor.u32 v41, v0;
	v50 =	vld.idx.msk [tilespmem:v9+s30+$0x0], $0xffff  }
0x311: {  	v52 =	vadd.s32 v35, v48;
	v4 =	vadd.s32 v45, v46;
	v9 =	vshll.u32 v51, $0x6  }
0x312: {  	v4 =	vor.u32 v49, v4;
	v53 =	vadd.s32 v35, v56;
	v9 =	vadd.s32 v9, v58  }
0x313: {  	v1 =	vadd.f32 v1, v30;
	v3 =	vadd.f32 v3, v37;
	v9 =	vor.u32 v57, v9  }
0x314: {  	v62 =	vadd.s32 s11, v26;
	v55 =	vadd.s32 v27, v29;
	v6 =	vadd.f32 v6, v47  }
0x315: {  	v36 =	vshll.u32 v62, $0x6;
	v54 =	vld.idx.msk [tilespmem:v61+s30+$0x0], $0xffff;
	[tilespmem:v63+s20+$0x0] =	vst.idx.msk $0xffff, v3;
	v7 =	vadd.f32 v50, v23  }
0x316: {  	v62 =	vadd.s32 s0, v27;
	v2 =	vadd.s32 v36, v34;
	v59 =	vadd.s32 s24, v27;
	v0 =	vld.idx.msk [tilespmem:v0+s30+$0x0], $0xffff;
	[tilespmem:v52+s20+$0x0] =	vst.idx.msk $0xffff, v6  }
0x317: {  	v61 =	vadd.s32 s28, v27;
	v2 =	vor.u32 v32, v2;
	v3 =	vshll.u32 v59, $0x6;
	v4 =	vld.idx.msk [tilespmem:v4+s30+$0x0], $0xffff;
	[tilespmem:v53+s20+$0x0] =	vst.idx.msk $0xffff, v7  }
0x318: {  	v63 =	vadd.s32 v31, v48;
	v3 =	vadd.s32 v3, v39;
	v6 =	vshll.u32 v61, $0x6;
	v7 =	vld.idx.msk [tilespmem:v9+s30+$0x0], $0xffff  }
0x319: {  	v3 =	vor.u32 v41, v3;
	v6 =	vadd.s32 v6, v46;
	v9 =	vshll.u32 v62, $0x6  }
0x31a: {  	v38 =	vadd.s32 v31, v56;
	v6 =	vor.u32 v49, v6;
	v9 =	vadd.s32 v9, v58  }
0x31b: {  	v42 =	vadd.s32 v26, v28;
	v0 =	vadd.f32 v0, v37;
	v9 =	vor.u32 v57, v9  }
0x31c: {  	v5 =	vor.u32 v33, v5;
	[tilespmem:v55+s20+$0x0] =	vst.idx.msk $0xffff, v1;
	v43 =	vadd.f32 v4, v47  }
0x31d: {  	v51 =	vadd.s32 v27, v40;
	v2 =	vld.idx.msk [tilespmem:v2+s30+$0x0], $0xffff;
	[tilespmem:v60+s20+$0x0] =	vst.idx.msk $0xffff, v0;
	v45 =	vadd.f32 v7, v23  }
0x31e: {  	v44 =	vadd.s32 s24, v26;
	v31 =	vadd.f32 v54, v24;
	v59 =	vadd.s32 s0, v26;
	v3 =	vld.idx.msk [tilespmem:v3+s30+$0x0], $0xffff;
	[tilespmem:v63+s20+$0x0] =	vst.idx.msk $0xffff, v43  }
0x31f: {  	v61 =	vadd.s32 v27, v56;
	v53 =	vadd.s32 s28, v26;
	v0 =	vshll.u32 v44, $0x6;
	v6 =	vld.idx.msk [tilespmem:v6+s30+$0x0], $0xffff;
	[tilespmem:v38+s20+$0x0] =	vst.idx.msk $0xffff, v45  }
0x320: {  	v54 =	vshll.u32 v53, $0x6;
	v60 =	vadd.s32 v27, v48;
	v0 =	vadd.s32 v0, v39;
	v55 =	vld.idx.msk [tilespmem:v9+s30+$0x0], $0xffff  }
0x321: {  	v4 =	vadd.s32 v54, v46;
	v0 =	vor.u32 v41, v0;
	v9 =	vshll.u32 v59, $0x6  }
0x322: {  	v50 =	vadd.s32 s11, v25;
	v4 =	vor.u32 v49, v4;
	v9 =	vadd.s32 v9, v58  }
0x323: {  	v52 =	vshll.u32 v50, $0x6;
	v3 =	vadd.f32 v3, v37;
	v9 =	vor.u32 v57, v9  }
0x324: {  	v1 =	vadd.s32 v52, v34;
	v2 =	vadd.f32 v2, v30;
	v6 =	vadd.f32 v6, v47  }
0x325: {  	v52 =	vadd.s32 v26, v48;
	[tilespmem:v51+s20+$0x0] =	vst.idx.msk $0xffff, v3;
	v35 =	vadd.f32 v55, v23  }
0x326: {  	v62 =	vadd.s32 v26, v29;
	v44 =	vadd.s32 s28, v25;
	v63 =	vadd.s32 s24, v25;
	v0 =	vld.idx.msk [tilespmem:v0+s30+$0x0], $0xffff;
	[tilespmem:v60+s20+$0x0] =	vst.idx.msk $0xffff, v6  }
0x327: {  	v1 =	vor.u32 v32, v1;
	v50 =	vshll.u32 v44, $0x6;
	v36 =	vshll.u32 v63, $0x6;
	v4 =	vld.idx.msk [tilespmem:v4+s30+$0x0], $0xffff;
	[tilespmem:v61+s20+$0x0] =	vst.idx.msk $0xffff, v35  }
0x328: {  	v43 =	vadd.s32 v36, v39;
	v38 =	vadd.s32 v26, v40;
	v51 =	vadd.s32 s0, v25;
	v9 =	vld.idx.msk [tilespmem:v9+s30+$0x0], $0xffff  }
0x329: {  	v45 =	vor.u32 v41, v43;
	v7 =	vshll.u32 v51, $0x6;
	v6 =	vadd.s32 v50, v46  }
0x32a: {  	v53 =	vadd.s32 v26, v56;
	v7 =	vadd.s32 v7, v58;
	v6 =	vor.u32 v49, v6  }
0x32b: {  	[tilespmem:v62+s20+$0x0] =	vst.idx.msk $0xffff, v2;
	v7 =	vor.u32 v57, v7;
	v0 =	vadd.f32 v0, v37  }
0x32c: {  	[tilespmem:v42+s20+$0x0] =	vst.idx.msk $0xffff, v31;
	v1 =	vld.idx.msk [tilespmem:v1+s30+$0x0], $0xffff;
	v54 =	vadd.f32 v4, v47  }
0x32d: {  	v5 =	vld.idx.msk [tilespmem:v5+s30+$0x0], $0xffff;
	[tilespmem:v38+s20+$0x0] =	vst.idx.msk $0xffff, v0;
	v55 =	vadd.f32 v9, v23  }
0x32e: {  	v58 =	vadd.s32 v25, v29;
	v3 =	vld.idx.msk [tilespmem:v45+s30+$0x0], $0xffff;
	[tilespmem:v52+s20+$0x0] =	vst.idx.msk $0xffff, v54  }
0x32f: {  	v57 =	vadd.s32 v25, v28;
	v6 =	vld.idx.msk [tilespmem:v6+s30+$0x0], $0xffff;
	[tilespmem:v53+s20+$0x0] =	vst.idx.msk $0xffff, v55  }
0x330: {  	v59 =	vadd.s32 v25, v40;
	v7 =	vld.idx.msk [tilespmem:v7+s30+$0x0], $0xffff  }
0x331: {  	v1 =	vadd.f32 v1, v30;
	v60 =	vadd.s32 v25, v48  }
0x332: {  	v5 =	vadd.f32 v5, v24;
	v61 =	vadd.s32 v25, v56  }
0x333: {  	[tilespmem:v58+s20+$0x0] =	vst.idx.msk $0xffff, v1;
	v3 =	vadd.f32 v3, v37  }
0x334: {  	[tilespmem:v57+s20+$0x0] =	vst.idx.msk $0xffff, v5;
	v62 =	vadd.f32 v6, v47  }
0x335: {  	[tilespmem:v59+s20+$0x0] =	vst.idx.msk $0xffff, v3;
	v63 =	vadd.f32 v7, v23  }
0x336: {  	s0 =	sor.u32 $0x100, s22;
	[tilespmem:v60+s20+$0x0] =	vst.idx.msk $0xffff, v62  }
0x337: {  	s22 =	sadd.s32 s25, s0;
	[tilespmem:v61+s20+$0x0] =	vst.idx.msk $0xffff, v63  }
0x338: {  	[hbm4b:s22+s5] =	stream.linear.scatter [tilespmem:s20], [sflag:$0x4], $0x800, $0x38;
	[tilespmem:$0x13580] =	vst v63  }
0x339: {  	s24 =	simm.s32 $0xCA00;
	s23 =	sadd.s32 s0, s13  }
0x33a: {  	[hbm4b:s23+s5] =	stream.linear.scatter [tilespmem:s24], [sflag:$0x4], $0x800, $0x38;
	[tilespmem:$0x13580] =	vst v63  }
0x33b: {  	s28 =	simm.s32 $0xD200;
	s25 =	sadd.s32 s0, s14  }
0x33c: {  	[hbm4b:s25+s5] =	stream.linear.scatter [tilespmem:s28], [sflag:$0x4], $0x800, $0x38;
	[tilespmem:$0x13580] =	vst v63  }
0x33d: {  	s7 =	simm.s32 $0xDA00;
	s4 =	sadd.s32 s0, s15  }
0x33e: {  	[hbm4b:s4+s5] =	stream.linear.scatter [tilespmem:s7], [sflag:$0x4], $0x800, $0x38;
	[tilespmem:$0x13580] =	vst v63  }
0x33f: {  	s21 =	simm.s32 $0xE200;
	s11 =	sadd.s32 s0, s16  }
0x340: {  	[hbm4b:s11+s5] =	stream.linear.scatter [tilespmem:s21], [sflag:$0x4], $0x800, $0x38;
	[tilespmem:$0x13580] =	vst v63  }
0x341: {  	s22 =	sadd.s32 s0, s17;
	s23 =	simm.s32 $0xEA00  }
0x342: {  	[hbm4b:s22+s5] =	stream.linear.scatter [tilespmem:s23], [sflag:$0x4], $0x800, $0x38;
	[tilespmem:$0x13580] =	vst v63  }
.Ltmp7:
0x343: {  	_ = 	snop;
	(pc) =	sbr.rel @p0 .LBB2_12-.Ltmp7, $4  }
0x344: {  	s24 =	sadd.s32 s0, s18;
	s25 =	simm.s32 $0xF200  }
0x345: {  	[hbm4b:s24+s5] =	stream.linear.scatter [tilespmem:s25], [sflag:$0x4], $0x800, $0x38;
	[tilespmem:$0x13580] =	vst v63  }
0x346: {  	s0 =	sadd.s32 s0, s19;
	s28 =	simm.s32 $0xFA00  }
0x347: {  	[hbm4b:s0+s5] =	stream.linear.scatter [tilespmem:s28], [sflag:$0x4], $0x800, $0x38;
	[tilespmem:$0x13580] =	vst v63  }
0x348: {  	_ =	swait.ge [sflag:s29], $0x80  }
0x349: {  	[sflag:s29] =	ssyncset.done $0x0  }
.Ltmp8:
0x34a: {  	[sflag:s29] =	ssyncadd.s32 $0xFFFFFF80;
	(pc) =	sbr.rel .LBB2_2-.Ltmp8, $4  }
0x34b: {  	_ =	swait.ge [sflag:s29], $0x80  }
0x34c: {  	[sflag:s29] =	ssyncset.done $0x0  }
0x34d: {  	s0 =	simm.s32 $0x100;
	s10 =	sadd.s32 $0x1, s10;
	[sflag:s29] =	ssyncadd.s32 $0xFFFFFF80  }
0x34e: {  	[tilespmem:s30], [sflag:$0x2] =	stream.indirect.gather [hbm4b:s6+s0], $0x40, s0, s0, $0xb8;
	[tilespmem:$0x13580] =	vst v63  }
.LBB2_13:
0x34f: {  	_ =	sfence.sel $0x180000  }
0x350: {  	[bflag:$0x0] =	sbarrier.arrive $0xFFFF  }
0x351: {  	_ =	strace $0x90000047  }
0x352: {  	s0 =	stileid.u32;
	[bflag:$0x2] =	sbarrier.arrive $0xFFFF  }
0x353: {  	p0 =	sne.s32 s0, $0x0;
	s0 =	rddreg [dreg:$0x3]  }
0x354: {  	s0 =	sadd.s32 @!p0 $0x100000, s0  }
0x355: {  	[sflag:s0] =	ssyncadd.tile.s32 @!p0 $0x1;
	_ =	shalt  }
.Lfunc_end2:
_tile_overlayer_lowered:
.L_overlay_start_2:
0x356: {  	(tag) =	ssettag $0x2  }
0x357: {  	s0 =	rddreg [dreg:$0x0];
	s2 =	stileid.u32  }
0x358: {  	s1 =	rddreg [dreg:$0x1];
	p0 =	sne.s32 s2, $0x0  }
0x359: {  	s3 =	rddreg [dreg:$0x2];
	[bflag:$0x3] =	sbarrier.arrive $0xFFFF;
	s2 =	simm.s32 @!p0 $0x1C07  }
0x35a: {  	[timem:s3], [sflag:s2] =	dma.local @!p0 [hbm:s0], s1  }
0x35b: {  	s0 =	simm.s32 @!p0 $0x7  }
0x35c: {  	_ =	swait.ge @!p0 [sflag:s0], s1  }
0x35d: {  	s1 =	ssub.s32 @!p0 $0x0, s1;
	[sflag:s0] =	ssyncset.done @!p0 $0x0  }
0x35e: {  	[sflag:s0] =	ssyncadd.s32 @!p0 s1  }
0x35f: {  	[bflag:$0x3] =	sbarrier.arrive $0xFFFF  }
0x360: {  	_ =	shalt  }

</sc_bundles>
